<compile_context>
chip_gen: v7x
topology: tpu7x:2x2x1
jax: 0.10.2.dev20260603
libtpu: 0.0.44.dev20260713+nightly
codegen_flags: <defaults>
</compile_context>

<pallas_src>
import functools

import jax
import jax.numpy as jnp
from jax import lax
from jax.experimental import pallas as pl
from jax.experimental.pallas import tpu as pltpu
from jax.experimental.pallas import tpu_sc as plsc

NNODES = 50000
L = 16
B = NNODES * L
NC, NS = 2, 16
NW = NC * NS
GBLK = 128
NB = B // GBLK


def _make_sc_gather(D, gsub):
  mesh = plsc.VectorSubcoreMesh(core_axis_name="c", subcore_axis_name="s")
  ch = gsub * GBLK
  nch = B // ch
  assert nch * ch == B
  spw = -(-nch // NW)
  assert spw % 2 == 0

  @functools.partial(
      pl.kernel,
      mesh=mesh,
      out_type=jax.ShapeDtypeStruct((B, D), jnp.float32),
      scratch_types=[
          pltpu.VMEM((2, gsub, GBLK), jnp.int32),
          pltpu.VMEM((2, ch, D), jnp.float32),
          pltpu.SemaphoreType.DMA,
          pltpu.SemaphoreType.DMA,
          pltpu.SemaphoreType.DMA,
          pltpu.SemaphoreType.DMA,
      ],
      compiler_params=pltpu.CompilerParams(use_tc_tiling_on_sc=False),
  )
  def gather_k(table_hbm, idx_hbm, out_hbm, idx_v, rows_v, g0, g1, s0, s1):
    wid = lax.axis_index("s") * NC + lax.axis_index("c")
    gsem = (g0, g1)
    ssem = (s0, s1)

    def fire(s, p):
      c = s * NW + wid

      @pl.when(c < nch)
      def _():
        pltpu.sync_copy(idx_hbm.at[pl.ds(c * gsub, gsub)], idx_v.at[p])
        for j in range(gsub):
          pltpu.async_copy(table_hbm.at[idx_v.at[p, j]],
                           rows_v.at[p, pl.ds(j * GBLK, GBLK)], gsem[p])

    def drain_and_store(s, p):
      c = s * NW + wid

      @pl.when(c < nch)
      def _():
        off = c * ch
        pltpu.make_async_copy(out_hbm.at[pl.ds(0, ch)], rows_v.at[p],
                              gsem[p]).wait()
        pltpu.async_copy(rows_v.at[p], out_hbm.at[pl.ds(off, ch)], ssem[p])

    def wait_store(s, p):
      c = s * NW + wid

      @pl.when(c < nch)
      def _():
        pltpu.make_async_copy(rows_v.at[p], out_hbm.at[pl.ds(0, ch)],
                              ssem[p]).wait()

    fire(0, 0)

    def body(s2, carry):
      for p in (0, 1):
        s = s2 * 2 + p
        q = 1 - p
        @pl.when(s >= 1)
        def _():
          wait_store(s - 1, q)

        fire(s + 1, q)
        drain_and_store(s, p)
      return carry

    lax.fori_loop(0, spw // 2, body, 0)
    wait_store(spw - 1, 1)

  return gather_k


_gather = {16: _make_sc_gather(16, 10),
           32: _make_sc_gather(32, 10),
           64: _make_sc_gather(64, 5)}


def _elu(v):
  return jnp.where(v > 0, v, jnp.exp(v) - 1.0)


def _fc0_call(x, w0t, b0, rows):

  def k(x_ref, w_ref, b_ref, o_ref):
    acc = lax.dot_general(x_ref[...], w_ref[...], (((1,), (0,)), ((), ())),
                          preferred_element_type=jnp.float32)
    o_ref[...] = _elu(acc + b_ref[...])

  return pl.pallas_call(
      k,
      grid=(NNODES // rows,),
      in_specs=[
          pl.BlockSpec((rows, 128), lambda i: (i, 0)),
          pl.BlockSpec((128, 16), lambda i: (0, 0)),
          pl.BlockSpec((1, 16), lambda i: (0, 0)),
      ],
      out_specs=pl.BlockSpec((rows, 16), lambda i: (i, 0)),
      out_shape=jax.ShapeDtypeStruct((NNODES, 16), jnp.float32),
  )(x, w0t, b0)


def _conv_mm_call(gp, wt, b, rows):
  k = wt.shape[0]
  cout = wt.shape[1]
  p = k // 128
  nb = NNODES // rows

  def mm_k(g_ref, w_ref, b_ref, o_ref, acc_ref):
    cb = pl.program_id(1)

    @pl.when(cb == 0)
    def _():
      acc_ref[...] = jnp.zeros_like(acc_ref)

    acc_ref[...] += lax.dot_general(
        g_ref[...], w_ref[...], (((1,), (0,)), ((), ())),
        preferred_element_type=jnp.float32)

    @pl.when(cb == p - 1)
    def _():
      o_ref[...] = _elu(acc_ref[...] + b_ref[...])

  return pl.pallas_call(
      mm_k,
      grid=(nb, p),
      in_specs=[
          pl.BlockSpec((rows, 128), lambda i, cb: (cb * nb + i, 0)),
          pl.BlockSpec((128, cout), lambda i, cb: (cb, 0)),
          pl.BlockSpec((1, cout), lambda i, cb: (0, 0)),
      ],
      out_specs=pl.BlockSpec((rows, cout), lambda i, cb: (i, 0)),
      out_shape=jax.ShapeDtypeStruct((NNODES, cout), jnp.float32),
      scratch_shapes=[pltpu.VMEM((rows, cout), jnp.float32)],
  )(gp, wt, b)


def _final_call(gp3, w3t, b3, wct, bc, rows):
  k = w3t.shape[0]
  p = k // 128
  cmid = w3t.shape[1]
  cout = wct.shape[1]
  nb = NNODES // rows

  def fin_k(g_ref, w3_ref, b3_ref, wc_ref, bc_ref, o_ref, acc_ref):
    cb = pl.program_id(1)

    @pl.when(cb == 0)
    def _():
      acc_ref[...] = jnp.zeros_like(acc_ref)

    acc_ref[...] += lax.dot_general(
        g_ref[...], w3_ref[...], (((1,), (0,)), ((), ())),
        preferred_element_type=jnp.float32)

    @pl.when(cb == p - 1)
    def _():
      h = _elu(acc_ref[...] + b3_ref[...])
      o = lax.dot_general(h, wc_ref[...], (((1,), (0,)), ((), ())),
                          preferred_element_type=jnp.float32)
      o_ref[...] = o + bc_ref[...]

  return pl.pallas_call(
      fin_k,
      grid=(nb, p),
      in_specs=[
          pl.BlockSpec((rows, 128), lambda i, cb: (cb * nb + i, 0)),
          pl.BlockSpec((128, cmid), lambda i, cb: (cb, 0)),
          pl.BlockSpec((1, cmid), lambda i, cb: (0, 0)),
          pl.BlockSpec((cmid, cout), lambda i, cb: (0, 0)),
          pl.BlockSpec((1, cout), lambda i, cb: (0, 0)),
      ],
      out_specs=pl.BlockSpec((rows, cout), lambda i, cb: (i, 0)),
      out_shape=jax.ShapeDtypeStruct((NNODES, cout), jnp.float32),
      scratch_shapes=[pltpu.VMEM((rows, cmid), jnp.float32)],
  )(gp3, w3t, b3, wct, bc)


def _permute_idx(indices, d):
  p = 128 // d
  ncb = L // p
  i3 = indices.reshape(NNODES, ncb, p)
  return jnp.transpose(i3, (1, 0, 2)).reshape(NB, GBLK)


def kernel(x, indices, W0, b0, W1, b1, W2, b2, W3, b3, Wf1, bf1, Wf2, bf2):
  h0 = _fc0_call(x, W0.T, b0.reshape(1, -1), 2000)

  g1 = _gather[16](h0, _permute_idx(indices, 16)).reshape(2 * NNODES, 128)
  h1 = _conv_mm_call(g1, W1.T, b1.reshape(1, -1), 2000)

  g2 = _gather[32](h1, _permute_idx(indices, 32)).reshape(4 * NNODES, 128)
  h2 = _conv_mm_call(g2, W2.T, b2.reshape(1, -1), 2000)

  g3 = _gather[64](h2, _permute_idx(indices, 64)).reshape(8 * NNODES, 128)

  wc = Wf2 @ Wf1
  bc = Wf2 @ bf1 + bf2
  return _final_call(g3, W3.T, b3.reshape(1, -1),
                     wc.T, bc.reshape(1, -1), 2000)

# --- scband reference (transcript-rebuilt; emitter-appended) ---
"""Pipeline reference for scband-net-85572928406082 (READ-ONLY COPY).

The authoritative reference and input builder live on the scoring server;
editing this copy changes nothing except your own understanding.
"""

import jax, jax.numpy as jnp
import numpy as np

N, C, L, NUM_CLASSES = 50000, 128, 16, 10

def _xavier(k, out_f, in_f):
    a = np.sqrt(6.0 / (in_f + out_f))
    return jax.random.uniform(k, (out_f, in_f), minval=-a, maxval=a, dtype=jnp.float32)

def setup_inputs(seed: int = 0) -> dict:
    key = jax.random.key(seed)
    ks = jax.random.split(key, 10)
    inp = {}
    inp['x'] = jax.random.normal(ks[0], (N, C), dtype=jnp.float32)
    inp['indices'] = jax.random.randint(ks[1], (N, L), 0, N, dtype=jnp.int32)
    # fc0: Linear(in_channels=128 -> 16), xavier_uniform weights, zero bias
    inp['W0'] = _xavier(ks[2], 16, C); inp['b0'] = jnp.zeros((16,), dtype=jnp.float32)
    # SpiralConv layers: Linear(in_ch * L -> out_ch)
    inp['W1'] = _xavier(ks[3], 32, 16 * L); inp['b1'] = jnp.zeros((32,), dtype=jnp.float32)
    inp['W2'] = _xavier(ks[4], 64, 32 * L); inp['b2'] = jnp.zeros((64,), dtype=jnp.float32)
    inp['W3'] = _xavier(ks[5], 128, 64 * L); inp['b3'] = jnp.zeros((128,), dtype=jnp.float32)
    # fc1: Linear(128 -> 512), fc2: Linear(512 -> num_classes)
    inp['Wf1'] = _xavier(ks[6], 512, 128); inp['bf1'] = jnp.zeros((512,), dtype=jnp.float32)
    inp['Wf2'] = _xavier(ks[7], NUM_CLASSES, 512); inp['bf2'] = jnp.zeros((NUM_CLASSES,), dtype=jnp.float32)
    return inp

def _spiral_conv(h, indices, W, b):
    # gather spiral neighborhoods: [N, L, Cin] -> flatten -> linear
    g = jnp.take(h, indices, axis=0)
    g = g.reshape(h.shape[0], -1)
    return g @ W.T + b

def reference(x, indices, W0, b0, W1, b1, W2, b2, W3, b3, Wf1, bf1, Wf2, bf2):
    h = jax.nn.elu(x @ W0.T + b0)
    h = jax.nn.elu(_spiral_conv(h, indices, W1, b1))
    h = jax.nn.elu(_spiral_conv(h, indices, W2, b2))
    h = jax.nn.elu(_spiral_conv(h, indices, W3, b3))
    h = h @ Wf1.T + bf1
    out = h @ Wf2.T + bf2
    return out

if __name__ == "__main__":
    import jax
    _d = setup_inputs()
    print(jax.jit(kernel)(*tuple(_d.values())))

</pallas_src>

<mosaic_0001>
#map = affine_map<(d0, d1) -> (0, 0)>
module attributes {stable_mosaic.version = 14 : i64} {
  func.func @gather_k(%arg0: i32, %arg1: i32, %arg2: memref<50000x64xf32, #tpu.memory_space<hbm>>, %arg3: memref<6250x128xi32, #tpu.memory_space<hbm>>, %arg4: memref<800000x64xf32, #tpu.memory_space<hbm>>, %arg5: memref<2x5x128xi32, #tpu.memory_space<vmem>>, %arg6: memref<2x640x64xf32, #tpu.memory_space<vmem>>, %arg7: memref<!tpu.dma_semaphore, #tpu.memory_space<semaphore_mem>>, %arg8: memref<!tpu.dma_semaphore, #tpu.memory_space<semaphore_mem>>, %arg9: memref<!tpu.dma_semaphore, #tpu.memory_space<semaphore_mem>>, %arg10: memref<!tpu.dma_semaphore, #tpu.memory_space<semaphore_mem>>) attributes {dimension_semantics = [#tpu.dimension_semantics<core_parallel>, #tpu.dimension_semantics<subcore_parallel>], iteration_bounds = array<i64: 2, 16>, scalar_prefetch = 0 : i64, scratch_operands = 6 : i64, tpu.core_type = #tpu.core_type<sc_vector_subcore>, window_params = [{transform_indices = #map}, {transform_indices = #map}, {transform_indices = #map}]} {
    %mul3A = arith.constant 2 : i32
    %mul3A_0 = arith.muli %arg1, %mul3A : i32
    %add3A = arith.addi %mul3A_0, %arg0 : i32
    %add3A_1 = arith.constant 0 : i32
    %add3A_2 = arith.addi %add3A_1, %add3A : i32
    %lt3A = arith.constant 1250 : i32
    %lt3A_3 = arith.cmpi slt, %add3A_2, %lt3A : i32
    %convert_element_type3A = arith.extui %lt3A_3 : i1 to i32
    %cond3A = arith.constant 0 : i32
    %cond3A_4 = arith.cmpi ne, %convert_element_type3A, %cond3A : i32
    scf.if %cond3A_4 {
      %mul3A_17 = arith.constant 5 : i32
      %mul3A_18 = arith.muli %add3A_2, %mul3A_17 : i32
      %run_scoped3A = arith.constant 0 : i32
      "tpu.region"() ({
        %run_scoped3A_83 = tpu.sem_alloc : memref<!tpu.dma_semaphore, #tpu.memory_space<semaphore_mem>>
        %dma_start3A_84 = arith.constant 0 : i32
        %dma_start3A_85 = arith.constant 0 : i32
        %dma_start3A_86 = tpu.memref_slice %arg5[%run_scoped3A, %dma_start3A_84, %dma_start3A_85] : memref<2x5x128xi32, #tpu.memory_space<vmem>> -> memref<1x5x128xi32, #tpu.memory_space<vmem>>
        %dma_start3A_87 = tpu.memref_squeeze %dma_start3A_86 : memref<1x5x128xi32, #tpu.memory_space<vmem>> -> memref<5x128xi32, #tpu.memory_space<vmem>>
        %dma_start3A_88 = arith.constant 0 : i32
        %dma_start3A_89 = tpu.memref_slice %arg3[%mul3A_18, %dma_start3A_88] : memref<6250x128xi32, #tpu.memory_space<hbm>> -> memref<5x128xi32, #tpu.memory_space<hbm>>
        %dma_start3A_90 = arith.constant 0 : i32
        %dma_start3A_91 = arith.constant 0 : i32
        %dma_start3A_92 = tpu.memref_slice %arg5[%run_scoped3A, %dma_start3A_90, %dma_start3A_91] : memref<2x5x128xi32, #tpu.memory_space<vmem>> -> memref<1x5x128xi32, #tpu.memory_space<vmem>>
        %dma_start3A_93 = tpu.memref_squeeze %dma_start3A_92 : memref<1x5x128xi32, #tpu.memory_space<vmem>> -> memref<5x128xi32, #tpu.memory_space<vmem>>
        %dma_start3A_94 = arith.constant 0 : i32
        %dma_start3A_95 = tpu.memref_slice %arg3[%mul3A_18, %dma_start3A_94] : memref<6250x128xi32, #tpu.memory_space<hbm>> -> memref<5x128xi32, #tpu.memory_space<hbm>>
        tpu.enqueue_dma source(%dma_start3A_95 : memref<5x128xi32, #tpu.memory_space<hbm>>) target(%dma_start3A_93 : memref<5x128xi32, #tpu.memory_space<vmem>>) target_semaphore(%run_scoped3A_83 : memref<!tpu.dma_semaphore, #tpu.memory_space<semaphore_mem>>)
        %dma_wait3A = arith.constant 0 : i32
        %dma_wait3A_96 = arith.constant 0 : i32
        %dma_wait3A_97 = tpu.memref_slice %arg5[%run_scoped3A, %dma_wait3A, %dma_wait3A_96] : memref<2x5x128xi32, #tpu.memory_space<vmem>> -> memref<1x5x128xi32, #tpu.memory_space<vmem>>
        %dma_wait3A_98 = tpu.memref_squeeze %dma_wait3A_97 : memref<1x5x128xi32, #tpu.memory_space<vmem>> -> memref<5x128xi32, #tpu.memory_space<vmem>>
        %dma_wait3A_99 = arith.constant 0 : i32
        %dma_wait3A_100 = tpu.memref_slice %arg3[%mul3A_18, %dma_wait3A_99] : memref<6250x128xi32, #tpu.memory_space<hbm>> -> memref<5x128xi32, #tpu.memory_space<hbm>>
        %dma_wait3A_101 = arith.constant 0 : i32
        %dma_wait3A_102 = arith.constant 0 : i32
        %dma_wait3A_103 = tpu.memref_slice %arg5[%run_scoped3A, %dma_wait3A_101, %dma_wait3A_102] : memref<2x5x128xi32, #tpu.memory_space<vmem>> -> memref<1x5x128xi32, #tpu.memory_space<vmem>>
        %dma_wait3A_104 = tpu.memref_squeeze %dma_wait3A_103 : memref<1x5x128xi32, #tpu.memory_space<vmem>> -> memref<5x128xi32, #tpu.memory_space<vmem>>
        %dma_wait3A_105 = arith.constant 0 : i32
        %dma_wait3A_106 = tpu.memref_slice %arg3[%mul3A_18, %dma_wait3A_105] : memref<6250x128xi32, #tpu.memory_space<hbm>> -> memref<5x128xi32, #tpu.memory_space<hbm>>
        tpu.wait_dma2 semaphore(%run_scoped3A_83 : memref<!tpu.dma_semaphore, #tpu.memory_space<semaphore_mem>>) src(%dma_wait3A_106 : memref<5x128xi32, #tpu.memory_space<hbm>>) dst(%dma_wait3A_104 : memref<5x128xi32, #tpu.memory_space<vmem>>)
        tpu.yield
      }) : () -> ()
      %dma_start3A = arith.constant 0 : i32
      %dma_start3A_19 = arith.constant 0 : i32
      %dma_start3A_20 = arith.constant 0 : i32
      %dma_start3A_21 = arith.constant 0 : i32
      %dma_start3A_22 = arith.constant 0 : i32
      %dma_start3A_23 = tpu.memref_slice %arg6[%dma_start3A_20, %dma_start3A_21, %dma_start3A_22] : memref<2x640x64xf32, #tpu.memory_space<vmem>> -> memref<1x128x64xf32, #tpu.memory_space<vmem>>
      %dma_start3A_24 = tpu.memref_squeeze %dma_start3A_23 : memref<1x128x64xf32, #tpu.memory_space<vmem>> -> memref<128x64xf32, #tpu.memory_space<vmem>>
      %dma_start3A_25 = arith.constant 0 : i32
      %dma_start3A_26 = tpu.memref_slice %arg5[%dma_start3A, %dma_start3A_19, %dma_start3A_25] : memref<2x5x128xi32, #tpu.memory_space<vmem>> -> memref<1x1x128xi32, #tpu.memory_space<vmem>>
      %dma_start3A_27 = tpu.memref_squeeze %dma_start3A_26 : memref<1x1x128xi32, #tpu.memory_space<vmem>> -> memref<128xi32, #tpu.memory_space<vmem>>
      %dma_start3A_28 = arith.constant 0 : i32
      %dma_start3A_29 = arith.constant 0 : i32
      %dma_start3A_30 = tpu.memref_slice %arg2[%dma_start3A_28, %dma_start3A_29] : memref<50000x64xf32, #tpu.memory_space<hbm>> -> memref<50000x64xf32, #tpu.memory_space<hbm>>
      tpu.enqueue_indirect_dma source(%dma_start3A_30 : memref<50000x64xf32, #tpu.memory_space<hbm>>) target(%dma_start3A_24 : memref<128x64xf32, #tpu.memory_space<vmem>>) offsets(%dma_start3A_27 : memref<128xi32, #tpu.memory_space<vmem>>) semaphore(%arg7 : memref<!tpu.dma_semaphore, #tpu.memory_space<semaphore_mem>>)
      %dma_start3A_31 = arith.constant 0 : i32
      %dma_start3A_32 = arith.constant 1 : i32
      %dma_start3A_33 = arith.constant 0 : i32
      %dma_start3A_34 = arith.constant 128 : i32
      %dma_start3A_35 = arith.constant 0 : i32
      %dma_start3A_36 = tpu.memref_slice %arg6[%dma_start3A_33, %dma_start3A_34, %dma_start3A_35] : memref<2x640x64xf32, #tpu.memory_space<vmem>> -> memref<1x128x64xf32, #tpu.memory_space<vmem>>
      %dma_start3A_37 = tpu.memref_squeeze %dma_start3A_36 : memref<1x128x64xf32, #tpu.memory_space<vmem>> -> memref<128x64xf32, #tpu.memory_space<vmem>>
      %dma_start3A_38 = arith.constant 0 : i32
      %dma_start3A_39 = tpu.memref_slice %arg5[%dma_start3A_31, %dma_start3A_32, %dma_start3A_38] : memref<2x5x128xi32, #tpu.memory_space<vmem>> -> memref<1x1x128xi32, #tpu.memory_space<vmem>>
      %dma_start3A_40 = tpu.memref_squeeze %dma_start3A_39 : memref<1x1x128xi32, #tpu.memory_space<vmem>> -> memref<128xi32, #tpu.memory_space<vmem>>
      %dma_start3A_41 = arith.constant 0 : i32
      %dma_start3A_42 = arith.constant 0 : i32
      %dma_start3A_43 = tpu.memref_slice %arg2[%dma_start3A_41, %dma_start3A_42] : memref<50000x64xf32, #tpu.memory_space<hbm>> -> memref<50000x64xf32, #tpu.memory_space<hbm>>
      tpu.enqueue_indirect_dma source(%dma_start3A_43 : memref<50000x64xf32, #tpu.memory_space<hbm>>) target(%dma_start3A_37 : memref<128x64xf32, #tpu.memory_space<vmem>>) offsets(%dma_start3A_40 : memref<128xi32, #tpu.memory_space<vmem>>) semaphore(%arg7 : memref<!tpu.dma_semaphore, #tpu.memory_space<semaphore_mem>>)
      %dma_start3A_44 = arith.constant 0 : i32
      %dma_start3A_45 = arith.constant 2 : i32
      %dma_start3A_46 = arith.constant 0 : i32
      %dma_start3A_47 = arith.constant 256 : i32
      %dma_start3A_48 = arith.constant 0 : i32
      %dma_start3A_49 = tpu.memref_slice %arg6[%dma_start3A_46, %dma_start3A_47, %dma_start3A_48] : memref<2x640x64xf32, #tpu.memory_space<vmem>> -> memref<1x128x64xf32, #tpu.memory_space<vmem>>
      %dma_start3A_50 = tpu.memref_squeeze %dma_start3A_49 : memref<1x128x64xf32, #tpu.memory_space<vmem>> -> memref<128x64xf32, #tpu.memory_space<vmem>>
      %dma_start3A_51 = arith.constant 0 : i32
      %dma_start3A_52 = tpu.memref_slice %arg5[%dma_start3A_44, %dma_start3A_45, %dma_start3A_51] : memref<2x5x128xi32, #tpu.memory_space<vmem>> -> memref<1x1x128xi32, #tpu.memory_space<vmem>>
      %dma_start3A_53 = tpu.memref_squeeze %dma_start3A_52 : memref<1x1x128xi32, #tpu.memory_space<vmem>> -> memref<128xi32, #tpu.memory_space<vmem>>
      %dma_start3A_54 = arith.constant 0 : i32
      %dma_start3A_55 = arith.constant 0 : i32
      %dma_start3A_56 = tpu.memref_slice %arg2[%dma_start3A_54, %dma_start3A_55] : memref<50000x64xf32, #tpu.memory_space<hbm>> -> memref<50000x64xf32, #tpu.memory_space<hbm>>
      tpu.enqueue_indirect_dma source(%dma_start3A_56 : memref<50000x64xf32, #tpu.memory_space<hbm>>) target(%dma_start3A_50 : memref<128x64xf32, #tpu.memory_space<vmem>>) offsets(%dma_start3A_53 : memref<128xi32, #tpu.memory_space<vmem>>) semaphore(%arg7 : memref<!tpu.dma_semaphore, #tpu.memory_space<semaphore_mem>>)
      %dma_start3A_57 = arith.constant 0 : i32
      %dma_start3A_58 = arith.constant 3 : i32
      %dma_start3A_59 = arith.constant 0 : i32
      %dma_start3A_60 = arith.constant 384 : i32
      %dma_start3A_61 = arith.constant 0 : i32
      %dma_start3A_62 = tpu.memref_slice %arg6[%dma_start3A_59, %dma_start3A_60, %dma_start3A_61] : memref<2x640x64xf32, #tpu.memory_space<vmem>> -> memref<1x128x64xf32, #tpu.memory_space<vmem>>
      %dma_start3A_63 = tpu.memref_squeeze %dma_start3A_62 : memref<1x128x64xf32, #tpu.memory_space<vmem>> -> memref<128x64xf32, #tpu.memory_space<vmem>>
      %dma_start3A_64 = arith.constant 0 : i32
      %dma_start3A_65 = tpu.memref_slice %arg5[%dma_start3A_57, %dma_start3A_58, %dma_start3A_64] : memref<2x5x128xi32, #tpu.memory_space<vmem>> -> memref<1x1x128xi32, #tpu.memory_space<vmem>>
      %dma_start3A_66 = tpu.memref_squeeze %dma_start3A_65 : memref<1x1x128xi32, #tpu.memory_space<vmem>> -> memref<128xi32, #tpu.memory_space<vmem>>
      %dma_start3A_67 = arith.constant 0 : i32
      %dma_start3A_68 = arith.constant 0 : i32
      %dma_start3A_69 = tpu.memref_slice %arg2[%dma_start3A_67, %dma_start3A_68] : memref<50000x64xf32, #tpu.memory_space<hbm>> -> memref<50000x64xf32, #tpu.memory_space<hbm>>
      tpu.enqueue_indirect_dma source(%dma_start3A_69 : memref<50000x64xf32, #tpu.memory_space<hbm>>) target(%dma_start3A_63 : memref<128x64xf32, #tpu.memory_space<vmem>>) offsets(%dma_start3A_66 : memref<128xi32, #tpu.memory_space<vmem>>) semaphore(%arg7 : memref<!tpu.dma_semaphore, #tpu.memory_space<semaphore_mem>>)
      %dma_start3A_70 = arith.constant 0 : i32
      %dma_start3A_71 = arith.constant 4 : i32
      %dma_start3A_72 = arith.constant 0 : i32
      %dma_start3A_73 = arith.constant 512 : i32
      %dma_start3A_74 = arith.constant 0 : i32
      %dma_start3A_75 = tpu.memref_slice %arg6[%dma_start3A_72, %dma_start3A_73, %dma_start3A_74] : memref<2x640x64xf32, #tpu.memory_space<vmem>> -> memref<1x128x64xf32, #tpu.memory_space<vmem>>
      %dma_start3A_76 = tpu.memref_squeeze %dma_start3A_75 : memref<1x128x64xf32, #tpu.memory_space<vmem>> -> memref<128x64xf32, #tpu.memory_space<vmem>>
      %dma_start3A_77 = arith.constant 0 : i32
      %dma_start3A_78 = tpu.memref_slice %arg5[%dma_start3A_70, %dma_start3A_71, %dma_start3A_77] : memref<2x5x128xi32, #tpu.memory_space<vmem>> -> memref<1x1x128xi32, #tpu.memory_space<vmem>>
      %dma_start3A_79 = tpu.memref_squeeze %dma_start3A_78 : memref<1x1x128xi32, #tpu.memory_space<vmem>> -> memref<128xi32, #tpu.memory_space<vmem>>
      %dma_start3A_80 = arith.constant 0 : i32
      %dma_start3A_81 = arith.constant 0 : i32
      %dma_start3A_82 = tpu.memref_slice %arg2[%dma_start3A_80, %dma_start3A_81] : memref<50000x64xf32, #tpu.memory_space<hbm>> -> memref<50000x64xf32, #tpu.memory_space<hbm>>
      tpu.enqueue_indirect_dma source(%dma_start3A_82 : memref<50000x64xf32, #tpu.memory_space<hbm>>) target(%dma_start3A_76 : memref<128x64xf32, #tpu.memory_space<vmem>>) offsets(%dma_start3A_79 : memref<128xi32, #tpu.memory_space<vmem>>) semaphore(%arg7 : memref<!tpu.dma_semaphore, #tpu.memory_space<semaphore_mem>>)
    } else {
    }
    %scan3A = arith.constant 0 : i32
    %scan3A_5 = arith.constant 0 : i32
    %scan3A_6 = arith.constant 20 : i32
    %scan3A_7 = arith.addi %scan3A_5, %scan3A_6 : i32
    %scan3A_8 = arith.constant 1 : i32
    scf.for %scan3A_17 = %scan3A_5 to %scan3A_7 step %scan3A_8  : i32 {
      %mul3A_18 = arith.constant 2 : i32
      %mul3A_19 = arith.muli %scan3A_17, %mul3A_18 : i32
      %add3A_20 = arith.constant 0 : i32
      %add3A_21 = arith.addi %mul3A_19, %add3A_20 : i32
      %ge3A = arith.constant 1 : i32
      %ge3A_22 = arith.cmpi sge, %add3A_21, %ge3A : i32
      %convert_element_type3A_23 = arith.extui %ge3A_22 : i1 to i32
      %cond3A_24 = arith.constant 0 : i32
      %cond3A_25 = arith.cmpi ne, %convert_element_type3A_23, %cond3A_24 : i32
      scf.if %cond3A_25 {
        %sub3A = arith.constant 1 : i32
        %sub3A_71 = arith.subi %add3A_21, %sub3A : i32
        %mul3A_72 = arith.constant 32 : i32
        %mul3A_73 = arith.muli %sub3A_71, %mul3A_72 : i32
        %add3A_74 = arith.addi %mul3A_73, %add3A : i32
        %lt3A_75 = arith.constant 1250 : i32
        %lt3A_76 = arith.cmpi slt, %add3A_74, %lt3A_75 : i32
        %convert_element_type3A_77 = arith.extui %lt3A_76 : i1 to i32
        %cond3A_78 = arith.constant 0 : i32
        %cond3A_79 = arith.cmpi ne, %convert_element_type3A_77, %cond3A_78 : i32
        scf.if %cond3A_79 {
          %dma_wait3A = arith.constant 1 : i32
          %dma_wait3A_80 = arith.constant 0 : i32
          %dma_wait3A_81 = arith.constant 0 : i32
          %dma_wait3A_82 = tpu.memref_slice %arg6[%dma_wait3A, %dma_wait3A_80, %dma_wait3A_81] : memref<2x640x64xf32, #tpu.memory_space<vmem>> -> memref<1x640x64xf32, #tpu.memory_space<vmem>>
          %dma_wait3A_83 = tpu.memref_squeeze %dma_wait3A_82 : memref<1x640x64xf32, #tpu.memory_space<vmem>> -> memref<640x64xf32, #tpu.memory_space<vmem>>
          %dma_wait3A_84 = arith.constant 0 : i32
          %dma_wait3A_85 = arith.constant 0 : i32
          %dma_wait3A_86 = tpu.memref_slice %arg4[%dma_wait3A_84, %dma_wait3A_85] : memref<800000x64xf32, #tpu.memory_space<hbm>> -> memref<640x64xf32, #tpu.memory_space<hbm>>
          %dma_wait3A_87 = arith.constant 0 : i32
          %dma_wait3A_88 = arith.constant 0 : i32
          %dma_wait3A_89 = tpu.memref_slice %arg4[%dma_wait3A_87, %dma_wait3A_88] : memref<800000x64xf32, #tpu.memory_space<hbm>> -> memref<640x64xf32, #tpu.memory_space<hbm>>
          %dma_wait3A_90 = arith.constant 0 : i32
          %dma_wait3A_91 = arith.constant 0 : i32
          %dma_wait3A_92 = tpu.memref_slice %arg6[%dma_wait3A, %dma_wait3A_90, %dma_wait3A_91] : memref<2x640x64xf32, #tpu.memory_space<vmem>> -> memref<1x640x64xf32, #tpu.memory_space<vmem>>
          %dma_wait3A_93 = tpu.memref_squeeze %dma_wait3A_92 : memref<1x640x64xf32, #tpu.memory_space<vmem>> -> memref<640x64xf32, #tpu.memory_space<vmem>>
          tpu.wait_dma2 semaphore(%arg10 : memref<!tpu.dma_semaphore, #tpu.memory_space<semaphore_mem>>) src(%dma_wait3A_93 : memref<640x64xf32, #tpu.memory_space<vmem>>) dst(%dma_wait3A_89 : memref<640x64xf32, #tpu.memory_space<hbm>>)
        } else {
        }
      } else {
      }
      %add3A_26 = arith.constant 1 : i32
      %add3A_27 = arith.addi %add3A_21, %add3A_26 : i32
      %mul3A_28 = arith.constant 32 : i32
      %mul3A_29 = arith.muli %add3A_27, %mul3A_28 : i32
      %add3A_30 = arith.addi %mul3A_29, %add3A : i32
      %lt3A_31 = arith.constant 1250 : i32
      %lt3A_32 = arith.cmpi slt, %add3A_30, %lt3A_31 : i32
      %convert_element_type3A_33 = arith.extui %lt3A_32 : i1 to i32
      %cond3A_34 = arith.constant 0 : i32
      %cond3A_35 = arith.cmpi ne, %convert_element_type3A_33, %cond3A_34 : i32
      scf.if %cond3A_35 {
        %mul3A_71 = arith.constant 5 : i32
        %mul3A_72 = arith.muli %add3A_30, %mul3A_71 : i32
        %run_scoped3A = arith.constant 1 : i32
        "tpu.region"() ({
          %run_scoped3A_137 = tpu.sem_alloc : memref<!tpu.dma_semaphore, #tpu.memory_space<semaphore_mem>>
          %dma_start3A_138 = arith.constant 0 : i32
          %dma_start3A_139 = arith.constant 0 : i32
          %dma_start3A_140 = tpu.memref_slice %arg5[%run_scoped3A, %dma_start3A_138, %dma_start3A_139] : memref<2x5x128xi32, #tpu.memory_space<vmem>> -> memref<1x5x128xi32, #tpu.memory_space<vmem>>
          %dma_start3A_141 = tpu.memref_squeeze %dma_start3A_140 : memref<1x5x128xi32, #tpu.memory_space<vmem>> -> memref<5x128xi32, #tpu.memory_space<vmem>>
          %dma_start3A_142 = arith.constant 0 : i32
          %dma_start3A_143 = tpu.memref_slice %arg3[%mul3A_72, %dma_start3A_142] : memref<6250x128xi32, #tpu.memory_space<hbm>> -> memref<5x128xi32, #tpu.memory_space<hbm>>
          %dma_start3A_144 = arith.constant 0 : i32
          %dma_start3A_145 = arith.constant 0 : i32
          %dma_start3A_146 = tpu.memref_slice %arg5[%run_scoped3A, %dma_start3A_144, %dma_start3A_145] : memref<2x5x128xi32, #tpu.memory_space<vmem>> -> memref<1x5x128xi32, #tpu.memory_space<vmem>>
          %dma_start3A_147 = tpu.memref_squeeze %dma_start3A_146 : memref<1x5x128xi32, #tpu.memory_space<vmem>> -> memref<5x128xi32, #tpu.memory_space<vmem>>
          %dma_start3A_148 = arith.constant 0 : i32
          %dma_start3A_149 = tpu.memref_slice %arg3[%mul3A_72, %dma_start3A_148] : memref<6250x128xi32, #tpu.memory_space<hbm>> -> memref<5x128xi32, #tpu.memory_space<hbm>>
          tpu.enqueue_dma source(%dma_start3A_149 : memref<5x128xi32, #tpu.memory_space<hbm>>) target(%dma_start3A_147 : memref<5x128xi32, #tpu.memory_space<vmem>>) target_semaphore(%run_scoped3A_137 : memref<!tpu.dma_semaphore, #tpu.memory_space<semaphore_mem>>)
          %dma_wait3A = arith.constant 0 : i32
          %dma_wait3A_150 = arith.constant 0 : i32
          %dma_wait3A_151 = tpu.memref_slice %arg5[%run_scoped3A, %dma_wait3A, %dma_wait3A_150] : memref<2x5x128xi32, #tpu.memory_space<vmem>> -> memref<1x5x128xi32, #tpu.memory_space<vmem>>
          %dma_wait3A_152 = tpu.memref_squeeze %dma_wait3A_151 : memref<1x5x128xi32, #tpu.memory_space<vmem>> -> memref<5x128xi32, #tpu.memory_space<vmem>>
          %dma_wait3A_153 = arith.constant 0 : i32
          %dma_wait3A_154 = tpu.memref_slice %arg3[%mul3A_72, %dma_wait3A_153] : memref<6250x128xi32, #tpu.memory_space<hbm>> -> memref<5x128xi32, #tpu.memory_space<hbm>>
          %dma_wait3A_155 = arith.constant 0 : i32
          %dma_wait3A_156 = arith.constant 0 : i32
          %dma_wait3A_157 = tpu.memref_slice %arg5[%run_scoped3A, %dma_wait3A_155, %dma_wait3A_156] : memref<2x5x128xi32, #tpu.memory_space<vmem>> -> memref<1x5x128xi32, #tpu.memory_space<vmem>>
          %dma_wait3A_158 = tpu.memref_squeeze %dma_wait3A_157 : memref<1x5x128xi32, #tpu.memory_space<vmem>> -> memref<5x128xi32, #tpu.memory_space<vmem>>
          %dma_wait3A_159 = arith.constant 0 : i32
          %dma_wait3A_160 = tpu.memref_slice %arg3[%mul3A_72, %dma_wait3A_159] : memref<6250x128xi32, #tpu.memory_space<hbm>> -> memref<5x128xi32, #tpu.memory_space<hbm>>
          tpu.wait_dma2 semaphore(%run_scoped3A_137 : memref<!tpu.dma_semaphore, #tpu.memory_space<semaphore_mem>>) src(%dma_wait3A_160 : memref<5x128xi32, #tpu.memory_space<hbm>>) dst(%dma_wait3A_158 : memref<5x128xi32, #tpu.memory_space<vmem>>)
          tpu.yield
        }) : () -> ()
        %dma_start3A = arith.constant 1 : i32
        %dma_start3A_73 = arith.constant 0 : i32
        %dma_start3A_74 = arith.constant 1 : i32
        %dma_start3A_75 = arith.constant 0 : i32
        %dma_start3A_76 = arith.constant 0 : i32
        %dma_start3A_77 = tpu.memref_slice %arg6[%dma_start3A_74, %dma_start3A_75, %dma_start3A_76] : memref<2x640x64xf32, #tpu.memory_space<vmem>> -> memref<1x128x64xf32, #tpu.memory_space<vmem>>
        %dma_start3A_78 = tpu.memref_squeeze %dma_start3A_77 : memref<1x128x64xf32, #tpu.memory_space<vmem>> -> memref<128x64xf32, #tpu.memory_space<vmem>>
        %dma_start3A_79 = arith.constant 0 : i32
        %dma_start3A_80 = tpu.memref_slice %arg5[%dma_start3A, %dma_start3A_73, %dma_start3A_79] : memref<2x5x128xi32, #tpu.memory_space<vmem>> -> memref<1x1x128xi32, #tpu.memory_space<vmem>>
        %dma_start3A_81 = tpu.memref_squeeze %dma_start3A_80 : memref<1x1x128xi32, #tpu.memory_space<vmem>> -> memref<128xi32, #tpu.memory_space<vmem>>
        %dma_start3A_82 = arith.constant 0 : i32
        %dma_start3A_83 = arith.constant 0 : i32
        %dma_start3A_84 = tpu.memref_slice %arg2[%dma_start3A_82, %dma_start3A_83] : memref<50000x64xf32, #tpu.memory_space<hbm>> -> memref<50000x64xf32, #tpu.memory_space<hbm>>
        tpu.enqueue_indirect_dma source(%dma_start3A_84 : memref<50000x64xf32, #tpu.memory_space<hbm>>) target(%dma_start3A_78 : memref<128x64xf32, #tpu.memory_space<vmem>>) offsets(%dma_start3A_81 : memref<128xi32, #tpu.memory_space<vmem>>) semaphore(%arg8 : memref<!tpu.dma_semaphore, #tpu.memory_space<semaphore_mem>>)
        %dma_start3A_85 = arith.constant 1 : i32
        %dma_start3A_86 = arith.constant 1 : i32
        %dma_start3A_87 = arith.constant 1 : i32
        %dma_start3A_88 = arith.constant 128 : i32
        %dma_start3A_89 = arith.constant 0 : i32
        %dma_start3A_90 = tpu.memref_slice %arg6[%dma_start3A_87, %dma_start3A_88, %dma_start3A_89] : memref<2x640x64xf32, #tpu.memory_space<vmem>> -> memref<1x128x64xf32, #tpu.memory_space<vmem>>
        %dma_start3A_91 = tpu.memref_squeeze %dma_start3A_90 : memref<1x128x64xf32, #tpu.memory_space<vmem>> -> memref<128x64xf32, #tpu.memory_space<vmem>>
        %dma_start3A_92 = arith.constant 0 : i32
        %dma_start3A_93 = tpu.memref_slice %arg5[%dma_start3A_85, %dma_start3A_86, %dma_start3A_92] : memref<2x5x128xi32, #tpu.memory_space<vmem>> -> memref<1x1x128xi32, #tpu.memory_space<vmem>>
        %dma_start3A_94 = tpu.memref_squeeze %dma_start3A_93 : memref<1x1x128xi32, #tpu.memory_space<vmem>> -> memref<128xi32, #tpu.memory_space<vmem>>
        %dma_start3A_95 = arith.constant 0 : i32
        %dma_start3A_96 = arith.constant 0 : i32
        %dma_start3A_97 = tpu.memref_slice %arg2[%dma_start3A_95, %dma_start3A_96] : memref<50000x64xf32, #tpu.memory_space<hbm>> -> memref<50000x64xf32, #tpu.memory_space<hbm>>
        tpu.enqueue_indirect_dma source(%dma_start3A_97 : memref<50000x64xf32, #tpu.memory_space<hbm>>) target(%dma_start3A_91 : memref<128x64xf32, #tpu.memory_space<vmem>>) offsets(%dma_start3A_94 : memref<128xi32, #tpu.memory_space<vmem>>) semaphore(%arg8 : memref<!tpu.dma_semaphore, #tpu.memory_space<semaphore_mem>>)
        %dma_start3A_98 = arith.constant 1 : i32
        %dma_start3A_99 = arith.constant 2 : i32
        %dma_start3A_100 = arith.constant 1 : i32
        %dma_start3A_101 = arith.constant 256 : i32
        %dma_start3A_102 = arith.constant 0 : i32
        %dma_start3A_103 = tpu.memref_slice %arg6[%dma_start3A_100, %dma_start3A_101, %dma_start3A_102] : memref<2x640x64xf32, #tpu.memory_space<vmem>> -> memref<1x128x64xf32, #tpu.memory_space<vmem>>
        %dma_start3A_104 = tpu.memref_squeeze %dma_start3A_103 : memref<1x128x64xf32, #tpu.memory_space<vmem>> -> memref<128x64xf32, #tpu.memory_space<vmem>>
        %dma_start3A_105 = arith.constant 0 : i32
        %dma_start3A_106 = tpu.memref_slice %arg5[%dma_start3A_98, %dma_start3A_99, %dma_start3A_105] : memref<2x5x128xi32, #tpu.memory_space<vmem>> -> memref<1x1x128xi32, #tpu.memory_space<vmem>>
        %dma_start3A_107 = tpu.memref_squeeze %dma_start3A_106 : memref<1x1x128xi32, #tpu.memory_space<vmem>> -> memref<128xi32, #tpu.memory_space<vmem>>
        %dma_start3A_108 = arith.constant 0 : i32
        %dma_start3A_109 = arith.constant 0 : i32
        %dma_start3A_110 = tpu.memref_slice %arg2[%dma_start3A_108, %dma_start3A_109] : memref<50000x64xf32, #tpu.memory_space<hbm>> -> memref<50000x64xf32, #tpu.memory_space<hbm>>
        tpu.enqueue_indirect_dma source(%dma_start3A_110 : memref<50000x64xf32, #tpu.memory_space<hbm>>) target(%dma_start3A_104 : memref<128x64xf32, #tpu.memory_space<vmem>>) offsets(%dma_start3A_107 : memref<128xi32, #tpu.memory_space<vmem>>) semaphore(%arg8 : memref<!tpu.dma_semaphore, #tpu.memory_space<semaphore_mem>>)
        %dma_start3A_111 = arith.constant 1 : i32
        %dma_start3A_112 = arith.constant 3 : i32
        %dma_start3A_113 = arith.constant 1 : i32
        %dma_start3A_114 = arith.constant 384 : i32
        %dma_start3A_115 = arith.constant 0 : i32
        %dma_start3A_116 = tpu.memref_slice %arg6[%dma_start3A_113, %dma_start3A_114, %dma_start3A_115] : memref<2x640x64xf32, #tpu.memory_space<vmem>> -> memref<1x128x64xf32, #tpu.memory_space<vmem>>
        %dma_start3A_117 = tpu.memref_squeeze %dma_start3A_116 : memref<1x128x64xf32, #tpu.memory_space<vmem>> -> memref<128x64xf32, #tpu.memory_space<vmem>>
        %dma_start3A_118 = arith.constant 0 : i32
        %dma_start3A_119 = tpu.memref_slice %arg5[%dma_start3A_111, %dma_start3A_112, %dma_start3A_118] : memref<2x5x128xi32, #tpu.memory_space<vmem>> -> memref<1x1x128xi32, #tpu.memory_space<vmem>>
        %dma_start3A_120 = tpu.memref_squeeze %dma_start3A_119 : memref<1x1x128xi32, #tpu.memory_space<vmem>> -> memref<128xi32, #tpu.memory_space<vmem>>
        %dma_start3A_121 = arith.constant 0 : i32
        %dma_start3A_122 = arith.constant 0 : i32
        %dma_start3A_123 = tpu.memref_slice %arg2[%dma_start3A_121, %dma_start3A_122] : memref<50000x64xf32, #tpu.memory_space<hbm>> -> memref<50000x64xf32, #tpu.memory_space<hbm>>
        tpu.enqueue_indirect_dma source(%dma_start3A_123 : memref<50000x64xf32, #tpu.memory_space<hbm>>) target(%dma_start3A_117 : memref<128x64xf32, #tpu.memory_space<vmem>>) offsets(%dma_start3A_120 : memref<128xi32, #tpu.memory_space<vmem>>) semaphore(%arg8 : memref<!tpu.dma_semaphore, #tpu.memory_space<semaphore_mem>>)
        %dma_start3A_124 = arith.constant 1 : i32
        %dma_start3A_125 = arith.constant 4 : i32
        %dma_start3A_126 = arith.constant 1 : i32
        %dma_start3A_127 = arith.constant 512 : i32
        %dma_start3A_128 = arith.constant 0 : i32
        %dma_start3A_129 = tpu.memref_slice %arg6[%dma_start3A_126, %dma_start3A_127, %dma_start3A_128] : memref<2x640x64xf32, #tpu.memory_space<vmem>> -> memref<1x128x64xf32, #tpu.memory_space<vmem>>
        %dma_start3A_130 = tpu.memref_squeeze %dma_start3A_129 : memref<1x128x64xf32, #tpu.memory_space<vmem>> -> memref<128x64xf32, #tpu.memory_space<vmem>>
        %dma_start3A_131 = arith.constant 0 : i32
        %dma_start3A_132 = tpu.memref_slice %arg5[%dma_start3A_124, %dma_start3A_125, %dma_start3A_131] : memref<2x5x128xi32, #tpu.memory_space<vmem>> -> memref<1x1x128xi32, #tpu.memory_space<vmem>>
        %dma_start3A_133 = tpu.memref_squeeze %dma_start3A_132 : memref<1x1x128xi32, #tpu.memory_space<vmem>> -> memref<128xi32, #tpu.memory_space<vmem>>
        %dma_start3A_134 = arith.constant 0 : i32
        %dma_start3A_135 = arith.constant 0 : i32
        %dma_start3A_136 = tpu.memref_slice %arg2[%dma_start3A_134, %dma_start3A_135] : memref<50000x64xf32, #tpu.memory_space<hbm>> -> memref<50000x64xf32, #tpu.memory_space<hbm>>
        tpu.enqueue_indirect_dma source(%dma_start3A_136 : memref<50000x64xf32, #tpu.memory_space<hbm>>) target(%dma_start3A_130 : memref<128x64xf32, #tpu.memory_space<vmem>>) offsets(%dma_start3A_133 : memref<128xi32, #tpu.memory_space<vmem>>) semaphore(%arg8 : memref<!tpu.dma_semaphore, #tpu.memory_space<semaphore_mem>>)
      } else {
      }
      %mul3A_36 = arith.constant 32 : i32
      %mul3A_37 = arith.muli %add3A_21, %mul3A_36 : i32
      %add3A_38 = arith.addi %mul3A_37, %add3A : i32
      %lt3A_39 = arith.constant 1250 : i32
      %lt3A_40 = arith.cmpi slt, %add3A_38, %lt3A_39 : i32
      %convert_element_type3A_41 = arith.extui %lt3A_40 : i1 to i32
      %cond3A_42 = arith.constant 0 : i32
      %cond3A_43 = arith.cmpi ne, %convert_element_type3A_41, %cond3A_42 : i32
      scf.if %cond3A_43 {
        %mul3A_71 = arith.constant 640 : i32
        %mul3A_72 = arith.muli %add3A_38, %mul3A_71 : i32
        %dma_wait3A = arith.constant 0 : i32
        %dma_wait3A_73 = arith.constant 0 : i32
        %dma_wait3A_74 = arith.constant 0 : i32
        %dma_wait3A_75 = tpu.memref_slice %arg6[%dma_wait3A, %dma_wait3A_73, %dma_wait3A_74] : memref<2x640x64xf32, #tpu.memory_space<vmem>> -> memref<1x640x64xf32, #tpu.memory_space<vmem>>
        %dma_wait3A_76 = tpu.memref_squeeze %dma_wait3A_75 : memref<1x640x64xf32, #tpu.memory_space<vmem>> -> memref<640x64xf32, #tpu.memory_space<vmem>>
        %dma_wait3A_77 = arith.constant 0 : i32
        %dma_wait3A_78 = arith.constant 0 : i32
        %dma_wait3A_79 = tpu.memref_slice %arg4[%dma_wait3A_77, %dma_wait3A_78] : memref<800000x64xf32, #tpu.memory_space<hbm>> -> memref<640x64xf32, #tpu.memory_space<hbm>>
        %dma_wait3A_80 = arith.constant 0 : i32
        %dma_wait3A_81 = arith.constant 0 : i32
        %dma_wait3A_82 = tpu.memref_slice %arg6[%dma_wait3A, %dma_wait3A_80, %dma_wait3A_81] : memref<2x640x64xf32, #tpu.memory_space<vmem>> -> memref<1x640x64xf32, #tpu.memory_space<vmem>>
        %dma_wait3A_83 = tpu.memref_squeeze %dma_wait3A_82 : memref<1x640x64xf32, #tpu.memory_space<vmem>> -> memref<640x64xf32, #tpu.memory_space<vmem>>
        %dma_wait3A_84 = arith.constant 0 : i32
        %dma_wait3A_85 = arith.constant 0 : i32
        %dma_wait3A_86 = tpu.memref_slice %arg4[%dma_wait3A_84, %dma_wait3A_85] : memref<800000x64xf32, #tpu.memory_space<hbm>> -> memref<640x64xf32, #tpu.memory_space<hbm>>
        tpu.wait_dma2 semaphore(%arg7 : memref<!tpu.dma_semaphore, #tpu.memory_space<semaphore_mem>>) src(%dma_wait3A_86 : memref<640x64xf32, #tpu.memory_space<hbm>>) dst(%dma_wait3A_83 : memref<640x64xf32, #tpu.memory_space<vmem>>)
        %dma_start3A = arith.constant 0 : i32
        %dma_start3A_87 = arith.constant 0 : i32
        %dma_start3A_88 = arith.constant 0 : i32
        %dma_start3A_89 = tpu.memref_slice %arg6[%dma_start3A, %dma_start3A_87, %dma_start3A_88] : memref<2x640x64xf32, #tpu.memory_space<vmem>> -> memref<1x640x64xf32, #tpu.memory_space<vmem>>
        %dma_start3A_90 = tpu.memref_squeeze %dma_start3A_89 : memref<1x640x64xf32, #tpu.memory_space<vmem>> -> memref<640x64xf32, #tpu.memory_space<vmem>>
        %dma_start3A_91 = arith.constant 0 : i32
        %dma_start3A_92 = tpu.memref_slice %arg4[%mul3A_72, %dma_start3A_91] : memref<800000x64xf32, #tpu.memory_space<hbm>> -> memref<640x64xf32, #tpu.memory_space<hbm>>
        %dma_start3A_93 = arith.constant 0 : i32
        %dma_start3A_94 = tpu.memref_slice %arg4[%mul3A_72, %dma_start3A_93] : memref<800000x64xf32, #tpu.memory_space<hbm>> -> memref<640x64xf32, #tpu.memory_space<hbm>>
        %dma_start3A_95 = arith.constant 0 : i32
        %dma_start3A_96 = arith.constant 0 : i32
        %dma_start3A_97 = tpu.memref_slice %arg6[%dma_start3A, %dma_start3A_95, %dma_start3A_96] : memref<2x640x64xf32, #tpu.memory_space<vmem>> -> memref<1x640x64xf32, #tpu.memory_space<vmem>>
        %dma_start3A_98 = tpu.memref_squeeze %dma_start3A_97 : memref<1x640x64xf32, #tpu.memory_space<vmem>> -> memref<640x64xf32, #tpu.memory_space<vmem>>
        tpu.enqueue_dma source(%dma_start3A_98 : memref<640x64xf32, #tpu.memory_space<vmem>>) target(%dma_start3A_94 : memref<640x64xf32, #tpu.memory_space<hbm>>) target_semaphore(%arg9 : memref<!tpu.dma_semaphore, #tpu.memory_space<semaphore_mem>>)
      } else {
      }
      %mul3A_44 = arith.constant 2 : i32
      %mul3A_45 = arith.muli %scan3A_17, %mul3A_44 : i32
      %add3A_46 = arith.constant 1 : i32
      %add3A_47 = arith.addi %mul3A_45, %add3A_46 : i32
      %ge3A_48 = arith.constant 1 : i32
      %ge3A_49 = arith.cmpi sge, %add3A_47, %ge3A_48 : i32
      %convert_element_type3A_50 = arith.extui %ge3A_49 : i1 to i32
      %cond3A_51 = arith.constant 0 : i32
      %cond3A_52 = arith.cmpi ne, %convert_element_type3A_50, %cond3A_51 : i32
      scf.if %cond3A_52 {
        %sub3A = arith.constant 1 : i32
        %sub3A_71 = arith.subi %add3A_47, %sub3A : i32
        %mul3A_72 = arith.constant 32 : i32
        %mul3A_73 = arith.muli %sub3A_71, %mul3A_72 : i32
        %add3A_74 = arith.addi %mul3A_73, %add3A : i32
        %lt3A_75 = arith.constant 1250 : i32
        %lt3A_76 = arith.cmpi slt, %add3A_74, %lt3A_75 : i32
        %convert_element_type3A_77 = arith.extui %lt3A_76 : i1 to i32
        %cond3A_78 = arith.constant 0 : i32
        %cond3A_79 = arith.cmpi ne, %convert_element_type3A_77, %cond3A_78 : i32
        scf.if %cond3A_79 {
          %dma_wait3A = arith.constant 0 : i32
          %dma_wait3A_80 = arith.constant 0 : i32
          %dma_wait3A_81 = arith.constant 0 : i32
          %dma_wait3A_82 = tpu.memref_slice %arg6[%dma_wait3A, %dma_wait3A_80, %dma_wait3A_81] : memref<2x640x64xf32, #tpu.memory_space<vmem>> -> memref<1x640x64xf32, #tpu.memory_space<vmem>>
          %dma_wait3A_83 = tpu.memref_squeeze %dma_wait3A_82 : memref<1x640x64xf32, #tpu.memory_space<vmem>> -> memref<640x64xf32, #tpu.memory_space<vmem>>
          %dma_wait3A_84 = arith.constant 0 : i32
          %dma_wait3A_85 = arith.constant 0 : i32
          %dma_wait3A_86 = tpu.memref_slice %arg4[%dma_wait3A_84, %dma_wait3A_85] : memref<800000x64xf32, #tpu.memory_space<hbm>> -> memref<640x64xf32, #tpu.memory_space<hbm>>
          %dma_wait3A_87 = arith.constant 0 : i32
          %dma_wait3A_88 = arith.constant 0 : i32
          %dma_wait3A_89 = tpu.memref_slice %arg4[%dma_wait3A_87, %dma_wait3A_88] : memref<800000x64xf32, #tpu.memory_space<hbm>> -> memref<640x64xf32, #tpu.memory_space<hbm>>
          %dma_wait3A_90 = arith.constant 0 : i32
          %dma_wait3A_91 = arith.constant 0 : i32
          %dma_wait3A_92 = tpu.memref_slice %arg6[%dma_wait3A, %dma_wait3A_90, %dma_wait3A_91] : memref<2x640x64xf32, #tpu.memory_space<vmem>> -> memref<1x640x64xf32, #tpu.memory_space<vmem>>
          %dma_wait3A_93 = tpu.memref_squeeze %dma_wait3A_92 : memref<1x640x64xf32, #tpu.memory_space<vmem>> -> memref<640x64xf32, #tpu.memory_space<vmem>>
          tpu.wait_dma2 semaphore(%arg9 : memref<!tpu.dma_semaphore, #tpu.memory_space<semaphore_mem>>) src(%dma_wait3A_93 : memref<640x64xf32, #tpu.memory_space<vmem>>) dst(%dma_wait3A_89 : memref<640x64xf32, #tpu.memory_space<hbm>>)
        } else {
        }
      } else {
      }
      %add3A_53 = arith.constant 1 : i32
      %add3A_54 = arith.addi %add3A_47, %add3A_53 : i32
      %mul3A_55 = arith.constant 32 : i32
      %mul3A_56 = arith.muli %add3A_54, %mul3A_55 : i32
      %add3A_57 = arith.addi %mul3A_56, %add3A : i32
      %lt3A_58 = arith.constant 1250 : i32
      %lt3A_59 = arith.cmpi slt, %add3A_57, %lt3A_58 : i32
      %convert_element_type3A_60 = arith.extui %lt3A_59 : i1 to i32
      %cond3A_61 = arith.constant 0 : i32
      %cond3A_62 = arith.cmpi ne, %convert_element_type3A_60, %cond3A_61 : i32
      scf.if %cond3A_62 {
        %mul3A_71 = arith.constant 5 : i32
        %mul3A_72 = arith.muli %add3A_57, %mul3A_71 : i32
        %run_scoped3A = arith.constant 0 : i32
        "tpu.region"() ({
          %run_scoped3A_137 = tpu.sem_alloc : memref<!tpu.dma_semaphore, #tpu.memory_space<semaphore_mem>>
          %dma_start3A_138 = arith.constant 0 : i32
          %dma_start3A_139 = arith.constant 0 : i32
          %dma_start3A_140 = tpu.memref_slice %arg5[%run_scoped3A, %dma_start3A_138, %dma_start3A_139] : memref<2x5x128xi32, #tpu.memory_space<vmem>> -> memref<1x5x128xi32, #tpu.memory_space<vmem>>
          %dma_start3A_141 = tpu.memref_squeeze %dma_start3A_140 : memref<1x5x128xi32, #tpu.memory_space<vmem>> -> memref<5x128xi32, #tpu.memory_space<vmem>>
          %dma_start3A_142 = arith.constant 0 : i32
          %dma_start3A_143 = tpu.memref_slice %arg3[%mul3A_72, %dma_start3A_142] : memref<6250x128xi32, #tpu.memory_space<hbm>> -> memref<5x128xi32, #tpu.memory_space<hbm>>
          %dma_start3A_144 = arith.constant 0 : i32
          %dma_start3A_145 = arith.constant 0 : i32
          %dma_start3A_146 = tpu.memref_slice %arg5[%run_scoped3A, %dma_start3A_144, %dma_start3A_145] : memref<2x5x128xi32, #tpu.memory_space<vmem>> -> memref<1x5x128xi32, #tpu.memory_space<vmem>>
          %dma_start3A_147 = tpu.memref_squeeze %dma_start3A_146 : memref<1x5x128xi32, #tpu.memory_space<vmem>> -> memref<5x128xi32, #tpu.memory_space<vmem>>
          %dma_start3A_148 = arith.constant 0 : i32
          %dma_start3A_149 = tpu.memref_slice %arg3[%mul3A_72, %dma_start3A_148] : memref<6250x128xi32, #tpu.memory_space<hbm>> -> memref<5x128xi32, #tpu.memory_space<hbm>>
          tpu.enqueue_dma source(%dma_start3A_149 : memref<5x128xi32, #tpu.memory_space<hbm>>) target(%dma_start3A_147 : memref<5x128xi32, #tpu.memory_space<vmem>>) target_semaphore(%run_scoped3A_137 : memref<!tpu.dma_semaphore, #tpu.memory_space<semaphore_mem>>)
          %dma_wait3A = arith.constant 0 : i32
          %dma_wait3A_150 = arith.constant 0 : i32
          %dma_wait3A_151 = tpu.memref_slice %arg5[%run_scoped3A, %dma_wait3A, %dma_wait3A_150] : memref<2x5x128xi32, #tpu.memory_space<vmem>> -> memref<1x5x128xi32, #tpu.memory_space<vmem>>
          %dma_wait3A_152 = tpu.memref_squeeze %dma_wait3A_151 : memref<1x5x128xi32, #tpu.memory_space<vmem>> -> memref<5x128xi32, #tpu.memory_space<vmem>>
          %dma_wait3A_153 = arith.constant 0 : i32
          %dma_wait3A_154 = tpu.memref_slice %arg3[%mul3A_72, %dma_wait3A_153] : memref<6250x128xi32, #tpu.memory_space<hbm>> -> memref<5x128xi32, #tpu.memory_space<hbm>>
          %dma_wait3A_155 = arith.constant 0 : i32
          %dma_wait3A_156 = arith.constant 0 : i32
          %dma_wait3A_157 = tpu.memref_slice %arg5[%run_scoped3A, %dma_wait3A_155, %dma_wait3A_156] : memref<2x5x128xi32, #tpu.memory_space<vmem>> -> memref<1x5x128xi32, #tpu.memory_space<vmem>>
          %dma_wait3A_158 = tpu.memref_squeeze %dma_wait3A_157 : memref<1x5x128xi32, #tpu.memory_space<vmem>> -> memref<5x128xi32, #tpu.memory_space<vmem>>
          %dma_wait3A_159 = arith.constant 0 : i32
          %dma_wait3A_160 = tpu.memref_slice %arg3[%mul3A_72, %dma_wait3A_159] : memref<6250x128xi32, #tpu.memory_space<hbm>> -> memref<5x128xi32, #tpu.memory_space<hbm>>
          tpu.wait_dma2 semaphore(%run_scoped3A_137 : memref<!tpu.dma_semaphore, #tpu.memory_space<semaphore_mem>>) src(%dma_wait3A_160 : memref<5x128xi32, #tpu.memory_space<hbm>>) dst(%dma_wait3A_158 : memref<5x128xi32, #tpu.memory_space<vmem>>)
          tpu.yield
        }) : () -> ()
        %dma_start3A = arith.constant 0 : i32
        %dma_start3A_73 = arith.constant 0 : i32
        %dma_start3A_74 = arith.constant 0 : i32
        %dma_start3A_75 = arith.constant 0 : i32
        %dma_start3A_76 = arith.constant 0 : i32
        %dma_start3A_77 = tpu.memref_slice %arg6[%dma_start3A_74, %dma_start3A_75, %dma_start3A_76] : memref<2x640x64xf32, #tpu.memory_space<vmem>> -> memref<1x128x64xf32, #tpu.memory_space<vmem>>
        %dma_start3A_78 = tpu.memref_squeeze %dma_start3A_77 : memref<1x128x64xf32, #tpu.memory_space<vmem>> -> memref<128x64xf32, #tpu.memory_space<vmem>>
        %dma_start3A_79 = arith.constant 0 : i32
        %dma_start3A_80 = tpu.memref_slice %arg5[%dma_start3A, %dma_start3A_73, %dma_start3A_79] : memref<2x5x128xi32, #tpu.memory_space<vmem>> -> memref<1x1x128xi32, #tpu.memory_space<vmem>>
        %dma_start3A_81 = tpu.memref_squeeze %dma_start3A_80 : memref<1x1x128xi32, #tpu.memory_space<vmem>> -> memref<128xi32, #tpu.memory_space<vmem>>
        %dma_start3A_82 = arith.constant 0 : i32
        %dma_start3A_83 = arith.constant 0 : i32
        %dma_start3A_84 = tpu.memref_slice %arg2[%dma_start3A_82, %dma_start3A_83] : memref<50000x64xf32, #tpu.memory_space<hbm>> -> memref<50000x64xf32, #tpu.memory_space<hbm>>
        tpu.enqueue_indirect_dma source(%dma_start3A_84 : memref<50000x64xf32, #tpu.memory_space<hbm>>) target(%dma_start3A_78 : memref<128x64xf32, #tpu.memory_space<vmem>>) offsets(%dma_start3A_81 : memref<128xi32, #tpu.memory_space<vmem>>) semaphore(%arg7 : memref<!tpu.dma_semaphore, #tpu.memory_space<semaphore_mem>>)
        %dma_start3A_85 = arith.constant 0 : i32
        %dma_start3A_86 = arith.constant 1 : i32
        %dma_start3A_87 = arith.constant 0 : i32
        %dma_start3A_88 = arith.constant 128 : i32
        %dma_start3A_89 = arith.constant 0 : i32
        %dma_start3A_90 = tpu.memref_slice %arg6[%dma_start3A_87, %dma_start3A_88, %dma_start3A_89] : memref<2x640x64xf32, #tpu.memory_space<vmem>> -> memref<1x128x64xf32, #tpu.memory_space<vmem>>
        %dma_start3A_91 = tpu.memref_squeeze %dma_start3A_90 : memref<1x128x64xf32, #tpu.memory_space<vmem>> -> memref<128x64xf32, #tpu.memory_space<vmem>>
        %dma_start3A_92 = arith.constant 0 : i32
        %dma_start3A_93 = tpu.memref_slice %arg5[%dma_start3A_85, %dma_start3A_86, %dma_start3A_92] : memref<2x5x128xi32, #tpu.memory_space<vmem>> -> memref<1x1x128xi32, #tpu.memory_space<vmem>>
        %dma_start3A_94 = tpu.memref_squeeze %dma_start3A_93 : memref<1x1x128xi32, #tpu.memory_space<vmem>> -> memref<128xi32, #tpu.memory_space<vmem>>
        %dma_start3A_95 = arith.constant 0 : i32
        %dma_start3A_96 = arith.constant 0 : i32
        %dma_start3A_97 = tpu.memref_slice %arg2[%dma_start3A_95, %dma_start3A_96] : memref<50000x64xf32, #tpu.memory_space<hbm>> -> memref<50000x64xf32, #tpu.memory_space<hbm>>
        tpu.enqueue_indirect_dma source(%dma_start3A_97 : memref<50000x64xf32, #tpu.memory_space<hbm>>) target(%dma_start3A_91 : memref<128x64xf32, #tpu.memory_space<vmem>>) offsets(%dma_start3A_94 : memref<128xi32, #tpu.memory_space<vmem>>) semaphore(%arg7 : memref<!tpu.dma_semaphore, #tpu.memory_space<semaphore_mem>>)
        %dma_start3A_98 = arith.constant 0 : i32
        %dma_start3A_99 = arith.constant 2 : i32
        %dma_start3A_100 = arith.constant 0 : i32
        %dma_start3A_101 = arith.constant 256 : i32
        %dma_start3A_102 = arith.constant 0 : i32
        %dma_start3A_103 = tpu.memref_slice %arg6[%dma_start3A_100, %dma_start3A_101, %dma_start3A_102] : memref<2x640x64xf32, #tpu.memory_space<vmem>> -> memref<1x128x64xf32, #tpu.memory_space<vmem>>
        %dma_start3A_104 = tpu.memref_squeeze %dma_start3A_103 : memref<1x128x64xf32, #tpu.memory_space<vmem>> -> memref<128x64xf32, #tpu.memory_space<vmem>>
        %dma_start3A_105 = arith.constant 0 : i32
        %dma_start3A_106 = tpu.memref_slice %arg5[%dma_start3A_98, %dma_start3A_99, %dma_start3A_105] : memref<2x5x128xi32, #tpu.memory_space<vmem>> -> memref<1x1x128xi32, #tpu.memory_space<vmem>>
        %dma_start3A_107 = tpu.memref_squeeze %dma_start3A_106 : memref<1x1x128xi32, #tpu.memory_space<vmem>> -> memref<128xi32, #tpu.memory_space<vmem>>
        %dma_start3A_108 = arith.constant 0 : i32
        %dma_start3A_109 = arith.constant 0 : i32
        %dma_start3A_110 = tpu.memref_slice %arg2[%dma_start3A_108, %dma_start3A_109] : memref<50000x64xf32, #tpu.memory_space<hbm>> -> memref<50000x64xf32, #tpu.memory_space<hbm>>
        tpu.enqueue_indirect_dma source(%dma_start3A_110 : memref<50000x64xf32, #tpu.memory_space<hbm>>) target(%dma_start3A_104 : memref<128x64xf32, #tpu.memory_space<vmem>>) offsets(%dma_start3A_107 : memref<128xi32, #tpu.memory_space<vmem>>) semaphore(%arg7 : memref<!tpu.dma_semaphore, #tpu.memory_space<semaphore_mem>>)
        %dma_start3A_111 = arith.constant 0 : i32
        %dma_start3A_112 = arith.constant 3 : i32
        %dma_start3A_113 = arith.constant 0 : i32
        %dma_start3A_114 = arith.constant 384 : i32
        %dma_start3A_115 = arith.constant 0 : i32
        %dma_start3A_116 = tpu.memref_slice %arg6[%dma_start3A_113, %dma_start3A_114, %dma_start3A_115] : memref<2x640x64xf32, #tpu.memory_space<vmem>> -> memref<1x128x64xf32, #tpu.memory_space<vmem>>
        %dma_start3A_117 = tpu.memref_squeeze %dma_start3A_116 : memref<1x128x64xf32, #tpu.memory_space<vmem>> -> memref<128x64xf32, #tpu.memory_space<vmem>>
        %dma_start3A_118 = arith.constant 0 : i32
        %dma_start3A_119 = tpu.memref_slice %arg5[%dma_start3A_111, %dma_start3A_112, %dma_start3A_118] : memref<2x5x128xi32, #tpu.memory_space<vmem>> -> memref<1x1x128xi32, #tpu.memory_space<vmem>>
        %dma_start3A_120 = tpu.memref_squeeze %dma_start3A_119 : memref<1x1x128xi32, #tpu.memory_space<vmem>> -> memref<128xi32, #tpu.memory_space<vmem>>
        %dma_start3A_121 = arith.constant 0 : i32
        %dma_start3A_122 = arith.constant 0 : i32
        %dma_start3A_123 = tpu.memref_slice %arg2[%dma_start3A_121, %dma_start3A_122] : memref<50000x64xf32, #tpu.memory_space<hbm>> -> memref<50000x64xf32, #tpu.memory_space<hbm>>
        tpu.enqueue_indirect_dma source(%dma_start3A_123 : memref<50000x64xf32, #tpu.memory_space<hbm>>) target(%dma_start3A_117 : memref<128x64xf32, #tpu.memory_space<vmem>>) offsets(%dma_start3A_120 : memref<128xi32, #tpu.memory_space<vmem>>) semaphore(%arg7 : memref<!tpu.dma_semaphore, #tpu.memory_space<semaphore_mem>>)
        %dma_start3A_124 = arith.constant 0 : i32
        %dma_start3A_125 = arith.constant 4 : i32
        %dma_start3A_126 = arith.constant 0 : i32
        %dma_start3A_127 = arith.constant 512 : i32
        %dma_start3A_128 = arith.constant 0 : i32
        %dma_start3A_129 = tpu.memref_slice %arg6[%dma_start3A_126, %dma_start3A_127, %dma_start3A_128] : memref<2x640x64xf32, #tpu.memory_space<vmem>> -> memref<1x128x64xf32, #tpu.memory_space<vmem>>
        %dma_start3A_130 = tpu.memref_squeeze %dma_start3A_129 : memref<1x128x64xf32, #tpu.memory_space<vmem>> -> memref<128x64xf32, #tpu.memory_space<vmem>>
        %dma_start3A_131 = arith.constant 0 : i32
        %dma_start3A_132 = tpu.memref_slice %arg5[%dma_start3A_124, %dma_start3A_125, %dma_start3A_131] : memref<2x5x128xi32, #tpu.memory_space<vmem>> -> memref<1x1x128xi32, #tpu.memory_space<vmem>>
        %dma_start3A_133 = tpu.memref_squeeze %dma_start3A_132 : memref<1x1x128xi32, #tpu.memory_space<vmem>> -> memref<128xi32, #tpu.memory_space<vmem>>
        %dma_start3A_134 = arith.constant 0 : i32
        %dma_start3A_135 = arith.constant 0 : i32
        %dma_start3A_136 = tpu.memref_slice %arg2[%dma_start3A_134, %dma_start3A_135] : memref<50000x64xf32, #tpu.memory_space<hbm>> -> memref<50000x64xf32, #tpu.memory_space<hbm>>
        tpu.enqueue_indirect_dma source(%dma_start3A_136 : memref<50000x64xf32, #tpu.memory_space<hbm>>) target(%dma_start3A_130 : memref<128x64xf32, #tpu.memory_space<vmem>>) offsets(%dma_start3A_133 : memref<128xi32, #tpu.memory_space<vmem>>) semaphore(%arg7 : memref<!tpu.dma_semaphore, #tpu.memory_space<semaphore_mem>>)
      } else {
      }
      %mul3A_63 = arith.constant 32 : i32
      %mul3A_64 = arith.muli %add3A_47, %mul3A_63 : i32
      %add3A_65 = arith.addi %mul3A_64, %add3A : i32
      %lt3A_66 = arith.constant 1250 : i32
      %lt3A_67 = arith.cmpi slt, %add3A_65, %lt3A_66 : i32
      %convert_element_type3A_68 = arith.extui %lt3A_67 : i1 to i32
      %cond3A_69 = arith.constant 0 : i32
      %cond3A_70 = arith.cmpi ne, %convert_element_type3A_68, %cond3A_69 : i32
      scf.if %cond3A_70 {
        %mul3A_71 = arith.constant 640 : i32
        %mul3A_72 = arith.muli %add3A_65, %mul3A_71 : i32
        %dma_wait3A = arith.constant 1 : i32
        %dma_wait3A_73 = arith.constant 0 : i32
        %dma_wait3A_74 = arith.constant 0 : i32
        %dma_wait3A_75 = tpu.memref_slice %arg6[%dma_wait3A, %dma_wait3A_73, %dma_wait3A_74] : memref<2x640x64xf32, #tpu.memory_space<vmem>> -> memref<1x640x64xf32, #tpu.memory_space<vmem>>
        %dma_wait3A_76 = tpu.memref_squeeze %dma_wait3A_75 : memref<1x640x64xf32, #tpu.memory_space<vmem>> -> memref<640x64xf32, #tpu.memory_space<vmem>>
        %dma_wait3A_77 = arith.constant 0 : i32
        %dma_wait3A_78 = arith.constant 0 : i32
        %dma_wait3A_79 = tpu.memref_slice %arg4[%dma_wait3A_77, %dma_wait3A_78] : memref<800000x64xf32, #tpu.memory_space<hbm>> -> memref<640x64xf32, #tpu.memory_space<hbm>>
        %dma_wait3A_80 = arith.constant 0 : i32
        %dma_wait3A_81 = arith.constant 0 : i32
        %dma_wait3A_82 = tpu.memref_slice %arg6[%dma_wait3A, %dma_wait3A_80, %dma_wait3A_81] : memref<2x640x64xf32, #tpu.memory_space<vmem>> -> memref<1x640x64xf32, #tpu.memory_space<vmem>>
        %dma_wait3A_83 = tpu.memref_squeeze %dma_wait3A_82 : memref<1x640x64xf32, #tpu.memory_space<vmem>> -> memref<640x64xf32, #tpu.memory_space<vmem>>
        %dma_wait3A_84 = arith.constant 0 : i32
        %dma_wait3A_85 = arith.constant 0 : i32
        %dma_wait3A_86 = tpu.memref_slice %arg4[%dma_wait3A_84, %dma_wait3A_85] : memref<800000x64xf32, #tpu.memory_space<hbm>> -> memref<640x64xf32, #tpu.memory_space<hbm>>
        tpu.wait_dma2 semaphore(%arg8 : memref<!tpu.dma_semaphore, #tpu.memory_space<semaphore_mem>>) src(%dma_wait3A_86 : memref<640x64xf32, #tpu.memory_space<hbm>>) dst(%dma_wait3A_83 : memref<640x64xf32, #tpu.memory_space<vmem>>)
        %dma_start3A = arith.constant 1 : i32
        %dma_start3A_87 = arith.constant 0 : i32
        %dma_start3A_88 = arith.constant 0 : i32
        %dma_start3A_89 = tpu.memref_slice %arg6[%dma_start3A, %dma_start3A_87, %dma_start3A_88] : memref<2x640x64xf32, #tpu.memory_space<vmem>> -> memref<1x640x64xf32, #tpu.memory_space<vmem>>
        %dma_start3A_90 = tpu.memref_squeeze %dma_start3A_89 : memref<1x640x64xf32, #tpu.memory_space<vmem>> -> memref<640x64xf32, #tpu.memory_space<vmem>>
        %dma_start3A_91 = arith.constant 0 : i32
        %dma_start3A_92 = tpu.memref_slice %arg4[%mul3A_72, %dma_start3A_91] : memref<800000x64xf32, #tpu.memory_space<hbm>> -> memref<640x64xf32, #tpu.memory_space<hbm>>
        %dma_start3A_93 = arith.constant 0 : i32
        %dma_start3A_94 = tpu.memref_slice %arg4[%mul3A_72, %dma_start3A_93] : memref<800000x64xf32, #tpu.memory_space<hbm>> -> memref<640x64xf32, #tpu.memory_space<hbm>>
        %dma_start3A_95 = arith.constant 0 : i32
        %dma_start3A_96 = arith.constant 0 : i32
        %dma_start3A_97 = tpu.memref_slice %arg6[%dma_start3A, %dma_start3A_95, %dma_start3A_96] : memref<2x640x64xf32, #tpu.memory_space<vmem>> -> memref<1x640x64xf32, #tpu.memory_space<vmem>>
        %dma_start3A_98 = tpu.memref_squeeze %dma_start3A_97 : memref<1x640x64xf32, #tpu.memory_space<vmem>> -> memref<640x64xf32, #tpu.memory_space<vmem>>
        tpu.enqueue_dma source(%dma_start3A_98 : memref<640x64xf32, #tpu.memory_space<vmem>>) target(%dma_start3A_94 : memref<640x64xf32, #tpu.memory_space<hbm>>) target_semaphore(%arg10 : memref<!tpu.dma_semaphore, #tpu.memory_space<semaphore_mem>>)
      } else {
      }
    }
    %scan3A_9 = arith.constant 20 : i32
    %add3A_10 = arith.constant 1248 : i32
    %add3A_11 = arith.addi %add3A_10, %add3A : i32
    %lt3A_12 = arith.constant 1250 : i32
    %lt3A_13 = arith.cmpi slt, %add3A_11, %lt3A_12 : i32
    %convert_element_type3A_14 = arith.extui %lt3A_13 : i1 to i32
    %cond3A_15 = arith.constant 0 : i32
    %cond3A_16 = arith.cmpi ne, %convert_element_type3A_14, %cond3A_15 : i32
    scf.if %cond3A_16 {
      %dma_wait3A = arith.constant 1 : i32
      %dma_wait3A_17 = arith.constant 0 : i32
      %dma_wait3A_18 = arith.constant 0 : i32
      %dma_wait3A_19 = tpu.memref_slice %arg6[%dma_wait3A, %dma_wait3A_17, %dma_wait3A_18] : memref<2x640x64xf32, #tpu.memory_space<vmem>> -> memref<1x640x64xf32, #tpu.memory_space<vmem>>
      %dma_wait3A_20 = tpu.memref_squeeze %dma_wait3A_19 : memref<1x640x64xf32, #tpu.memory_space<vmem>> -> memref<640x64xf32, #tpu.memory_space<vmem>>
      %dma_wait3A_21 = arith.constant 0 : i32
      %dma_wait3A_22 = arith.constant 0 : i32
      %dma_wait3A_23 = tpu.memref_slice %arg4[%dma_wait3A_21, %dma_wait3A_22] : memref<800000x64xf32, #tpu.memory_space<hbm>> -> memref<640x64xf32, #tpu.memory_space<hbm>>
      %dma_wait3A_24 = arith.constant 0 : i32
      %dma_wait3A_25 = arith.constant 0 : i32
      %dma_wait3A_26 = tpu.memref_slice %arg4[%dma_wait3A_24, %dma_wait3A_25] : memref<800000x64xf32, #tpu.memory_space<hbm>> -> memref<640x64xf32, #tpu.memory_space<hbm>>
      %dma_wait3A_27 = arith.constant 0 : i32
      %dma_wait3A_28 = arith.constant 0 : i32
      %dma_wait3A_29 = tpu.memref_slice %arg6[%dma_wait3A, %dma_wait3A_27, %dma_wait3A_28] : memref<2x640x64xf32, #tpu.memory_space<vmem>> -> memref<1x640x64xf32, #tpu.memory_space<vmem>>
      %dma_wait3A_30 = tpu.memref_squeeze %dma_wait3A_29 : memref<1x640x64xf32, #tpu.memory_space<vmem>> -> memref<640x64xf32, #tpu.memory_space<vmem>>
      tpu.wait_dma2 semaphore(%arg10 : memref<!tpu.dma_semaphore, #tpu.memory_space<semaphore_mem>>) src(%dma_wait3A_30 : memref<640x64xf32, #tpu.memory_space<vmem>>) dst(%dma_wait3A_26 : memref<640x64xf32, #tpu.memory_space<hbm>>)
    } else {
    }
    return
  }
}

#map = affine_map<(d0, d1) -> (0, 0)>
module attributes {stable_mosaic.version = 14 : i64} {
  func.func @gather_k(%arg0: i32, %arg1: i32, %arg2: memref<50000x16xf32, #tpu.memory_space<hbm>>, %arg3: memref<6250x128xi32, #tpu.memory_space<hbm>>, %arg4: memref<800000x16xf32, #tpu.memory_space<hbm>>, %arg5: memref<2x10x128xi32, #tpu.memory_space<vmem>>, %arg6: memref<2x1280x16xf32, #tpu.memory_space<vmem>>, %arg7: memref<!tpu.dma_semaphore, #tpu.memory_space<semaphore_mem>>, %arg8: memref<!tpu.dma_semaphore, #tpu.memory_space<semaphore_mem>>, %arg9: memref<!tpu.dma_semaphore, #tpu.memory_space<semaphore_mem>>, %arg10: memref<!tpu.dma_semaphore, #tpu.memory_space<semaphore_mem>>) attributes {dimension_semantics = [#tpu.dimension_semantics<core_parallel>, #tpu.dimension_semantics<subcore_parallel>], iteration_bounds = array<i64: 2, 16>, scalar_prefetch = 0 : i64, scratch_operands = 6 : i64, tpu.core_type = #tpu.core_type<sc_vector_subcore>, window_params = [{transform_indices = #map}, {transform_indices = #map}, {transform_indices = #map}]} {
    %mul3A = arith.constant 2 : i32
    %mul3A_0 = arith.muli %arg1, %mul3A : i32
    %add3A = arith.addi %mul3A_0, %arg0 : i32
    %add3A_1 = arith.constant 0 : i32
    %add3A_2 = arith.addi %add3A_1, %add3A : i32
    %lt3A = arith.constant 625 : i32
    %lt3A_3 = arith.cmpi slt, %add3A_2, %lt3A : i32
    %convert_element_type3A = arith.extui %lt3A_3 : i1 to i32
    %cond3A = arith.constant 0 : i32
    %cond3A_4 = arith.cmpi ne, %convert_element_type3A, %cond3A : i32
    scf.if %cond3A_4 {
      %mul3A_17 = arith.constant 10 : i32
      %mul3A_18 = arith.muli %add3A_2, %mul3A_17 : i32
      %run_scoped3A = arith.constant 0 : i32
      "tpu.region"() ({
        %run_scoped3A_148 = tpu.sem_alloc : memref<!tpu.dma_semaphore, #tpu.memory_space<semaphore_mem>>
        %dma_start3A_149 = arith.constant 0 : i32
        %dma_start3A_150 = arith.constant 0 : i32
        %dma_start3A_151 = tpu.memref_slice %arg5[%run_scoped3A, %dma_start3A_149, %dma_start3A_150] : memref<2x10x128xi32, #tpu.memory_space<vmem>> -> memref<1x10x128xi32, #tpu.memory_space<vmem>>
        %dma_start3A_152 = tpu.memref_squeeze %dma_start3A_151 : memref<1x10x128xi32, #tpu.memory_space<vmem>> -> memref<10x128xi32, #tpu.memory_space<vmem>>
        %dma_start3A_153 = arith.constant 0 : i32
        %dma_start3A_154 = tpu.memref_slice %arg3[%mul3A_18, %dma_start3A_153] : memref<6250x128xi32, #tpu.memory_space<hbm>> -> memref<10x128xi32, #tpu.memory_space<hbm>>
        %dma_start3A_155 = arith.constant 0 : i32
        %dma_start3A_156 = arith.constant 0 : i32
        %dma_start3A_157 = tpu.memref_slice %arg5[%run_scoped3A, %dma_start3A_155, %dma_start3A_156] : memref<2x10x128xi32, #tpu.memory_space<vmem>> -> memref<1x10x128xi32, #tpu.memory_space<vmem>>
        %dma_start3A_158 = tpu.memref_squeeze %dma_start3A_157 : memref<1x10x128xi32, #tpu.memory_space<vmem>> -> memref<10x128xi32, #tpu.memory_space<vmem>>
        %dma_start3A_159 = arith.constant 0 : i32
        %dma_start3A_160 = tpu.memref_slice %arg3[%mul3A_18, %dma_start3A_159] : memref<6250x128xi32, #tpu.memory_space<hbm>> -> memref<10x128xi32, #tpu.memory_space<hbm>>
        tpu.enqueue_dma source(%dma_start3A_160 : memref<10x128xi32, #tpu.memory_space<hbm>>) target(%dma_start3A_158 : memref<10x128xi32, #tpu.memory_space<vmem>>) target_semaphore(%run_scoped3A_148 : memref<!tpu.dma_semaphore, #tpu.memory_space<semaphore_mem>>)
        %dma_wait3A = arith.constant 0 : i32
        %dma_wait3A_161 = arith.constant 0 : i32
        %dma_wait3A_162 = tpu.memref_slice %arg5[%run_scoped3A, %dma_wait3A, %dma_wait3A_161] : memref<2x10x128xi32, #tpu.memory_space<vmem>> -> memref<1x10x128xi32, #tpu.memory_space<vmem>>
        %dma_wait3A_163 = tpu.memref_squeeze %dma_wait3A_162 : memref<1x10x128xi32, #tpu.memory_space<vmem>> -> memref<10x128xi32, #tpu.memory_space<vmem>>
        %dma_wait3A_164 = arith.constant 0 : i32
        %dma_wait3A_165 = tpu.memref_slice %arg3[%mul3A_18, %dma_wait3A_164] : memref<6250x128xi32, #tpu.memory_space<hbm>> -> memref<10x128xi32, #tpu.memory_space<hbm>>
        %dma_wait3A_166 = arith.constant 0 : i32
        %dma_wait3A_167 = arith.constant 0 : i32
        %dma_wait3A_168 = tpu.memref_slice %arg5[%run_scoped3A, %dma_wait3A_166, %dma_wait3A_167] : memref<2x10x128xi32, #tpu.memory_space<vmem>> -> memref<1x10x128xi32, #tpu.memory_space<vmem>>
        %dma_wait3A_169 = tpu.memref_squeeze %dma_wait3A_168 : memref<1x10x128xi32, #tpu.memory_space<vmem>> -> memref<10x128xi32, #tpu.memory_space<vmem>>
        %dma_wait3A_170 = arith.constant 0 : i32
        %dma_wait3A_171 = tpu.memref_slice %arg3[%mul3A_18, %dma_wait3A_170] : memref<6250x128xi32, #tpu.memory_space<hbm>> -> memref<10x128xi32, #tpu.memory_space<hbm>>
        tpu.wait_dma2 semaphore(%run_scoped3A_148 : memref<!tpu.dma_semaphore, #tpu.memory_space<semaphore_mem>>) src(%dma_wait3A_171 : memref<10x128xi32, #tpu.memory_space<hbm>>) dst(%dma_wait3A_169 : memref<10x128xi32, #tpu.memory_space<vmem>>)
        tpu.yield
      }) : () -> ()
      %dma_start3A = arith.constant 0 : i32
      %dma_start3A_19 = arith.constant 0 : i32
      %dma_start3A_20 = arith.constant 0 : i32
      %dma_start3A_21 = arith.constant 0 : i32
      %dma_start3A_22 = arith.constant 0 : i32
      %dma_start3A_23 = tpu.memref_slice %arg6[%dma_start3A_20, %dma_start3A_21, %dma_start3A_22] : memref<2x1280x16xf32, #tpu.memory_space<vmem>> -> memref<1x128x16xf32, #tpu.memory_space<vmem>>
      %dma_start3A_24 = tpu.memref_squeeze %dma_start3A_23 : memref<1x128x16xf32, #tpu.memory_space<vmem>> -> memref<128x16xf32, #tpu.memory_space<vmem>>
      %dma_start3A_25 = arith.constant 0 : i32
      %dma_start3A_26 = tpu.memref_slice %arg5[%dma_start3A, %dma_start3A_19, %dma_start3A_25] : memref<2x10x128xi32, #tpu.memory_space<vmem>> -> memref<1x1x128xi32, #tpu.memory_space<vmem>>
      %dma_start3A_27 = tpu.memref_squeeze %dma_start3A_26 : memref<1x1x128xi32, #tpu.memory_space<vmem>> -> memref<128xi32, #tpu.memory_space<vmem>>
      %dma_start3A_28 = arith.constant 0 : i32
      %dma_start3A_29 = arith.constant 0 : i32
      %dma_start3A_30 = tpu.memref_slice %arg2[%dma_start3A_28, %dma_start3A_29] : memref<50000x16xf32, #tpu.memory_space<hbm>> -> memref<50000x16xf32, #tpu.memory_space<hbm>>
      tpu.enqueue_indirect_dma source(%dma_start3A_30 : memref<50000x16xf32, #tpu.memory_space<hbm>>) target(%dma_start3A_24 : memref<128x16xf32, #tpu.memory_space<vmem>>) offsets(%dma_start3A_27 : memref<128xi32, #tpu.memory_space<vmem>>) semaphore(%arg7 : memref<!tpu.dma_semaphore, #tpu.memory_space<semaphore_mem>>)
      %dma_start3A_31 = arith.constant 0 : i32
      %dma_start3A_32 = arith.constant 1 : i32
      %dma_start3A_33 = arith.constant 0 : i32
      %dma_start3A_34 = arith.constant 128 : i32
      %dma_start3A_35 = arith.constant 0 : i32
      %dma_start3A_36 = tpu.memref_slice %arg6[%dma_start3A_33, %dma_start3A_34, %dma_start3A_35] : memref<2x1280x16xf32, #tpu.memory_space<vmem>> -> memref<1x128x16xf32, #tpu.memory_space<vmem>>
      %dma_start3A_37 = tpu.memref_squeeze %dma_start3A_36 : memref<1x128x16xf32, #tpu.memory_space<vmem>> -> memref<128x16xf32, #tpu.memory_space<vmem>>
      %dma_start3A_38 = arith.constant 0 : i32
      %dma_start3A_39 = tpu.memref_slice %arg5[%dma_start3A_31, %dma_start3A_32, %dma_start3A_38] : memref<2x10x128xi32, #tpu.memory_space<vmem>> -> memref<1x1x128xi32, #tpu.memory_space<vmem>>
      %dma_start3A_40 = tpu.memref_squeeze %dma_start3A_39 : memref<1x1x128xi32, #tpu.memory_space<vmem>> -> memref<128xi32, #tpu.memory_space<vmem>>
      %dma_start3A_41 = arith.constant 0 : i32
      %dma_start3A_42 = arith.constant 0 : i32
      %dma_start3A_43 = tpu.memref_slice %arg2[%dma_start3A_41, %dma_start3A_42] : memref<50000x16xf32, #tpu.memory_space<hbm>> -> memref<50000x16xf32, #tpu.memory_space<hbm>>
      tpu.enqueue_indirect_dma source(%dma_start3A_43 : memref<50000x16xf32, #tpu.memory_space<hbm>>) target(%dma_start3A_37 : memref<128x16xf32, #tpu.memory_space<vmem>>) offsets(%dma_start3A_40 : memref<128xi32, #tpu.memory_space<vmem>>) semaphore(%arg7 : memref<!tpu.dma_semaphore, #tpu.memory_space<semaphore_mem>>)
      %dma_start3A_44 = arith.constant 0 : i32
      %dma_start3A_45 = arith.constant 2 : i32
      %dma_start3A_46 = arith.constant 0 : i32
      %dma_start3A_47 = arith.constant 256 : i32
      %dma_start3A_48 = arith.constant 0 : i32
      %dma_start3A_49 = tpu.memref_slice %arg6[%dma_start3A_46, %dma_start3A_47, %dma_start3A_48] : memref<2x1280x16xf32, #tpu.memory_space<vmem>> -> memref<1x128x16xf32, #tpu.memory_space<vmem>>
      %dma_start3A_50 = tpu.memref_squeeze %dma_start3A_49 : memref<1x128x16xf32, #tpu.memory_space<vmem>> -> memref<128x16xf32, #tpu.memory_space<vmem>>
      %dma_start3A_51 = arith.constant 0 : i32
      %dma_start3A_52 = tpu.memref_slice %arg5[%dma_start3A_44, %dma_start3A_45, %dma_start3A_51] : memref<2x10x128xi32, #tpu.memory_space<vmem>> -> memref<1x1x128xi32, #tpu.memory_space<vmem>>
      %dma_start3A_53 = tpu.memref_squeeze %dma_start3A_52 : memref<1x1x128xi32, #tpu.memory_space<vmem>> -> memref<128xi32, #tpu.memory_space<vmem>>
      %dma_start3A_54 = arith.constant 0 : i32
      %dma_start3A_55 = arith.constant 0 : i32
      %dma_start3A_56 = tpu.memref_slice %arg2[%dma_start3A_54, %dma_start3A_55] : memref<50000x16xf32, #tpu.memory_space<hbm>> -> memref<50000x16xf32, #tpu.memory_space<hbm>>
      tpu.enqueue_indirect_dma source(%dma_start3A_56 : memref<50000x16xf32, #tpu.memory_space<hbm>>) target(%dma_start3A_50 : memref<128x16xf32, #tpu.memory_space<vmem>>) offsets(%dma_start3A_53 : memref<128xi32, #tpu.memory_space<vmem>>) semaphore(%arg7 : memref<!tpu.dma_semaphore, #tpu.memory_space<semaphore_mem>>)
      %dma_start3A_57 = arith.constant 0 : i32
      %dma_start3A_58 = arith.constant 3 : i32
      %dma_start3A_59 = arith.constant 0 : i32
      %dma_start3A_60 = arith.constant 384 : i32
      %dma_start3A_61 = arith.constant 0 : i32
      %dma_start3A_62 = tpu.memref_slice %arg6[%dma_start3A_59, %dma_start3A_60, %dma_start3A_61] : memref<2x1280x16xf32, #tpu.memory_space<vmem>> -> memref<1x128x16xf32, #tpu.memory_space<vmem>>
      %dma_start3A_63 = tpu.memref_squeeze %dma_start3A_62 : memref<1x128x16xf32, #tpu.memory_space<vmem>> -> memref<128x16xf32, #tpu.memory_space<vmem>>
      %dma_start3A_64 = arith.constant 0 : i32
      %dma_start3A_65 = tpu.memref_slice %arg5[%dma_start3A_57, %dma_start3A_58, %dma_start3A_64] : memref<2x10x128xi32, #tpu.memory_space<vmem>> -> memref<1x1x128xi32, #tpu.memory_space<vmem>>
      %dma_start3A_66 = tpu.memref_squeeze %dma_start3A_65 : memref<1x1x128xi32, #tpu.memory_space<vmem>> -> memref<128xi32, #tpu.memory_space<vmem>>
      %dma_start3A_67 = arith.constant 0 : i32
      %dma_start3A_68 = arith.constant 0 : i32
      %dma_start3A_69 = tpu.memref_slice %arg2[%dma_start3A_67, %dma_start3A_68] : memref<50000x16xf32, #tpu.memory_space<hbm>> -> memref<50000x16xf32, #tpu.memory_space<hbm>>
      tpu.enqueue_indirect_dma source(%dma_start3A_69 : memref<50000x16xf32, #tpu.memory_space<hbm>>) target(%dma_start3A_63 : memref<128x16xf32, #tpu.memory_space<vmem>>) offsets(%dma_start3A_66 : memref<128xi32, #tpu.memory_space<vmem>>) semaphore(%arg7 : memref<!tpu.dma_semaphore, #tpu.memory_space<semaphore_mem>>)
      %dma_start3A_70 = arith.constant 0 : i32
      %dma_start3A_71 = arith.constant 4 : i32
      %dma_start3A_72 = arith.constant 0 : i32
      %dma_start3A_73 = arith.constant 512 : i32
      %dma_start3A_74 = arith.constant 0 : i32
      %dma_start3A_75 = tpu.memref_slice %arg6[%dma_start3A_72, %dma_start3A_73, %dma_start3A_74] : memref<2x1280x16xf32, #tpu.memory_space<vmem>> -> memref<1x128x16xf32, #tpu.memory_space<vmem>>
      %dma_start3A_76 = tpu.memref_squeeze %dma_start3A_75 : memref<1x128x16xf32, #tpu.memory_space<vmem>> -> memref<128x16xf32, #tpu.memory_space<vmem>>
      %dma_start3A_77 = arith.constant 0 : i32
      %dma_start3A_78 = tpu.memref_slice %arg5[%dma_start3A_70, %dma_start3A_71, %dma_start3A_77] : memref<2x10x128xi32, #tpu.memory_space<vmem>> -> memref<1x1x128xi32, #tpu.memory_space<vmem>>
      %dma_start3A_79 = tpu.memref_squeeze %dma_start3A_78 : memref<1x1x128xi32, #tpu.memory_space<vmem>> -> memref<128xi32, #tpu.memory_space<vmem>>
      %dma_start3A_80 = arith.constant 0 : i32
      %dma_start3A_81 = arith.constant 0 : i32
      %dma_start3A_82 = tpu.memref_slice %arg2[%dma_start3A_80, %dma_start3A_81] : memref<50000x16xf32, #tpu.memory_space<hbm>> -> memref<50000x16xf32, #tpu.memory_space<hbm>>
      tpu.enqueue_indirect_dma source(%dma_start3A_82 : memref<50000x16xf32, #tpu.memory_space<hbm>>) target(%dma_start3A_76 : memref<128x16xf32, #tpu.memory_space<vmem>>) offsets(%dma_start3A_79 : memref<128xi32, #tpu.memory_space<vmem>>) semaphore(%arg7 : memref<!tpu.dma_semaphore, #tpu.memory_space<semaphore_mem>>)
      %dma_start3A_83 = arith.constant 0 : i32
      %dma_start3A_84 = arith.constant 5 : i32
      %dma_start3A_85 = arith.constant 0 : i32
      %dma_start3A_86 = arith.constant 640 : i32
      %dma_start3A_87 = arith.constant 0 : i32
      %dma_start3A_88 = tpu.memref_slice %arg6[%dma_start3A_85, %dma_start3A_86, %dma_start3A_87] : memref<2x1280x16xf32, #tpu.memory_space<vmem>> -> memref<1x128x16xf32, #tpu.memory_space<vmem>>
      %dma_start3A_89 = tpu.memref_squeeze %dma_start3A_88 : memref<1x128x16xf32, #tpu.memory_space<vmem>> -> memref<128x16xf32, #tpu.memory_space<vmem>>
      %dma_start3A_90 = arith.constant 0 : i32
      %dma_start3A_91 = tpu.memref_slice %arg5[%dma_start3A_83, %dma_start3A_84, %dma_start3A_90] : memref<2x10x128xi32, #tpu.memory_space<vmem>> -> memref<1x1x128xi32, #tpu.memory_space<vmem>>
      %dma_start3A_92 = tpu.memref_squeeze %dma_start3A_91 : memref<1x1x128xi32, #tpu.memory_space<vmem>> -> memref<128xi32, #tpu.memory_space<vmem>>
      %dma_start3A_93 = arith.constant 0 : i32
      %dma_start3A_94 = arith.constant 0 : i32
      %dma_start3A_95 = tpu.memref_slice %arg2[%dma_start3A_93, %dma_start3A_94] : memref<50000x16xf32, #tpu.memory_space<hbm>> -> memref<50000x16xf32, #tpu.memory_space<hbm>>
      tpu.enqueue_indirect_dma source(%dma_start3A_95 : memref<50000x16xf32, #tpu.memory_space<hbm>>) target(%dma_start3A_89 : memref<128x16xf32, #tpu.memory_space<vmem>>) offsets(%dma_start3A_92 : memref<128xi32, #tpu.memory_space<vmem>>) semaphore(%arg7 : memref<!tpu.dma_semaphore, #tpu.memory_space<semaphore_mem>>)
      %dma_start3A_96 = arith.constant 0 : i32
      %dma_start3A_97 = arith.constant 6 : i32
      %dma_start3A_98 = arith.constant 0 : i32
      %dma_start3A_99 = arith.constant 768 : i32
      %dma_start3A_100 = arith.constant 0 : i32
      %dma_start3A_101 = tpu.memref_slice %arg6[%dma_start3A_98, %dma_start3A_99, %dma_start3A_100] : memref<2x1280x16xf32, #tpu.memory_space<vmem>> -> memref<1x128x16xf32, #tpu.memory_space<vmem>>
      %dma_start3A_102 = tpu.memref_squeeze %dma_start3A_101 : memref<1x128x16xf32, #tpu.memory_space<vmem>> -> memref<128x16xf32, #tpu.memory_space<vmem>>
      %dma_start3A_103 = arith.constant 0 : i32
      %dma_start3A_104 = tpu.memref_slice %arg5[%dma_start3A_96, %dma_start3A_97, %dma_start3A_103] : memref<2x10x128xi32, #tpu.memory_space<vmem>> -> memref<1x1x128xi32, #tpu.memory_space<vmem>>
      %dma_start3A_105 = tpu.memref_squeeze %dma_start3A_104 : memref<1x1x128xi32, #tpu.memory_space<vmem>> -> memref<128xi32, #tpu.memory_space<vmem>>
      %dma_start3A_106 = arith.constant 0 : i32
      %dma_start3A_107 = arith.constant 0 : i32
      %dma_start3A_108 = tpu.memref_slice %arg2[%dma_start3A_106, %dma_start3A_107] : memref<50000x16xf32, #tpu.memory_space<hbm>> -> memref<50000x16xf32, #tpu.memory_space<hbm>>
      tpu.enqueue_indirect_dma source(%dma_start3A_108 : memref<50000x16xf32, #tpu.memory_space<hbm>>) target(%dma_start3A_102 : memref<128x16xf32, #tpu.memory_space<vmem>>) offsets(%dma_start3A_105 : memref<128xi32, #tpu.memory_space<vmem>>) semaphore(%arg7 : memref<!tpu.dma_semaphore, #tpu.memory_space<semaphore_mem>>)
      %dma_start3A_109 = arith.constant 0 : i32
      %dma_start3A_110 = arith.constant 7 : i32
      %dma_start3A_111 = arith.constant 0 : i32
      %dma_start3A_112 = arith.constant 896 : i32
      %dma_start3A_113 = arith.constant 0 : i32
      %dma_start3A_114 = tpu.memref_slice %arg6[%dma_start3A_111, %dma_start3A_112, %dma_start3A_113] : memref<2x1280x16xf32, #tpu.memory_space<vmem>> -> memref<1x128x16xf32, #tpu.memory_space<vmem>>
      %dma_start3A_115 = tpu.memref_squeeze %dma_start3A_114 : memref<1x128x16xf32, #tpu.memory_space<vmem>> -> memref<128x16xf32, #tpu.memory_space<vmem>>
      %dma_start3A_116 = arith.constant 0 : i32
      %dma_start3A_117 = tpu.memref_slice %arg5[%dma_start3A_109, %dma_start3A_110, %dma_start3A_116] : memref<2x10x128xi32, #tpu.memory_space<vmem>> -> memref<1x1x128xi32, #tpu.memory_space<vmem>>
      %dma_start3A_118 = tpu.memref_squeeze %dma_start3A_117 : memref<1x1x128xi32, #tpu.memory_space<vmem>> -> memref<128xi32, #tpu.memory_space<vmem>>
      %dma_start3A_119 = arith.constant 0 : i32
      %dma_start3A_120 = arith.constant 0 : i32
      %dma_start3A_121 = tpu.memref_slice %arg2[%dma_start3A_119, %dma_start3A_120] : memref<50000x16xf32, #tpu.memory_space<hbm>> -> memref<50000x16xf32, #tpu.memory_space<hbm>>
      tpu.enqueue_indirect_dma source(%dma_start3A_121 : memref<50000x16xf32, #tpu.memory_space<hbm>>) target(%dma_start3A_115 : memref<128x16xf32, #tpu.memory_space<vmem>>) offsets(%dma_start3A_118 : memref<128xi32, #tpu.memory_space<vmem>>) semaphore(%arg7 : memref<!tpu.dma_semaphore, #tpu.memory_space<semaphore_mem>>)
      %dma_start3A_122 = arith.constant 0 : i32
      %dma_start3A_123 = arith.constant 8 : i32
      %dma_start3A_124 = arith.constant 0 : i32
      %dma_start3A_125 = arith.constant 1024 : i32
      %dma_start3A_126 = arith.constant 0 : i32
      %dma_start3A_127 = tpu.memref_slice %arg6[%dma_start3A_124, %dma_start3A_125, %dma_start3A_126] : memref<2x1280x16xf32, #tpu.memory_space<vmem>> -> memref<1x128x16xf32, #tpu.memory_space<vmem>>
      %dma_start3A_128 = tpu.memref_squeeze %dma_start3A_127 : memref<1x128x16xf32, #tpu.memory_space<vmem>> -> memref<128x16xf32, #tpu.memory_space<vmem>>
      %dma_start3A_129 = arith.constant 0 : i32
      %dma_start3A_130 = tpu.memref_slice %arg5[%dma_start3A_122, %dma_start3A_123, %dma_start3A_129] : memref<2x10x128xi32, #tpu.memory_space<vmem>> -> memref<1x1x128xi32, #tpu.memory_space<vmem>>
      %dma_start3A_131 = tpu.memref_squeeze %dma_start3A_130 : memref<1x1x128xi32, #tpu.memory_space<vmem>> -> memref<128xi32, #tpu.memory_space<vmem>>
      %dma_start3A_132 = arith.constant 0 : i32
      %dma_start3A_133 = arith.constant 0 : i32
      %dma_start3A_134 = tpu.memref_slice %arg2[%dma_start3A_132, %dma_start3A_133] : memref<50000x16xf32, #tpu.memory_space<hbm>> -> memref<50000x16xf32, #tpu.memory_space<hbm>>
      tpu.enqueue_indirect_dma source(%dma_start3A_134 : memref<50000x16xf32, #tpu.memory_space<hbm>>) target(%dma_start3A_128 : memref<128x16xf32, #tpu.memory_space<vmem>>) offsets(%dma_start3A_131 : memref<128xi32, #tpu.memory_space<vmem>>) semaphore(%arg7 : memref<!tpu.dma_semaphore, #tpu.memory_space<semaphore_mem>>)
      %dma_start3A_135 = arith.constant 0 : i32
      %dma_start3A_136 = arith.constant 9 : i32
      %dma_start3A_137 = arith.constant 0 : i32
      %dma_start3A_138 = arith.constant 1152 : i32
      %dma_start3A_139 = arith.constant 0 : i32
      %dma_start3A_140 = tpu.memref_slice %arg6[%dma_start3A_137, %dma_start3A_138, %dma_start3A_139] : memref<2x1280x16xf32, #tpu.memory_space<vmem>> -> memref<1x128x16xf32, #tpu.memory_space<vmem>>
      %dma_start3A_141 = tpu.memref_squeeze %dma_start3A_140 : memref<1x128x16xf32, #tpu.memory_space<vmem>> -> memref<128x16xf32, #tpu.memory_space<vmem>>
      %dma_start3A_142 = arith.constant 0 : i32
      %dma_start3A_143 = tpu.memref_slice %arg5[%dma_start3A_135, %dma_start3A_136, %dma_start3A_142] : memref<2x10x128xi32, #tpu.memory_space<vmem>> -> memref<1x1x128xi32, #tpu.memory_space<vmem>>
      %dma_start3A_144 = tpu.memref_squeeze %dma_start3A_143 : memref<1x1x128xi32, #tpu.memory_space<vmem>> -> memref<128xi32, #tpu.memory_space<vmem>>
      %dma_start3A_145 = arith.constant 0 : i32
      %dma_start3A_146 = arith.constant 0 : i32
      %dma_start3A_147 = tpu.memref_slice %arg2[%dma_start3A_145, %dma_start3A_146] : memref<50000x16xf32, #tpu.memory_space<hbm>> -> memref<50000x16xf32, #tpu.memory_space<hbm>>
      tpu.enqueue_indirect_dma source(%dma_start3A_147 : memref<50000x16xf32, #tpu.memory_space<hbm>>) target(%dma_start3A_141 : memref<128x16xf32, #tpu.memory_space<vmem>>) offsets(%dma_start3A_144 : memref<128xi32, #tpu.memory_space<vmem>>) semaphore(%arg7 : memref<!tpu.dma_semaphore, #tpu.memory_space<semaphore_mem>>)
    } else {
    }
    %scan3A = arith.constant 0 : i32
    %scan3A_5 = arith.constant 0 : i32
    %scan3A_6 = arith.constant 10 : i32
    %scan3A_7 = arith.addi %scan3A_5, %scan3A_6 : i32
    %scan3A_8 = arith.constant 1 : i32
    scf.for %scan3A_17 = %scan3A_5 to %scan3A_7 step %scan3A_8  : i32 {
      %mul3A_18 = arith.constant 2 : i32
      %mul3A_19 = arith.muli %scan3A_17, %mul3A_18 : i32
      %add3A_20 = arith.constant 0 : i32
      %add3A_21 = arith.addi %mul3A_19, %add3A_20 : i32
      %ge3A = arith.constant 1 : i32
      %ge3A_22 = arith.cmpi sge, %add3A_21, %ge3A : i32
      %convert_element_type3A_23 = arith.extui %ge3A_22 : i1 to i32
      %cond3A_24 = arith.constant 0 : i32
      %cond3A_25 = arith.cmpi ne, %convert_element_type3A_23, %cond3A_24 : i32
      scf.if %cond3A_25 {
        %sub3A = arith.constant 1 : i32
        %sub3A_71 = arith.subi %add3A_21, %sub3A : i32
        %mul3A_72 = arith.constant 32 : i32
        %mul3A_73 = arith.muli %sub3A_71, %mul3A_72 : i32
        %add3A_74 = arith.addi %mul3A_73, %add3A : i32
        %lt3A_75 = arith.constant 625 : i32
        %lt3A_76 = arith.cmpi slt, %add3A_74, %lt3A_75 : i32
        %convert_element_type3A_77 = arith.extui %lt3A_76 : i1 to i32
        %cond3A_78 = arith.constant 0 : i32
        %cond3A_79 = arith.cmpi ne, %convert_element_type3A_77, %cond3A_78 : i32
        scf.if %cond3A_79 {
          %dma_wait3A = arith.constant 1 : i32
          %dma_wait3A_80 = arith.constant 0 : i32
          %dma_wait3A_81 = arith.constant 0 : i32
          %dma_wait3A_82 = tpu.memref_slice %arg6[%dma_wait3A, %dma_wait3A_80, %dma_wait3A_81] : memref<2x1280x16xf32, #tpu.memory_space<vmem>> -> memref<1x1280x16xf32, #tpu.memory_space<vmem>>
          %dma_wait3A_83 = tpu.memref_squeeze %dma_wait3A_82 : memref<1x1280x16xf32, #tpu.memory_space<vmem>> -> memref<1280x16xf32, #tpu.memory_space<vmem>>
          %dma_wait3A_84 = arith.constant 0 : i32
          %dma_wait3A_85 = arith.constant 0 : i32
          %dma_wait3A_86 = tpu.memref_slice %arg4[%dma_wait3A_84, %dma_wait3A_85] : memref<800000x16xf32, #tpu.memory_space<hbm>> -> memref<1280x16xf32, #tpu.memory_space<hbm>>
          %dma_wait3A_87 = arith.constant 0 : i32
          %dma_wait3A_88 = arith.constant 0 : i32
          %dma_wait3A_89 = tpu.memref_slice %arg4[%dma_wait3A_87, %dma_wait3A_88] : memref<800000x16xf32, #tpu.memory_space<hbm>> -> memref<1280x16xf32, #tpu.memory_space<hbm>>
          %dma_wait3A_90 = arith.constant 0 : i32
          %dma_wait3A_91 = arith.constant 0 : i32
          %dma_wait3A_92 = tpu.memref_slice %arg6[%dma_wait3A, %dma_wait3A_90, %dma_wait3A_91] : memref<2x1280x16xf32, #tpu.memory_space<vmem>> -> memref<1x1280x16xf32, #tpu.memory_space<vmem>>
          %dma_wait3A_93 = tpu.memref_squeeze %dma_wait3A_92 : memref<1x1280x16xf32, #tpu.memory_space<vmem>> -> memref<1280x16xf32, #tpu.memory_space<vmem>>
          tpu.wait_dma2 semaphore(%arg10 : memref<!tpu.dma_semaphore, #tpu.memory_space<semaphore_mem>>) src(%dma_wait3A_93 : memref<1280x16xf32, #tpu.memory_space<vmem>>) dst(%dma_wait3A_89 : memref<1280x16xf32, #tpu.memory_space<hbm>>)
        } else {
        }
      } else {
      }
      %add3A_26 = arith.constant 1 : i32
      %add3A_27 = arith.addi %add3A_21, %add3A_26 : i32
      %mul3A_28 = arith.constant 32 : i32
      %mul3A_29 = arith.muli %add3A_27, %mul3A_28 : i32
      %add3A_30 = arith.addi %mul3A_29, %add3A : i32
      %lt3A_31 = arith.constant 625 : i32
      %lt3A_32 = arith.cmpi slt, %add3A_30, %lt3A_31 : i32
      %convert_element_type3A_33 = arith.extui %lt3A_32 : i1 to i32
      %cond3A_34 = arith.constant 0 : i32
      %cond3A_35 = arith.cmpi ne, %convert_element_type3A_33, %cond3A_34 : i32
      scf.if %cond3A_35 {
        %mul3A_71 = arith.constant 10 : i32
        %mul3A_72 = arith.muli %add3A_30, %mul3A_71 : i32
        %run_scoped3A = arith.constant 1 : i32
        "tpu.region"() ({
          %run_scoped3A_202 = tpu.sem_alloc : memref<!tpu.dma_semaphore, #tpu.memory_space<semaphore_mem>>
          %dma_start3A_203 = arith.constant 0 : i32
          %dma_start3A_204 = arith.constant 0 : i32
          %dma_start3A_205 = tpu.memref_slice %arg5[%run_scoped3A, %dma_start3A_203, %dma_start3A_204] : memref<2x10x128xi32, #tpu.memory_space<vmem>> -> memref<1x10x128xi32, #tpu.memory_space<vmem>>
          %dma_start3A_206 = tpu.memref_squeeze %dma_start3A_205 : memref<1x10x128xi32, #tpu.memory_space<vmem>> -> memref<10x128xi32, #tpu.memory_space<vmem>>
          %dma_start3A_207 = arith.constant 0 : i32
          %dma_start3A_208 = tpu.memref_slice %arg3[%mul3A_72, %dma_start3A_207] : memref<6250x128xi32, #tpu.memory_space<hbm>> -> memref<10x128xi32, #tpu.memory_space<hbm>>
          %dma_start3A_209 = arith.constant 0 : i32
          %dma_start3A_210 = arith.constant 0 : i32
          %dma_start3A_211 = tpu.memref_slice %arg5[%run_scoped3A, %dma_start3A_209, %dma_start3A_210] : memref<2x10x128xi32, #tpu.memory_space<vmem>> -> memref<1x10x128xi32, #tpu.memory_space<vmem>>
          %dma_start3A_212 = tpu.memref_squeeze %dma_start3A_211 : memref<1x10x128xi32, #tpu.memory_space<vmem>> -> memref<10x128xi32, #tpu.memory_space<vmem>>
          %dma_start3A_213 = arith.constant 0 : i32
          %dma_start3A_214 = tpu.memref_slice %arg3[%mul3A_72, %dma_start3A_213] : memref<6250x128xi32, #tpu.memory_space<hbm>> -> memref<10x128xi32, #tpu.memory_space<hbm>>
          tpu.enqueue_dma source(%dma_start3A_214 : memref<10x128xi32, #tpu.memory_space<hbm>>) target(%dma_start3A_212 : memref<10x128xi32, #tpu.memory_space<vmem>>) target_semaphore(%run_scoped3A_202 : memref<!tpu.dma_semaphore, #tpu.memory_space<semaphore_mem>>)
          %dma_wait3A = arith.constant 0 : i32
          %dma_wait3A_215 = arith.constant 0 : i32
          %dma_wait3A_216 = tpu.memref_slice %arg5[%run_scoped3A, %dma_wait3A, %dma_wait3A_215] : memref<2x10x128xi32, #tpu.memory_space<vmem>> -> memref<1x10x128xi32, #tpu.memory_space<vmem>>
          %dma_wait3A_217 = tpu.memref_squeeze %dma_wait3A_216 : memref<1x10x128xi32, #tpu.memory_space<vmem>> -> memref<10x128xi32, #tpu.memory_space<vmem>>
          %dma_wait3A_218 = arith.constant 0 : i32
          %dma_wait3A_219 = tpu.memref_slice %arg3[%mul3A_72, %dma_wait3A_218] : memref<6250x128xi32, #tpu.memory_space<hbm>> -> memref<10x128xi32, #tpu.memory_space<hbm>>
          %dma_wait3A_220 = arith.constant 0 : i32
          %dma_wait3A_221 = arith.constant 0 : i32
          %dma_wait3A_222 = tpu.memref_slice %arg5[%run_scoped3A, %dma_wait3A_220, %dma_wait3A_221] : memref<2x10x128xi32, #tpu.memory_space<vmem>> -> memref<1x10x128xi32, #tpu.memory_space<vmem>>
          %dma_wait3A_223 = tpu.memref_squeeze %dma_wait3A_222 : memref<1x10x128xi32, #tpu.memory_space<vmem>> -> memref<10x128xi32, #tpu.memory_space<vmem>>
          %dma_wait3A_224 = arith.constant 0 : i32
          %dma_wait3A_225 = tpu.memref_slice %arg3[%mul3A_72, %dma_wait3A_224] : memref<6250x128xi32, #tpu.memory_space<hbm>> -> memref<10x128xi32, #tpu.memory_space<hbm>>
          tpu.wait_dma2 semaphore(%run_scoped3A_202 : memref<!tpu.dma_semaphore, #tpu.memory_space<semaphore_mem>>) src(%dma_wait3A_225 : memref<10x128xi32, #tpu.memory_space<hbm>>) dst(%dma_wait3A_223 : memref<10x128xi32, #tpu.memory_space<vmem>>)
          tpu.yield
        }) : () -> ()
        %dma_start3A = arith.constant 1 : i32
        %dma_start3A_73 = arith.constant 0 : i32
        %dma_start3A_74 = arith.constant 1 : i32
        %dma_start3A_75 = arith.constant 0 : i32
        %dma_start3A_76 = arith.constant 0 : i32
        %dma_start3A_77 = tpu.memref_slice %arg6[%dma_start3A_74, %dma_start3A_75, %dma_start3A_76] : memref<2x1280x16xf32, #tpu.memory_space<vmem>> -> memref<1x128x16xf32, #tpu.memory_space<vmem>>
        %dma_start3A_78 = tpu.memref_squeeze %dma_start3A_77 : memref<1x128x16xf32, #tpu.memory_space<vmem>> -> memref<128x16xf32, #tpu.memory_space<vmem>>
        %dma_start3A_79 = arith.constant 0 : i32
        %dma_start3A_80 = tpu.memref_slice %arg5[%dma_start3A, %dma_start3A_73, %dma_start3A_79] : memref<2x10x128xi32, #tpu.memory_space<vmem>> -> memref<1x1x128xi32, #tpu.memory_space<vmem>>
        %dma_start3A_81 = tpu.memref_squeeze %dma_start3A_80 : memref<1x1x128xi32, #tpu.memory_space<vmem>> -> memref<128xi32, #tpu.memory_space<vmem>>
        %dma_start3A_82 = arith.constant 0 : i32
        %dma_start3A_83 = arith.constant 0 : i32
        %dma_start3A_84 = tpu.memref_slice %arg2[%dma_start3A_82, %dma_start3A_83] : memref<50000x16xf32, #tpu.memory_space<hbm>> -> memref<50000x16xf32, #tpu.memory_space<hbm>>
        tpu.enqueue_indirect_dma source(%dma_start3A_84 : memref<50000x16xf32, #tpu.memory_space<hbm>>) target(%dma_start3A_78 : memref<128x16xf32, #tpu.memory_space<vmem>>) offsets(%dma_start3A_81 : memref<128xi32, #tpu.memory_space<vmem>>) semaphore(%arg8 : memref<!tpu.dma_semaphore, #tpu.memory_space<semaphore_mem>>)
        %dma_start3A_85 = arith.constant 1 : i32
        %dma_start3A_86 = arith.constant 1 : i32
        %dma_start3A_87 = arith.constant 1 : i32
        %dma_start3A_88 = arith.constant 128 : i32
        %dma_start3A_89 = arith.constant 0 : i32
        %dma_start3A_90 = tpu.memref_slice %arg6[%dma_start3A_87, %dma_start3A_88, %dma_start3A_89] : memref<2x1280x16xf32, #tpu.memory_space<vmem>> -> memref<1x128x16xf32, #tpu.memory_space<vmem>>
        %dma_start3A_91 = tpu.memref_squeeze %dma_start3A_90 : memref<1x128x16xf32, #tpu.memory_space<vmem>> -> memref<128x16xf32, #tpu.memory_space<vmem>>
        %dma_start3A_92 = arith.constant 0 : i32
        %dma_start3A_93 = tpu.memref_slice %arg5[%dma_start3A_85, %dma_start3A_86, %dma_start3A_92] : memref<2x10x128xi32, #tpu.memory_space<vmem>> -> memref<1x1x128xi32, #tpu.memory_space<vmem>>
        %dma_start3A_94 = tpu.memref_squeeze %dma_start3A_93 : memref<1x1x128xi32, #tpu.memory_space<vmem>> -> memref<128xi32, #tpu.memory_space<vmem>>
        %dma_start3A_95 = arith.constant 0 : i32
        %dma_start3A_96 = arith.constant 0 : i32
        %dma_start3A_97 = tpu.memref_slice %arg2[%dma_start3A_95, %dma_start3A_96] : memref<50000x16xf32, #tpu.memory_space<hbm>> -> memref<50000x16xf32, #tpu.memory_space<hbm>>
        tpu.enqueue_indirect_dma source(%dma_start3A_97 : memref<50000x16xf32, #tpu.memory_space<hbm>>) target(%dma_start3A_91 : memref<128x16xf32, #tpu.memory_space<vmem>>) offsets(%dma_start3A_94 : memref<128xi32, #tpu.memory_space<vmem>>) semaphore(%arg8 : memref<!tpu.dma_semaphore, #tpu.memory_space<semaphore_mem>>)
        %dma_start3A_98 = arith.constant 1 : i32
        %dma_start3A_99 = arith.constant 2 : i32
        %dma_start3A_100 = arith.constant 1 : i32
        %dma_start3A_101 = arith.constant 256 : i32
        %dma_start3A_102 = arith.constant 0 : i32
        %dma_start3A_103 = tpu.memref_slice %arg6[%dma_start3A_100, %dma_start3A_101, %dma_start3A_102] : memref<2x1280x16xf32, #tpu.memory_space<vmem>> -> memref<1x128x16xf32, #tpu.memory_space<vmem>>
        %dma_start3A_104 = tpu.memref_squeeze %dma_start3A_103 : memref<1x128x16xf32, #tpu.memory_space<vmem>> -> memref<128x16xf32, #tpu.memory_space<vmem>>
        %dma_start3A_105 = arith.constant 0 : i32
        %dma_start3A_106 = tpu.memref_slice %arg5[%dma_start3A_98, %dma_start3A_99, %dma_start3A_105] : memref<2x10x128xi32, #tpu.memory_space<vmem>> -> memref<1x1x128xi32, #tpu.memory_space<vmem>>
        %dma_start3A_107 = tpu.memref_squeeze %dma_start3A_106 : memref<1x1x128xi32, #tpu.memory_space<vmem>> -> memref<128xi32, #tpu.memory_space<vmem>>
        %dma_start3A_108 = arith.constant 0 : i32
        %dma_start3A_109 = arith.constant 0 : i32
        %dma_start3A_110 = tpu.memref_slice %arg2[%dma_start3A_108, %dma_start3A_109] : memref<50000x16xf32, #tpu.memory_space<hbm>> -> memref<50000x16xf32, #tpu.memory_space<hbm>>
        tpu.enqueue_indirect_dma source(%dma_start3A_110 : memref<50000x16xf32, #tpu.memory_space<hbm>>) target(%dma_start3A_104 : memref<128x16xf32, #tpu.memory_space<vmem>>) offsets(%dma_start3A_107 : memref<128xi32, #tpu.memory_space<vmem>>) semaphore(%arg8 : memref<!tpu.dma_semaphore, #tpu.memory_space<semaphore_mem>>)
        %dma_start3A_111 = arith.constant 1 : i32
        %dma_start3A_112 = arith.constant 3 : i32
        %dma_start3A_113 = arith.constant 1 : i32
        %dma_start3A_114 = arith.constant 384 : i32
        %dma_start3A_115 = arith.constant 0 : i32
        %dma_start3A_116 = tpu.memref_slice %arg6[%dma_start3A_113, %dma_start3A_114, %dma_start3A_115] : memref<2x1280x16xf32, #tpu.memory_space<vmem>> -> memref<1x128x16xf32, #tpu.memory_space<vmem>>
        %dma_start3A_117 = tpu.memref_squeeze %dma_start3A_116 : memref<1x128x16xf32, #tpu.memory_space<vmem>> -> memref<128x16xf32, #tpu.memory_space<vmem>>
        %dma_start3A_118 = arith.constant 0 : i32
        %dma_start3A_119 = tpu.memref_slice %arg5[%dma_start3A_111, %dma_start3A_112, %dma_start3A_118] : memref<2x10x128xi32, #tpu.memory_space<vmem>> -> memref<1x1x128xi32, #tpu.memory_space<vmem>>
        %dma_start3A_120 = tpu.memref_squeeze %dma_start3A_119 : memref<1x1x128xi32, #tpu.memory_space<vmem>> -> memref<128xi32, #tpu.memory_space<vmem>>
        %dma_start3A_121 = arith.constant 0 : i32
        %dma_start3A_122 = arith.constant 0 : i32
        %dma_start3A_123 = tpu.memref_slice %arg2[%dma_start3A_121, %dma_start3A_122] : memref<50000x16xf32, #tpu.memory_space<hbm>> -> memref<50000x16xf32, #tpu.memory_space<hbm>>
        tpu.enqueue_indirect_dma source(%dma_start3A_123 : memref<50000x16xf32, #tpu.memory_space<hbm>>) target(%dma_start3A_117 : memref<128x16xf32, #tpu.memory_space<vmem>>) offsets(%dma_start3A_120 : memref<128xi32, #tpu.memory_space<vmem>>) semaphore(%arg8 : memref<!tpu.dma_semaphore, #tpu.memory_space<semaphore_mem>>)
        %dma_start3A_124 = arith.constant 1 : i32
        %dma_start3A_125 = arith.constant 4 : i32
        %dma_start3A_126 = arith.constant 1 : i32
        %dma_start3A_127 = arith.constant 512 : i32
        %dma_start3A_128 = arith.constant 0 : i32
        %dma_start3A_129 = tpu.memref_slice %arg6[%dma_start3A_126, %dma_start3A_127, %dma_start3A_128] : memref<2x1280x16xf32, #tpu.memory_space<vmem>> -> memref<1x128x16xf32, #tpu.memory_space<vmem>>
        %dma_start3A_130 = tpu.memref_squeeze %dma_start3A_129 : memref<1x128x16xf32, #tpu.memory_space<vmem>> -> memref<128x16xf32, #tpu.memory_space<vmem>>
        %dma_start3A_131 = arith.constant 0 : i32
        %dma_start3A_132 = tpu.memref_slice %arg5[%dma_start3A_124, %dma_start3A_125, %dma_start3A_131] : memref<2x10x128xi32, #tpu.memory_space<vmem>> -> memref<1x1x128xi32, #tpu.memory_space<vmem>>
        %dma_start3A_133 = tpu.memref_squeeze %dma_start3A_132 : memref<1x1x128xi32, #tpu.memory_space<vmem>> -> memref<128xi32, #tpu.memory_space<vmem>>
        %dma_start3A_134 = arith.constant 0 : i32
        %dma_start3A_135 = arith.constant 0 : i32
        %dma_start3A_136 = tpu.memref_slice %arg2[%dma_start3A_134, %dma_start3A_135] : memref<50000x16xf32, #tpu.memory_space<hbm>> -> memref<50000x16xf32, #tpu.memory_space<hbm>>
        tpu.enqueue_indirect_dma source(%dma_start3A_136 : memref<50000x16xf32, #tpu.memory_space<hbm>>) target(%dma_start3A_130 : memref<128x16xf32, #tpu.memory_space<vmem>>) offsets(%dma_start3A_133 : memref<128xi32, #tpu.memory_space<vmem>>) semaphore(%arg8 : memref<!tpu.dma_semaphore, #tpu.memory_space<semaphore_mem>>)
        %dma_start3A_137 = arith.constant 1 : i32
        %dma_start3A_138 = arith.constant 5 : i32
        %dma_start3A_139 = arith.constant 1 : i32
        %dma_start3A_140 = arith.constant 640 : i32
        %dma_start3A_141 = arith.constant 0 : i32
        %dma_start3A_142 = tpu.memref_slice %arg6[%dma_start3A_139, %dma_start3A_140, %dma_start3A_141] : memref<2x1280x16xf32, #tpu.memory_space<vmem>> -> memref<1x128x16xf32, #tpu.memory_space<vmem>>
        %dma_start3A_143 = tpu.memref_squeeze %dma_start3A_142 : memref<1x128x16xf32, #tpu.memory_space<vmem>> -> memref<128x16xf32, #tpu.memory_space<vmem>>
        %dma_start3A_144 = arith.constant 0 : i32
        %dma_start3A_145 = tpu.memref_slice %arg5[%dma_start3A_137, %dma_start3A_138, %dma_start3A_144] : memref<2x10x128xi32, #tpu.memory_space<vmem>> -> memref<1x1x128xi32, #tpu.memory_space<vmem>>
        %dma_start3A_146 = tpu.memref_squeeze %dma_start3A_145 : memref<1x1x128xi32, #tpu.memory_space<vmem>> -> memref<128xi32, #tpu.memory_space<vmem>>
        %dma_start3A_147 = arith.constant 0 : i32
        %dma_start3A_148 = arith.constant 0 : i32
        %dma_start3A_149 = tpu.memref_slice %arg2[%dma_start3A_147, %dma_start3A_148] : memref<50000x16xf32, #tpu.memory_space<hbm>> -> memref<50000x16xf32, #tpu.memory_space<hbm>>
        tpu.enqueue_indirect_dma source(%dma_start3A_149 : memref<50000x16xf32, #tpu.memory_space<hbm>>) target(%dma_start3A_143 : memref<128x16xf32, #tpu.memory_space<vmem>>) offsets(%dma_start3A_146 : memref<128xi32, #tpu.memory_space<vmem>>) semaphore(%arg8 : memref<!tpu.dma_semaphore, #tpu.memory_space<semaphore_mem>>)
        %dma_start3A_150 = arith.constant 1 : i32
        %dma_start3A_151 = arith.constant 6 : i32
        %dma_start3A_152 = arith.constant 1 : i32
        %dma_start3A_153 = arith.constant 768 : i32
        %dma_start3A_154 = arith.constant 0 : i32
        %dma_start3A_155 = tpu.memref_slice %arg6[%dma_start3A_152, %dma_start3A_153, %dma_start3A_154] : memref<2x1280x16xf32, #tpu.memory_space<vmem>> -> memref<1x128x16xf32, #tpu.memory_space<vmem>>
        %dma_start3A_156 = tpu.memref_squeeze %dma_start3A_155 : memref<1x128x16xf32, #tpu.memory_space<vmem>> -> memref<128x16xf32, #tpu.memory_space<vmem>>
        %dma_start3A_157 = arith.constant 0 : i32
        %dma_start3A_158 = tpu.memref_slice %arg5[%dma_start3A_150, %dma_start3A_151, %dma_start3A_157] : memref<2x10x128xi32, #tpu.memory_space<vmem>> -> memref<1x1x128xi32, #tpu.memory_space<vmem>>
        %dma_start3A_159 = tpu.memref_squeeze %dma_start3A_158 : memref<1x1x128xi32, #tpu.memory_space<vmem>> -> memref<128xi32, #tpu.memory_space<vmem>>
        %dma_start3A_160 = arith.constant 0 : i32
        %dma_start3A_161 = arith.constant 0 : i32
        %dma_start3A_162 = tpu.memref_slice %arg2[%dma_start3A_160, %dma_start3A_161] : memref<50000x16xf32, #tpu.memory_space<hbm>> -> memref<50000x16xf32, #tpu.memory_space<hbm>>
        tpu.enqueue_indirect_dma source(%dma_start3A_162 : memref<50000x16xf32, #tpu.memory_space<hbm>>) target(%dma_start3A_156 : memref<128x16xf32, #tpu.memory_space<vmem>>) offsets(%dma_start3A_159 : memref<128xi32, #tpu.memory_space<vmem>>) semaphore(%arg8 : memref<!tpu.dma_semaphore, #tpu.memory_space<semaphore_mem>>)
        %dma_start3A_163 = arith.constant 1 : i32
        %dma_start3A_164 = arith.constant 7 : i32
        %dma_start3A_165 = arith.constant 1 : i32
        %dma_start3A_166 = arith.constant 896 : i32
        %dma_start3A_167 = arith.constant 0 : i32
        %dma_start3A_168 = tpu.memref_slice %arg6[%dma_start3A_165, %dma_start3A_166, %dma_start3A_167] : memref<2x1280x16xf32, #tpu.memory_space<vmem>> -> memref<1x128x16xf32, #tpu.memory_space<vmem>>
        %dma_start3A_169 = tpu.memref_squeeze %dma_start3A_168 : memref<1x128x16xf32, #tpu.memory_space<vmem>> -> memref<128x16xf32, #tpu.memory_space<vmem>>
        %dma_start3A_170 = arith.constant 0 : i32
        %dma_start3A_171 = tpu.memref_slice %arg5[%dma_start3A_163, %dma_start3A_164, %dma_start3A_170] : memref<2x10x128xi32, #tpu.memory_space<vmem>> -> memref<1x1x128xi32, #tpu.memory_space<vmem>>
        %dma_start3A_172 = tpu.memref_squeeze %dma_start3A_171 : memref<1x1x128xi32, #tpu.memory_space<vmem>> -> memref<128xi32, #tpu.memory_space<vmem>>
        %dma_start3A_173 = arith.constant 0 : i32
        %dma_start3A_174 = arith.constant 0 : i32
        %dma_start3A_175 = tpu.memref_slice %arg2[%dma_start3A_173, %dma_start3A_174] : memref<50000x16xf32, #tpu.memory_space<hbm>> -> memref<50000x16xf32, #tpu.memory_space<hbm>>
        tpu.enqueue_indirect_dma source(%dma_start3A_175 : memref<50000x16xf32, #tpu.memory_space<hbm>>) target(%dma_start3A_169 : memref<128x16xf32, #tpu.memory_space<vmem>>) offsets(%dma_start3A_172 : memref<128xi32, #tpu.memory_space<vmem>>) semaphore(%arg8 : memref<!tpu.dma_semaphore, #tpu.memory_space<semaphore_mem>>)
        %dma_start3A_176 = arith.constant 1 : i32
        %dma_start3A_177 = arith.constant 8 : i32
        %dma_start3A_178 = arith.constant 1 : i32
        %dma_start3A_179 = arith.constant 1024 : i32
        %dma_start3A_180 = arith.constant 0 : i32
        %dma_start3A_181 = tpu.memref_slice %arg6[%dma_start3A_178, %dma_start3A_179, %dma_start3A_180] : memref<2x1280x16xf32, #tpu.memory_space<vmem>> -> memref<1x128x16xf32, #tpu.memory_space<vmem>>
        %dma_start3A_182 = tpu.memref_squeeze %dma_start3A_181 : memref<1x128x16xf32, #tpu.memory_space<vmem>> -> memref<128x16xf32, #tpu.memory_space<vmem>>
        %dma_start3A_183 = arith.constant 0 : i32
        %dma_start3A_184 = tpu.memref_slice %arg5[%dma_start3A_176, %dma_start3A_177, %dma_start3A_183] : memref<2x10x128xi32, #tpu.memory_space<vmem>> -> memref<1x1x128xi32, #tpu.memory_space<vmem>>
        %dma_start3A_185 = tpu.memref_squeeze %dma_start3A_184 : memref<1x1x128xi32, #tpu.memory_space<vmem>> -> memref<128xi32, #tpu.memory_space<vmem>>
        %dma_start3A_186 = arith.constant 0 : i32
        %dma_start3A_187 = arith.constant 0 : i32
        %dma_start3A_188 = tpu.memref_slice %arg2[%dma_start3A_186, %dma_start3A_187] : memref<50000x16xf32, #tpu.memory_space<hbm>> -> memref<50000x16xf32, #tpu.memory_space<hbm>>
        tpu.enqueue_indirect_dma source(%dma_start3A_188 : memref<50000x16xf32, #tpu.memory_space<hbm>>) target(%dma_start3A_182 : memref<128x16xf32, #tpu.memory_space<vmem>>) offsets(%dma_start3A_185 : memref<128xi32, #tpu.memory_space<vmem>>) semaphore(%arg8 : memref<!tpu.dma_semaphore, #tpu.memory_space<semaphore_mem>>)
        %dma_start3A_189 = arith.constant 1 : i32
        %dma_start3A_190 = arith.constant 9 : i32
        %dma_start3A_191 = arith.constant 1 : i32
        %dma_start3A_192 = arith.constant 1152 : i32
        %dma_start3A_193 = arith.constant 0 : i32
        %dma_start3A_194 = tpu.memref_slice %arg6[%dma_start3A_191, %dma_start3A_192, %dma_start3A_193] : memref<2x1280x16xf32, #tpu.memory_space<vmem>> -> memref<1x128x16xf32, #tpu.memory_space<vmem>>
        %dma_start3A_195 = tpu.memref_squeeze %dma_start3A_194 : memref<1x128x16xf32, #tpu.memory_space<vmem>> -> memref<128x16xf32, #tpu.memory_space<vmem>>
        %dma_start3A_196 = arith.constant 0 : i32
        %dma_start3A_197 = tpu.memref_slice %arg5[%dma_start3A_189, %dma_start3A_190, %dma_start3A_196] : memref<2x10x128xi32, #tpu.memory_space<vmem>> -> memref<1x1x128xi32, #tpu.memory_space<vmem>>
        %dma_start3A_198 = tpu.memref_squeeze %dma_start3A_197 : memref<1x1x128xi32, #tpu.memory_space<vmem>> -> memref<128xi32, #tpu.memory_space<vmem>>
        %dma_start3A_199 = arith.constant 0 : i32
        %dma_start3A_200 = arith.constant 0 : i32
        %dma_start3A_201 = tpu.memref_slice %arg2[%dma_start3A_199, %dma_start3A_200] : memref<50000x16xf32, #tpu.memory_space<hbm>> -> memref<50000x16xf32, #tpu.memory_space<hbm>>
        tpu.enqueue_indirect_dma source(%dma_start3A_201 : memref<50000x16xf32, #tpu.memory_space<hbm>>) target(%dma_start3A_195 : memref<128x16xf32, #tpu.memory_space<vmem>>) offsets(%dma_start3A_198 : memref<128xi32, #tpu.memory_space<vmem>>) semaphore(%arg8 : memref<!tpu.dma_semaphore, #tpu.memory_space<semaphore_mem>>)
      } else {
      }
      %mul3A_36 = arith.constant 32 : i32
      %mul3A_37 = arith.muli %add3A_21, %mul3A_36 : i32
      %add3A_38 = arith.addi %mul3A_37, %add3A : i32
      %lt3A_39 = arith.constant 625 : i32
      %lt3A_40 = arith.cmpi slt, %add3A_38, %lt3A_39 : i32
      %convert_element_type3A_41 = arith.extui %lt3A_40 : i1 to i32
      %cond3A_42 = arith.constant 0 : i32
      %cond3A_43 = arith.cmpi ne, %convert_element_type3A_41, %cond3A_42 : i32
      scf.if %cond3A_43 {
        %mul3A_71 = arith.constant 1280 : i32
        %mul3A_72 = arith.muli %add3A_38, %mul3A_71 : i32
        %dma_wait3A = arith.constant 0 : i32
        %dma_wait3A_73 = arith.constant 0 : i32
        %dma_wait3A_74 = arith.constant 0 : i32
        %dma_wait3A_75 = tpu.memref_slice %arg6[%dma_wait3A, %dma_wait3A_73, %dma_wait3A_74] : memref<2x1280x16xf32, #tpu.memory_space<vmem>> -> memref<1x1280x16xf32, #tpu.memory_space<vmem>>
        %dma_wait3A_76 = tpu.memref_squeeze %dma_wait3A_75 : memref<1x1280x16xf32, #tpu.memory_space<vmem>> -> memref<1280x16xf32, #tpu.memory_space<vmem>>
        %dma_wait3A_77 = arith.constant 0 : i32
        %dma_wait3A_78 = arith.constant 0 : i32
        %dma_wait3A_79 = tpu.memref_slice %arg4[%dma_wait3A_77, %dma_wait3A_78] : memref<800000x16xf32, #tpu.memory_space<hbm>> -> memref<1280x16xf32, #tpu.memory_space<hbm>>
        %dma_wait3A_80 = arith.constant 0 : i32
        %dma_wait3A_81 = arith.constant 0 : i32
        %dma_wait3A_82 = tpu.memref_slice %arg6[%dma_wait3A, %dma_wait3A_80, %dma_wait3A_81] : memref<2x1280x16xf32, #tpu.memory_space<vmem>> -> memref<1x1280x16xf32, #tpu.memory_space<vmem>>
        %dma_wait3A_83 = tpu.memref_squeeze %dma_wait3A_82 : memref<1x1280x16xf32, #tpu.memory_space<vmem>> -> memref<1280x16xf32, #tpu.memory_space<vmem>>
        %dma_wait3A_84 = arith.constant 0 : i32
        %dma_wait3A_85 = arith.constant 0 : i32
        %dma_wait3A_86 = tpu.memref_slice %arg4[%dma_wait3A_84, %dma_wait3A_85] : memref<800000x16xf32, #tpu.memory_space<hbm>> -> memref<1280x16xf32, #tpu.memory_space<hbm>>
        tpu.wait_dma2 semaphore(%arg7 : memref<!tpu.dma_semaphore, #tpu.memory_space<semaphore_mem>>) src(%dma_wait3A_86 : memref<1280x16xf32, #tpu.memory_space<hbm>>) dst(%dma_wait3A_83 : memref<1280x16xf32, #tpu.memory_space<vmem>>)
        %dma_start3A = arith.constant 0 : i32
        %dma_start3A_87 = arith.constant 0 : i32
        %dma_start3A_88 = arith.constant 0 : i32
        %dma_start3A_89 = tpu.memref_slice %arg6[%dma_start3A, %dma_start3A_87, %dma_start3A_88] : memref<2x1280x16xf32, #tpu.memory_space<vmem>> -> memref<1x1280x16xf32, #tpu.memory_space<vmem>>
        %dma_start3A_90 = tpu.memref_squeeze %dma_start3A_89 : memref<1x1280x16xf32, #tpu.memory_space<vmem>> -> memref<1280x16xf32, #tpu.memory_space<vmem>>
        %dma_start3A_91 = arith.constant 0 : i32
        %dma_start3A_92 = tpu.memref_slice %arg4[%mul3A_72, %dma_start3A_91] : memref<800000x16xf32, #tpu.memory_space<hbm>> -> memref<1280x16xf32, #tpu.memory_space<hbm>>
        %dma_start3A_93 = arith.constant 0 : i32
        %dma_start3A_94 = tpu.memref_slice %arg4[%mul3A_72, %dma_start3A_93] : memref<800000x16xf32, #tpu.memory_space<hbm>> -> memref<1280x16xf32, #tpu.memory_space<hbm>>
        %dma_start3A_95 = arith.constant 0 : i32
        %dma_start3A_96 = arith.constant 0 : i32
        %dma_start3A_97 = tpu.memref_slice %arg6[%dma_start3A, %dma_start3A_95, %dma_start3A_96] : memref<2x1280x16xf32, #tpu.memory_space<vmem>> -> memref<1x1280x16xf32, #tpu.memory_space<vmem>>
        %dma_start3A_98 = tpu.memref_squeeze %dma_start3A_97 : memref<1x1280x16xf32, #tpu.memory_space<vmem>> -> memref<1280x16xf32, #tpu.memory_space<vmem>>
        tpu.enqueue_dma source(%dma_start3A_98 : memref<1280x16xf32, #tpu.memory_space<vmem>>) target(%dma_start3A_94 : memref<1280x16xf32, #tpu.memory_space<hbm>>) target_semaphore(%arg9 : memref<!tpu.dma_semaphore, #tpu.memory_space<semaphore_mem>>)
      } else {
      }
      %mul3A_44 = arith.constant 2 : i32
      %mul3A_45 = arith.muli %scan3A_17, %mul3A_44 : i32
      %add3A_46 = arith.constant 1 : i32
      %add3A_47 = arith.addi %mul3A_45, %add3A_46 : i32
      %ge3A_48 = arith.constant 1 : i32
      %ge3A_49 = arith.cmpi sge, %add3A_47, %ge3A_48 : i32
      %convert_element_type3A_50 = arith.extui %ge3A_49 : i1 to i32
      %cond3A_51 = arith.constant 0 : i32
      %cond3A_52 = arith.cmpi ne, %convert_element_type3A_50, %cond3A_51 : i32
      scf.if %cond3A_52 {
        %sub3A = arith.constant 1 : i32
        %sub3A_71 = arith.subi %add3A_47, %sub3A : i32
        %mul3A_72 = arith.constant 32 : i32
        %mul3A_73 = arith.muli %sub3A_71, %mul3A_72 : i32
        %add3A_74 = arith.addi %mul3A_73, %add3A : i32
        %lt3A_75 = arith.constant 625 : i32
        %lt3A_76 = arith.cmpi slt, %add3A_74, %lt3A_75 : i32
        %convert_element_type3A_77 = arith.extui %lt3A_76 : i1 to i32
        %cond3A_78 = arith.constant 0 : i32
        %cond3A_79 = arith.cmpi ne, %convert_element_type3A_77, %cond3A_78 : i32
        scf.if %cond3A_79 {
          %dma_wait3A = arith.constant 0 : i32
          %dma_wait3A_80 = arith.constant 0 : i32
          %dma_wait3A_81 = arith.constant 0 : i32
          %dma_wait3A_82 = tpu.memref_slice %arg6[%dma_wait3A, %dma_wait3A_80, %dma_wait3A_81] : memref<2x1280x16xf32, #tpu.memory_space<vmem>> -> memref<1x1280x16xf32, #tpu.memory_space<vmem>>
          %dma_wait3A_83 = tpu.memref_squeeze %dma_wait3A_82 : memref<1x1280x16xf32, #tpu.memory_space<vmem>> -> memref<1280x16xf32, #tpu.memory_space<vmem>>
          %dma_wait3A_84 = arith.constant 0 : i32
          %dma_wait3A_85 = arith.constant 0 : i32
          %dma_wait3A_86 = tpu.memref_slice %arg4[%dma_wait3A_84, %dma_wait3A_85] : memref<800000x16xf32, #tpu.memory_space<hbm>> -> memref<1280x16xf32, #tpu.memory_space<hbm>>
          %dma_wait3A_87 = arith.constant 0 : i32
          %dma_wait3A_88 = arith.constant 0 : i32
          %dma_wait3A_89 = tpu.memref_slice %arg4[%dma_wait3A_87, %dma_wait3A_88] : memref<800000x16xf32, #tpu.memory_space<hbm>> -> memref<1280x16xf32, #tpu.memory_space<hbm>>
          %dma_wait3A_90 = arith.constant 0 : i32
          %dma_wait3A_91 = arith.constant 0 : i32
          %dma_wait3A_92 = tpu.memref_slice %arg6[%dma_wait3A, %dma_wait3A_90, %dma_wait3A_91] : memref<2x1280x16xf32, #tpu.memory_space<vmem>> -> memref<1x1280x16xf32, #tpu.memory_space<vmem>>
          %dma_wait3A_93 = tpu.memref_squeeze %dma_wait3A_92 : memref<1x1280x16xf32, #tpu.memory_space<vmem>> -> memref<1280x16xf32, #tpu.memory_space<vmem>>
          tpu.wait_dma2 semaphore(%arg9 : memref<!tpu.dma_semaphore, #tpu.memory_space<semaphore_mem>>) src(%dma_wait3A_93 : memref<1280x16xf32, #tpu.memory_space<vmem>>) dst(%dma_wait3A_89 : memref<1280x16xf32, #tpu.memory_space<hbm>>)
        } else {
        }
      } else {
      }
      %add3A_53 = arith.constant 1 : i32
      %add3A_54 = arith.addi %add3A_47, %add3A_53 : i32
      %mul3A_55 = arith.constant 32 : i32
      %mul3A_56 = arith.muli %add3A_54, %mul3A_55 : i32
      %add3A_57 = arith.addi %mul3A_56, %add3A : i32
      %lt3A_58 = arith.constant 625 : i32
      %lt3A_59 = arith.cmpi slt, %add3A_57, %lt3A_58 : i32
      %convert_element_type3A_60 = arith.extui %lt3A_59 : i1 to i32
      %cond3A_61 = arith.constant 0 : i32
      %cond3A_62 = arith.cmpi ne, %convert_element_type3A_60, %cond3A_61 : i32
      scf.if %cond3A_62 {
        %mul3A_71 = arith.constant 10 : i32
        %mul3A_72 = arith.muli %add3A_57, %mul3A_71 : i32
        %run_scoped3A = arith.constant 0 : i32
        "tpu.region"() ({
          %run_scoped3A_202 = tpu.sem_alloc : memref<!tpu.dma_semaphore, #tpu.memory_space<semaphore_mem>>
          %dma_start3A_203 = arith.constant 0 : i32
          %dma_start3A_204 = arith.constant 0 : i32
          %dma_start3A_205 = tpu.memref_slice %arg5[%run_scoped3A, %dma_start3A_203, %dma_start3A_204] : memref<2x10x128xi32, #tpu.memory_space<vmem>> -> memref<1x10x128xi32, #tpu.memory_space<vmem>>
          %dma_start3A_206 = tpu.memref_squeeze %dma_start3A_205 : memref<1x10x128xi32, #tpu.memory_space<vmem>> -> memref<10x128xi32, #tpu.memory_space<vmem>>
          %dma_start3A_207 = arith.constant 0 : i32
          %dma_start3A_208 = tpu.memref_slice %arg3[%mul3A_72, %dma_start3A_207] : memref<6250x128xi32, #tpu.memory_space<hbm>> -> memref<10x128xi32, #tpu.memory_space<hbm>>
          %dma_start3A_209 = arith.constant 0 : i32
          %dma_start3A_210 = arith.constant 0 : i32
          %dma_start3A_211 = tpu.memref_slice %arg5[%run_scoped3A, %dma_start3A_209, %dma_start3A_210] : memref<2x10x128xi32, #tpu.memory_space<vmem>> -> memref<1x10x128xi32, #tpu.memory_space<vmem>>
          %dma_start3A_212 = tpu.memref_squeeze %dma_start3A_211 : memref<1x10x128xi32, #tpu.memory_space<vmem>> -> memref<10x128xi32, #tpu.memory_space<vmem>>
          %dma_start3A_213 = arith.constant 0 : i32
          %dma_start3A_214 = tpu.memref_slice %arg3[%mul3A_72, %dma_start3A_213] : memref<6250x128xi32, #tpu.memory_space<hbm>> -> memref<10x128xi32, #tpu.memory_space<hbm>>
          tpu.enqueue_dma source(%dma_start3A_214 : memref<10x128xi32, #tpu.memory_space<hbm>>) target(%dma_start3A_212 : memref<10x128xi32, #tpu.memory_space<vmem>>) target_semaphore(%run_scoped3A_202 : memref<!tpu.dma_semaphore, #tpu.memory_space<semaphore_mem>>)
          %dma_wait3A = arith.constant 0 : i32
          %dma_wait3A_215 = arith.constant 0 : i32
          %dma_wait3A_216 = tpu.memref_slice %arg5[%run_scoped3A, %dma_wait3A, %dma_wait3A_215] : memref<2x10x128xi32, #tpu.memory_space<vmem>> -> memref<1x10x128xi32, #tpu.memory_space<vmem>>
          %dma_wait3A_217 = tpu.memref_squeeze %dma_wait3A_216 : memref<1x10x128xi32, #tpu.memory_space<vmem>> -> memref<10x128xi32, #tpu.memory_space<vmem>>
          %dma_wait3A_218 = arith.constant 0 : i32
          %dma_wait3A_219 = tpu.memref_slice %arg3[%mul3A_72, %dma_wait3A_218] : memref<6250x128xi32, #tpu.memory_space<hbm>> -> memref<10x128xi32, #tpu.memory_space<hbm>>
          %dma_wait3A_220 = arith.constant 0 : i32
          %dma_wait3A_221 = arith.constant 0 : i32
          %dma_wait3A_222 = tpu.memref_slice %arg5[%run_scoped3A, %dma_wait3A_220, %dma_wait3A_221] : memref<2x10x128xi32, #tpu.memory_space<vmem>> -> memref<1x10x128xi32, #tpu.memory_space<vmem>>
          %dma_wait3A_223 = tpu.memref_squeeze %dma_wait3A_222 : memref<1x10x128xi32, #tpu.memory_space<vmem>> -> memref<10x128xi32, #tpu.memory_space<vmem>>
          %dma_wait3A_224 = arith.constant 0 : i32
          %dma_wait3A_225 = tpu.memref_slice %arg3[%mul3A_72, %dma_wait3A_224] : memref<6250x128xi32, #tpu.memory_space<hbm>> -> memref<10x128xi32, #tpu.memory_space<hbm>>
          tpu.wait_dma2 semaphore(%run_scoped3A_202 : memref<!tpu.dma_semaphore, #tpu.memory_space<semaphore_mem>>) src(%dma_wait3A_225 : memref<10x128xi32, #tpu.memory_space<hbm>>) dst(%dma_wait3A_223 : memref<10x128xi32, #tpu.memory_space<vmem>>)
          tpu.yield
        }) : () -> ()
        %dma_start3A = arith.constant 0 : i32
        %dma_start3A_73 = arith.constant 0 : i32
        %dma_start3A_74 = arith.constant 0 : i32
        %dma_start3A_75 = arith.constant 0 : i32
        %dma_start3A_76 = arith.constant 0 : i32
        %dma_start3A_77 = tpu.memref_slice %arg6[%dma_start3A_74, %dma_start3A_75, %dma_start3A_76] : memref<2x1280x16xf32, #tpu.memory_space<vmem>> -> memref<1x128x16xf32, #tpu.memory_space<vmem>>
        %dma_start3A_78 = tpu.memref_squeeze %dma_start3A_77 : memref<1x128x16xf32, #tpu.memory_space<vmem>> -> memref<128x16xf32, #tpu.memory_space<vmem>>
        %dma_start3A_79 = arith.constant 0 : i32
        %dma_start3A_80 = tpu.memref_slice %arg5[%dma_start3A, %dma_start3A_73, %dma_start3A_79] : memref<2x10x128xi32, #tpu.memory_space<vmem>> -> memref<1x1x128xi32, #tpu.memory_space<vmem>>
        %dma_start3A_81 = tpu.memref_squeeze %dma_start3A_80 : memref<1x1x128xi32, #tpu.memory_space<vmem>> -> memref<128xi32, #tpu.memory_space<vmem>>
        %dma_start3A_82 = arith.constant 0 : i32
        %dma_start3A_83 = arith.constant 0 : i32
        %dma_start3A_84 = tpu.memref_slice %arg2[%dma_start3A_82, %dma_start3A_83] : memref<50000x16xf32, #tpu.memory_space<hbm>> -> memref<50000x16xf32, #tpu.memory_space<hbm>>
        tpu.enqueue_indirect_dma source(%dma_start3A_84 : memref<50000x16xf32, #tpu.memory_space<hbm>>) target(%dma_start3A_78 : memref<128x16xf32, #tpu.memory_space<vmem>>) offsets(%dma_start3A_81 : memref<128xi32, #tpu.memory_space<vmem>>) semaphore(%arg7 : memref<!tpu.dma_semaphore, #tpu.memory_space<semaphore_mem>>)
        %dma_start3A_85 = arith.constant 0 : i32
        %dma_start3A_86 = arith.constant 1 : i32
        %dma_start3A_87 = arith.constant 0 : i32
        %dma_start3A_88 = arith.constant 128 : i32
        %dma_start3A_89 = arith.constant 0 : i32
        %dma_start3A_90 = tpu.memref_slice %arg6[%dma_start3A_87, %dma_start3A_88, %dma_start3A_89] : memref<2x1280x16xf32, #tpu.memory_space<vmem>> -> memref<1x128x16xf32, #tpu.memory_space<vmem>>
        %dma_start3A_91 = tpu.memref_squeeze %dma_start3A_90 : memref<1x128x16xf32, #tpu.memory_space<vmem>> -> memref<128x16xf32, #tpu.memory_space<vmem>>
        %dma_start3A_92 = arith.constant 0 : i32
        %dma_start3A_93 = tpu.memref_slice %arg5[%dma_start3A_85, %dma_start3A_86, %dma_start3A_92] : memref<2x10x128xi32, #tpu.memory_space<vmem>> -> memref<1x1x128xi32, #tpu.memory_space<vmem>>
        %dma_start3A_94 = tpu.memref_squeeze %dma_start3A_93 : memref<1x1x128xi32, #tpu.memory_space<vmem>> -> memref<128xi32, #tpu.memory_space<vmem>>
        %dma_start3A_95 = arith.constant 0 : i32
        %dma_start3A_96 = arith.constant 0 : i32
        %dma_start3A_97 = tpu.memref_slice %arg2[%dma_start3A_95, %dma_start3A_96] : memref<50000x16xf32, #tpu.memory_space<hbm>> -> memref<50000x16xf32, #tpu.memory_space<hbm>>
        tpu.enqueue_indirect_dma source(%dma_start3A_97 : memref<50000x16xf32, #tpu.memory_space<hbm>>) target(%dma_start3A_91 : memref<128x16xf32, #tpu.memory_space<vmem>>) offsets(%dma_start3A_94 : memref<128xi32, #tpu.memory_space<vmem>>) semaphore(%arg7 : memref<!tpu.dma_semaphore, #tpu.memory_space<semaphore_mem>>)
        %dma_start3A_98 = arith.constant 0 : i32
        %dma_start3A_99 = arith.constant 2 : i32
        %dma_start3A_100 = arith.constant 0 : i32
        %dma_start3A_101 = arith.constant 256 : i32
        %dma_start3A_102 = arith.constant 0 : i32
        %dma_start3A_103 = tpu.memref_slice %arg6[%dma_start3A_100, %dma_start3A_101, %dma_start3A_102] : memref<2x1280x16xf32, #tpu.memory_space<vmem>> -> memref<1x128x16xf32, #tpu.memory_space<vmem>>
        %dma_start3A_104 = tpu.memref_squeeze %dma_start3A_103 : memref<1x128x16xf32, #tpu.memory_space<vmem>> -> memref<128x16xf32, #tpu.memory_space<vmem>>
        %dma_start3A_105 = arith.constant 0 : i32
        %dma_start3A_106 = tpu.memref_slice %arg5[%dma_start3A_98, %dma_start3A_99, %dma_start3A_105] : memref<2x10x128xi32, #tpu.memory_space<vmem>> -> memref<1x1x128xi32, #tpu.memory_space<vmem>>
        %dma_start3A_107 = tpu.memref_squeeze %dma_start3A_106 : memref<1x1x128xi32, #tpu.memory_space<vmem>> -> memref<128xi32, #tpu.memory_space<vmem>>
        %dma_start3A_108 = arith.constant 0 : i32
        %dma_start3A_109 = arith.constant 0 : i32
        %dma_start3A_110 = tpu.memref_slice %arg2[%dma_start3A_108, %dma_start3A_109] : memref<50000x16xf32, #tpu.memory_space<hbm>> -> memref<50000x16xf32, #tpu.memory_space<hbm>>
        tpu.enqueue_indirect_dma source(%dma_start3A_110 : memref<50000x16xf32, #tpu.memory_space<hbm>>) target(%dma_start3A_104 : memref<128x16xf32, #tpu.memory_space<vmem>>) offsets(%dma_start3A_107 : memref<128xi32, #tpu.memory_space<vmem>>) semaphore(%arg7 : memref<!tpu.dma_semaphore, #tpu.memory_space<semaphore_mem>>)
        %dma_start3A_111 = arith.constant 0 : i32
        %dma_start3A_112 = arith.constant 3 : i32
        %dma_start3A_113 = arith.constant 0 : i32
        %dma_start3A_114 = arith.constant 384 : i32
        %dma_start3A_115 = arith.constant 0 : i32
        %dma_start3A_116 = tpu.memref_slice %arg6[%dma_start3A_113, %dma_start3A_114, %dma_start3A_115] : memref<2x1280x16xf32, #tpu.memory_space<vmem>> -> memref<1x128x16xf32, #tpu.memory_space<vmem>>
        %dma_start3A_117 = tpu.memref_squeeze %dma_start3A_116 : memref<1x128x16xf32, #tpu.memory_space<vmem>> -> memref<128x16xf32, #tpu.memory_space<vmem>>
        %dma_start3A_118 = arith.constant 0 : i32
        %dma_start3A_119 = tpu.memref_slice %arg5[%dma_start3A_111, %dma_start3A_112, %dma_start3A_118] : memref<2x10x128xi32, #tpu.memory_space<vmem>> -> memref<1x1x128xi32, #tpu.memory_space<vmem>>
        %dma_start3A_120 = tpu.memref_squeeze %dma_start3A_119 : memref<1x1x128xi32, #tpu.memory_space<vmem>> -> memref<128xi32, #tpu.memory_space<vmem>>
        %dma_start3A_121 = arith.constant 0 : i32
        %dma_start3A_122 = arith.constant 0 : i32
        %dma_start3A_123 = tpu.memref_slice %arg2[%dma_start3A_121, %dma_start3A_122] : memref<50000x16xf32, #tpu.memory_space<hbm>> -> memref<50000x16xf32, #tpu.memory_space<hbm>>
        tpu.enqueue_indirect_dma source(%dma_start3A_123 : memref<50000x16xf32, #tpu.memory_space<hbm>>) target(%dma_start3A_117 : memref<128x16xf32, #tpu.memory_space<vmem>>) offsets(%dma_start3A_120 : memref<128xi32, #tpu.memory_space<vmem>>) semaphore(%arg7 : memref<!tpu.dma_semaphore, #tpu.memory_space<semaphore_mem>>)
        %dma_start3A_124 = arith.constant 0 : i32
        %dma_start3A_125 = arith.constant 4 : i32
        %dma_start3A_126 = arith.constant 0 : i32
        %dma_start3A_127 = arith.constant 512 : i32
        %dma_start3A_128 = arith.constant 0 : i32
        %dma_start3A_129 = tpu.memref_slice %arg6[%dma_start3A_126, %dma_start3A_127, %dma_start3A_128] : memref<2x1280x16xf32, #tpu.memory_space<vmem>> -> memref<1x128x16xf32, #tpu.memory_space<vmem>>
        %dma_start3A_130 = tpu.memref_squeeze %dma_start3A_129 : memref<1x128x16xf32, #tpu.memory_space<vmem>> -> memref<128x16xf32, #tpu.memory_space<vmem>>
        %dma_start3A_131 = arith.constant 0 : i32
        %dma_start3A_132 = tpu.memref_slice %arg5[%dma_start3A_124, %dma_start3A_125, %dma_start3A_131] : memref<2x10x128xi32, #tpu.memory_space<vmem>> -> memref<1x1x128xi32, #tpu.memory_space<vmem>>
        %dma_start3A_133 = tpu.memref_squeeze %dma_start3A_132 : memref<1x1x128xi32, #tpu.memory_space<vmem>> -> memref<128xi32, #tpu.memory_space<vmem>>
        %dma_start3A_134 = arith.constant 0 : i32
        %dma_start3A_135 = arith.constant 0 : i32
        %dma_start3A_136 = tpu.memref_slice %arg2[%dma_start3A_134, %dma_start3A_135] : memref<50000x16xf32, #tpu.memory_space<hbm>> -> memref<50000x16xf32, #tpu.memory_space<hbm>>
        tpu.enqueue_indirect_dma source(%dma_start3A_136 : memref<50000x16xf32, #tpu.memory_space<hbm>>) target(%dma_start3A_130 : memref<128x16xf32, #tpu.memory_space<vmem>>) offsets(%dma_start3A_133 : memref<128xi32, #tpu.memory_space<vmem>>) semaphore(%arg7 : memref<!tpu.dma_semaphore, #tpu.memory_space<semaphore_mem>>)
        %dma_start3A_137 = arith.constant 0 : i32
        %dma_start3A_138 = arith.constant 5 : i32
        %dma_start3A_139 = arith.constant 0 : i32
        %dma_start3A_140 = arith.constant 640 : i32
        %dma_start3A_141 = arith.constant 0 : i32
        %dma_start3A_142 = tpu.memref_slice %arg6[%dma_start3A_139, %dma_start3A_140, %dma_start3A_141] : memref<2x1280x16xf32, #tpu.memory_space<vmem>> -> memref<1x128x16xf32, #tpu.memory_space<vmem>>
        %dma_start3A_143 = tpu.memref_squeeze %dma_start3A_142 : memref<1x128x16xf32, #tpu.memory_space<vmem>> -> memref<128x16xf32, #tpu.memory_space<vmem>>
        %dma_start3A_144 = arith.constant 0 : i32
        %dma_start3A_145 = tpu.memref_slice %arg5[%dma_start3A_137, %dma_start3A_138, %dma_start3A_144] : memref<2x10x128xi32, #tpu.memory_space<vmem>> -> memref<1x1x128xi32, #tpu.memory_space<vmem>>
        %dma_start3A_146 = tpu.memref_squeeze %dma_start3A_145 : memref<1x1x128xi32, #tpu.memory_space<vmem>> -> memref<128xi32, #tpu.memory_space<vmem>>
        %dma_start3A_147 = arith.constant 0 : i32
        %dma_start3A_148 = arith.constant 0 : i32
        %dma_start3A_149 = tpu.memref_slice %arg2[%dma_start3A_147, %dma_start3A_148] : memref<50000x16xf32, #tpu.memory_space<hbm>> -> memref<50000x16xf32, #tpu.memory_space<hbm>>
        tpu.enqueue_indirect_dma source(%dma_start3A_149 : memref<50000x16xf32, #tpu.memory_space<hbm>>) target(%dma_start3A_143 : memref<128x16xf32, #tpu.memory_space<vmem>>) offsets(%dma_start3A_146 : memref<128xi32, #tpu.memory_space<vmem>>) semaphore(%arg7 : memref<!tpu.dma_semaphore, #tpu.memory_space<semaphore_mem>>)
        %dma_start3A_150 = arith.constant 0 : i32
        %dma_start3A_151 = arith.constant 6 : i32
        %dma_start3A_152 = arith.constant 0 : i32
        %dma_start3A_153 = arith.constant 768 : i32
        %dma_start3A_154 = arith.constant 0 : i32
        %dma_start3A_155 = tpu.memref_slice %arg6[%dma_start3A_152, %dma_start3A_153, %dma_start3A_154] : memref<2x1280x16xf32, #tpu.memory_space<vmem>> -> memref<1x128x16xf32, #tpu.memory_space<vmem>>
        %dma_start3A_156 = tpu.memref_squeeze %dma_start3A_155 : memref<1x128x16xf32, #tpu.memory_space<vmem>> -> memref<128x16xf32, #tpu.memory_space<vmem>>
        %dma_start3A_157 = arith.constant 0 : i32
        %dma_start3A_158 = tpu.memref_slice %arg5[%dma_start3A_150, %dma_start3A_151, %dma_start3A_157] : memref<2x10x128xi32, #tpu.memory_space<vmem>> -> memref<1x1x128xi32, #tpu.memory_space<vmem>>
        %dma_start3A_159 = tpu.memref_squeeze %dma_start3A_158 : memref<1x1x128xi32, #tpu.memory_space<vmem>> -> memref<128xi32, #tpu.memory_space<vmem>>
        %dma_start3A_160 = arith.constant 0 : i32
        %dma_start3A_161 = arith.constant 0 : i32
        %dma_start3A_162 = tpu.memref_slice %arg2[%dma_start3A_160, %dma_start3A_161] : memref<50000x16xf32, #tpu.memory_space<hbm>> -> memref<50000x16xf32, #tpu.memory_space<hbm>>
        tpu.enqueue_indirect_dma source(%dma_start3A_162 : memref<50000x16xf32, #tpu.memory_space<hbm>>) target(%dma_start3A_156 : memref<128x16xf32, #tpu.memory_space<vmem>>) offsets(%dma_start3A_159 : memref<128xi32, #tpu.memory_space<vmem>>) semaphore(%arg7 : memref<!tpu.dma_semaphore, #tpu.memory_space<semaphore_mem>>)
        %dma_start3A_163 = arith.constant 0 : i32
        %dma_start3A_164 = arith.constant 7 : i32
        %dma_start3A_165 = arith.constant 0 : i32
        %dma_start3A_166 = arith.constant 896 : i32
        %dma_start3A_167 = arith.constant 0 : i32
        %dma_start3A_168 = tpu.memref_slice %arg6[%dma_start3A_165, %dma_start3A_166, %dma_start3A_167] : memref<2x1280x16xf32, #tpu.memory_space<vmem>> -> memref<1x128x16xf32, #tpu.memory_space<vmem>>
        %dma_start3A_169 = tpu.memref_squeeze %dma_start3A_168 : memref<1x128x16xf32, #tpu.memory_space<vmem>> -> memref<128x16xf32, #tpu.memory_space<vmem>>
        %dma_start3A_170 = arith.constant 0 : i32
        %dma_start3A_171 = tpu.memref_slice %arg5[%dma_start3A_163, %dma_start3A_164, %dma_start3A_170] : memref<2x10x128xi32, #tpu.memory_space<vmem>> -> memref<1x1x128xi32, #tpu.memory_space<vmem>>
        %dma_start3A_172 = tpu.memref_squeeze %dma_start3A_171 : memref<1x1x128xi32, #tpu.memory_space<vmem>> -> memref<128xi32, #tpu.memory_space<vmem>>
        %dma_start3A_173 = arith.constant 0 : i32
        %dma_start3A_174 = arith.constant 0 : i32
        %dma_start3A_175 = tpu.memref_slice %arg2[%dma_start3A_173, %dma_start3A_174] : memref<50000x16xf32, #tpu.memory_space<hbm>> -> memref<50000x16xf32, #tpu.memory_space<hbm>>
        tpu.enqueue_indirect_dma source(%dma_start3A_175 : memref<50000x16xf32, #tpu.memory_space<hbm>>) target(%dma_start3A_169 : memref<128x16xf32, #tpu.memory_space<vmem>>) offsets(%dma_start3A_172 : memref<128xi32, #tpu.memory_space<vmem>>) semaphore(%arg7 : memref<!tpu.dma_semaphore, #tpu.memory_space<semaphore_mem>>)
        %dma_start3A_176 = arith.constant 0 : i32
        %dma_start3A_177 = arith.constant 8 : i32
        %dma_start3A_178 = arith.constant 0 : i32
        %dma_start3A_179 = arith.constant 1024 : i32
        %dma_start3A_180 = arith.constant 0 : i32
        %dma_start3A_181 = tpu.memref_slice %arg6[%dma_start3A_178, %dma_start3A_179, %dma_start3A_180] : memref<2x1280x16xf32, #tpu.memory_space<vmem>> -> memref<1x128x16xf32, #tpu.memory_space<vmem>>
        %dma_start3A_182 = tpu.memref_squeeze %dma_start3A_181 : memref<1x128x16xf32, #tpu.memory_space<vmem>> -> memref<128x16xf32, #tpu.memory_space<vmem>>
        %dma_start3A_183 = arith.constant 0 : i32
        %dma_start3A_184 = tpu.memref_slice %arg5[%dma_start3A_176, %dma_start3A_177, %dma_start3A_183] : memref<2x10x128xi32, #tpu.memory_space<vmem>> -> memref<1x1x128xi32, #tpu.memory_space<vmem>>
        %dma_start3A_185 = tpu.memref_squeeze %dma_start3A_184 : memref<1x1x128xi32, #tpu.memory_space<vmem>> -> memref<128xi32, #tpu.memory_space<vmem>>
        %dma_start3A_186 = arith.constant 0 : i32
        %dma_start3A_187 = arith.constant 0 : i32
        %dma_start3A_188 = tpu.memref_slice %arg2[%dma_start3A_186, %dma_start3A_187] : memref<50000x16xf32, #tpu.memory_space<hbm>> -> memref<50000x16xf32, #tpu.memory_space<hbm>>
        tpu.enqueue_indirect_dma source(%dma_start3A_188 : memref<50000x16xf32, #tpu.memory_space<hbm>>) target(%dma_start3A_182 : memref<128x16xf32, #tpu.memory_space<vmem>>) offsets(%dma_start3A_185 : memref<128xi32, #tpu.memory_space<vmem>>) semaphore(%arg7 : memref<!tpu.dma_semaphore, #tpu.memory_space<semaphore_mem>>)
        %dma_start3A_189 = arith.constant 0 : i32
        %dma_start3A_190 = arith.constant 9 : i32
        %dma_start3A_191 = arith.constant 0 : i32
        %dma_start3A_192 = arith.constant 1152 : i32
        %dma_start3A_193 = arith.constant 0 : i32
        %dma_start3A_194 = tpu.memref_slice %arg6[%dma_start3A_191, %dma_start3A_192, %dma_start3A_193] : memref<2x1280x16xf32, #tpu.memory_space<vmem>> -> memref<1x128x16xf32, #tpu.memory_space<vmem>>
        %dma_start3A_195 = tpu.memref_squeeze %dma_start3A_194 : memref<1x128x16xf32, #tpu.memory_space<vmem>> -> memref<128x16xf32, #tpu.memory_space<vmem>>
        %dma_start3A_196 = arith.constant 0 : i32
        %dma_start3A_197 = tpu.memref_slice %arg5[%dma_start3A_189, %dma_start3A_190, %dma_start3A_196] : memref<2x10x128xi32, #tpu.memory_space<vmem>> -> memref<1x1x128xi32, #tpu.memory_space<vmem>>
        %dma_start3A_198 = tpu.memref_squeeze %dma_start3A_197 : memref<1x1x128xi32, #tpu.memory_space<vmem>> -> memref<128xi32, #tpu.memory_space<vmem>>
        %dma_start3A_199 = arith.constant 0 : i32
        %dma_start3A_200 = arith.constant 0 : i32
        %dma_start3A_201 = tpu.memref_slice %arg2[%dma_start3A_199, %dma_start3A_200] : memref<50000x16xf32, #tpu.memory_space<hbm>> -> memref<50000x16xf32, #tpu.memory_space<hbm>>
        tpu.enqueue_indirect_dma source(%dma_start3A_201 : memref<50000x16xf32, #tpu.memory_space<hbm>>) target(%dma_start3A_195 : memref<128x16xf32, #tpu.memory_space<vmem>>) offsets(%dma_start3A_198 : memref<128xi32, #tpu.memory_space<vmem>>) semaphore(%arg7 : memref<!tpu.dma_semaphore, #tpu.memory_space<semaphore_mem>>)
      } else {
      }
      %mul3A_63 = arith.constant 32 : i32
      %mul3A_64 = arith.muli %add3A_47, %mul3A_63 : i32
      %add3A_65 = arith.addi %mul3A_64, %add3A : i32
      %lt3A_66 = arith.constant 625 : i32
      %lt3A_67 = arith.cmpi slt, %add3A_65, %lt3A_66 : i32
      %convert_element_type3A_68 = arith.extui %lt3A_67 : i1 to i32
      %cond3A_69 = arith.constant 0 : i32
      %cond3A_70 = arith.cmpi ne, %convert_element_type3A_68, %cond3A_69 : i32
      scf.if %cond3A_70 {
        %mul3A_71 = arith.constant 1280 : i32
        %mul3A_72 = arith.muli %add3A_65, %mul3A_71 : i32
        %dma_wait3A = arith.constant 1 : i32
        %dma_wait3A_73 = arith.constant 0 : i32
        %dma_wait3A_74 = arith.constant 0 : i32
        %dma_wait3A_75 = tpu.memref_slice %arg6[%dma_wait3A, %dma_wait3A_73, %dma_wait3A_74] : memref<2x1280x16xf32, #tpu.memory_space<vmem>> -> memref<1x1280x16xf32, #tpu.memory_space<vmem>>
        %dma_wait3A_76 = tpu.memref_squeeze %dma_wait3A_75 : memref<1x1280x16xf32, #tpu.memory_space<vmem>> -> memref<1280x16xf32, #tpu.memory_space<vmem>>
        %dma_wait3A_77 = arith.constant 0 : i32
        %dma_wait3A_78 = arith.constant 0 : i32
        %dma_wait3A_79 = tpu.memref_slice %arg4[%dma_wait3A_77, %dma_wait3A_78] : memref<800000x16xf32, #tpu.memory_space<hbm>> -> memref<1280x16xf32, #tpu.memory_space<hbm>>
        %dma_wait3A_80 = arith.constant 0 : i32
        %dma_wait3A_81 = arith.constant 0 : i32
        %dma_wait3A_82 = tpu.memref_slice %arg6[%dma_wait3A, %dma_wait3A_80, %dma_wait3A_81] : memref<2x1280x16xf32, #tpu.memory_space<vmem>> -> memref<1x1280x16xf32, #tpu.memory_space<vmem>>
        %dma_wait3A_83 = tpu.memref_squeeze %dma_wait3A_82 : memref<1x1280x16xf32, #tpu.memory_space<vmem>> -> memref<1280x16xf32, #tpu.memory_space<vmem>>
        %dma_wait3A_84 = arith.constant 0 : i32
        %dma_wait3A_85 = arith.constant 0 : i32
        %dma_wait3A_86 = tpu.memref_slice %arg4[%dma_wait3A_84, %dma_wait3A_85] : memref<800000x16xf32, #tpu.memory_space<hbm>> -> memref<1280x16xf32, #tpu.memory_space<hbm>>
        tpu.wait_dma2 semaphore(%arg8 : memref<!tpu.dma_semaphore, #tpu.memory_space<semaphore_mem>>) src(%dma_wait3A_86 : memref<1280x16xf32, #tpu.memory_space<hbm>>) dst(%dma_wait3A_83 : memref<1280x16xf32, #tpu.memory_space<vmem>>)
        %dma_start3A = arith.constant 1 : i32
        %dma_start3A_87 = arith.constant 0 : i32
        %dma_start3A_88 = arith.constant 0 : i32
        %dma_start3A_89 = tpu.memref_slice %arg6[%dma_start3A, %dma_start3A_87, %dma_start3A_88] : memref<2x1280x16xf32, #tpu.memory_space<vmem>> -> memref<1x1280x16xf32, #tpu.memory_space<vmem>>
        %dma_start3A_90 = tpu.memref_squeeze %dma_start3A_89 : memref<1x1280x16xf32, #tpu.memory_space<vmem>> -> memref<1280x16xf32, #tpu.memory_space<vmem>>
        %dma_start3A_91 = arith.constant 0 : i32
        %dma_start3A_92 = tpu.memref_slice %arg4[%mul3A_72, %dma_start3A_91] : memref<800000x16xf32, #tpu.memory_space<hbm>> -> memref<1280x16xf32, #tpu.memory_space<hbm>>
        %dma_start3A_93 = arith.constant 0 : i32
        %dma_start3A_94 = tpu.memref_slice %arg4[%mul3A_72, %dma_start3A_93] : memref<800000x16xf32, #tpu.memory_space<hbm>> -> memref<1280x16xf32, #tpu.memory_space<hbm>>
        %dma_start3A_95 = arith.constant 0 : i32
        %dma_start3A_96 = arith.constant 0 : i32
        %dma_start3A_97 = tpu.memref_slice %arg6[%dma_start3A, %dma_start3A_95, %dma_start3A_96] : memref<2x1280x16xf32, #tpu.memory_space<vmem>> -> memref<1x1280x16xf32, #tpu.memory_space<vmem>>
        %dma_start3A_98 = tpu.memref_squeeze %dma_start3A_97 : memref<1x1280x16xf32, #tpu.memory_space<vmem>> -> memref<1280x16xf32, #tpu.memory_space<vmem>>
        tpu.enqueue_dma source(%dma_start3A_98 : memref<1280x16xf32, #tpu.memory_space<vmem>>) target(%dma_start3A_94 : memref<1280x16xf32, #tpu.memory_space<hbm>>) target_semaphore(%arg10 : memref<!tpu.dma_semaphore, #tpu.memory_space<semaphore_mem>>)
      } else {
      }
    }
    %scan3A_9 = arith.constant 10 : i32
    %add3A_10 = arith.constant 608 : i32
    %add3A_11 = arith.addi %add3A_10, %add3A : i32
    %lt3A_12 = arith.constant 625 : i32
    %lt3A_13 = arith.cmpi slt, %add3A_11, %lt3A_12 : i32
    %convert_element_type3A_14 = arith.extui %lt3A_13 : i1 to i32
    %cond3A_15 = arith.constant 0 : i32
    %cond3A_16 = arith.cmpi ne, %convert_element_type3A_14, %cond3A_15 : i32
    scf.if %cond3A_16 {
      %dma_wait3A = arith.constant 1 : i32
      %dma_wait3A_17 = arith.constant 0 : i32
      %dma_wait3A_18 = arith.constant 0 : i32
      %dma_wait3A_19 = tpu.memref_slice %arg6[%dma_wait3A, %dma_wait3A_17, %dma_wait3A_18] : memref<2x1280x16xf32, #tpu.memory_space<vmem>> -> memref<1x1280x16xf32, #tpu.memory_space<vmem>>
      %dma_wait3A_20 = tpu.memref_squeeze %dma_wait3A_19 : memref<1x1280x16xf32, #tpu.memory_space<vmem>> -> memref<1280x16xf32, #tpu.memory_space<vmem>>
      %dma_wait3A_21 = arith.constant 0 : i32
      %dma_wait3A_22 = arith.constant 0 : i32
      %dma_wait3A_23 = tpu.memref_slice %arg4[%dma_wait3A_21, %dma_wait3A_22] : memref<800000x16xf32, #tpu.memory_space<hbm>> -> memref<1280x16xf32, #tpu.memory_space<hbm>>
      %dma_wait3A_24 = arith.constant 0 : i32
      %dma_wait3A_25 = arith.constant 0 : i32
      %dma_wait3A_26 = tpu.memref_slice %arg4[%dma_wait3A_24, %dma_wait3A_25] : memref<800000x16xf32, #tpu.memory_space<hbm>> -> memref<1280x16xf32, #tpu.memory_space<hbm>>
      %dma_wait3A_27 = arith.constant 0 : i32
      %dma_wait3A_28 = arith.constant 0 : i32
      %dma_wait3A_29 = tpu.memref_slice %arg6[%dma_wait3A, %dma_wait3A_27, %dma_wait3A_28] : memref<2x1280x16xf32, #tpu.memory_space<vmem>> -> memref<1x1280x16xf32, #tpu.memory_space<vmem>>
      %dma_wait3A_30 = tpu.memref_squeeze %dma_wait3A_29 : memref<1x1280x16xf32, #tpu.memory_space<vmem>> -> memref<1280x16xf32, #tpu.memory_space<vmem>>
      tpu.wait_dma2 semaphore(%arg10 : memref<!tpu.dma_semaphore, #tpu.memory_space<semaphore_mem>>) src(%dma_wait3A_30 : memref<1280x16xf32, #tpu.memory_space<vmem>>) dst(%dma_wait3A_26 : memref<1280x16xf32, #tpu.memory_space<hbm>>)
    } else {
    }
    return
  }
}

#map = affine_map<(d0, d1) -> (0, 0)>
module attributes {stable_mosaic.version = 14 : i64} {
  func.func @gather_k(%arg0: i32, %arg1: i32, %arg2: memref<50000x32xf32, #tpu.memory_space<hbm>>, %arg3: memref<6250x128xi32, #tpu.memory_space<hbm>>, %arg4: memref<800000x32xf32, #tpu.memory_space<hbm>>, %arg5: memref<2x10x128xi32, #tpu.memory_space<vmem>>, %arg6: memref<2x1280x32xf32, #tpu.memory_space<vmem>>, %arg7: memref<!tpu.dma_semaphore, #tpu.memory_space<semaphore_mem>>, %arg8: memref<!tpu.dma_semaphore, #tpu.memory_space<semaphore_mem>>, %arg9: memref<!tpu.dma_semaphore, #tpu.memory_space<semaphore_mem>>, %arg10: memref<!tpu.dma_semaphore, #tpu.memory_space<semaphore_mem>>) attributes {dimension_semantics = [#tpu.dimension_semantics<core_parallel>, #tpu.dimension_semantics<subcore_parallel>], iteration_bounds = array<i64: 2, 16>, scalar_prefetch = 0 : i64, scratch_operands = 6 : i64, tpu.core_type = #tpu.core_type<sc_vector_subcore>, window_params = [{transform_indices = #map}, {transform_indices = #map}, {transform_indices = #map}]} {
    %mul3A = arith.constant 2 : i32
    %mul3A_0 = arith.muli %arg1, %mul3A : i32
    %add3A = arith.addi %mul3A_0, %arg0 : i32
    %add3A_1 = arith.constant 0 : i32
    %add3A_2 = arith.addi %add3A_1, %add3A : i32
    %lt3A = arith.constant 625 : i32
    %lt3A_3 = arith.cmpi slt, %add3A_2, %lt3A : i32
    %convert_element_type3A = arith.extui %lt3A_3 : i1 to i32
    %cond3A = arith.constant 0 : i32
    %cond3A_4 = arith.cmpi ne, %convert_element_type3A, %cond3A : i32
    scf.if %cond3A_4 {
      %mul3A_17 = arith.constant 10 : i32
      %mul3A_18 = arith.muli %add3A_2, %mul3A_17 : i32
      %run_scoped3A = arith.constant 0 : i32
      "tpu.region"() ({
        %run_scoped3A_148 = tpu.sem_alloc : memref<!tpu.dma_semaphore, #tpu.memory_space<semaphore_mem>>
        %dma_start3A_149 = arith.constant 0 : i32
        %dma_start3A_150 = arith.constant 0 : i32
        %dma_start3A_151 = tpu.memref_slice %arg5[%run_scoped3A, %dma_start3A_149, %dma_start3A_150] : memref<2x10x128xi32, #tpu.memory_space<vmem>> -> memref<1x10x128xi32, #tpu.memory_space<vmem>>
        %dma_start3A_152 = tpu.memref_squeeze %dma_start3A_151 : memref<1x10x128xi32, #tpu.memory_space<vmem>> -> memref<10x128xi32, #tpu.memory_space<vmem>>
        %dma_start3A_153 = arith.constant 0 : i32
        %dma_start3A_154 = tpu.memref_slice %arg3[%mul3A_18, %dma_start3A_153] : memref<6250x128xi32, #tpu.memory_space<hbm>> -> memref<10x128xi32, #tpu.memory_space<hbm>>
        %dma_start3A_155 = arith.constant 0 : i32
        %dma_start3A_156 = arith.constant 0 : i32
        %dma_start3A_157 = tpu.memref_slice %arg5[%run_scoped3A, %dma_start3A_155, %dma_start3A_156] : memref<2x10x128xi32, #tpu.memory_space<vmem>> -> memref<1x10x128xi32, #tpu.memory_space<vmem>>
        %dma_start3A_158 = tpu.memref_squeeze %dma_start3A_157 : memref<1x10x128xi32, #tpu.memory_space<vmem>> -> memref<10x128xi32, #tpu.memory_space<vmem>>
        %dma_start3A_159 = arith.constant 0 : i32
        %dma_start3A_160 = tpu.memref_slice %arg3[%mul3A_18, %dma_start3A_159] : memref<6250x128xi32, #tpu.memory_space<hbm>> -> memref<10x128xi32, #tpu.memory_space<hbm>>
        tpu.enqueue_dma source(%dma_start3A_160 : memref<10x128xi32, #tpu.memory_space<hbm>>) target(%dma_start3A_158 : memref<10x128xi32, #tpu.memory_space<vmem>>) target_semaphore(%run_scoped3A_148 : memref<!tpu.dma_semaphore, #tpu.memory_space<semaphore_mem>>)
        %dma_wait3A = arith.constant 0 : i32
        %dma_wait3A_161 = arith.constant 0 : i32
        %dma_wait3A_162 = tpu.memref_slice %arg5[%run_scoped3A, %dma_wait3A, %dma_wait3A_161] : memref<2x10x128xi32, #tpu.memory_space<vmem>> -> memref<1x10x128xi32, #tpu.memory_space<vmem>>
        %dma_wait3A_163 = tpu.memref_squeeze %dma_wait3A_162 : memref<1x10x128xi32, #tpu.memory_space<vmem>> -> memref<10x128xi32, #tpu.memory_space<vmem>>
        %dma_wait3A_164 = arith.constant 0 : i32
        %dma_wait3A_165 = tpu.memref_slice %arg3[%mul3A_18, %dma_wait3A_164] : memref<6250x128xi32, #tpu.memory_space<hbm>> -> memref<10x128xi32, #tpu.memory_space<hbm>>
        %dma_wait3A_166 = arith.constant 0 : i32
        %dma_wait3A_167 = arith.constant 0 : i32
        %dma_wait3A_168 = tpu.memref_slice %arg5[%run_scoped3A, %dma_wait3A_166, %dma_wait3A_167] : memref<2x10x128xi32, #tpu.memory_space<vmem>> -> memref<1x10x128xi32, #tpu.memory_space<vmem>>
        %dma_wait3A_169 = tpu.memref_squeeze %dma_wait3A_168 : memref<1x10x128xi32, #tpu.memory_space<vmem>> -> memref<10x128xi32, #tpu.memory_space<vmem>>
        %dma_wait3A_170 = arith.constant 0 : i32
        %dma_wait3A_171 = tpu.memref_slice %arg3[%mul3A_18, %dma_wait3A_170] : memref<6250x128xi32, #tpu.memory_space<hbm>> -> memref<10x128xi32, #tpu.memory_space<hbm>>
        tpu.wait_dma2 semaphore(%run_scoped3A_148 : memref<!tpu.dma_semaphore, #tpu.memory_space<semaphore_mem>>) src(%dma_wait3A_171 : memref<10x128xi32, #tpu.memory_space<hbm>>) dst(%dma_wait3A_169 : memref<10x128xi32, #tpu.memory_space<vmem>>)
        tpu.yield
      }) : () -> ()
      %dma_start3A = arith.constant 0 : i32
      %dma_start3A_19 = arith.constant 0 : i32
      %dma_start3A_20 = arith.constant 0 : i32
      %dma_start3A_21 = arith.constant 0 : i32
      %dma_start3A_22 = arith.constant 0 : i32
      %dma_start3A_23 = tpu.memref_slice %arg6[%dma_start3A_20, %dma_start3A_21, %dma_start3A_22] : memref<2x1280x32xf32, #tpu.memory_space<vmem>> -> memref<1x128x32xf32, #tpu.memory_space<vmem>>
      %dma_start3A_24 = tpu.memref_squeeze %dma_start3A_23 : memref<1x128x32xf32, #tpu.memory_space<vmem>> -> memref<128x32xf32, #tpu.memory_space<vmem>>
      %dma_start3A_25 = arith.constant 0 : i32
      %dma_start3A_26 = tpu.memref_slice %arg5[%dma_start3A, %dma_start3A_19, %dma_start3A_25] : memref<2x10x128xi32, #tpu.memory_space<vmem>> -> memref<1x1x128xi32, #tpu.memory_space<vmem>>
      %dma_start3A_27 = tpu.memref_squeeze %dma_start3A_26 : memref<1x1x128xi32, #tpu.memory_space<vmem>> -> memref<128xi32, #tpu.memory_space<vmem>>
      %dma_start3A_28 = arith.constant 0 : i32
      %dma_start3A_29 = arith.constant 0 : i32
      %dma_start3A_30 = tpu.memref_slice %arg2[%dma_start3A_28, %dma_start3A_29] : memref<50000x32xf32, #tpu.memory_space<hbm>> -> memref<50000x32xf32, #tpu.memory_space<hbm>>
      tpu.enqueue_indirect_dma source(%dma_start3A_30 : memref<50000x32xf32, #tpu.memory_space<hbm>>) target(%dma_start3A_24 : memref<128x32xf32, #tpu.memory_space<vmem>>) offsets(%dma_start3A_27 : memref<128xi32, #tpu.memory_space<vmem>>) semaphore(%arg7 : memref<!tpu.dma_semaphore, #tpu.memory_space<semaphore_mem>>)
      %dma_start3A_31 = arith.constant 0 : i32
      %dma_start3A_32 = arith.constant 1 : i32
      %dma_start3A_33 = arith.constant 0 : i32
      %dma_start3A_34 = arith.constant 128 : i32
      %dma_start3A_35 = arith.constant 0 : i32
      %dma_start3A_36 = tpu.memref_slice %arg6[%dma_start3A_33, %dma_start3A_34, %dma_start3A_35] : memref<2x1280x32xf32, #tpu.memory_space<vmem>> -> memref<1x128x32xf32, #tpu.memory_space<vmem>>
      %dma_start3A_37 = tpu.memref_squeeze %dma_start3A_36 : memref<1x128x32xf32, #tpu.memory_space<vmem>> -> memref<128x32xf32, #tpu.memory_space<vmem>>
      %dma_start3A_38 = arith.constant 0 : i32
      %dma_start3A_39 = tpu.memref_slice %arg5[%dma_start3A_31, %dma_start3A_32, %dma_start3A_38] : memref<2x10x128xi32, #tpu.memory_space<vmem>> -> memref<1x1x128xi32, #tpu.memory_space<vmem>>
      %dma_start3A_40 = tpu.memref_squeeze %dma_start3A_39 : memref<1x1x128xi32, #tpu.memory_space<vmem>> -> memref<128xi32, #tpu.memory_space<vmem>>
      %dma_start3A_41 = arith.constant 0 : i32
      %dma_start3A_42 = arith.constant 0 : i32
      %dma_start3A_43 = tpu.memref_slice %arg2[%dma_start3A_41, %dma_start3A_42] : memref<50000x32xf32, #tpu.memory_space<hbm>> -> memref<50000x32xf32, #tpu.memory_space<hbm>>
      tpu.enqueue_indirect_dma source(%dma_start3A_43 : memref<50000x32xf32, #tpu.memory_space<hbm>>) target(%dma_start3A_37 : memref<128x32xf32, #tpu.memory_space<vmem>>) offsets(%dma_start3A_40 : memref<128xi32, #tpu.memory_space<vmem>>) semaphore(%arg7 : memref<!tpu.dma_semaphore, #tpu.memory_space<semaphore_mem>>)
      %dma_start3A_44 = arith.constant 0 : i32
      %dma_start3A_45 = arith.constant 2 : i32
      %dma_start3A_46 = arith.constant 0 : i32
      %dma_start3A_47 = arith.constant 256 : i32
      %dma_start3A_48 = arith.constant 0 : i32
      %dma_start3A_49 = tpu.memref_slice %arg6[%dma_start3A_46, %dma_start3A_47, %dma_start3A_48] : memref<2x1280x32xf32, #tpu.memory_space<vmem>> -> memref<1x128x32xf32, #tpu.memory_space<vmem>>
      %dma_start3A_50 = tpu.memref_squeeze %dma_start3A_49 : memref<1x128x32xf32, #tpu.memory_space<vmem>> -> memref<128x32xf32, #tpu.memory_space<vmem>>
      %dma_start3A_51 = arith.constant 0 : i32
      %dma_start3A_52 = tpu.memref_slice %arg5[%dma_start3A_44, %dma_start3A_45, %dma_start3A_51] : memref<2x10x128xi32, #tpu.memory_space<vmem>> -> memref<1x1x128xi32, #tpu.memory_space<vmem>>
      %dma_start3A_53 = tpu.memref_squeeze %dma_start3A_52 : memref<1x1x128xi32, #tpu.memory_space<vmem>> -> memref<128xi32, #tpu.memory_space<vmem>>
      %dma_start3A_54 = arith.constant 0 : i32
      %dma_start3A_55 = arith.constant 0 : i32
      %dma_start3A_56 = tpu.memref_slice %arg2[%dma_start3A_54, %dma_start3A_55] : memref<50000x32xf32, #tpu.memory_space<hbm>> -> memref<50000x32xf32, #tpu.memory_space<hbm>>
      tpu.enqueue_indirect_dma source(%dma_start3A_56 : memref<50000x32xf32, #tpu.memory_space<hbm>>) target(%dma_start3A_50 : memref<128x32xf32, #tpu.memory_space<vmem>>) offsets(%dma_start3A_53 : memref<128xi32, #tpu.memory_space<vmem>>) semaphore(%arg7 : memref<!tpu.dma_semaphore, #tpu.memory_space<semaphore_mem>>)
      %dma_start3A_57 = arith.constant 0 : i32
      %dma_start3A_58 = arith.constant 3 : i32
      %dma_start3A_59 = arith.constant 0 : i32
      %dma_start3A_60 = arith.constant 384 : i32
      %dma_start3A_61 = arith.constant 0 : i32
      %dma_start3A_62 = tpu.memref_slice %arg6[%dma_start3A_59, %dma_start3A_60, %dma_start3A_61] : memref<2x1280x32xf32, #tpu.memory_space<vmem>> -> memref<1x128x32xf32, #tpu.memory_space<vmem>>
      %dma_start3A_63 = tpu.memref_squeeze %dma_start3A_62 : memref<1x128x32xf32, #tpu.memory_space<vmem>> -> memref<128x32xf32, #tpu.memory_space<vmem>>
      %dma_start3A_64 = arith.constant 0 : i32
      %dma_start3A_65 = tpu.memref_slice %arg5[%dma_start3A_57, %dma_start3A_58, %dma_start3A_64] : memref<2x10x128xi32, #tpu.memory_space<vmem>> -> memref<1x1x128xi32, #tpu.memory_space<vmem>>
      %dma_start3A_66 = tpu.memref_squeeze %dma_start3A_65 : memref<1x1x128xi32, #tpu.memory_space<vmem>> -> memref<128xi32, #tpu.memory_space<vmem>>
      %dma_start3A_67 = arith.constant 0 : i32
      %dma_start3A_68 = arith.constant 0 : i32
      %dma_start3A_69 = tpu.memref_slice %arg2[%dma_start3A_67, %dma_start3A_68] : memref<50000x32xf32, #tpu.memory_space<hbm>> -> memref<50000x32xf32, #tpu.memory_space<hbm>>
      tpu.enqueue_indirect_dma source(%dma_start3A_69 : memref<50000x32xf32, #tpu.memory_space<hbm>>) target(%dma_start3A_63 : memref<128x32xf32, #tpu.memory_space<vmem>>) offsets(%dma_start3A_66 : memref<128xi32, #tpu.memory_space<vmem>>) semaphore(%arg7 : memref<!tpu.dma_semaphore, #tpu.memory_space<semaphore_mem>>)
      %dma_start3A_70 = arith.constant 0 : i32
      %dma_start3A_71 = arith.constant 4 : i32
      %dma_start3A_72 = arith.constant 0 : i32
      %dma_start3A_73 = arith.constant 512 : i32
      %dma_start3A_74 = arith.constant 0 : i32
      %dma_start3A_75 = tpu.memref_slice %arg6[%dma_start3A_72, %dma_start3A_73, %dma_start3A_74] : memref<2x1280x32xf32, #tpu.memory_space<vmem>> -> memref<1x128x32xf32, #tpu.memory_space<vmem>>
      %dma_start3A_76 = tpu.memref_squeeze %dma_start3A_75 : memref<1x128x32xf32, #tpu.memory_space<vmem>> -> memref<128x32xf32, #tpu.memory_space<vmem>>
      %dma_start3A_77 = arith.constant 0 : i32
      %dma_start3A_78 = tpu.memref_slice %arg5[%dma_start3A_70, %dma_start3A_71, %dma_start3A_77] : memref<2x10x128xi32, #tpu.memory_space<vmem>> -> memref<1x1x128xi32, #tpu.memory_space<vmem>>
      %dma_start3A_79 = tpu.memref_squeeze %dma_start3A_78 : memref<1x1x128xi32, #tpu.memory_space<vmem>> -> memref<128xi32, #tpu.memory_space<vmem>>
      %dma_start3A_80 = arith.constant 0 : i32
      %dma_start3A_81 = arith.constant 0 : i32
      %dma_start3A_82 = tpu.memref_slice %arg2[%dma_start3A_80, %dma_start3A_81] : memref<50000x32xf32, #tpu.memory_space<hbm>> -> memref<50000x32xf32, #tpu.memory_space<hbm>>
      tpu.enqueue_indirect_dma source(%dma_start3A_82 : memref<50000x32xf32, #tpu.memory_space<hbm>>) target(%dma_start3A_76 : memref<128x32xf32, #tpu.memory_space<vmem>>) offsets(%dma_start3A_79 : memref<128xi32, #tpu.memory_space<vmem>>) semaphore(%arg7 : memref<!tpu.dma_semaphore, #tpu.memory_space<semaphore_mem>>)
      %dma_start3A_83 = arith.constant 0 : i32
      %dma_start3A_84 = arith.constant 5 : i32
      %dma_start3A_85 = arith.constant 0 : i32
      %dma_start3A_86 = arith.constant 640 : i32
      %dma_start3A_87 = arith.constant 0 : i32
      %dma_start3A_88 = tpu.memref_slice %arg6[%dma_start3A_85, %dma_start3A_86, %dma_start3A_87] : memref<2x1280x32xf32, #tpu.memory_space<vmem>> -> memref<1x128x32xf32, #tpu.memory_space<vmem>>
      %dma_start3A_89 = tpu.memref_squeeze %dma_start3A_88 : memref<1x128x32xf32, #tpu.memory_space<vmem>> -> memref<128x32xf32, #tpu.memory_space<vmem>>
      %dma_start3A_90 = arith.constant 0 : i32
      %dma_start3A_91 = tpu.memref_slice %arg5[%dma_start3A_83, %dma_start3A_84, %dma_start3A_90] : memref<2x10x128xi32, #tpu.memory_space<vmem>> -> memref<1x1x128xi32, #tpu.memory_space<vmem>>
      %dma_start3A_92 = tpu.memref_squeeze %dma_start3A_91 : memref<1x1x128xi32, #tpu.memory_space<vmem>> -> memref<128xi32, #tpu.memory_space<vmem>>
      %dma_start3A_93 = arith.constant 0 : i32
      %dma_start3A_94 = arith.constant 0 : i32
      %dma_start3A_95 = tpu.memref_slice %arg2[%dma_start3A_93, %dma_start3A_94] : memref<50000x32xf32, #tpu.memory_space<hbm>> -> memref<50000x32xf32, #tpu.memory_space<hbm>>
      tpu.enqueue_indirect_dma source(%dma_start3A_95 : memref<50000x32xf32, #tpu.memory_space<hbm>>) target(%dma_start3A_89 : memref<128x32xf32, #tpu.memory_space<vmem>>) offsets(%dma_start3A_92 : memref<128xi32, #tpu.memory_space<vmem>>) semaphore(%arg7 : memref<!tpu.dma_semaphore, #tpu.memory_space<semaphore_mem>>)
      %dma_start3A_96 = arith.constant 0 : i32
      %dma_start3A_97 = arith.constant 6 : i32
      %dma_start3A_98 = arith.constant 0 : i32
      %dma_start3A_99 = arith.constant 768 : i32
      %dma_start3A_100 = arith.constant 0 : i32
      %dma_start3A_101 = tpu.memref_slice %arg6[%dma_start3A_98, %dma_start3A_99, %dma_start3A_100] : memref<2x1280x32xf32, #tpu.memory_space<vmem>> -> memref<1x128x32xf32, #tpu.memory_space<vmem>>
      %dma_start3A_102 = tpu.memref_squeeze %dma_start3A_101 : memref<1x128x32xf32, #tpu.memory_space<vmem>> -> memref<128x32xf32, #tpu.memory_space<vmem>>
      %dma_start3A_103 = arith.constant 0 : i32
      %dma_start3A_104 = tpu.memref_slice %arg5[%dma_start3A_96, %dma_start3A_97, %dma_start3A_103] : memref<2x10x128xi32, #tpu.memory_space<vmem>> -> memref<1x1x128xi32, #tpu.memory_space<vmem>>
      %dma_start3A_105 = tpu.memref_squeeze %dma_start3A_104 : memref<1x1x128xi32, #tpu.memory_space<vmem>> -> memref<128xi32, #tpu.memory_space<vmem>>
      %dma_start3A_106 = arith.constant 0 : i32
      %dma_start3A_107 = arith.constant 0 : i32
      %dma_start3A_108 = tpu.memref_slice %arg2[%dma_start3A_106, %dma_start3A_107] : memref<50000x32xf32, #tpu.memory_space<hbm>> -> memref<50000x32xf32, #tpu.memory_space<hbm>>
      tpu.enqueue_indirect_dma source(%dma_start3A_108 : memref<50000x32xf32, #tpu.memory_space<hbm>>) target(%dma_start3A_102 : memref<128x32xf32, #tpu.memory_space<vmem>>) offsets(%dma_start3A_105 : memref<128xi32, #tpu.memory_space<vmem>>) semaphore(%arg7 : memref<!tpu.dma_semaphore, #tpu.memory_space<semaphore_mem>>)
      %dma_start3A_109 = arith.constant 0 : i32
      %dma_start3A_110 = arith.constant 7 : i32
      %dma_start3A_111 = arith.constant 0 : i32
      %dma_start3A_112 = arith.constant 896 : i32
      %dma_start3A_113 = arith.constant 0 : i32
      %dma_start3A_114 = tpu.memref_slice %arg6[%dma_start3A_111, %dma_start3A_112, %dma_start3A_113] : memref<2x1280x32xf32, #tpu.memory_space<vmem>> -> memref<1x128x32xf32, #tpu.memory_space<vmem>>
      %dma_start3A_115 = tpu.memref_squeeze %dma_start3A_114 : memref<1x128x32xf32, #tpu.memory_space<vmem>> -> memref<128x32xf32, #tpu.memory_space<vmem>>
      %dma_start3A_116 = arith.constant 0 : i32
      %dma_start3A_117 = tpu.memref_slice %arg5[%dma_start3A_109, %dma_start3A_110, %dma_start3A_116] : memref<2x10x128xi32, #tpu.memory_space<vmem>> -> memref<1x1x128xi32, #tpu.memory_space<vmem>>
      %dma_start3A_118 = tpu.memref_squeeze %dma_start3A_117 : memref<1x1x128xi32, #tpu.memory_space<vmem>> -> memref<128xi32, #tpu.memory_space<vmem>>
      %dma_start3A_119 = arith.constant 0 : i32
      %dma_start3A_120 = arith.constant 0 : i32
      %dma_start3A_121 = tpu.memref_slice %arg2[%dma_start3A_119, %dma_start3A_120] : memref<50000x32xf32, #tpu.memory_space<hbm>> -> memref<50000x32xf32, #tpu.memory_space<hbm>>
      tpu.enqueue_indirect_dma source(%dma_start3A_121 : memref<50000x32xf32, #tpu.memory_space<hbm>>) target(%dma_start3A_115 : memref<128x32xf32, #tpu.memory_space<vmem>>) offsets(%dma_start3A_118 : memref<128xi32, #tpu.memory_space<vmem>>) semaphore(%arg7 : memref<!tpu.dma_semaphore, #tpu.memory_space<semaphore_mem>>)
      %dma_start3A_122 = arith.constant 0 : i32
      %dma_start3A_123 = arith.constant 8 : i32
      %dma_start3A_124 = arith.constant 0 : i32
      %dma_start3A_125 = arith.constant 1024 : i32
      %dma_start3A_126 = arith.constant 0 : i32
      %dma_start3A_127 = tpu.memref_slice %arg6[%dma_start3A_124, %dma_start3A_125, %dma_start3A_126] : memref<2x1280x32xf32, #tpu.memory_space<vmem>> -> memref<1x128x32xf32, #tpu.memory_space<vmem>>
      %dma_start3A_128 = tpu.memref_squeeze %dma_start3A_127 : memref<1x128x32xf32, #tpu.memory_space<vmem>> -> memref<128x32xf32, #tpu.memory_space<vmem>>
      %dma_start3A_129 = arith.constant 0 : i32
      %dma_start3A_130 = tpu.memref_slice %arg5[%dma_start3A_122, %dma_start3A_123, %dma_start3A_129] : memref<2x10x128xi32, #tpu.memory_space<vmem>> -> memref<1x1x128xi32, #tpu.memory_space<vmem>>
      %dma_start3A_131 = tpu.memref_squeeze %dma_start3A_130 : memref<1x1x128xi32, #tpu.memory_space<vmem>> -> memref<128xi32, #tpu.memory_space<vmem>>
      %dma_start3A_132 = arith.constant 0 : i32
      %dma_start3A_133 = arith.constant 0 : i32
      %dma_start3A_134 = tpu.memref_slice %arg2[%dma_start3A_132, %dma_start3A_133] : memref<50000x32xf32, #tpu.memory_space<hbm>> -> memref<50000x32xf32, #tpu.memory_space<hbm>>
      tpu.enqueue_indirect_dma source(%dma_start3A_134 : memref<50000x32xf32, #tpu.memory_space<hbm>>) target(%dma_start3A_128 : memref<128x32xf32, #tpu.memory_space<vmem>>) offsets(%dma_start3A_131 : memref<128xi32, #tpu.memory_space<vmem>>) semaphore(%arg7 : memref<!tpu.dma_semaphore, #tpu.memory_space<semaphore_mem>>)
      %dma_start3A_135 = arith.constant 0 : i32
      %dma_start3A_136 = arith.constant 9 : i32
      %dma_start3A_137 = arith.constant 0 : i32
      %dma_start3A_138 = arith.constant 1152 : i32
      %dma_start3A_139 = arith.constant 0 : i32
      %dma_start3A_140 = tpu.memref_slice %arg6[%dma_start3A_137, %dma_start3A_138, %dma_start3A_139] : memref<2x1280x32xf32, #tpu.memory_space<vmem>> -> memref<1x128x32xf32, #tpu.memory_space<vmem>>
      %dma_start3A_141 = tpu.memref_squeeze %dma_start3A_140 : memref<1x128x32xf32, #tpu.memory_space<vmem>> -> memref<128x32xf32, #tpu.memory_space<vmem>>
      %dma_start3A_142 = arith.constant 0 : i32
      %dma_start3A_143 = tpu.memref_slice %arg5[%dma_start3A_135, %dma_start3A_136, %dma_start3A_142] : memref<2x10x128xi32, #tpu.memory_space<vmem>> -> memref<1x1x128xi32, #tpu.memory_space<vmem>>
      %dma_start3A_144 = tpu.memref_squeeze %dma_start3A_143 : memref<1x1x128xi32, #tpu.memory_space<vmem>> -> memref<128xi32, #tpu.memory_space<vmem>>
      %dma_start3A_145 = arith.constant 0 : i32
      %dma_start3A_146 = arith.constant 0 : i32
      %dma_start3A_147 = tpu.memref_slice %arg2[%dma_start3A_145, %dma_start3A_146] : memref<50000x32xf32, #tpu.memory_space<hbm>> -> memref<50000x32xf32, #tpu.memory_space<hbm>>
      tpu.enqueue_indirect_dma source(%dma_start3A_147 : memref<50000x32xf32, #tpu.memory_space<hbm>>) target(%dma_start3A_141 : memref<128x32xf32, #tpu.memory_space<vmem>>) offsets(%dma_start3A_144 : memref<128xi32, #tpu.memory_space<vmem>>) semaphore(%arg7 : memref<!tpu.dma_semaphore, #tpu.memory_space<semaphore_mem>>)
    } else {
    }
    %scan3A = arith.constant 0 : i32
    %scan3A_5 = arith.constant 0 : i32
    %scan3A_6 = arith.constant 10 : i32
    %scan3A_7 = arith.addi %scan3A_5, %scan3A_6 : i32
    %scan3A_8 = arith.constant 1 : i32
    scf.for %scan3A_17 = %scan3A_5 to %scan3A_7 step %scan3A_8  : i32 {
      %mul3A_18 = arith.constant 2 : i32
      %mul3A_19 = arith.muli %scan3A_17, %mul3A_18 : i32
      %add3A_20 = arith.constant 0 : i32
      %add3A_21 = arith.addi %mul3A_19, %add3A_20 : i32
      %ge3A = arith.constant 1 : i32
      %ge3A_22 = arith.cmpi sge, %add3A_21, %ge3A : i32
      %convert_element_type3A_23 = arith.extui %ge3A_22 : i1 to i32
      %cond3A_24 = arith.constant 0 : i32
      %cond3A_25 = arith.cmpi ne, %convert_element_type3A_23, %cond3A_24 : i32
      scf.if %cond3A_25 {
        %sub3A = arith.constant 1 : i32
        %sub3A_71 = arith.subi %add3A_21, %sub3A : i32
        %mul3A_72 = arith.constant 32 : i32
        %mul3A_73 = arith.muli %sub3A_71, %mul3A_72 : i32
        %add3A_74 = arith.addi %mul3A_73, %add3A : i32
        %lt3A_75 = arith.constant 625 : i32
        %lt3A_76 = arith.cmpi slt, %add3A_74, %lt3A_75 : i32
        %convert_element_type3A_77 = arith.extui %lt3A_76 : i1 to i32
        %cond3A_78 = arith.constant 0 : i32
        %cond3A_79 = arith.cmpi ne, %convert_element_type3A_77, %cond3A_78 : i32
        scf.if %cond3A_79 {
          %dma_wait3A = arith.constant 1 : i32
          %dma_wait3A_80 = arith.constant 0 : i32
          %dma_wait3A_81 = arith.constant 0 : i32
          %dma_wait3A_82 = tpu.memref_slice %arg6[%dma_wait3A, %dma_wait3A_80, %dma_wait3A_81] : memref<2x1280x32xf32, #tpu.memory_space<vmem>> -> memref<1x1280x32xf32, #tpu.memory_space<vmem>>
          %dma_wait3A_83 = tpu.memref_squeeze %dma_wait3A_82 : memref<1x1280x32xf32, #tpu.memory_space<vmem>> -> memref<1280x32xf32, #tpu.memory_space<vmem>>
          %dma_wait3A_84 = arith.constant 0 : i32
          %dma_wait3A_85 = arith.constant 0 : i32
          %dma_wait3A_86 = tpu.memref_slice %arg4[%dma_wait3A_84, %dma_wait3A_85] : memref<800000x32xf32, #tpu.memory_space<hbm>> -> memref<1280x32xf32, #tpu.memory_space<hbm>>
          %dma_wait3A_87 = arith.constant 0 : i32
          %dma_wait3A_88 = arith.constant 0 : i32
          %dma_wait3A_89 = tpu.memref_slice %arg4[%dma_wait3A_87, %dma_wait3A_88] : memref<800000x32xf32, #tpu.memory_space<hbm>> -> memref<1280x32xf32, #tpu.memory_space<hbm>>
          %dma_wait3A_90 = arith.constant 0 : i32
          %dma_wait3A_91 = arith.constant 0 : i32
          %dma_wait3A_92 = tpu.memref_slice %arg6[%dma_wait3A, %dma_wait3A_90, %dma_wait3A_91] : memref<2x1280x32xf32, #tpu.memory_space<vmem>> -> memref<1x1280x32xf32, #tpu.memory_space<vmem>>
          %dma_wait3A_93 = tpu.memref_squeeze %dma_wait3A_92 : memref<1x1280x32xf32, #tpu.memory_space<vmem>> -> memref<1280x32xf32, #tpu.memory_space<vmem>>
          tpu.wait_dma2 semaphore(%arg10 : memref<!tpu.dma_semaphore, #tpu.memory_space<semaphore_mem>>) src(%dma_wait3A_93 : memref<1280x32xf32, #tpu.memory_space<vmem>>) dst(%dma_wait3A_89 : memref<1280x32xf32, #tpu.memory_space<hbm>>)
        } else {
        }
      } else {
      }
      %add3A_26 = arith.constant 1 : i32
      %add3A_27 = arith.addi %add3A_21, %add3A_26 : i32
      %mul3A_28 = arith.constant 32 : i32
      %mul3A_29 = arith.muli %add3A_27, %mul3A_28 : i32
      %add3A_30 = arith.addi %mul3A_29, %add3A : i32
      %lt3A_31 = arith.constant 625 : i32
      %lt3A_32 = arith.cmpi slt, %add3A_30, %lt3A_31 : i32
      %convert_element_type3A_33 = arith.extui %lt3A_32 : i1 to i32
      %cond3A_34 = arith.constant 0 : i32
      %cond3A_35 = arith.cmpi ne, %convert_element_type3A_33, %cond3A_34 : i32
      scf.if %cond3A_35 {
        %mul3A_71 = arith.constant 10 : i32
        %mul3A_72 = arith.muli %add3A_30, %mul3A_71 : i32
        %run_scoped3A = arith.constant 1 : i32
        "tpu.region"() ({
          %run_scoped3A_202 = tpu.sem_alloc : memref<!tpu.dma_semaphore, #tpu.memory_space<semaphore_mem>>
          %dma_start3A_203 = arith.constant 0 : i32
          %dma_start3A_204 = arith.constant 0 : i32
          %dma_start3A_205 = tpu.memref_slice %arg5[%run_scoped3A, %dma_start3A_203, %dma_start3A_204] : memref<2x10x128xi32, #tpu.memory_space<vmem>> -> memref<1x10x128xi32, #tpu.memory_space<vmem>>
          %dma_start3A_206 = tpu.memref_squeeze %dma_start3A_205 : memref<1x10x128xi32, #tpu.memory_space<vmem>> -> memref<10x128xi32, #tpu.memory_space<vmem>>
          %dma_start3A_207 = arith.constant 0 : i32
          %dma_start3A_208 = tpu.memref_slice %arg3[%mul3A_72, %dma_start3A_207] : memref<6250x128xi32, #tpu.memory_space<hbm>> -> memref<10x128xi32, #tpu.memory_space<hbm>>
          %dma_start3A_209 = arith.constant 0 : i32
          %dma_start3A_210 = arith.constant 0 : i32
          %dma_start3A_211 = tpu.memref_slice %arg5[%run_scoped3A, %dma_start3A_209, %dma_start3A_210] : memref<2x10x128xi32, #tpu.memory_space<vmem>> -> memref<1x10x128xi32, #tpu.memory_space<vmem>>
          %dma_start3A_212 = tpu.memref_squeeze %dma_start3A_211 : memref<1x10x128xi32, #tpu.memory_space<vmem>> -> memref<10x128xi32, #tpu.memory_space<vmem>>
          %dma_start3A_213 = arith.constant 0 : i32
          %dma_start3A_214 = tpu.memref_slice %arg3[%mul3A_72, %dma_start3A_213] : memref<6250x128xi32, #tpu.memory_space<hbm>> -> memref<10x128xi32, #tpu.memory_space<hbm>>
          tpu.enqueue_dma source(%dma_start3A_214 : memref<10x128xi32, #tpu.memory_space<hbm>>) target(%dma_start3A_212 : memref<10x128xi32, #tpu.memory_space<vmem>>) target_semaphore(%run_scoped3A_202 : memref<!tpu.dma_semaphore, #tpu.memory_space<semaphore_mem>>)
          %dma_wait3A = arith.constant 0 : i32
          %dma_wait3A_215 = arith.constant 0 : i32
          %dma_wait3A_216 = tpu.memref_slice %arg5[%run_scoped3A, %dma_wait3A, %dma_wait3A_215] : memref<2x10x128xi32, #tpu.memory_space<vmem>> -> memref<1x10x128xi32, #tpu.memory_space<vmem>>
          %dma_wait3A_217 = tpu.memref_squeeze %dma_wait3A_216 : memref<1x10x128xi32, #tpu.memory_space<vmem>> -> memref<10x128xi32, #tpu.memory_space<vmem>>
          %dma_wait3A_218 = arith.constant 0 : i32
          %dma_wait3A_219 = tpu.memref_slice %arg3[%mul3A_72, %dma_wait3A_218] : memref<6250x128xi32, #tpu.memory_space<hbm>> -> memref<10x128xi32, #tpu.memory_space<hbm>>
          %dma_wait3A_220 = arith.constant 0 : i32
          %dma_wait3A_221 = arith.constant 0 : i32
          %dma_wait3A_222 = tpu.memref_slice %arg5[%run_scoped3A, %dma_wait3A_220, %dma_wait3A_221] : memref<2x10x128xi32, #tpu.memory_space<vmem>> -> memref<1x10x128xi32, #tpu.memory_space<vmem>>
          %dma_wait3A_223 = tpu.memref_squeeze %dma_wait3A_222 : memref<1x10x128xi32, #tpu.memory_space<vmem>> -> memref<10x128xi32, #tpu.memory_space<vmem>>
          %dma_wait3A_224 = arith.constant 0 : i32
          %dma_wait3A_225 = tpu.memref_slice %arg3[%mul3A_72, %dma_wait3A_224] : memref<6250x128xi32, #tpu.memory_space<hbm>> -> memref<10x128xi32, #tpu.memory_space<hbm>>
          tpu.wait_dma2 semaphore(%run_scoped3A_202 : memref<!tpu.dma_semaphore, #tpu.memory_space<semaphore_mem>>) src(%dma_wait3A_225 : memref<10x128xi32, #tpu.memory_space<hbm>>) dst(%dma_wait3A_223 : memref<10x128xi32, #tpu.memory_space<vmem>>)
          tpu.yield
        }) : () -> ()
        %dma_start3A = arith.constant 1 : i32
        %dma_start3A_73 = arith.constant 0 : i32
        %dma_start3A_74 = arith.constant 1 : i32
        %dma_start3A_75 = arith.constant 0 : i32
        %dma_start3A_76 = arith.constant 0 : i32
        %dma_start3A_77 = tpu.memref_slice %arg6[%dma_start3A_74, %dma_start3A_75, %dma_start3A_76] : memref<2x1280x32xf32, #tpu.memory_space<vmem>> -> memref<1x128x32xf32, #tpu.memory_space<vmem>>
        %dma_start3A_78 = tpu.memref_squeeze %dma_start3A_77 : memref<1x128x32xf32, #tpu.memory_space<vmem>> -> memref<128x32xf32, #tpu.memory_space<vmem>>
        %dma_start3A_79 = arith.constant 0 : i32
        %dma_start3A_80 = tpu.memref_slice %arg5[%dma_start3A, %dma_start3A_73, %dma_start3A_79] : memref<2x10x128xi32, #tpu.memory_space<vmem>> -> memref<1x1x128xi32, #tpu.memory_space<vmem>>
        %dma_start3A_81 = tpu.memref_squeeze %dma_start3A_80 : memref<1x1x128xi32, #tpu.memory_space<vmem>> -> memref<128xi32, #tpu.memory_space<vmem>>
        %dma_start3A_82 = arith.constant 0 : i32
        %dma_start3A_83 = arith.constant 0 : i32
        %dma_start3A_84 = tpu.memref_slice %arg2[%dma_start3A_82, %dma_start3A_83] : memref<50000x32xf32, #tpu.memory_space<hbm>> -> memref<50000x32xf32, #tpu.memory_space<hbm>>
        tpu.enqueue_indirect_dma source(%dma_start3A_84 : memref<50000x32xf32, #tpu.memory_space<hbm>>) target(%dma_start3A_78 : memref<128x32xf32, #tpu.memory_space<vmem>>) offsets(%dma_start3A_81 : memref<128xi32, #tpu.memory_space<vmem>>) semaphore(%arg8 : memref<!tpu.dma_semaphore, #tpu.memory_space<semaphore_mem>>)
        %dma_start3A_85 = arith.constant 1 : i32
        %dma_start3A_86 = arith.constant 1 : i32
        %dma_start3A_87 = arith.constant 1 : i32
        %dma_start3A_88 = arith.constant 128 : i32
        %dma_start3A_89 = arith.constant 0 : i32
        %dma_start3A_90 = tpu.memref_slice %arg6[%dma_start3A_87, %dma_start3A_88, %dma_start3A_89] : memref<2x1280x32xf32, #tpu.memory_space<vmem>> -> memref<1x128x32xf32, #tpu.memory_space<vmem>>
        %dma_start3A_91 = tpu.memref_squeeze %dma_start3A_90 : memref<1x128x32xf32, #tpu.memory_space<vmem>> -> memref<128x32xf32, #tpu.memory_space<vmem>>
        %dma_start3A_92 = arith.constant 0 : i32
        %dma_start3A_93 = tpu.memref_slice %arg5[%dma_start3A_85, %dma_start3A_86, %dma_start3A_92] : memref<2x10x128xi32, #tpu.memory_space<vmem>> -> memref<1x1x128xi32, #tpu.memory_space<vmem>>
        %dma_start3A_94 = tpu.memref_squeeze %dma_start3A_93 : memref<1x1x128xi32, #tpu.memory_space<vmem>> -> memref<128xi32, #tpu.memory_space<vmem>>
        %dma_start3A_95 = arith.constant 0 : i32
        %dma_start3A_96 = arith.constant 0 : i32
        %dma_start3A_97 = tpu.memref_slice %arg2[%dma_start3A_95, %dma_start3A_96] : memref<50000x32xf32, #tpu.memory_space<hbm>> -> memref<50000x32xf32, #tpu.memory_space<hbm>>
        tpu.enqueue_indirect_dma source(%dma_start3A_97 : memref<50000x32xf32, #tpu.memory_space<hbm>>) target(%dma_start3A_91 : memref<128x32xf32, #tpu.memory_space<vmem>>) offsets(%dma_start3A_94 : memref<128xi32, #tpu.memory_space<vmem>>) semaphore(%arg8 : memref<!tpu.dma_semaphore, #tpu.memory_space<semaphore_mem>>)
        %dma_start3A_98 = arith.constant 1 : i32
        %dma_start3A_99 = arith.constant 2 : i32
        %dma_start3A_100 = arith.constant 1 : i32
        %dma_start3A_101 = arith.constant 256 : i32
        %dma_start3A_102 = arith.constant 0 : i32
        %dma_start3A_103 = tpu.memref_slice %arg6[%dma_start3A_100, %dma_start3A_101, %dma_start3A_102] : memref<2x1280x32xf32, #tpu.memory_space<vmem>> -> memref<1x128x32xf32, #tpu.memory_space<vmem>>
        %dma_start3A_104 = tpu.memref_squeeze %dma_start3A_103 : memref<1x128x32xf32, #tpu.memory_space<vmem>> -> memref<128x32xf32, #tpu.memory_space<vmem>>
        %dma_start3A_105 = arith.constant 0 : i32
        %dma_start3A_106 = tpu.memref_slice %arg5[%dma_start3A_98, %dma_start3A_99, %dma_start3A_105] : memref<2x10x128xi32, #tpu.memory_space<vmem>> -> memref<1x1x128xi32, #tpu.memory_space<vmem>>
        %dma_start3A_107 = tpu.memref_squeeze %dma_start3A_106 : memref<1x1x128xi32, #tpu.memory_space<vmem>> -> memref<128xi32, #tpu.memory_space<vmem>>
        %dma_start3A_108 = arith.constant 0 : i32
        %dma_start3A_109 = arith.constant 0 : i32
        %dma_start3A_110 = tpu.memref_slice %arg2[%dma_start3A_108, %dma_start3A_109] : memref<50000x32xf32, #tpu.memory_space<hbm>> -> memref<50000x32xf32, #tpu.memory_space<hbm>>
        tpu.enqueue_indirect_dma source(%dma_start3A_110 : memref<50000x32xf32, #tpu.memory_space<hbm>>) target(%dma_start3A_104 : memref<128x32xf32, #tpu.memory_space<vmem>>) offsets(%dma_start3A_107 : memref<128xi32, #tpu.memory_space<vmem>>) semaphore(%arg8 : memref<!tpu.dma_semaphore, #tpu.memory_space<semaphore_mem>>)
        %dma_start3A_111 = arith.constant 1 : i32
        %dma_start3A_112 = arith.constant 3 : i32
        %dma_start3A_113 = arith.constant 1 : i32
        %dma_start3A_114 = arith.constant 384 : i32
        %dma_start3A_115 = arith.constant 0 : i32
        %dma_start3A_116 = tpu.memref_slice %arg6[%dma_start3A_113, %dma_start3A_114, %dma_start3A_115] : memref<2x1280x32xf32, #tpu.memory_space<vmem>> -> memref<1x128x32xf32, #tpu.memory_space<vmem>>
        %dma_start3A_117 = tpu.memref_squeeze %dma_start3A_116 : memref<1x128x32xf32, #tpu.memory_space<vmem>> -> memref<128x32xf32, #tpu.memory_space<vmem>>
        %dma_start3A_118 = arith.constant 0 : i32
        %dma_start3A_119 = tpu.memref_slice %arg5[%dma_start3A_111, %dma_start3A_112, %dma_start3A_118] : memref<2x10x128xi32, #tpu.memory_space<vmem>> -> memref<1x1x128xi32, #tpu.memory_space<vmem>>
        %dma_start3A_120 = tpu.memref_squeeze %dma_start3A_119 : memref<1x1x128xi32, #tpu.memory_space<vmem>> -> memref<128xi32, #tpu.memory_space<vmem>>
        %dma_start3A_121 = arith.constant 0 : i32
        %dma_start3A_122 = arith.constant 0 : i32
        %dma_start3A_123 = tpu.memref_slice %arg2[%dma_start3A_121, %dma_start3A_122] : memref<50000x32xf32, #tpu.memory_space<hbm>> -> memref<50000x32xf32, #tpu.memory_space<hbm>>
        tpu.enqueue_indirect_dma source(%dma_start3A_123 : memref<50000x32xf32, #tpu.memory_space<hbm>>) target(%dma_start3A_117 : memref<128x32xf32, #tpu.memory_space<vmem>>) offsets(%dma_start3A_120 : memref<128xi32, #tpu.memory_space<vmem>>) semaphore(%arg8 : memref<!tpu.dma_semaphore, #tpu.memory_space<semaphore_mem>>)
        %dma_start3A_124 = arith.constant 1 : i32
        %dma_start3A_125 = arith.constant 4 : i32
        %dma_start3A_126 = arith.constant 1 : i32
        %dma_start3A_127 = arith.constant 512 : i32
        %dma_start3A_128 = arith.constant 0 : i32
        %dma_start3A_129 = tpu.memref_slice %arg6[%dma_start3A_126, %dma_start3A_127, %dma_start3A_128] : memref<2x1280x32xf32, #tpu.memory_space<vmem>> -> memref<1x128x32xf32, #tpu.memory_space<vmem>>
        %dma_start3A_130 = tpu.memref_squeeze %dma_start3A_129 : memref<1x128x32xf32, #tpu.memory_space<vmem>> -> memref<128x32xf32, #tpu.memory_space<vmem>>
        %dma_start3A_131 = arith.constant 0 : i32
        %dma_start3A_132 = tpu.memref_slice %arg5[%dma_start3A_124, %dma_start3A_125, %dma_start3A_131] : memref<2x10x128xi32, #tpu.memory_space<vmem>> -> memref<1x1x128xi32, #tpu.memory_space<vmem>>
        %dma_start3A_133 = tpu.memref_squeeze %dma_start3A_132 : memref<1x1x128xi32, #tpu.memory_space<vmem>> -> memref<128xi32, #tpu.memory_space<vmem>>
        %dma_start3A_134 = arith.constant 0 : i32
        %dma_start3A_135 = arith.constant 0 : i32
        %dma_start3A_136 = tpu.memref_slice %arg2[%dma_start3A_134, %dma_start3A_135] : memref<50000x32xf32, #tpu.memory_space<hbm>> -> memref<50000x32xf32, #tpu.memory_space<hbm>>
        tpu.enqueue_indirect_dma source(%dma_start3A_136 : memref<50000x32xf32, #tpu.memory_space<hbm>>) target(%dma_start3A_130 : memref<128x32xf32, #tpu.memory_space<vmem>>) offsets(%dma_start3A_133 : memref<128xi32, #tpu.memory_space<vmem>>) semaphore(%arg8 : memref<!tpu.dma_semaphore, #tpu.memory_space<semaphore_mem>>)
        %dma_start3A_137 = arith.constant 1 : i32
        %dma_start3A_138 = arith.constant 5 : i32
        %dma_start3A_139 = arith.constant 1 : i32
        %dma_start3A_140 = arith.constant 640 : i32
        %dma_start3A_141 = arith.constant 0 : i32
        %dma_start3A_142 = tpu.memref_slice %arg6[%dma_start3A_139, %dma_start3A_140, %dma_start3A_141] : memref<2x1280x32xf32, #tpu.memory_space<vmem>> -> memref<1x128x32xf32, #tpu.memory_space<vmem>>
        %dma_start3A_143 = tpu.memref_squeeze %dma_start3A_142 : memref<1x128x32xf32, #tpu.memory_space<vmem>> -> memref<128x32xf32, #tpu.memory_space<vmem>>
        %dma_start3A_144 = arith.constant 0 : i32
        %dma_start3A_145 = tpu.memref_slice %arg5[%dma_start3A_137, %dma_start3A_138, %dma_start3A_144] : memref<2x10x128xi32, #tpu.memory_space<vmem>> -> memref<1x1x128xi32, #tpu.memory_space<vmem>>
        %dma_start3A_146 = tpu.memref_squeeze %dma_start3A_145 : memref<1x1x128xi32, #tpu.memory_space<vmem>> -> memref<128xi32, #tpu.memory_space<vmem>>
        %dma_start3A_147 = arith.constant 0 : i32
        %dma_start3A_148 = arith.constant 0 : i32
        %dma_start3A_149 = tpu.memref_slice %arg2[%dma_start3A_147, %dma_start3A_148] : memref<50000x32xf32, #tpu.memory_space<hbm>> -> memref<50000x32xf32, #tpu.memory_space<hbm>>
        tpu.enqueue_indirect_dma source(%dma_start3A_149 : memref<50000x32xf32, #tpu.memory_space<hbm>>) target(%dma_start3A_143 : memref<128x32xf32, #tpu.memory_space<vmem>>) offsets(%dma_start3A_146 : memref<128xi32, #tpu.memory_space<vmem>>) semaphore(%arg8 : memref<!tpu.dma_semaphore, #tpu.memory_space<semaphore_mem>>)
        %dma_start3A_150 = arith.constant 1 : i32
        %dma_start3A_151 = arith.constant 6 : i32
        %dma_start3A_152 = arith.constant 1 : i32
        %dma_start3A_153 = arith.constant 768 : i32
        %dma_start3A_154 = arith.constant 0 : i32
        %dma_start3A_155 = tpu.memref_slice %arg6[%dma_start3A_152, %dma_start3A_153, %dma_start3A_154] : memref<2x1280x32xf32, #tpu.memory_space<vmem>> -> memref<1x128x32xf32, #tpu.memory_space<vmem>>
        %dma_start3A_156 = tpu.memref_squeeze %dma_start3A_155 : memref<1x128x32xf32, #tpu.memory_space<vmem>> -> memref<128x32xf32, #tpu.memory_space<vmem>>
        %dma_start3A_157 = arith.constant 0 : i32
        %dma_start3A_158 = tpu.memref_slice %arg5[%dma_start3A_150, %dma_start3A_151, %dma_start3A_157] : memref<2x10x128xi32, #tpu.memory_space<vmem>> -> memref<1x1x128xi32, #tpu.memory_space<vmem>>
        %dma_start3A_159 = tpu.memref_squeeze %dma_start3A_158 : memref<1x1x128xi32, #tpu.memory_space<vmem>> -> memref<128xi32, #tpu.memory_space<vmem>>
        %dma_start3A_160 = arith.constant 0 : i32
        %dma_start3A_161 = arith.constant 0 : i32
        %dma_start3A_162 = tpu.memref_slice %arg2[%dma_start3A_160, %dma_start3A_161] : memref<50000x32xf32, #tpu.memory_space<hbm>> -> memref<50000x32xf32, #tpu.memory_space<hbm>>
        tpu.enqueue_indirect_dma source(%dma_start3A_162 : memref<50000x32xf32, #tpu.memory_space<hbm>>) target(%dma_start3A_156 : memref<128x32xf32, #tpu.memory_space<vmem>>) offsets(%dma_start3A_159 : memref<128xi32, #tpu.memory_space<vmem>>) semaphore(%arg8 : memref<!tpu.dma_semaphore, #tpu.memory_space<semaphore_mem>>)
        %dma_start3A_163 = arith.constant 1 : i32
        %dma_start3A_164 = arith.constant 7 : i32
        %dma_start3A_165 = arith.constant 1 : i32
        %dma_start3A_166 = arith.constant 896 : i32
        %dma_start3A_167 = arith.constant 0 : i32
        %dma_start3A_168 = tpu.memref_slice %arg6[%dma_start3A_165, %dma_start3A_166, %dma_start3A_167] : memref<2x1280x32xf32, #tpu.memory_space<vmem>> -> memref<1x128x32xf32, #tpu.memory_space<vmem>>
        %dma_start3A_169 = tpu.memref_squeeze %dma_start3A_168 : memref<1x128x32xf32, #tpu.memory_space<vmem>> -> memref<128x32xf32, #tpu.memory_space<vmem>>
        %dma_start3A_170 = arith.constant 0 : i32
        %dma_start3A_171 = tpu.memref_slice %arg5[%dma_start3A_163, %dma_start3A_164, %dma_start3A_170] : memref<2x10x128xi32, #tpu.memory_space<vmem>> -> memref<1x1x128xi32, #tpu.memory_space<vmem>>
        %dma_start3A_172 = tpu.memref_squeeze %dma_start3A_171 : memref<1x1x128xi32, #tpu.memory_space<vmem>> -> memref<128xi32, #tpu.memory_space<vmem>>
        %dma_start3A_173 = arith.constant 0 : i32
        %dma_start3A_174 = arith.constant 0 : i32
        %dma_start3A_175 = tpu.memref_slice %arg2[%dma_start3A_173, %dma_start3A_174] : memref<50000x32xf32, #tpu.memory_space<hbm>> -> memref<50000x32xf32, #tpu.memory_space<hbm>>
        tpu.enqueue_indirect_dma source(%dma_start3A_175 : memref<50000x32xf32, #tpu.memory_space<hbm>>) target(%dma_start3A_169 : memref<128x32xf32, #tpu.memory_space<vmem>>) offsets(%dma_start3A_172 : memref<128xi32, #tpu.memory_space<vmem>>) semaphore(%arg8 : memref<!tpu.dma_semaphore, #tpu.memory_space<semaphore_mem>>)
        %dma_start3A_176 = arith.constant 1 : i32
        %dma_start3A_177 = arith.constant 8 : i32
        %dma_start3A_178 = arith.constant 1 : i32
        %dma_start3A_179 = arith.constant 1024 : i32
        %dma_start3A_180 = arith.constant 0 : i32
        %dma_start3A_181 = tpu.memref_slice %arg6[%dma_start3A_178, %dma_start3A_179, %dma_start3A_180] : memref<2x1280x32xf32, #tpu.memory_space<vmem>> -> memref<1x128x32xf32, #tpu.memory_space<vmem>>
        %dma_start3A_182 = tpu.memref_squeeze %dma_start3A_181 : memref<1x128x32xf32, #tpu.memory_space<vmem>> -> memref<128x32xf32, #tpu.memory_space<vmem>>
        %dma_start3A_183 = arith.constant 0 : i32
        %dma_start3A_184 = tpu.memref_slice %arg5[%dma_start3A_176, %dma_start3A_177, %dma_start3A_183] : memref<2x10x128xi32, #tpu.memory_space<vmem>> -> memref<1x1x128xi32, #tpu.memory_space<vmem>>
        %dma_start3A_185 = tpu.memref_squeeze %dma_start3A_184 : memref<1x1x128xi32, #tpu.memory_space<vmem>> -> memref<128xi32, #tpu.memory_space<vmem>>
        %dma_start3A_186 = arith.constant 0 : i32
        %dma_start3A_187 = arith.constant 0 : i32
        %dma_start3A_188 = tpu.memref_slice %arg2[%dma_start3A_186, %dma_start3A_187] : memref<50000x32xf32, #tpu.memory_space<hbm>> -> memref<50000x32xf32, #tpu.memory_space<hbm>>
        tpu.enqueue_indirect_dma source(%dma_start3A_188 : memref<50000x32xf32, #tpu.memory_space<hbm>>) target(%dma_start3A_182 : memref<128x32xf32, #tpu.memory_space<vmem>>) offsets(%dma_start3A_185 : memref<128xi32, #tpu.memory_space<vmem>>) semaphore(%arg8 : memref<!tpu.dma_semaphore, #tpu.memory_space<semaphore_mem>>)
        %dma_start3A_189 = arith.constant 1 : i32
        %dma_start3A_190 = arith.constant 9 : i32
        %dma_start3A_191 = arith.constant 1 : i32
        %dma_start3A_192 = arith.constant 1152 : i32
        %dma_start3A_193 = arith.constant 0 : i32
        %dma_start3A_194 = tpu.memref_slice %arg6[%dma_start3A_191, %dma_start3A_192, %dma_start3A_193] : memref<2x1280x32xf32, #tpu.memory_space<vmem>> -> memref<1x128x32xf32, #tpu.memory_space<vmem>>
        %dma_start3A_195 = tpu.memref_squeeze %dma_start3A_194 : memref<1x128x32xf32, #tpu.memory_space<vmem>> -> memref<128x32xf32, #tpu.memory_space<vmem>>
        %dma_start3A_196 = arith.constant 0 : i32
        %dma_start3A_197 = tpu.memref_slice %arg5[%dma_start3A_189, %dma_start3A_190, %dma_start3A_196] : memref<2x10x128xi32, #tpu.memory_space<vmem>> -> memref<1x1x128xi32, #tpu.memory_space<vmem>>
        %dma_start3A_198 = tpu.memref_squeeze %dma_start3A_197 : memref<1x1x128xi32, #tpu.memory_space<vmem>> -> memref<128xi32, #tpu.memory_space<vmem>>
        %dma_start3A_199 = arith.constant 0 : i32
        %dma_start3A_200 = arith.constant 0 : i32
        %dma_start3A_201 = tpu.memref_slice %arg2[%dma_start3A_199, %dma_start3A_200] : memref<50000x32xf32, #tpu.memory_space<hbm>> -> memref<50000x32xf32, #tpu.memory_space<hbm>>
        tpu.enqueue_indirect_dma source(%dma_start3A_201 : memref<50000x32xf32, #tpu.memory_space<hbm>>) target(%dma_start3A_195 : memref<128x32xf32, #tpu.memory_space<vmem>>) offsets(%dma_start3A_198 : memref<128xi32, #tpu.memory_space<vmem>>) semaphore(%arg8 : memref<!tpu.dma_semaphore, #tpu.memory_space<semaphore_mem>>)
      } else {
      }
      %mul3A_36 = arith.constant 32 : i32
      %mul3A_37 = arith.muli %add3A_21, %mul3A_36 : i32
      %add3A_38 = arith.addi %mul3A_37, %add3A : i32
      %lt3A_39 = arith.constant 625 : i32
      %lt3A_40 = arith.cmpi slt, %add3A_38, %lt3A_39 : i32
      %convert_element_type3A_41 = arith.extui %lt3A_40 : i1 to i32
      %cond3A_42 = arith.constant 0 : i32
      %cond3A_43 = arith.cmpi ne, %convert_element_type3A_41, %cond3A_42 : i32
      scf.if %cond3A_43 {
        %mul3A_71 = arith.constant 1280 : i32
        %mul3A_72 = arith.muli %add3A_38, %mul3A_71 : i32
        %dma_wait3A = arith.constant 0 : i32
        %dma_wait3A_73 = arith.constant 0 : i32
        %dma_wait3A_74 = arith.constant 0 : i32
        %dma_wait3A_75 = tpu.memref_slice %arg6[%dma_wait3A, %dma_wait3A_73, %dma_wait3A_74] : memref<2x1280x32xf32, #tpu.memory_space<vmem>> -> memref<1x1280x32xf32, #tpu.memory_space<vmem>>
        %dma_wait3A_76 = tpu.memref_squeeze %dma_wait3A_75 : memref<1x1280x32xf32, #tpu.memory_space<vmem>> -> memref<1280x32xf32, #tpu.memory_space<vmem>>
        %dma_wait3A_77 = arith.constant 0 : i32
        %dma_wait3A_78 = arith.constant 0 : i32
        %dma_wait3A_79 = tpu.memref_slice %arg4[%dma_wait3A_77, %dma_wait3A_78] : memref<800000x32xf32, #tpu.memory_space<hbm>> -> memref<1280x32xf32, #tpu.memory_space<hbm>>
        %dma_wait3A_80 = arith.constant 0 : i32
        %dma_wait3A_81 = arith.constant 0 : i32
        %dma_wait3A_82 = tpu.memref_slice %arg6[%dma_wait3A, %dma_wait3A_80, %dma_wait3A_81] : memref<2x1280x32xf32, #tpu.memory_space<vmem>> -> memref<1x1280x32xf32, #tpu.memory_space<vmem>>
        %dma_wait3A_83 = tpu.memref_squeeze %dma_wait3A_82 : memref<1x1280x32xf32, #tpu.memory_space<vmem>> -> memref<1280x32xf32, #tpu.memory_space<vmem>>
        %dma_wait3A_84 = arith.constant 0 : i32
        %dma_wait3A_85 = arith.constant 0 : i32
        %dma_wait3A_86 = tpu.memref_slice %arg4[%dma_wait3A_84, %dma_wait3A_85] : memref<800000x32xf32, #tpu.memory_space<hbm>> -> memref<1280x32xf32, #tpu.memory_space<hbm>>
        tpu.wait_dma2 semaphore(%arg7 : memref<!tpu.dma_semaphore, #tpu.memory_space<semaphore_mem>>) src(%dma_wait3A_86 : memref<1280x32xf32, #tpu.memory_space<hbm>>) dst(%dma_wait3A_83 : memref<1280x32xf32, #tpu.memory_space<vmem>>)
        %dma_start3A = arith.constant 0 : i32
        %dma_start3A_87 = arith.constant 0 : i32
        %dma_start3A_88 = arith.constant 0 : i32
        %dma_start3A_89 = tpu.memref_slice %arg6[%dma_start3A, %dma_start3A_87, %dma_start3A_88] : memref<2x1280x32xf32, #tpu.memory_space<vmem>> -> memref<1x1280x32xf32, #tpu.memory_space<vmem>>
        %dma_start3A_90 = tpu.memref_squeeze %dma_start3A_89 : memref<1x1280x32xf32, #tpu.memory_space<vmem>> -> memref<1280x32xf32, #tpu.memory_space<vmem>>
        %dma_start3A_91 = arith.constant 0 : i32
        %dma_start3A_92 = tpu.memref_slice %arg4[%mul3A_72, %dma_start3A_91] : memref<800000x32xf32, #tpu.memory_space<hbm>> -> memref<1280x32xf32, #tpu.memory_space<hbm>>
        %dma_start3A_93 = arith.constant 0 : i32
        %dma_start3A_94 = tpu.memref_slice %arg4[%mul3A_72, %dma_start3A_93] : memref<800000x32xf32, #tpu.memory_space<hbm>> -> memref<1280x32xf32, #tpu.memory_space<hbm>>
        %dma_start3A_95 = arith.constant 0 : i32
        %dma_start3A_96 = arith.constant 0 : i32
        %dma_start3A_97 = tpu.memref_slice %arg6[%dma_start3A, %dma_start3A_95, %dma_start3A_96] : memref<2x1280x32xf32, #tpu.memory_space<vmem>> -> memref<1x1280x32xf32, #tpu.memory_space<vmem>>
        %dma_start3A_98 = tpu.memref_squeeze %dma_start3A_97 : memref<1x1280x32xf32, #tpu.memory_space<vmem>> -> memref<1280x32xf32, #tpu.memory_space<vmem>>
        tpu.enqueue_dma source(%dma_start3A_98 : memref<1280x32xf32, #tpu.memory_space<vmem>>) target(%dma_start3A_94 : memref<1280x32xf32, #tpu.memory_space<hbm>>) target_semaphore(%arg9 : memref<!tpu.dma_semaphore, #tpu.memory_space<semaphore_mem>>)
      } else {
      }
      %mul3A_44 = arith.constant 2 : i32
      %mul3A_45 = arith.muli %scan3A_17, %mul3A_44 : i32
      %add3A_46 = arith.constant 1 : i32
      %add3A_47 = arith.addi %mul3A_45, %add3A_46 : i32
      %ge3A_48 = arith.constant 1 : i32
      %ge3A_49 = arith.cmpi sge, %add3A_47, %ge3A_48 : i32
      %convert_element_type3A_50 = arith.extui %ge3A_49 : i1 to i32
      %cond3A_51 = arith.constant 0 : i32
      %cond3A_52 = arith.cmpi ne, %convert_element_type3A_50, %cond3A_51 : i32
      scf.if %cond3A_52 {
        %sub3A = arith.constant 1 : i32
        %sub3A_71 = arith.subi %add3A_47, %sub3A : i32
        %mul3A_72 = arith.constant 32 : i32
        %mul3A_73 = arith.muli %sub3A_71, %mul3A_72 : i32
        %add3A_74 = arith.addi %mul3A_73, %add3A : i32
        %lt3A_75 = arith.constant 625 : i32
        %lt3A_76 = arith.cmpi slt, %add3A_74, %lt3A_75 : i32
        %convert_element_type3A_77 = arith.extui %lt3A_76 : i1 to i32
        %cond3A_78 = arith.constant 0 : i32
        %cond3A_79 = arith.cmpi ne, %convert_element_type3A_77, %cond3A_78 : i32
        scf.if %cond3A_79 {
          %dma_wait3A = arith.constant 0 : i32
          %dma_wait3A_80 = arith.constant 0 : i32
          %dma_wait3A_81 = arith.constant 0 : i32
          %dma_wait3A_82 = tpu.memref_slice %arg6[%dma_wait3A, %dma_wait3A_80, %dma_wait3A_81] : memref<2x1280x32xf32, #tpu.memory_space<vmem>> -> memref<1x1280x32xf32, #tpu.memory_space<vmem>>
          %dma_wait3A_83 = tpu.memref_squeeze %dma_wait3A_82 : memref<1x1280x32xf32, #tpu.memory_space<vmem>> -> memref<1280x32xf32, #tpu.memory_space<vmem>>
          %dma_wait3A_84 = arith.constant 0 : i32
          %dma_wait3A_85 = arith.constant 0 : i32
          %dma_wait3A_86 = tpu.memref_slice %arg4[%dma_wait3A_84, %dma_wait3A_85] : memref<800000x32xf32, #tpu.memory_space<hbm>> -> memref<1280x32xf32, #tpu.memory_space<hbm>>
          %dma_wait3A_87 = arith.constant 0 : i32
          %dma_wait3A_88 = arith.constant 0 : i32
          %dma_wait3A_89 = tpu.memref_slice %arg4[%dma_wait3A_87, %dma_wait3A_88] : memref<800000x32xf32, #tpu.memory_space<hbm>> -> memref<1280x32xf32, #tpu.memory_space<hbm>>
          %dma_wait3A_90 = arith.constant 0 : i32
          %dma_wait3A_91 = arith.constant 0 : i32
          %dma_wait3A_92 = tpu.memref_slice %arg6[%dma_wait3A, %dma_wait3A_90, %dma_wait3A_91] : memref<2x1280x32xf32, #tpu.memory_space<vmem>> -> memref<1x1280x32xf32, #tpu.memory_space<vmem>>
          %dma_wait3A_93 = tpu.memref_squeeze %dma_wait3A_92 : memref<1x1280x32xf32, #tpu.memory_space<vmem>> -> memref<1280x32xf32, #tpu.memory_space<vmem>>
          tpu.wait_dma2 semaphore(%arg9 : memref<!tpu.dma_semaphore, #tpu.memory_space<semaphore_mem>>) src(%dma_wait3A_93 : memref<1280x32xf32, #tpu.memory_space<vmem>>) dst(%dma_wait3A_89 : memref<1280x32xf32, #tpu.memory_space<hbm>>)
        } else {
        }
      } else {
      }
      %add3A_53 = arith.constant 1 : i32
      %add3A_54 = arith.addi %add3A_47, %add3A_53 : i32
      %mul3A_55 = arith.constant 32 : i32
      %mul3A_56 = arith.muli %add3A_54, %mul3A_55 : i32
      %add3A_57 = arith.addi %mul3A_56, %add3A : i32
      %lt3A_58 = arith.constant 625 : i32
      %lt3A_59 = arith.cmpi slt, %add3A_57, %lt3A_58 : i32
      %convert_element_type3A_60 = arith.extui %lt3A_59 : i1 to i32
      %cond3A_61 = arith.constant 0 : i32
      %cond3A_62 = arith.cmpi ne, %convert_element_type3A_60, %cond3A_61 : i32
      scf.if %cond3A_62 {
        %mul3A_71 = arith.constant 10 : i32
        %mul3A_72 = arith.muli %add3A_57, %mul3A_71 : i32
        %run_scoped3A = arith.constant 0 : i32
        "tpu.region"() ({
          %run_scoped3A_202 = tpu.sem_alloc : memref<!tpu.dma_semaphore, #tpu.memory_space<semaphore_mem>>
          %dma_start3A_203 = arith.constant 0 : i32
          %dma_start3A_204 = arith.constant 0 : i32
          %dma_start3A_205 = tpu.memref_slice %arg5[%run_scoped3A, %dma_start3A_203, %dma_start3A_204] : memref<2x10x128xi32, #tpu.memory_space<vmem>> -> memref<1x10x128xi32, #tpu.memory_space<vmem>>
          %dma_start3A_206 = tpu.memref_squeeze %dma_start3A_205 : memref<1x10x128xi32, #tpu.memory_space<vmem>> -> memref<10x128xi32, #tpu.memory_space<vmem>>
          %dma_start3A_207 = arith.constant 0 : i32
          %dma_start3A_208 = tpu.memref_slice %arg3[%mul3A_72, %dma_start3A_207] : memref<6250x128xi32, #tpu.memory_space<hbm>> -> memref<10x128xi32, #tpu.memory_space<hbm>>
          %dma_start3A_209 = arith.constant 0 : i32
          %dma_start3A_210 = arith.constant 0 : i32
          %dma_start3A_211 = tpu.memref_slice %arg5[%run_scoped3A, %dma_start3A_209, %dma_start3A_210] : memref<2x10x128xi32, #tpu.memory_space<vmem>> -> memref<1x10x128xi32, #tpu.memory_space<vmem>>
          %dma_start3A_212 = tpu.memref_squeeze %dma_start3A_211 : memref<1x10x128xi32, #tpu.memory_space<vmem>> -> memref<10x128xi32, #tpu.memory_space<vmem>>
          %dma_start3A_213 = arith.constant 0 : i32
          %dma_start3A_214 = tpu.memref_slice %arg3[%mul3A_72, %dma_start3A_213] : memref<6250x128xi32, #tpu.memory_space<hbm>> -> memref<10x128xi32, #tpu.memory_space<hbm>>
          tpu.enqueue_dma source(%dma_start3A_214 : memref<10x128xi32, #tpu.memory_space<hbm>>) target(%dma_start3A_212 : memref<10x128xi32, #tpu.memory_space<vmem>>) target_semaphore(%run_scoped3A_202 : memref<!tpu.dma_semaphore, #tpu.memory_space<semaphore_mem>>)
          %dma_wait3A = arith.constant 0 : i32
          %dma_wait3A_215 = arith.constant 0 : i32
          %dma_wait3A_216 = tpu.memref_slice %arg5[%run_scoped3A, %dma_wait3A, %dma_wait3A_215] : memref<2x10x128xi32, #tpu.memory_space<vmem>> -> memref<1x10x128xi32, #tpu.memory_space<vmem>>
          %dma_wait3A_217 = tpu.memref_squeeze %dma_wait3A_216 : memref<1x10x128xi32, #tpu.memory_space<vmem>> -> memref<10x128xi32, #tpu.memory_space<vmem>>
          %dma_wait3A_218 = arith.constant 0 : i32
          %dma_wait3A_219 = tpu.memref_slice %arg3[%mul3A_72, %dma_wait3A_218] : memref<6250x128xi32, #tpu.memory_space<hbm>> -> memref<10x128xi32, #tpu.memory_space<hbm>>
          %dma_wait3A_220 = arith.constant 0 : i32
          %dma_wait3A_221 = arith.constant 0 : i32
          %dma_wait3A_222 = tpu.memref_slice %arg5[%run_scoped3A, %dma_wait3A_220, %dma_wait3A_221] : memref<2x10x128xi32, #tpu.memory_space<vmem>> -> memref<1x10x128xi32, #tpu.memory_space<vmem>>
          %dma_wait3A_223 = tpu.memref_squeeze %dma_wait3A_222 : memref<1x10x128xi32, #tpu.memory_space<vmem>> -> memref<10x128xi32, #tpu.memory_space<vmem>>
          %dma_wait3A_224 = arith.constant 0 : i32
          %dma_wait3A_225 = tpu.memref_slice %arg3[%mul3A_72, %dma_wait3A_224] : memref<6250x128xi32, #tpu.memory_space<hbm>> -> memref<10x128xi32, #tpu.memory_space<hbm>>
          tpu.wait_dma2 semaphore(%run_scoped3A_202 : memref<!tpu.dma_semaphore, #tpu.memory_space<semaphore_mem>>) src(%dma_wait3A_225 : memref<10x128xi32, #tpu.memory_space<hbm>>) dst(%dma_wait3A_223 : memref<10x128xi32, #tpu.memory_space<vmem>>)
          tpu.yield
        }) : () -> ()
        %dma_start3A = arith.constant 0 : i32
        %dma_start3A_73 = arith.constant 0 : i32
        %dma_start3A_74 = arith.constant 0 : i32
        %dma_start3A_75 = arith.constant 0 : i32
        %dma_start3A_76 = arith.constant 0 : i32
        %dma_start3A_77 = tpu.memref_slice %arg6[%dma_start3A_74, %dma_start3A_75, %dma_start3A_76] : memref<2x1280x32xf32, #tpu.memory_space<vmem>> -> memref<1x128x32xf32, #tpu.memory_space<vmem>>
        %dma_start3A_78 = tpu.memref_squeeze %dma_start3A_77 : memref<1x128x32xf32, #tpu.memory_space<vmem>> -> memref<128x32xf32, #tpu.memory_space<vmem>>
        %dma_start3A_79 = arith.constant 0 : i32
        %dma_start3A_80 = tpu.memref_slice %arg5[%dma_start3A, %dma_start3A_73, %dma_start3A_79] : memref<2x10x128xi32, #tpu.memory_space<vmem>> -> memref<1x1x128xi32, #tpu.memory_space<vmem>>
        %dma_start3A_81 = tpu.memref_squeeze %dma_start3A_80 : memref<1x1x128xi32, #tpu.memory_space<vmem>> -> memref<128xi32, #tpu.memory_space<vmem>>
        %dma_start3A_82 = arith.constant 0 : i32
        %dma_start3A_83 = arith.constant 0 : i32
        %dma_start3A_84 = tpu.memref_slice %arg2[%dma_start3A_82, %dma_start3A_83] : memref<50000x32xf32, #tpu.memory_space<hbm>> -> memref<50000x32xf32, #tpu.memory_space<hbm>>
        tpu.enqueue_indirect_dma source(%dma_start3A_84 : memref<50000x32xf32, #tpu.memory_space<hbm>>) target(%dma_start3A_78 : memref<128x32xf32, #tpu.memory_space<vmem>>) offsets(%dma_start3A_81 : memref<128xi32, #tpu.memory_space<vmem>>) semaphore(%arg7 : memref<!tpu.dma_semaphore, #tpu.memory_space<semaphore_mem>>)
        %dma_start3A_85 = arith.constant 0 : i32
        %dma_start3A_86 = arith.constant 1 : i32
        %dma_start3A_87 = arith.constant 0 : i32
        %dma_start3A_88 = arith.constant 128 : i32
        %dma_start3A_89 = arith.constant 0 : i32
        %dma_start3A_90 = tpu.memref_slice %arg6[%dma_start3A_87, %dma_start3A_88, %dma_start3A_89] : memref<2x1280x32xf32, #tpu.memory_space<vmem>> -> memref<1x128x32xf32, #tpu.memory_space<vmem>>
        %dma_start3A_91 = tpu.memref_squeeze %dma_start3A_90 : memref<1x128x32xf32, #tpu.memory_space<vmem>> -> memref<128x32xf32, #tpu.memory_space<vmem>>
        %dma_start3A_92 = arith.constant 0 : i32
        %dma_start3A_93 = tpu.memref_slice %arg5[%dma_start3A_85, %dma_start3A_86, %dma_start3A_92] : memref<2x10x128xi32, #tpu.memory_space<vmem>> -> memref<1x1x128xi32, #tpu.memory_space<vmem>>
        %dma_start3A_94 = tpu.memref_squeeze %dma_start3A_93 : memref<1x1x128xi32, #tpu.memory_space<vmem>> -> memref<128xi32, #tpu.memory_space<vmem>>
        %dma_start3A_95 = arith.constant 0 : i32
        %dma_start3A_96 = arith.constant 0 : i32
        %dma_start3A_97 = tpu.memref_slice %arg2[%dma_start3A_95, %dma_start3A_96] : memref<50000x32xf32, #tpu.memory_space<hbm>> -> memref<50000x32xf32, #tpu.memory_space<hbm>>
        tpu.enqueue_indirect_dma source(%dma_start3A_97 : memref<50000x32xf32, #tpu.memory_space<hbm>>) target(%dma_start3A_91 : memref<128x32xf32, #tpu.memory_space<vmem>>) offsets(%dma_start3A_94 : memref<128xi32, #tpu.memory_space<vmem>>) semaphore(%arg7 : memref<!tpu.dma_semaphore, #tpu.memory_space<semaphore_mem>>)
        %dma_start3A_98 = arith.constant 0 : i32
        %dma_start3A_99 = arith.constant 2 : i32
        %dma_start3A_100 = arith.constant 0 : i32
        %dma_start3A_101 = arith.constant 256 : i32
        %dma_start3A_102 = arith.constant 0 : i32
        %dma_start3A_103 = tpu.memref_slice %arg6[%dma_start3A_100, %dma_start3A_101, %dma_start3A_102] : memref<2x1280x32xf32, #tpu.memory_space<vmem>> -> memref<1x128x32xf32, #tpu.memory_space<vmem>>
        %dma_start3A_104 = tpu.memref_squeeze %dma_start3A_103 : memref<1x128x32xf32, #tpu.memory_space<vmem>> -> memref<128x32xf32, #tpu.memory_space<vmem>>
        %dma_start3A_105 = arith.constant 0 : i32
        %dma_start3A_106 = tpu.memref_slice %arg5[%dma_start3A_98, %dma_start3A_99, %dma_start3A_105] : memref<2x10x128xi32, #tpu.memory_space<vmem>> -> memref<1x1x128xi32, #tpu.memory_space<vmem>>
        %dma_start3A_107 = tpu.memref_squeeze %dma_start3A_106 : memref<1x1x128xi32, #tpu.memory_space<vmem>> -> memref<128xi32, #tpu.memory_space<vmem>>
        %dma_start3A_108 = arith.constant 0 : i32
        %dma_start3A_109 = arith.constant 0 : i32
        %dma_start3A_110 = tpu.memref_slice %arg2[%dma_start3A_108, %dma_start3A_109] : memref<50000x32xf32, #tpu.memory_space<hbm>> -> memref<50000x32xf32, #tpu.memory_space<hbm>>
        tpu.enqueue_indirect_dma source(%dma_start3A_110 : memref<50000x32xf32, #tpu.memory_space<hbm>>) target(%dma_start3A_104 : memref<128x32xf32, #tpu.memory_space<vmem>>) offsets(%dma_start3A_107 : memref<128xi32, #tpu.memory_space<vmem>>) semaphore(%arg7 : memref<!tpu.dma_semaphore, #tpu.memory_space<semaphore_mem>>)
        %dma_start3A_111 = arith.constant 0 : i32
        %dma_start3A_112 = arith.constant 3 : i32
        %dma_start3A_113 = arith.constant 0 : i32
        %dma_start3A_114 = arith.constant 384 : i32
        %dma_start3A_115 = arith.constant 0 : i32
        %dma_start3A_116 = tpu.memref_slice %arg6[%dma_start3A_113, %dma_start3A_114, %dma_start3A_115] : memref<2x1280x32xf32, #tpu.memory_space<vmem>> -> memref<1x128x32xf32, #tpu.memory_space<vmem>>
        %dma_start3A_117 = tpu.memref_squeeze %dma_start3A_116 : memref<1x128x32xf32, #tpu.memory_space<vmem>> -> memref<128x32xf32, #tpu.memory_space<vmem>>
        %dma_start3A_118 = arith.constant 0 : i32
        %dma_start3A_119 = tpu.memref_slice %arg5[%dma_start3A_111, %dma_start3A_112, %dma_start3A_118] : memref<2x10x128xi32, #tpu.memory_space<vmem>> -> memref<1x1x128xi32, #tpu.memory_space<vmem>>
        %dma_start3A_120 = tpu.memref_squeeze %dma_start3A_119 : memref<1x1x128xi32, #tpu.memory_space<vmem>> -> memref<128xi32, #tpu.memory_space<vmem>>
        %dma_start3A_121 = arith.constant 0 : i32
        %dma_start3A_122 = arith.constant 0 : i32
        %dma_start3A_123 = tpu.memref_slice %arg2[%dma_start3A_121, %dma_start3A_122] : memref<50000x32xf32, #tpu.memory_space<hbm>> -> memref<50000x32xf32, #tpu.memory_space<hbm>>
        tpu.enqueue_indirect_dma source(%dma_start3A_123 : memref<50000x32xf32, #tpu.memory_space<hbm>>) target(%dma_start3A_117 : memref<128x32xf32, #tpu.memory_space<vmem>>) offsets(%dma_start3A_120 : memref<128xi32, #tpu.memory_space<vmem>>) semaphore(%arg7 : memref<!tpu.dma_semaphore, #tpu.memory_space<semaphore_mem>>)
        %dma_start3A_124 = arith.constant 0 : i32
        %dma_start3A_125 = arith.constant 4 : i32
        %dma_start3A_126 = arith.constant 0 : i32
        %dma_start3A_127 = arith.constant 512 : i32
        %dma_start3A_128 = arith.constant 0 : i32
        %dma_start3A_129 = tpu.memref_slice %arg6[%dma_start3A_126, %dma_start3A_127, %dma_start3A_128] : memref<2x1280x32xf32, #tpu.memory_space<vmem>> -> memref<1x128x32xf32, #tpu.memory_space<vmem>>
        %dma_start3A_130 = tpu.memref_squeeze %dma_start3A_129 : memref<1x128x32xf32, #tpu.memory_space<vmem>> -> memref<128x32xf32, #tpu.memory_space<vmem>>
        %dma_start3A_131 = arith.constant 0 : i32
        %dma_start3A_132 = tpu.memref_slice %arg5[%dma_start3A_124, %dma_start3A_125, %dma_start3A_131] : memref<2x10x128xi32, #tpu.memory_space<vmem>> -> memref<1x1x128xi32, #tpu.memory_space<vmem>>
        %dma_start3A_133 = tpu.memref_squeeze %dma_start3A_132 : memref<1x1x128xi32, #tpu.memory_space<vmem>> -> memref<128xi32, #tpu.memory_space<vmem>>
        %dma_start3A_134 = arith.constant 0 : i32
        %dma_start3A_135 = arith.constant 0 : i32
        %dma_start3A_136 = tpu.memref_slice %arg2[%dma_start3A_134, %dma_start3A_135] : memref<50000x32xf32, #tpu.memory_space<hbm>> -> memref<50000x32xf32, #tpu.memory_space<hbm>>
        tpu.enqueue_indirect_dma source(%dma_start3A_136 : memref<50000x32xf32, #tpu.memory_space<hbm>>) target(%dma_start3A_130 : memref<128x32xf32, #tpu.memory_space<vmem>>) offsets(%dma_start3A_133 : memref<128xi32, #tpu.memory_space<vmem>>) semaphore(%arg7 : memref<!tpu.dma_semaphore, #tpu.memory_space<semaphore_mem>>)
        %dma_start3A_137 = arith.constant 0 : i32
        %dma_start3A_138 = arith.constant 5 : i32
        %dma_start3A_139 = arith.constant 0 : i32
        %dma_start3A_140 = arith.constant 640 : i32
        %dma_start3A_141 = arith.constant 0 : i32
        %dma_start3A_142 = tpu.memref_slice %arg6[%dma_start3A_139, %dma_start3A_140, %dma_start3A_141] : memref<2x1280x32xf32, #tpu.memory_space<vmem>> -> memref<1x128x32xf32, #tpu.memory_space<vmem>>
        %dma_start3A_143 = tpu.memref_squeeze %dma_start3A_142 : memref<1x128x32xf32, #tpu.memory_space<vmem>> -> memref<128x32xf32, #tpu.memory_space<vmem>>
        %dma_start3A_144 = arith.constant 0 : i32
        %dma_start3A_145 = tpu.memref_slice %arg5[%dma_start3A_137, %dma_start3A_138, %dma_start3A_144] : memref<2x10x128xi32, #tpu.memory_space<vmem>> -> memref<1x1x128xi32, #tpu.memory_space<vmem>>
        %dma_start3A_146 = tpu.memref_squeeze %dma_start3A_145 : memref<1x1x128xi32, #tpu.memory_space<vmem>> -> memref<128xi32, #tpu.memory_space<vmem>>
        %dma_start3A_147 = arith.constant 0 : i32
        %dma_start3A_148 = arith.constant 0 : i32
        %dma_start3A_149 = tpu.memref_slice %arg2[%dma_start3A_147, %dma_start3A_148] : memref<50000x32xf32, #tpu.memory_space<hbm>> -> memref<50000x32xf32, #tpu.memory_space<hbm>>
        tpu.enqueue_indirect_dma source(%dma_start3A_149 : memref<50000x32xf32, #tpu.memory_space<hbm>>) target(%dma_start3A_143 : memref<128x32xf32, #tpu.memory_space<vmem>>) offsets(%dma_start3A_146 : memref<128xi32, #tpu.memory_space<vmem>>) semaphore(%arg7 : memref<!tpu.dma_semaphore, #tpu.memory_space<semaphore_mem>>)
        %dma_start3A_150 = arith.constant 0 : i32
        %dma_start3A_151 = arith.constant 6 : i32
        %dma_start3A_152 = arith.constant 0 : i32
        %dma_start3A_153 = arith.constant 768 : i32
        %dma_start3A_154 = arith.constant 0 : i32
        %dma_start3A_155 = tpu.memref_slice %arg6[%dma_start3A_152, %dma_start3A_153, %dma_start3A_154] : memref<2x1280x32xf32, #tpu.memory_space<vmem>> -> memref<1x128x32xf32, #tpu.memory_space<vmem>>
        %dma_start3A_156 = tpu.memref_squeeze %dma_start3A_155 : memref<1x128x32xf32, #tpu.memory_space<vmem>> -> memref<128x32xf32, #tpu.memory_space<vmem>>
        %dma_start3A_157 = arith.constant 0 : i32
        %dma_start3A_158 = tpu.memref_slice %arg5[%dma_start3A_150, %dma_start3A_151, %dma_start3A_157] : memref<2x10x128xi32, #tpu.memory_space<vmem>> -> memref<1x1x128xi32, #tpu.memory_space<vmem>>
        %dma_start3A_159 = tpu.memref_squeeze %dma_start3A_158 : memref<1x1x128xi32, #tpu.memory_space<vmem>> -> memref<128xi32, #tpu.memory_space<vmem>>
        %dma_start3A_160 = arith.constant 0 : i32
        %dma_start3A_161 = arith.constant 0 : i32
        %dma_start3A_162 = tpu.memref_slice %arg2[%dma_start3A_160, %dma_start3A_161] : memref<50000x32xf32, #tpu.memory_space<hbm>> -> memref<50000x32xf32, #tpu.memory_space<hbm>>
        tpu.enqueue_indirect_dma source(%dma_start3A_162 : memref<50000x32xf32, #tpu.memory_space<hbm>>) target(%dma_start3A_156 : memref<128x32xf32, #tpu.memory_space<vmem>>) offsets(%dma_start3A_159 : memref<128xi32, #tpu.memory_space<vmem>>) semaphore(%arg7 : memref<!tpu.dma_semaphore, #tpu.memory_space<semaphore_mem>>)
        %dma_start3A_163 = arith.constant 0 : i32
        %dma_start3A_164 = arith.constant 7 : i32
        %dma_start3A_165 = arith.constant 0 : i32
        %dma_start3A_166 = arith.constant 896 : i32
        %dma_start3A_167 = arith.constant 0 : i32
        %dma_start3A_168 = tpu.memref_slice %arg6[%dma_start3A_165, %dma_start3A_166, %dma_start3A_167] : memref<2x1280x32xf32, #tpu.memory_space<vmem>> -> memref<1x128x32xf32, #tpu.memory_space<vmem>>
        %dma_start3A_169 = tpu.memref_squeeze %dma_start3A_168 : memref<1x128x32xf32, #tpu.memory_space<vmem>> -> memref<128x32xf32, #tpu.memory_space<vmem>>
        %dma_start3A_170 = arith.constant 0 : i32
        %dma_start3A_171 = tpu.memref_slice %arg5[%dma_start3A_163, %dma_start3A_164, %dma_start3A_170] : memref<2x10x128xi32, #tpu.memory_space<vmem>> -> memref<1x1x128xi32, #tpu.memory_space<vmem>>
        %dma_start3A_172 = tpu.memref_squeeze %dma_start3A_171 : memref<1x1x128xi32, #tpu.memory_space<vmem>> -> memref<128xi32, #tpu.memory_space<vmem>>
        %dma_start3A_173 = arith.constant 0 : i32
        %dma_start3A_174 = arith.constant 0 : i32
        %dma_start3A_175 = tpu.memref_slice %arg2[%dma_start3A_173, %dma_start3A_174] : memref<50000x32xf32, #tpu.memory_space<hbm>> -> memref<50000x32xf32, #tpu.memory_space<hbm>>
        tpu.enqueue_indirect_dma source(%dma_start3A_175 : memref<50000x32xf32, #tpu.memory_space<hbm>>) target(%dma_start3A_169 : memref<128x32xf32, #tpu.memory_space<vmem>>) offsets(%dma_start3A_172 : memref<128xi32, #tpu.memory_space<vmem>>) semaphore(%arg7 : memref<!tpu.dma_semaphore, #tpu.memory_space<semaphore_mem>>)
        %dma_start3A_176 = arith.constant 0 : i32
        %dma_start3A_177 = arith.constant 8 : i32
        %dma_start3A_178 = arith.constant 0 : i32
        %dma_start3A_179 = arith.constant 1024 : i32
        %dma_start3A_180 = arith.constant 0 : i32
        %dma_start3A_181 = tpu.memref_slice %arg6[%dma_start3A_178, %dma_start3A_179, %dma_start3A_180] : memref<2x1280x32xf32, #tpu.memory_space<vmem>> -> memref<1x128x32xf32, #tpu.memory_space<vmem>>
        %dma_start3A_182 = tpu.memref_squeeze %dma_start3A_181 : memref<1x128x32xf32, #tpu.memory_space<vmem>> -> memref<128x32xf32, #tpu.memory_space<vmem>>
        %dma_start3A_183 = arith.constant 0 : i32
        %dma_start3A_184 = tpu.memref_slice %arg5[%dma_start3A_176, %dma_start3A_177, %dma_start3A_183] : memref<2x10x128xi32, #tpu.memory_space<vmem>> -> memref<1x1x128xi32, #tpu.memory_space<vmem>>
        %dma_start3A_185 = tpu.memref_squeeze %dma_start3A_184 : memref<1x1x128xi32, #tpu.memory_space<vmem>> -> memref<128xi32, #tpu.memory_space<vmem>>
        %dma_start3A_186 = arith.constant 0 : i32
        %dma_start3A_187 = arith.constant 0 : i32
        %dma_start3A_188 = tpu.memref_slice %arg2[%dma_start3A_186, %dma_start3A_187] : memref<50000x32xf32, #tpu.memory_space<hbm>> -> memref<50000x32xf32, #tpu.memory_space<hbm>>
        tpu.enqueue_indirect_dma source(%dma_start3A_188 : memref<50000x32xf32, #tpu.memory_space<hbm>>) target(%dma_start3A_182 : memref<128x32xf32, #tpu.memory_space<vmem>>) offsets(%dma_start3A_185 : memref<128xi32, #tpu.memory_space<vmem>>) semaphore(%arg7 : memref<!tpu.dma_semaphore, #tpu.memory_space<semaphore_mem>>)
        %dma_start3A_189 = arith.constant 0 : i32
        %dma_start3A_190 = arith.constant 9 : i32
        %dma_start3A_191 = arith.constant 0 : i32
        %dma_start3A_192 = arith.constant 1152 : i32
        %dma_start3A_193 = arith.constant 0 : i32
        %dma_start3A_194 = tpu.memref_slice %arg6[%dma_start3A_191, %dma_start3A_192, %dma_start3A_193] : memref<2x1280x32xf32, #tpu.memory_space<vmem>> -> memref<1x128x32xf32, #tpu.memory_space<vmem>>
        %dma_start3A_195 = tpu.memref_squeeze %dma_start3A_194 : memref<1x128x32xf32, #tpu.memory_space<vmem>> -> memref<128x32xf32, #tpu.memory_space<vmem>>
        %dma_start3A_196 = arith.constant 0 : i32
        %dma_start3A_197 = tpu.memref_slice %arg5[%dma_start3A_189, %dma_start3A_190, %dma_start3A_196] : memref<2x10x128xi32, #tpu.memory_space<vmem>> -> memref<1x1x128xi32, #tpu.memory_space<vmem>>
        %dma_start3A_198 = tpu.memref_squeeze %dma_start3A_197 : memref<1x1x128xi32, #tpu.memory_space<vmem>> -> memref<128xi32, #tpu.memory_space<vmem>>
        %dma_start3A_199 = arith.constant 0 : i32
        %dma_start3A_200 = arith.constant 0 : i32
        %dma_start3A_201 = tpu.memref_slice %arg2[%dma_start3A_199, %dma_start3A_200] : memref<50000x32xf32, #tpu.memory_space<hbm>> -> memref<50000x32xf32, #tpu.memory_space<hbm>>
        tpu.enqueue_indirect_dma source(%dma_start3A_201 : memref<50000x32xf32, #tpu.memory_space<hbm>>) target(%dma_start3A_195 : memref<128x32xf32, #tpu.memory_space<vmem>>) offsets(%dma_start3A_198 : memref<128xi32, #tpu.memory_space<vmem>>) semaphore(%arg7 : memref<!tpu.dma_semaphore, #tpu.memory_space<semaphore_mem>>)
      } else {
      }
      %mul3A_63 = arith.constant 32 : i32
      %mul3A_64 = arith.muli %add3A_47, %mul3A_63 : i32
      %add3A_65 = arith.addi %mul3A_64, %add3A : i32
      %lt3A_66 = arith.constant 625 : i32
      %lt3A_67 = arith.cmpi slt, %add3A_65, %lt3A_66 : i32
      %convert_element_type3A_68 = arith.extui %lt3A_67 : i1 to i32
      %cond3A_69 = arith.constant 0 : i32
      %cond3A_70 = arith.cmpi ne, %convert_element_type3A_68, %cond3A_69 : i32
      scf.if %cond3A_70 {
        %mul3A_71 = arith.constant 1280 : i32
        %mul3A_72 = arith.muli %add3A_65, %mul3A_71 : i32
        %dma_wait3A = arith.constant 1 : i32
        %dma_wait3A_73 = arith.constant 0 : i32
        %dma_wait3A_74 = arith.constant 0 : i32
        %dma_wait3A_75 = tpu.memref_slice %arg6[%dma_wait3A, %dma_wait3A_73, %dma_wait3A_74] : memref<2x1280x32xf32, #tpu.memory_space<vmem>> -> memref<1x1280x32xf32, #tpu.memory_space<vmem>>
        %dma_wait3A_76 = tpu.memref_squeeze %dma_wait3A_75 : memref<1x1280x32xf32, #tpu.memory_space<vmem>> -> memref<1280x32xf32, #tpu.memory_space<vmem>>
        %dma_wait3A_77 = arith.constant 0 : i32
        %dma_wait3A_78 = arith.constant 0 : i32
        %dma_wait3A_79 = tpu.memref_slice %arg4[%dma_wait3A_77, %dma_wait3A_78] : memref<800000x32xf32, #tpu.memory_space<hbm>> -> memref<1280x32xf32, #tpu.memory_space<hbm>>
        %dma_wait3A_80 = arith.constant 0 : i32
        %dma_wait3A_81 = arith.constant 0 : i32
        %dma_wait3A_82 = tpu.memref_slice %arg6[%dma_wait3A, %dma_wait3A_80, %dma_wait3A_81] : memref<2x1280x32xf32, #tpu.memory_space<vmem>> -> memref<1x1280x32xf32, #tpu.memory_space<vmem>>
        %dma_wait3A_83 = tpu.memref_squeeze %dma_wait3A_82 : memref<1x1280x32xf32, #tpu.memory_space<vmem>> -> memref<1280x32xf32, #tpu.memory_space<vmem>>
        %dma_wait3A_84 = arith.constant 0 : i32
        %dma_wait3A_85 = arith.constant 0 : i32
        %dma_wait3A_86 = tpu.memref_slice %arg4[%dma_wait3A_84, %dma_wait3A_85] : memref<800000x32xf32, #tpu.memory_space<hbm>> -> memref<1280x32xf32, #tpu.memory_space<hbm>>
        tpu.wait_dma2 semaphore(%arg8 : memref<!tpu.dma_semaphore, #tpu.memory_space<semaphore_mem>>) src(%dma_wait3A_86 : memref<1280x32xf32, #tpu.memory_space<hbm>>) dst(%dma_wait3A_83 : memref<1280x32xf32, #tpu.memory_space<vmem>>)
        %dma_start3A = arith.constant 1 : i32
        %dma_start3A_87 = arith.constant 0 : i32
        %dma_start3A_88 = arith.constant 0 : i32
        %dma_start3A_89 = tpu.memref_slice %arg6[%dma_start3A, %dma_start3A_87, %dma_start3A_88] : memref<2x1280x32xf32, #tpu.memory_space<vmem>> -> memref<1x1280x32xf32, #tpu.memory_space<vmem>>
        %dma_start3A_90 = tpu.memref_squeeze %dma_start3A_89 : memref<1x1280x32xf32, #tpu.memory_space<vmem>> -> memref<1280x32xf32, #tpu.memory_space<vmem>>
        %dma_start3A_91 = arith.constant 0 : i32
        %dma_start3A_92 = tpu.memref_slice %arg4[%mul3A_72, %dma_start3A_91] : memref<800000x32xf32, #tpu.memory_space<hbm>> -> memref<1280x32xf32, #tpu.memory_space<hbm>>
        %dma_start3A_93 = arith.constant 0 : i32
        %dma_start3A_94 = tpu.memref_slice %arg4[%mul3A_72, %dma_start3A_93] : memref<800000x32xf32, #tpu.memory_space<hbm>> -> memref<1280x32xf32, #tpu.memory_space<hbm>>
        %dma_start3A_95 = arith.constant 0 : i32
        %dma_start3A_96 = arith.constant 0 : i32
        %dma_start3A_97 = tpu.memref_slice %arg6[%dma_start3A, %dma_start3A_95, %dma_start3A_96] : memref<2x1280x32xf32, #tpu.memory_space<vmem>> -> memref<1x1280x32xf32, #tpu.memory_space<vmem>>
        %dma_start3A_98 = tpu.memref_squeeze %dma_start3A_97 : memref<1x1280x32xf32, #tpu.memory_space<vmem>> -> memref<1280x32xf32, #tpu.memory_space<vmem>>
        tpu.enqueue_dma source(%dma_start3A_98 : memref<1280x32xf32, #tpu.memory_space<vmem>>) target(%dma_start3A_94 : memref<1280x32xf32, #tpu.memory_space<hbm>>) target_semaphore(%arg10 : memref<!tpu.dma_semaphore, #tpu.memory_space<semaphore_mem>>)
      } else {
      }
    }
    %scan3A_9 = arith.constant 10 : i32
    %add3A_10 = arith.constant 608 : i32
    %add3A_11 = arith.addi %add3A_10, %add3A : i32
    %lt3A_12 = arith.constant 625 : i32
    %lt3A_13 = arith.cmpi slt, %add3A_11, %lt3A_12 : i32
    %convert_element_type3A_14 = arith.extui %lt3A_13 : i1 to i32
    %cond3A_15 = arith.constant 0 : i32
    %cond3A_16 = arith.cmpi ne, %convert_element_type3A_14, %cond3A_15 : i32
    scf.if %cond3A_16 {
      %dma_wait3A = arith.constant 1 : i32
      %dma_wait3A_17 = arith.constant 0 : i32
      %dma_wait3A_18 = arith.constant 0 : i32
      %dma_wait3A_19 = tpu.memref_slice %arg6[%dma_wait3A, %dma_wait3A_17, %dma_wait3A_18] : memref<2x1280x32xf32, #tpu.memory_space<vmem>> -> memref<1x1280x32xf32, #tpu.memory_space<vmem>>
      %dma_wait3A_20 = tpu.memref_squeeze %dma_wait3A_19 : memref<1x1280x32xf32, #tpu.memory_space<vmem>> -> memref<1280x32xf32, #tpu.memory_space<vmem>>
      %dma_wait3A_21 = arith.constant 0 : i32
      %dma_wait3A_22 = arith.constant 0 : i32
      %dma_wait3A_23 = tpu.memref_slice %arg4[%dma_wait3A_21, %dma_wait3A_22] : memref<800000x32xf32, #tpu.memory_space<hbm>> -> memref<1280x32xf32, #tpu.memory_space<hbm>>
      %dma_wait3A_24 = arith.constant 0 : i32
      %dma_wait3A_25 = arith.constant 0 : i32
      %dma_wait3A_26 = tpu.memref_slice %arg4[%dma_wait3A_24, %dma_wait3A_25] : memref<800000x32xf32, #tpu.memory_space<hbm>> -> memref<1280x32xf32, #tpu.memory_space<hbm>>
      %dma_wait3A_27 = arith.constant 0 : i32
      %dma_wait3A_28 = arith.constant 0 : i32
      %dma_wait3A_29 = tpu.memref_slice %arg6[%dma_wait3A, %dma_wait3A_27, %dma_wait3A_28] : memref<2x1280x32xf32, #tpu.memory_space<vmem>> -> memref<1x1280x32xf32, #tpu.memory_space<vmem>>
      %dma_wait3A_30 = tpu.memref_squeeze %dma_wait3A_29 : memref<1x1280x32xf32, #tpu.memory_space<vmem>> -> memref<1280x32xf32, #tpu.memory_space<vmem>>
      tpu.wait_dma2 semaphore(%arg10 : memref<!tpu.dma_semaphore, #tpu.memory_space<semaphore_mem>>) src(%dma_wait3A_30 : memref<1280x32xf32, #tpu.memory_space<vmem>>) dst(%dma_wait3A_26 : memref<1280x32xf32, #tpu.memory_space<hbm>>)
    } else {
    }
    return
  }
}

module attributes {stable_mosaic.version = 14 : i64} {
  func.func @k(%arg0: i32, %arg1: memref<2000x128xf32, #tpu.memory_space<vmem>>, %arg2: memref<128x16xf32, #tpu.memory_space<vmem>>, %arg3: memref<1x16xf32, #tpu.memory_space<vmem>>, %arg4: memref<2000x16xf32, #tpu.memory_space<vmem>>) attributes {dimension_semantics = [#tpu.dimension_semantics<arbitrary>], iteration_bounds = array<i64: 25>, scalar_prefetch = 0 : i64, scratch_operands = 0 : i64, tpu.core_type = #tpu.core_type<tc>, window_params = [{transform_indices = @transform_0, window_bounds = array<i64: 2000, 128>}, {pipeline_mode = #tpu.pipeline_mode<synchronous>, transform_indices = @transform_1, window_bounds = array<i64: 128, 16>}, {pipeline_mode = #tpu.pipeline_mode<synchronous>, transform_indices = @transform_2, window_bounds = array<i64: 1, 16>}, {transform_indices = @transform_3, window_bounds = array<i64: 2000, 16>}]} {
    %get3A = arith.constant 0 : index
    %get3A_0 = arith.constant 0 : index
    %get3A_1 = vector.load %arg1[%get3A, %get3A_0] : memref<2000x128xf32, #tpu.memory_space<vmem>>, vector<2000x128xf32>
    %get3A_2 = arith.constant 0 : index
    %get3A_3 = arith.constant 0 : index
    %get3A_4 = vector.load %arg2[%get3A_2, %get3A_3] : memref<128x16xf32, #tpu.memory_space<vmem>>, vector<128x16xf32>
    %dot_general3A = arith.constant dense<0.000000e+00> : vector<2000x16xf32>
    %dot_general3A_5 = tpu.matmul %get3A_1, %get3A_4, %dot_general3A {dimension_numbers = #tpu.dot_dimension_numbers<[1], [0], [0], [1], [0, 0, 1, 1], [], []>, transpose_lhs_hint = false} : vector<2000x128xf32>, vector<128x16xf32>, vector<2000x16xf32> -> vector<2000x16xf32>
    %get3A_6 = arith.constant 0 : index
    %get3A_7 = arith.constant 0 : index
    %get3A_8 = vector.load %arg3[%get3A_6, %get3A_7] : memref<1x16xf32, #tpu.memory_space<vmem>>, vector<1x16xf32>
    %add3A = vector.broadcast %get3A_8 : vector<1x16xf32> to vector<2000x16xf32>
    %add3A_9 = arith.addf %dot_general3A_5, %add3A : vector<2000x16xf32>
    %gt3A = arith.constant 0.000000e+00 : f32
    %gt3A_10 = vector.broadcast %gt3A : f32 to vector<2000x16xf32>
    %gt3A_11 = arith.cmpf ogt, %add3A_9, %gt3A_10 : vector<2000x16xf32>
    %exp3A = math.exp %add3A_9 : vector<2000x16xf32>
    %sub3A = arith.constant 1.000000e+00 : f32
    %sub3A_12 = vector.broadcast %sub3A : f32 to vector<2000x16xf32>
    %sub3A_13 = arith.subf %exp3A, %sub3A_12 : vector<2000x16xf32>
    %select_n3A = arith.select %gt3A_11, %add3A_9, %sub3A_13 : vector<2000x16xi1>, vector<2000x16xf32>
    %swap3A = arith.constant 0 : index
    %swap3A_14 = arith.constant 0 : index
    %swap3A_15 = vector.load %arg4[%swap3A, %swap3A_14] : memref<2000x16xf32, #tpu.memory_space<vmem>>, vector<2000x16xf32>
    tpu.vector_store %arg4[%swap3A, %swap3A_14], %select_n3A {strides = array<i32>} : memref<2000x16xf32, #tpu.memory_space<vmem>>, vector<2000x16xf32>,
    return
  }
  func.func @transform_0(%arg0: i32) -> (i32, i32) {
    %c0_i32 = arith.constant 0 : i32
    %c0_i32_0 = arith.constant 0 : i32
    return %arg0, %c0_i32 : i32, i32
  }
  func.func @transform_1(%arg0: i32) -> (i32, i32) {
    %c0_i32 = arith.constant 0 : i32
    %c0_i32_0 = arith.constant 0 : i32
    %c0_i32_1 = arith.constant 0 : i32
    return %c0_i32, %c0_i32_0 : i32, i32
  }
  func.func @transform_2(%arg0: i32) -> (i32, i32) {
    %c0_i32 = arith.constant 0 : i32
    %c0_i32_0 = arith.constant 0 : i32
    %c0_i32_1 = arith.constant 0 : i32
    return %c0_i32, %c0_i32_0 : i32, i32
  }
  func.func @transform_3(%arg0: i32) -> (i32, i32) {
    %c0_i32 = arith.constant 0 : i32
    %c0_i32_0 = arith.constant 0 : i32
    return %arg0, %c0_i32 : i32, i32
  }
}

module attributes {stable_mosaic.version = 14 : i64} {
  func.func @mm_k(%arg0: i32, %arg1: i32, %arg2: memref<2000x128xf32, #tpu.memory_space<vmem>>, %arg3: memref<128x32xf32, #tpu.memory_space<vmem>>, %arg4: memref<1x32xf32, #tpu.memory_space<vmem>>, %arg5: memref<2000x32xf32, #tpu.memory_space<vmem>>, %arg6: memref<2000x32xf32, #tpu.memory_space<vmem>>) attributes {dimension_semantics = [#tpu.dimension_semantics<arbitrary>, #tpu.dimension_semantics<arbitrary>], iteration_bounds = array<i64: 25, 2>, scalar_prefetch = 0 : i64, scratch_operands = 1 : i64, tpu.core_type = #tpu.core_type<tc>, window_params = [{transform_indices = @transform_0, window_bounds = array<i64: 2000, 128>}, {transform_indices = @transform_1, window_bounds = array<i64: 128, 32>}, {pipeline_mode = #tpu.pipeline_mode<synchronous>, transform_indices = @transform_2, window_bounds = array<i64: 1, 32>}, {transform_indices = @transform_3, window_bounds = array<i64: 2000, 32>}]} {
    %eq3A = arith.constant 0 : i32
    %eq3A_0 = arith.cmpi eq, %arg1, %eq3A : i32
    %convert_element_type3A = arith.extui %eq3A_0 : i1 to i32
    %cond3A = arith.constant 0 : i32
    %cond3A_1 = arith.cmpi ne, %convert_element_type3A, %cond3A : i32
    scf.if %cond3A_1 {
      %broadcast_in_dim3A = arith.constant 0.000000e+00 : f32
      %broadcast_in_dim3A_18 = vector.broadcast %broadcast_in_dim3A : f32 to vector<2000x32xf32>
      %swap3A_19 = arith.constant 0 : index
      %swap3A_20 = arith.constant 0 : index
      %swap3A_21 = vector.load %arg6[%swap3A_19, %swap3A_20] : memref<2000x32xf32, #tpu.memory_space<vmem>>, vector<2000x32xf32>
      tpu.vector_store %arg6[%swap3A_19, %swap3A_20], %broadcast_in_dim3A_18 {strides = array<i32>} : memref<2000x32xf32, #tpu.memory_space<vmem>>, vector<2000x32xf32>,
    } else {
    }
    %get3A = arith.constant 0 : index
    %get3A_2 = arith.constant 0 : index
    %get3A_3 = vector.load %arg6[%get3A, %get3A_2] : memref<2000x32xf32, #tpu.memory_space<vmem>>, vector<2000x32xf32>
    %get3A_4 = arith.constant 0 : index
    %get3A_5 = arith.constant 0 : index
    %get3A_6 = vector.load %arg2[%get3A_4, %get3A_5] : memref<2000x128xf32, #tpu.memory_space<vmem>>, vector<2000x128xf32>
    %get3A_7 = arith.constant 0 : index
    %get3A_8 = arith.constant 0 : index
    %get3A_9 = vector.load %arg3[%get3A_7, %get3A_8] : memref<128x32xf32, #tpu.memory_space<vmem>>, vector<128x32xf32>
    %dot_general3A = arith.constant dense<0.000000e+00> : vector<2000x32xf32>
    %dot_general3A_10 = tpu.matmul %get3A_6, %get3A_9, %dot_general3A {dimension_numbers = #tpu.dot_dimension_numbers<[1], [0], [0], [1], [0, 0, 1, 1], [], []>, transpose_lhs_hint = false} : vector<2000x128xf32>, vector<128x32xf32>, vector<2000x32xf32> -> vector<2000x32xf32>
    %add3A = arith.addf %get3A_3, %dot_general3A_10 : vector<2000x32xf32>
    %swap3A = arith.constant 0 : index
    %swap3A_11 = arith.constant 0 : index
    %swap3A_12 = vector.load %arg6[%swap3A, %swap3A_11] : memref<2000x32xf32, #tpu.memory_space<vmem>>, vector<2000x32xf32>
    tpu.vector_store %arg6[%swap3A, %swap3A_11], %add3A {strides = array<i32>} : memref<2000x32xf32, #tpu.memory_space<vmem>>, vector<2000x32xf32>,
    %eq3A_13 = arith.constant 1 : i32
    %eq3A_14 = arith.cmpi eq, %arg1, %eq3A_13 : i32
    %convert_element_type3A_15 = arith.extui %eq3A_14 : i1 to i32
    %cond3A_16 = arith.constant 0 : i32
    %cond3A_17 = arith.cmpi ne, %convert_element_type3A_15, %cond3A_16 : i32
    scf.if %cond3A_17 {
      %get3A_18 = arith.constant 0 : index
      %get3A_19 = arith.constant 0 : index
      %get3A_20 = vector.load %arg6[%get3A_18, %get3A_19] : memref<2000x32xf32, #tpu.memory_space<vmem>>, vector<2000x32xf32>
      %get3A_21 = arith.constant 0 : index
      %get3A_22 = arith.constant 0 : index
      %get3A_23 = vector.load %arg4[%get3A_21, %get3A_22] : memref<1x32xf32, #tpu.memory_space<vmem>>, vector<1x32xf32>
      %add3A_24 = vector.broadcast %get3A_23 : vector<1x32xf32> to vector<2000x32xf32>
      %add3A_25 = arith.addf %get3A_20, %add3A_24 : vector<2000x32xf32>
      %gt3A = arith.constant 0.000000e+00 : f32
      %gt3A_26 = vector.broadcast %gt3A : f32 to vector<2000x32xf32>
      %gt3A_27 = arith.cmpf ogt, %add3A_25, %gt3A_26 : vector<2000x32xf32>
      %exp3A = math.exp %add3A_25 : vector<2000x32xf32>
      %sub3A = arith.constant 1.000000e+00 : f32
      %sub3A_28 = vector.broadcast %sub3A : f32 to vector<2000x32xf32>
      %sub3A_29 = arith.subf %exp3A, %sub3A_28 : vector<2000x32xf32>
      %select_n3A = arith.select %gt3A_27, %add3A_25, %sub3A_29 : vector<2000x32xi1>, vector<2000x32xf32>
      %swap3A_30 = arith.constant 0 : index
      %swap3A_31 = arith.constant 0 : index
      %swap3A_32 = vector.load %arg5[%swap3A_30, %swap3A_31] : memref<2000x32xf32, #tpu.memory_space<vmem>>, vector<2000x32xf32>
      tpu.vector_store %arg5[%swap3A_30, %swap3A_31], %select_n3A {strides = array<i32>} : memref<2000x32xf32, #tpu.memory_space<vmem>>, vector<2000x32xf32>,
    } else {
    }
    return
  }
  func.func @transform_0(%arg0: i32, %arg1: i32) -> (i32, i32) {
    %mul3A = arith.constant 25 : i32
    %mul3A_0 = arith.muli %arg1, %mul3A : i32
    %add3A = arith.addi %mul3A_0, %arg0 : i32
    %c0_i32 = arith.constant 0 : i32
    %c0_i32_1 = arith.constant 0 : i32
    return %add3A, %c0_i32 : i32, i32
  }
  func.func @transform_1(%arg0: i32, %arg1: i32) -> (i32, i32) {
    %c0_i32 = arith.constant 0 : i32
    %c0_i32_0 = arith.constant 0 : i32
    return %arg1, %c0_i32 : i32, i32
  }
  func.func @transform_2(%arg0: i32, %arg1: i32) -> (i32, i32) {
    %c0_i32 = arith.constant 0 : i32
    %c0_i32_0 = arith.constant 0 : i32
    %c0_i32_1 = arith.constant 0 : i32
    return %c0_i32, %c0_i32_0 : i32, i32
  }
  func.func @transform_3(%arg0: i32, %arg1: i32) -> (i32, i32) {
    %c0_i32 = arith.constant 0 : i32
    %c0_i32_0 = arith.constant 0 : i32
    return %arg0, %c0_i32 : i32, i32
  }
}

module attributes {stable_mosaic.version = 14 : i64} {
  func.func @mm_k(%arg0: i32, %arg1: i32, %arg2: memref<2000x128xf32, #tpu.memory_space<vmem>>, %arg3: memref<128x64xf32, #tpu.memory_space<vmem>>, %arg4: memref<1x64xf32, #tpu.memory_space<vmem>>, %arg5: memref<2000x64xf32, #tpu.memory_space<vmem>>, %arg6: memref<2000x64xf32, #tpu.memory_space<vmem>>) attributes {dimension_semantics = [#tpu.dimension_semantics<arbitrary>, #tpu.dimension_semantics<arbitrary>], iteration_bounds = array<i64: 25, 4>, scalar_prefetch = 0 : i64, scratch_operands = 1 : i64, tpu.core_type = #tpu.core_type<tc>, window_params = [{transform_indices = @transform_0, window_bounds = array<i64: 2000, 128>}, {transform_indices = @transform_1, window_bounds = array<i64: 128, 64>}, {pipeline_mode = #tpu.pipeline_mode<synchronous>, transform_indices = @transform_2, window_bounds = array<i64: 1, 64>}, {transform_indices = @transform_3, window_bounds = array<i64: 2000, 64>}]} {
    %eq3A = arith.constant 0 : i32
    %eq3A_0 = arith.cmpi eq, %arg1, %eq3A : i32
    %convert_element_type3A = arith.extui %eq3A_0 : i1 to i32
    %cond3A = arith.constant 0 : i32
    %cond3A_1 = arith.cmpi ne, %convert_element_type3A, %cond3A : i32
    scf.if %cond3A_1 {
      %broadcast_in_dim3A = arith.constant 0.000000e+00 : f32
      %broadcast_in_dim3A_18 = vector.broadcast %broadcast_in_dim3A : f32 to vector<2000x64xf32>
      %swap3A_19 = arith.constant 0 : index
      %swap3A_20 = arith.constant 0 : index
      %swap3A_21 = vector.load %arg6[%swap3A_19, %swap3A_20] : memref<2000x64xf32, #tpu.memory_space<vmem>>, vector<2000x64xf32>
      tpu.vector_store %arg6[%swap3A_19, %swap3A_20], %broadcast_in_dim3A_18 {strides = array<i32>} : memref<2000x64xf32, #tpu.memory_space<vmem>>, vector<2000x64xf32>,
    } else {
    }
    %get3A = arith.constant 0 : index
    %get3A_2 = arith.constant 0 : index
    %get3A_3 = vector.load %arg6[%get3A, %get3A_2] : memref<2000x64xf32, #tpu.memory_space<vmem>>, vector<2000x64xf32>
    %get3A_4 = arith.constant 0 : index
    %get3A_5 = arith.constant 0 : index
    %get3A_6 = vector.load %arg2[%get3A_4, %get3A_5] : memref<2000x128xf32, #tpu.memory_space<vmem>>, vector<2000x128xf32>
    %get3A_7 = arith.constant 0 : index
    %get3A_8 = arith.constant 0 : index
    %get3A_9 = vector.load %arg3[%get3A_7, %get3A_8] : memref<128x64xf32, #tpu.memory_space<vmem>>, vector<128x64xf32>
    %dot_general3A = arith.constant dense<0.000000e+00> : vector<2000x64xf32>
    %dot_general3A_10 = tpu.matmul %get3A_6, %get3A_9, %dot_general3A {dimension_numbers = #tpu.dot_dimension_numbers<[1], [0], [0], [1], [0, 0, 1, 1], [], []>, transpose_lhs_hint = false} : vector<2000x128xf32>, vector<128x64xf32>, vector<2000x64xf32> -> vector<2000x64xf32>
    %add3A = arith.addf %get3A_3, %dot_general3A_10 : vector<2000x64xf32>
    %swap3A = arith.constant 0 : index
    %swap3A_11 = arith.constant 0 : index
    %swap3A_12 = vector.load %arg6[%swap3A, %swap3A_11] : memref<2000x64xf32, #tpu.memory_space<vmem>>, vector<2000x64xf32>
    tpu.vector_store %arg6[%swap3A, %swap3A_11], %add3A {strides = array<i32>} : memref<2000x64xf32, #tpu.memory_space<vmem>>, vector<2000x64xf32>,
    %eq3A_13 = arith.constant 3 : i32
    %eq3A_14 = arith.cmpi eq, %arg1, %eq3A_13 : i32
    %convert_element_type3A_15 = arith.extui %eq3A_14 : i1 to i32
    %cond3A_16 = arith.constant 0 : i32
    %cond3A_17 = arith.cmpi ne, %convert_element_type3A_15, %cond3A_16 : i32
    scf.if %cond3A_17 {
      %get3A_18 = arith.constant 0 : index
      %get3A_19 = arith.constant 0 : index
      %get3A_20 = vector.load %arg6[%get3A_18, %get3A_19] : memref<2000x64xf32, #tpu.memory_space<vmem>>, vector<2000x64xf32>
      %get3A_21 = arith.constant 0 : index
      %get3A_22 = arith.constant 0 : index
      %get3A_23 = vector.load %arg4[%get3A_21, %get3A_22] : memref<1x64xf32, #tpu.memory_space<vmem>>, vector<1x64xf32>
      %add3A_24 = vector.broadcast %get3A_23 : vector<1x64xf32> to vector<2000x64xf32>
      %add3A_25 = arith.addf %get3A_20, %add3A_24 : vector<2000x64xf32>
      %gt3A = arith.constant 0.000000e+00 : f32
      %gt3A_26 = vector.broadcast %gt3A : f32 to vector<2000x64xf32>
      %gt3A_27 = arith.cmpf ogt, %add3A_25, %gt3A_26 : vector<2000x64xf32>
      %exp3A = math.exp %add3A_25 : vector<2000x64xf32>
      %sub3A = arith.constant 1.000000e+00 : f32
      %sub3A_28 = vector.broadcast %sub3A : f32 to vector<2000x64xf32>
      %sub3A_29 = arith.subf %exp3A, %sub3A_28 : vector<2000x64xf32>
      %select_n3A = arith.select %gt3A_27, %add3A_25, %sub3A_29 : vector<2000x64xi1>, vector<2000x64xf32>
      %swap3A_30 = arith.constant 0 : index
      %swap3A_31 = arith.constant 0 : index
      %swap3A_32 = vector.load %arg5[%swap3A_30, %swap3A_31] : memref<2000x64xf32, #tpu.memory_space<vmem>>, vector<2000x64xf32>
      tpu.vector_store %arg5[%swap3A_30, %swap3A_31], %select_n3A {strides = array<i32>} : memref<2000x64xf32, #tpu.memory_space<vmem>>, vector<2000x64xf32>,
    } else {
    }
    return
  }
  func.func @transform_0(%arg0: i32, %arg1: i32) -> (i32, i32) {
    %mul3A = arith.constant 25 : i32
    %mul3A_0 = arith.muli %arg1, %mul3A : i32
    %add3A = arith.addi %mul3A_0, %arg0 : i32
    %c0_i32 = arith.constant 0 : i32
    %c0_i32_1 = arith.constant 0 : i32
    return %add3A, %c0_i32 : i32, i32
  }
  func.func @transform_1(%arg0: i32, %arg1: i32) -> (i32, i32) {
    %c0_i32 = arith.constant 0 : i32
    %c0_i32_0 = arith.constant 0 : i32
    return %arg1, %c0_i32 : i32, i32
  }
  func.func @transform_2(%arg0: i32, %arg1: i32) -> (i32, i32) {
    %c0_i32 = arith.constant 0 : i32
    %c0_i32_0 = arith.constant 0 : i32
    %c0_i32_1 = arith.constant 0 : i32
    return %c0_i32, %c0_i32_0 : i32, i32
  }
  func.func @transform_3(%arg0: i32, %arg1: i32) -> (i32, i32) {
    %c0_i32 = arith.constant 0 : i32
    %c0_i32_0 = arith.constant 0 : i32
    return %arg0, %c0_i32 : i32, i32
  }
}

module attributes {stable_mosaic.version = 14 : i64} {
  func.func @fin_k(%arg0: i32, %arg1: i32, %arg2: memref<2000x128xf32, #tpu.memory_space<vmem>>, %arg3: memref<128x128xf32, #tpu.memory_space<vmem>>, %arg4: memref<1x128xf32, #tpu.memory_space<vmem>>, %arg5: memref<128x10xf32, #tpu.memory_space<vmem>>, %arg6: memref<1x10xf32, #tpu.memory_space<vmem>>, %arg7: memref<2000x10xf32, #tpu.memory_space<vmem>>, %arg8: memref<2000x128xf32, #tpu.memory_space<vmem>>) attributes {dimension_semantics = [#tpu.dimension_semantics<arbitrary>, #tpu.dimension_semantics<arbitrary>], iteration_bounds = array<i64: 25, 8>, scalar_prefetch = 0 : i64, scratch_operands = 1 : i64, tpu.core_type = #tpu.core_type<tc>, window_params = [{transform_indices = @transform_0, window_bounds = array<i64: 2000, 128>}, {transform_indices = @transform_1, window_bounds = array<i64: 128, 128>}, {pipeline_mode = #tpu.pipeline_mode<synchronous>, transform_indices = @transform_2, window_bounds = array<i64: 1, 128>}, {pipeline_mode = #tpu.pipeline_mode<synchronous>, transform_indices = @transform_3, window_bounds = array<i64: 128, 10>}, {pipeline_mode = #tpu.pipeline_mode<synchronous>, transform_indices = @transform_4, window_bounds = array<i64: 1, 10>}, {transform_indices = @transform_5, window_bounds = array<i64: 2000, 10>}]} {
    %eq3A = arith.constant 0 : i32
    %eq3A_0 = arith.cmpi eq, %arg1, %eq3A : i32
    %convert_element_type3A = arith.extui %eq3A_0 : i1 to i32
    %cond3A = arith.constant 0 : i32
    %cond3A_1 = arith.cmpi ne, %convert_element_type3A, %cond3A : i32
    scf.if %cond3A_1 {
      %broadcast_in_dim3A = arith.constant 0.000000e+00 : f32
      %broadcast_in_dim3A_18 = vector.broadcast %broadcast_in_dim3A : f32 to vector<2000x128xf32>
      %swap3A_19 = arith.constant 0 : index
      %swap3A_20 = arith.constant 0 : index
      %swap3A_21 = vector.load %arg8[%swap3A_19, %swap3A_20] : memref<2000x128xf32, #tpu.memory_space<vmem>>, vector<2000x128xf32>
      tpu.vector_store %arg8[%swap3A_19, %swap3A_20], %broadcast_in_dim3A_18 {strides = array<i32>} : memref<2000x128xf32, #tpu.memory_space<vmem>>, vector<2000x128xf32>,
    } else {
    }
    %get3A = arith.constant 0 : index
    %get3A_2 = arith.constant 0 : index
    %get3A_3 = vector.load %arg8[%get3A, %get3A_2] : memref<2000x128xf32, #tpu.memory_space<vmem>>, vector<2000x128xf32>
    %get3A_4 = arith.constant 0 : index
    %get3A_5 = arith.constant 0 : index
    %get3A_6 = vector.load %arg2[%get3A_4, %get3A_5] : memref<2000x128xf32, #tpu.memory_space<vmem>>, vector<2000x128xf32>
    %get3A_7 = arith.constant 0 : index
    %get3A_8 = arith.constant 0 : index
    %get3A_9 = vector.load %arg3[%get3A_7, %get3A_8] : memref<128x128xf32, #tpu.memory_space<vmem>>, vector<128x128xf32>
    %dot_general3A = arith.constant dense<0.000000e+00> : vector<2000x128xf32>
    %dot_general3A_10 = tpu.matmul %get3A_6, %get3A_9, %dot_general3A {dimension_numbers = #tpu.dot_dimension_numbers<[1], [0], [0], [1], [0, 0, 1, 1], [], []>, transpose_lhs_hint = false} : vector<2000x128xf32>, vector<128x128xf32>, vector<2000x128xf32> -> vector<2000x128xf32>
    %add3A = arith.addf %get3A_3, %dot_general3A_10 : vector<2000x128xf32>
    %swap3A = arith.constant 0 : index
    %swap3A_11 = arith.constant 0 : index
    %swap3A_12 = vector.load %arg8[%swap3A, %swap3A_11] : memref<2000x128xf32, #tpu.memory_space<vmem>>, vector<2000x128xf32>
    tpu.vector_store %arg8[%swap3A, %swap3A_11], %add3A {strides = array<i32>} : memref<2000x128xf32, #tpu.memory_space<vmem>>, vector<2000x128xf32>,
    %eq3A_13 = arith.constant 7 : i32
    %eq3A_14 = arith.cmpi eq, %arg1, %eq3A_13 : i32
    %convert_element_type3A_15 = arith.extui %eq3A_14 : i1 to i32
    %cond3A_16 = arith.constant 0 : i32
    %cond3A_17 = arith.cmpi ne, %convert_element_type3A_15, %cond3A_16 : i32
    scf.if %cond3A_17 {
      %get3A_18 = arith.constant 0 : index
      %get3A_19 = arith.constant 0 : index
      %get3A_20 = vector.load %arg8[%get3A_18, %get3A_19] : memref<2000x128xf32, #tpu.memory_space<vmem>>, vector<2000x128xf32>
      %get3A_21 = arith.constant 0 : index
      %get3A_22 = arith.constant 0 : index
      %get3A_23 = vector.load %arg4[%get3A_21, %get3A_22] : memref<1x128xf32, #tpu.memory_space<vmem>>, vector<1x128xf32>
      %add3A_24 = vector.broadcast %get3A_23 : vector<1x128xf32> to vector<2000x128xf32>
      %add3A_25 = arith.addf %get3A_20, %add3A_24 : vector<2000x128xf32>
      %gt3A = arith.constant 0.000000e+00 : f32
      %gt3A_26 = vector.broadcast %gt3A : f32 to vector<2000x128xf32>
      %gt3A_27 = arith.cmpf ogt, %add3A_25, %gt3A_26 : vector<2000x128xf32>
      %exp3A = math.exp %add3A_25 : vector<2000x128xf32>
      %sub3A = arith.constant 1.000000e+00 : f32
      %sub3A_28 = vector.broadcast %sub3A : f32 to vector<2000x128xf32>
      %sub3A_29 = arith.subf %exp3A, %sub3A_28 : vector<2000x128xf32>
      %select_n3A = arith.select %gt3A_27, %add3A_25, %sub3A_29 : vector<2000x128xi1>, vector<2000x128xf32>
      %get3A_30 = arith.constant 0 : index
      %get3A_31 = arith.constant 0 : index
      %get3A_32 = vector.load %arg5[%get3A_30, %get3A_31] : memref<128x10xf32, #tpu.memory_space<vmem>>, vector<128x10xf32>
      %dot_general3A_33 = arith.constant dense<0.000000e+00> : vector<2000x10xf32>
      %dot_general3A_34 = tpu.matmul %select_n3A, %get3A_32, %dot_general3A_33 {dimension_numbers = #tpu.dot_dimension_numbers<[1], [0], [0], [1], [0, 0, 1, 1], [], []>, transpose_lhs_hint = false} : vector<2000x128xf32>, vector<128x10xf32>, vector<2000x10xf32> -> vector<2000x10xf32>
      %get3A_35 = arith.constant 0 : index
      %get3A_36 = arith.constant 0 : index
      %get3A_37 = vector.load %arg6[%get3A_35, %get3A_36] : memref<1x10xf32, #tpu.memory_space<vmem>>, vector<1x10xf32>
      %add3A_38 = vector.broadcast %get3A_37 : vector<1x10xf32> to vector<2000x10xf32>
      %add3A_39 = arith.addf %dot_general3A_34, %add3A_38 : vector<2000x10xf32>
      %swap3A_40 = arith.constant 0 : index
      %swap3A_41 = arith.constant 0 : index
      %swap3A_42 = vector.load %arg7[%swap3A_40, %swap3A_41] : memref<2000x10xf32, #tpu.memory_space<vmem>>, vector<2000x10xf32>
      tpu.vector_store %arg7[%swap3A_40, %swap3A_41], %add3A_39 {strides = array<i32>} : memref<2000x10xf32, #tpu.memory_space<vmem>>, vector<2000x10xf32>,
    } else {
    }
    return
  }
  func.func @transform_0(%arg0: i32, %arg1: i32) -> (i32, i32) {
    %mul3A = arith.constant 25 : i32
    %mul3A_0 = arith.muli %arg1, %mul3A : i32
    %add3A = arith.addi %mul3A_0, %arg0 : i32
    %c0_i32 = arith.constant 0 : i32
    %c0_i32_1 = arith.constant 0 : i32
    return %add3A, %c0_i32 : i32, i32
  }
  func.func @transform_1(%arg0: i32, %arg1: i32) -> (i32, i32) {
    %c0_i32 = arith.constant 0 : i32
    %c0_i32_0 = arith.constant 0 : i32
    return %arg1, %c0_i32 : i32, i32
  }
  func.func @transform_2(%arg0: i32, %arg1: i32) -> (i32, i32) {
    %c0_i32 = arith.constant 0 : i32
    %c0_i32_0 = arith.constant 0 : i32
    %c0_i32_1 = arith.constant 0 : i32
    return %c0_i32, %c0_i32_0 : i32, i32
  }
  func.func @transform_3(%arg0: i32, %arg1: i32) -> (i32, i32) {
    %c0_i32 = arith.constant 0 : i32
    %c0_i32_0 = arith.constant 0 : i32
    %c0_i32_1 = arith.constant 0 : i32
    return %c0_i32, %c0_i32_0 : i32, i32
  }
  func.func @transform_4(%arg0: i32, %arg1: i32) -> (i32, i32) {
    %c0_i32 = arith.constant 0 : i32
    %c0_i32_0 = arith.constant 0 : i32
    %c0_i32_1 = arith.constant 0 : i32
    return %c0_i32, %c0_i32_0 : i32, i32
  }
  func.func @transform_5(%arg0: i32, %arg1: i32) -> (i32, i32) {
    %c0_i32 = arith.constant 0 : i32
    %c0_i32_0 = arith.constant 0 : i32
    return %arg0, %c0_i32 : i32, i32
  }
}

</mosaic_0001>

<sc_bundles>
// kernel: kernel.12.cloned.1.call-start
scs
__scs_entry_jumppad:
0x0: {  	(pc) =	sbr.rel $0x88, $3  }
0x1: {  	(tag) =	ssettag $0x0;
	lr =	simm.s32 $0x1  }
0x2: {  	[smem:$0x3F93] =	sst lr;
	_ =	strace $0xD0000000  }
0x3: {  	_ = 	snop  }
0x4: {  	_ = 	snop  }
0x5: {  	_ = 	snop  }
0x6: {  	_ = 	snop  }
0x7: {  	_ = 	snop  }
__scs_overlays_trampoline_lowered:
0x8: {  	[smem:$0x3FA2] =	sst s0  }
0x9: {  	[smem:$0x3FA3] =	sst s1  }
0xa: {  	[smem:$0x3FA4] =	sst s2  }
0xb: {  	[smem:$0x3FA5] =	sst s3  }
0xc: {  	[smem:$0x3FA6] =	sst s4  }
0xd: {  	[smem:$0x3FA7] =	sst s5  }
0xe: {  	[smem:$0x3FA8] =	sst s6  }
0xf: {  	[smem:$0x3FA9] =	sst s7  }
0x10: {  	[smem:$0x3FAA] =	sst s8  }
0x11: {  	[smem:$0x3FAB] =	sst s9;
	s0 =	simm.s32 @!p0 $0x0  }
0x12: {  	s1 =	sld [smem:$0x3F91];
	s0 =	simm.s32 @p0 $0x1  }
0x13: {  	[smem:$0x3FAC] =	sst s0;
	s0 =	simm.s32 @!p1 $0x0  }
0x14: {  	s2 =	sld [smem:$0x3F90];
	s0 =	simm.s32 @p1 $0x1  }
0x15: {  	[smem:$0x3FAD] =	sst s0;
	s0 =	simm.s32 @!p2 $0x0  }
0x16: {  	s3 =	sld [smem:$0x3FDB];
	s0 =	simm.s32 @p2 $0x1  }
0x17: {  	s4 =	simm.s32 $0x1BF5;
	[smem:$0x3FAF] =	sst s0  }
0x18: {  	s0 =	sld [smem:$0x3F92];
	_ =	swait.ge [sflag:s4], $0x0  }
0x19: {  	s7 =	sld [smem:$0x3F93]  }
0x1a: {  	s8 =	sadd.s32 $0xFFFFE003, lr  }
0x1b: {  	s9 =	sadd.s32 $0xFFFFFEF7, lr;
	s5 =	simm.s32 $0xFFFFFFFF;
	p2 =	slt.u32 s8, $0xFFFFF086  }
0x1c: {  	p1 =	slt.u32 s9, $0xF7A;
	s5 =	simm.s32 @!p2 $0x0  }
0x1d: {  	s5 =	simm.s32 @p1 $0x1;
	p0 =	seq.s32 s7, s2  }
0x1e: {  	s7 =	smul.u32 @!p0 $0xF7A, s2;
	p2 =	seq.s32 @!p0 s5, $0x0  }
0x1f: {  	s9 =	smul.u32 $0xF7A, s1;
	s8 =	simm.s32 @!p0 $0x1BF5;
	p2 =	por !p2, p0  }
0x20: {  	[sflag:s8] =	ssyncset.s32 @!p0 $0xFFFFF086;
	s6 =	sadd.s32 @!p0 s3, s7;
	s7 =	simm.s32 @!p0 $0x108  }
0x21: {  	s3 =	sadd.s32 s3, s9;
	s6 =	sadd.s32 @!p0 $0x88, s6;
	s7 =	simm.s32 @p2 $0x1082  }
0x22: {  	[simem:s7], [sflag:s8] =	dma.local @!p0 [hbm:s6], $0xF7A  }
0x23: {  	s9 =	sor.u32 $0xD0000000, s2;
	s6 =	simm.s32 $0x108;
	_ =	swait.ge @!p0 [sflag:s8], $0x0  }
0x24: {  	s3 =	sadd.s32 $0x88, s3;
	s6 =	simm.s32 @!p1 $0x1082;
	[sflag:s4] =	ssyncset.s32 $0xFFFFF086  }
0x25: {  	[simem:s6], [sflag:s4] =	dma.local [hbm:s3], $0xF7A  }
0x26: {  	[smem:$0x3F93] =	sst s1;
	(tag) =	ssettag s2;
	_ =	strace s9  }
0x27: {  	s1 =	sld [smem:$0x3FA3]  }
0x28: {  	s2 =	sld [smem:$0x3FA4]  }
0x29: {  	s4 =	sld [smem:$0x3FA6]  }
0x2a: {  	p0 =	seq.s32 s5, $0x0;
	s5 =	sld [smem:$0x3FA7]  }
0x2b: {  	s6 =	sld [smem:$0x3FA8]  }
0x2c: {  	s7 =	sld [smem:$0x3FA9]  }
0x2d: {  	s3 =	simm.s32 $0x108;
	s8 =	sld [smem:$0x3FAA]  }
0x2e: {  	s3 =	simm.s32 @!p0 $0x1082;
	s9 =	sld [smem:$0x3FAB]  }
0x2f: {  	lr =	sadd.s32 s0, s3;
	s0 =	sld [smem:$0x3FA2]  }
0x30: {  	s3 =	sld [smem:$0x3FA5]  }
0x31: {  	[smem:$0x3FAE] =	sst s10  }
0x32: {  	s10 =	sld [smem:$0x3FAC];
	_ =	sdelay $0x3  }
0x33: {  	p0 =	seq.s32 s10, $0x1;
	s10 =	sld [smem:$0x3FAE];
	_ =	sdelay $0x3  }
0x34: {  	[smem:$0x3FAE] =	sst s10  }
0x35: {  	s10 =	sld [smem:$0x3FAD];
	_ =	sdelay $0x3  }
0x36: {  	p1 =	seq.s32 s10, $0x1;
	s10 =	sld [smem:$0x3FAE];
	_ =	sdelay $0x3  }
0x37: {  	[smem:$0x3FAE] =	sst s10  }
0x38: {  	s10 =	sld [smem:$0x3FAF]  }
0x39: {  	_ = 	snop;
	(pc) =	sbr.ind lr, $3  }
0x3a: {  	_ = 	snop  }
0x3b: {  	_ = 	snop  }
0x3c: {  	p2 =	seq.s32 s10, $0x1;
	s10 =	sld [smem:$0x3FAE]  }
0x3d: {  	_ =	shalt  }
0x3e: {  	_ =	shalt  }
0x3f: {  	_ =	shalt  }
0x40: {  	_ =	shalt  }
0x41: {  	_ =	shalt  }
0x42: {  	_ =	shalt  }
0x43: {  	_ =	shalt  }
0x44: {  	_ =	shalt  }
0x45: {  	_ =	shalt  }
0x46: {  	_ =	shalt  }
0x47: {  	_ =	shalt  }
0x48: {  	_ =	shalt  }
0x49: {  	_ =	shalt  }
0x4a: {  	_ =	shalt  }
0x4b: {  	_ =	shalt  }
0x4c: {  	_ =	shalt  }
0x4d: {  	_ =	shalt  }
0x4e: {  	_ =	shalt  }
0x4f: {  	_ =	shalt  }
0x50: {  	_ =	shalt  }
0x51: {  	_ =	shalt  }
0x52: {  	_ =	shalt  }
0x53: {  	_ =	shalt  }
0x54: {  	_ =	shalt  }
0x55: {  	_ =	shalt  }
0x56: {  	_ =	shalt  }
0x57: {  	_ =	shalt  }
0x58: {  	_ =	shalt  }
0x59: {  	_ =	shalt  }
0x5a: {  	_ =	shalt  }
0x5b: {  	_ =	shalt  }
0x5c: {  	_ =	shalt  }
0x5d: {  	_ =	shalt  }
0x5e: {  	_ =	shalt  }
0x5f: {  	_ =	shalt  }
0x60: {  	_ =	shalt  }
0x61: {  	_ =	shalt  }
0x62: {  	_ =	shalt  }
0x63: {  	_ =	shalt  }
0x64: {  	_ =	shalt  }
0x65: {  	_ =	shalt  }
0x66: {  	_ =	shalt  }
0x67: {  	_ =	shalt  }
0x68: {  	_ =	shalt  }
0x69: {  	_ =	shalt  }
0x6a: {  	_ =	shalt  }
0x6b: {  	_ =	shalt  }
0x6c: {  	_ =	shalt  }
0x6d: {  	_ =	shalt  }
0x6e: {  	_ =	shalt  }
0x6f: {  	_ =	shalt  }
0x70: {  	_ =	shalt  }
0x71: {  	_ =	shalt  }
0x72: {  	_ =	shalt  }
0x73: {  	_ =	shalt  }
0x74: {  	_ =	shalt  }
0x75: {  	_ =	shalt  }
0x76: {  	_ =	shalt  }
0x77: {  	_ =	shalt  }
0x78: {  	_ =	shalt  }
0x79: {  	_ =	shalt  }
0x7a: {  	_ =	shalt  }
0x7b: {  	_ =	shalt  }
0x7c: {  	_ =	shalt  }
0x7d: {  	_ =	shalt  }
0x7e: {  	_ =	shalt  }
0x7f: {  	_ =	shalt  }
0x80: {  	_ =	shalt  }
0x81: {  	_ =	shalt  }
0x82: {  	_ =	shalt  }
0x83: {  	_ =	shalt  }
0x84: {  	_ =	shalt  }
0x85: {  	_ =	shalt  }
0x86: {  	_ =	shalt  }
0x87: {  	_ =	shalt  }
.Lfunc_end0:
.L_simem_size_0:
called_computation.1_lowered:
.L_overlay_start_0:
0x88: {  	s2 =	sld [smem:$0x3FD9]  }
0x89: {  	s3 =	sld [smem:$0x3FFE];
	_ =	sdelay $0x1  }
0x8a: {  	s1 =	srdreg.scid  }
0x8b: {  	s0 =	sand.u32 $0x1, s1  }
0x8c: {  	s16 =	sshll.u32 s0, $0xA;
	s2 =	sadd.s32 s3, s2  }
0x8d: {  	s2 =	sadd.s32 s2, s16  }
0x8e: {  	[smem:$0x3FBA] =	sst s2  }
0x8f: {  	_ = 	snop  }
0x90: {  	(tm) =	ssettm $0x1  }
0x91: {  	s17 =	sld [smem:$0x3FFB];
	_ =	sdelay $0x3  }
0x92: {  	_ =	strace s17  }
0x93: {  	s2 =	sld [smem:$0x3FFC];
	_ =	sdelay $0x3  }
0x94: {  	_ =	strace s2  }
0x95: {  	s2 =	sld [smem:$0x3FFD];
	_ =	sdelay $0x3  }
0x96: {  	_ =	strace s2  }
0x97: {  	_ =	strace $0x8FFFFFFF  }
0x98: {  	s18 =	sld [smem:$0x3FDB];
	_ =	sdelay $0x1  }
0x99: {  	s19 =	simm.s32 $_scs_section_size  }
0x9a: {  	s4 =	simm.s32 $_size__tile_overlayer_lowered;
	s5 =	simm.s32 $_tile_overlayer_lowered  }
0x9b: {  	s22 =	simm.s32 $0x1BFF;
	s21 =	sshll.u32 s5, $0x1;
	s2 =	sadd.s32 s19, s18  }
0x9c: {  	s6 =	simm.s32 $0x0;
	s20 =	sshll.u32 s4, $0x1;
	s4 =	sadd.s32 s21, s2  }
0x9d: {  	[timem:s6], [sflag:s22] =	dma.local [hbm:s4], s20  }
0x9e: {  	_ =	swait.ge [sflag:s22], s20  }
0x9f: {  	s3 =	ssub.s32 $0x0, s20;
	[sflag:s22] =	ssyncset.done $0x0  }
0xa0: {  	[sflag:s22] =	ssyncadd.s32 s3;
	_ =	sdelay $0x1  }
0xa1: {  	s23 =	simm.s32 $0x1B8B  }
0xa2: {  	_ =	swait.ge [sflag:s23], $0x1  }
0xa3: {  	[sflag:s23] =	ssyncset.done $0x0  }
0xa4: {  	s25 =	simm.s32 $0x1B8E;
	s24 =	sld [smem:$0x3FFE];
	[sflag:s23] =	ssyncadd.s32 $0xFFFFFFFF  }
0xa5: {  	s26 =	simm.s32 $execute0_lowered;
	[smem:$0x3FD2] =	sst s25  }
0xa6: {  	s4 =	sshll.u32 s26, $0x1;
	_ =	strace $0x80000049;
	[dreg:$0x1] =	wrdreg $0xFFFFFFFF  }
0xa7: {  	s28 =	simm.s32 $_size_execute0_lowered;
	s2 =	sadd.s32 s2, s4;
	[dreg:$0x0] =	wrdreg $0x0  }
0xa8: {  	s4 =	sshll.u32 s28, $0x1;
	[dreg:$0x2] =	wrdreg s2  }
0xa9: {  	[dreg:$0x3] =	wrdreg s4  }
0xaa: {  	[dreg:$0x4] =	wrdreg $0xC0  }
0xab: {  	_ =	task [dreg:s6], $0x5FFFF  }
0xac: {  	[dreg:$0x1] =	wrdreg $0xFFFFFFFF  }
0xad: {  	[dreg:$0x0] =	wrdreg $0x60  }
0xae: {  	[dreg:$0x2] =	wrdreg s24  }
0xaf: {  	[dreg:$0x3] =	wrdreg $0x9  }
0xb0: {  	_ =	task.clear_ibuf [dreg:s6], $0x4FFFF;
	_ =	strace $0x90000049  }
0xb1: {  	s29 =	simm.s32 $0x9;
	_ =	strace $0x8000004B  }
0xb2: {  	_ =	swait.ge [sflag:s29], $0x1  }
0xb3: {  	[sflag:s29] =	ssyncadd.s32 $0xFFFFFFFF  }
0xb4: {  	_ =	strace $0x9000004B  }
0xb5: {  	_ =	sfence  }
0xb6: {  	s30 =	sld [smem:$0x0];
	_ =	sdelay $0x2  }
0xb7: {  	s31 =	sshll.u32 s1, $0xD;
	s1 =	sshrl.u32 s1, $0x2  }
0xb8: {  	s3 =	sand.u32 $0x4000, s31;
	s1 =	sadd.s32 s1, s30  }
0xb9: {  	s0 =	sor.u32 s3, s0;
	s1 =	sshll.u32 s1, $0x11  }
0xba: {  	s0 =	sor.u32 s1, s0  }
0xbb: {  	s0 =	sadd.s32 $0x8F2B, s0  }
0xbc: {  	[sflag:s0] =	ssyncadd.remote.s32 $0x1  }
0xbd: {  	_ =	sfence.sel $0xFFFF  }
0xbe: {  	[dreg:$0x0] =	wrdreg $0xFFFFFFFF;
	(pc) =	sbr.abs _section_cstart, $3  }
0xbf: {  	[dreg:$0x1] =	wrdreg $0xFFFFFFFF  }
0xc0: {  	_ =	task.clear_ibuf [dreg:s6], $0x2FFFF;
	_ =	strace $0x9FFFFFFF  }
0xc1: {  	(tm) =	ssettm $0x7FFFFFFF  }
tec
execute0_lowered:
.L_overlay_start_1:
0x0: {  	(tag) =	ssettag $0x1  }
0x1: {  	s0 =	rddreg [dreg:$0x0]  }
0x2: {  	s8 =	stileid.u32;
	s1 =	srdreg.scid  }
0x3: {  	s2 =	simm.s32 $0x0;
	s10 =	simm.s32 $0x80;
	s11 =	simm.s32 $0xA00  }
0x4: {  	s24 =	simm.s32 $0x7A00;
	s25 =	simm.s32 $0x400;
	s28 =	simm.s32 $0x480  }
0x5: {  	s29 =	simm.s32 $0x9A00;
	s30 =	simm.s32 $0x1;
	s31 =	simm.s32 $0x3  }
0x6: {  	s1 =	sand.u32 $0x1, s1;
	s3 =	sshll.u32 s8, $0x1;
	s4 =	smul.u32 $0x2800, s8  }
0x7: {  	[smem:$0x7FF] =	sst s2;
	s6 =	sadd.s32 $0x4AEC00, s0;
	s8 =	smul.u32 $0x140, s8  }
0x8: {  	s12 =	sor.u32 s1, s3;
	_ =	strace $0x8000004A;
	s9 =	smul.u32 $0x1400, s1  }
0x9: {  	s3 =	sadd.s32 $0x2600, s0;
	s7 =	ssub.s32 $0x2, s1;
	s1 =	smul.u32 $0xA0, s1  }
0xa: {  	s5 =	smul.u32 $0xA0, s12;
	s0 =	sadd.s32 s4, s0;
	s26 =	sshrl.u32 s7, $0x1  }
0xb: {  	p0 =	sgt.u32 s12, $0x10;
	s7 =	ssub.s32 s7, s26;
	s0 =	sadd.s32 s9, s0  }
0xc: {  	s9 =	simm.s32 $0x5;
	s26 =	simm.s32 $0x8A00;
	s4 =	sadd.s32 s6, s5  }
0xd: {  	s5 =	smax.u32 s7, $0x1;
	s6 =	sadd.s32 s8, s6;
	s7 =	sor.u32 $0x40, s12  }
0xe: {  	s8 =	sadd.s32 $0x33400, s0;
	s0 =	simm.s32 $0x0;
	s6 =	sadd.s32 s1, s6  }
.LBB2_1:
0xf: {  	[tilespmem:s2], [sflag:$0x5] =	stream.linear.gather [hbm4b:s4+s2], $0x500, $0x38;
	[tilespmem:$0x14A00] =	vst v63  }
0x10: {  	_ =	swait.ge [sflag:s9], $0x500  }
0x11: {  	[sflag:s9] =	ssyncset.done $0x0  }
0x12: {  	[sflag:s9] =	ssyncadd.s32 $0xFFFFFB00  }
0x13: {  	[tilespmem:s11], [sflag:$0x1] =	stream.indirect.gather [hbm4b:s3+s10], $0x20, s2, s10, $0xb8;
	[tilespmem:$0x14A00] =	vst v63  }
0x14: {  	s1 =	simm.s32 $0x1A00  }
0x15: {  	[tilespmem:s1], [sflag:$0x1] =	stream.indirect.gather [hbm4b:s3+s10], $0x20, s10, s10, $0xb8;
	[tilespmem:$0x14A00] =	vst v63  }
0x16: {  	s13 =	simm.s32 $0x100;
	s12 =	simm.s32 $0x2A00  }
0x17: {  	[tilespmem:s12], [sflag:$0x1] =	stream.indirect.gather [hbm4b:s3+s10], $0x20, s13, s10, $0xb8;
	[tilespmem:$0x14A00] =	vst v63  }
0x18: {  	s14 =	simm.s32 $0x180;
	s15 =	simm.s32 $0x3A00  }
0x19: {  	[tilespmem:s15], [sflag:$0x1] =	stream.indirect.gather [hbm4b:s3+s10], $0x20, s14, s10, $0xb8;
	[tilespmem:$0x14A00] =	vst v63  }
0x1a: {  	s16 =	simm.s32 $0x200;
	s17 =	simm.s32 $0x4A00  }
0x1b: {  	[tilespmem:s17], [sflag:$0x1] =	stream.indirect.gather [hbm4b:s3+s10], $0x20, s16, s10, $0xb8;
	[tilespmem:$0x14A00] =	vst v63  }
0x1c: {  	s18 =	simm.s32 $0x280;
	s19 =	simm.s32 $0x5A00  }
0x1d: {  	[tilespmem:s19], [sflag:$0x1] =	stream.indirect.gather [hbm4b:s3+s10], $0x20, s18, s10, $0xb8;
	[tilespmem:$0x14A00] =	vst v63  }
0x1e: {  	s20 =	simm.s32 $0x300;
	s21 =	simm.s32 $0x6A00  }
0x1f: {  	[tilespmem:s21], [sflag:$0x1] =	stream.indirect.gather [hbm4b:s3+s10], $0x20, s20, s10, $0xb8;
	[tilespmem:$0x14A00] =	vst v63  }
0x20: {  	s22 =	simm.s32 $0x380;
	p1 =	por $0x1, $0x1  }
0x21: {  	[tilespmem:s24], [sflag:$0x1] =	stream.indirect.gather [hbm4b:s3+s10], $0x20, s22, s10, $0xb8;
	[tilespmem:$0x14A00] =	vst v63  }
0x22: {  	s23 =	sadd.s32 $0xFFFFFFE0, s7;
	p2 =	por p1, p1  }
0x23: {  	[tilespmem:s26], [sflag:$0x1] =	stream.indirect.gather [hbm4b:s3+s10], $0x20, s25, s10, $0xb8;
	[tilespmem:$0x14A00] =	vst v63  }
0x24: {  	p1 =	sgt.u32 s23, $0x270;
	s13 =	simm.s32 @!p2 $0x4  }
0x25: {  	[tilespmem:s29], [sflag:$0x1] =	stream.indirect.gather [hbm4b:s3+s10], $0x20, s28, s10, $0xb8;
	[tilespmem:$0x14A00] =	vst v63  }
0x26: {  	s1 =	sadd.s32 @!p1 $0x0, s6;
	_ =	swait.ge @!p2 [sflag:s13], $0xA000  }
0x27: {  	s1 =	sadd.s32 @!p1 $0x1400, s1;
	[sflag:s13] =	ssyncset.done @!p2 $0x0  }
0x28: {  	s12 =	simm.s32 @!p1 $0x0;
	[sflag:s13] =	ssyncadd.s32 @!p2 $0xFFFF6000;
	s13 =	simm.s32 @!p1 $0x500  }
0x29: {  	[tilespmem:s13], [sflag:$0x5] =	stream.linear.gather @!p1 [hbm4b:s1+s12], $0x500, $0x38;
	[tilespmem:$0x14A00] =	vst v63  }
0x2a: {  	s1 =	simm.s32 @!p1 $0x5  }
0x2b: {  	_ =	swait.ge @!p1 [sflag:s1], $0x500  }
0x2c: {  	[sflag:s1] =	ssyncset.done @!p1 $0x0  }
0x2d: {  	s15 =	simm.s32 @!p1 $0x80;
	s14 =	simm.s32 @!p1 $0xAA00;
	[sflag:s1] =	ssyncadd.s32 @!p1 $0xFFFFFB00  }
0x2e: {  	[tilespmem:s14], [sflag:$0x2] =	stream.indirect.gather @!p1 [hbm4b:s3+s15], $0x20, s13, s15, $0xb8;
	[tilespmem:$0x14A00] =	vst v63  }
0x2f: {  	s1 =	simm.s32 @!p1 $0x580;
	s13 =	simm.s32 @!p1 $0xBA00  }
0x30: {  	[tilespmem:s13], [sflag:$0x2] =	stream.indirect.gather @!p1 [hbm4b:s3+s15], $0x20, s1, s15, $0xb8;
	[tilespmem:$0x14A00] =	vst v63  }
0x31: {  	s1 =	simm.s32 @!p1 $0x600;
	s13 =	simm.s32 @!p1 $0xCA00  }
0x32: {  	[tilespmem:s13], [sflag:$0x2] =	stream.indirect.gather @!p1 [hbm4b:s3+s15], $0x20, s1, s15, $0xb8;
	[tilespmem:$0x14A00] =	vst v63  }
0x33: {  	s1 =	simm.s32 @!p1 $0x680;
	s13 =	simm.s32 @!p1 $0xDA00  }
0x34: {  	[tilespmem:s13], [sflag:$0x2] =	stream.indirect.gather @!p1 [hbm4b:s3+s15], $0x20, s1, s15, $0xb8;
	[tilespmem:$0x14A00] =	vst v63  }
0x35: {  	s1 =	simm.s32 @!p1 $0x700;
	s13 =	simm.s32 @!p1 $0xEA00  }
0x36: {  	[tilespmem:s13], [sflag:$0x2] =	stream.indirect.gather @!p1 [hbm4b:s3+s15], $0x20, s1, s15, $0xb8;
	[tilespmem:$0x14A00] =	vst v63  }
0x37: {  	s1 =	simm.s32 @!p1 $0x780;
	s13 =	simm.s32 @!p1 $0xFA00  }
0x38: {  	[tilespmem:s13], [sflag:$0x2] =	stream.indirect.gather @!p1 [hbm4b:s3+s15], $0x20, s1, s15, $0xb8;
	[tilespmem:$0x14A00] =	vst v63  }
0x39: {  	s1 =	simm.s32 @!p1 $0x800;
	s13 =	simm.s32 @!p1 $0x10A00  }
0x3a: {  	[tilespmem:s13], [sflag:$0x2] =	stream.indirect.gather @!p1 [hbm4b:s3+s15], $0x20, s1, s15, $0xb8;
	[tilespmem:$0x14A00] =	vst v63  }
0x3b: {  	s1 =	simm.s32 @!p1 $0x880;
	s13 =	simm.s32 @!p1 $0x11A00  }
0x3c: {  	[tilespmem:s13], [sflag:$0x2] =	stream.indirect.gather @!p1 [hbm4b:s3+s15], $0x20, s1, s15, $0xb8;
	[tilespmem:$0x14A00] =	vst v63  }
0x3d: {  	s1 =	simm.s32 @!p1 $0x900;
	s13 =	simm.s32 @!p1 $0x12A00  }
0x3e: {  	[tilespmem:s13], [sflag:$0x2] =	stream.indirect.gather @!p1 [hbm4b:s3+s15], $0x20, s1, s15, $0xb8;
	[tilespmem:$0x14A00] =	vst v63  }
0x3f: {  	s1 =	simm.s32 @!p1 $0x980;
	s13 =	simm.s32 @!p1 $0x13A00  }
0x40: {  	[tilespmem:s13], [sflag:$0x2] =	stream.indirect.gather @!p1 [hbm4b:s3+s15], $0x20, s1, s15, $0xb8;
	[tilespmem:$0x14A00] =	vst v63  }
0x41: {  	_ =	swait.ge [sflag:s30], $0xA000  }
0x42: {  	[sflag:s30] =	ssyncset.done $0x0  }
0x43: {  	[sflag:s30] =	ssyncadd.s32 $0xFFFF6000  }
0x44: {  	[hbm4b:s8+s2] =	stream.linear.scatter [tilespmem:s11], [sflag:$0x3], $0xA000, $0x38;
	[tilespmem:$0x14A00] =	vst v63  }
0x45: {  	p3 =	sgt.u32 s7, $0x270;
	_ =	swait.ge [sflag:s31], $0xA000  }
0x46: {  	s1 =	sadd.s32 @!p3 $0x0, s6;
	s13 =	simm.s32 @!p3 $0x0;
	[sflag:s31] =	ssyncset.done $0x0  }
0x47: {  	s15 =	simm.s32 @!p3 $0x5;
	s1 =	sadd.s32 @!p3 $0x2800, s1;
	[sflag:s31] =	ssyncadd.s32 $0xFFFF6000  }
0x48: {  	[tilespmem:s13], [sflag:$0x5] =	stream.linear.gather @!p3 [hbm4b:s1+s13], $0x500, $0x38;
	[tilespmem:$0x14A00] =	vst v63  }
0x49: {  	_ =	swait.ge @!p3 [sflag:s15], $0x500  }
0x4a: {  	[sflag:s15] =	ssyncset.done @!p3 $0x0  }
0x4b: {  	s16 =	simm.s32 @!p3 $0xA00;
	s1 =	simm.s32 @!p3 $0x80;
	[sflag:s15] =	ssyncadd.s32 @!p3 $0xFFFFFB00  }
0x4c: {  	[tilespmem:s16], [sflag:$0x1] =	stream.indirect.gather @!p3 [hbm4b:s3+s1], $0x20, s13, s1, $0xb8;
	[tilespmem:$0x14A00] =	vst v63  }
0x4d: {  	s13 =	simm.s32 @!p3 $0x1A00  }
0x4e: {  	[tilespmem:s13], [sflag:$0x1] =	stream.indirect.gather @!p3 [hbm4b:s3+s1], $0x20, s1, s1, $0xb8;
	[tilespmem:$0x14A00] =	vst v63  }
0x4f: {  	s15 =	simm.s32 @!p3 $0x2A00;
	s13 =	simm.s32 @!p3 $0x100  }
0x50: {  	[tilespmem:s15], [sflag:$0x1] =	stream.indirect.gather @!p3 [hbm4b:s3+s1], $0x20, s13, s1, $0xb8;
	[tilespmem:$0x14A00] =	vst v63  }
0x51: {  	s13 =	simm.s32 @!p3 $0x180;
	s15 =	simm.s32 @!p3 $0x3A00  }
0x52: {  	[tilespmem:s15], [sflag:$0x1] =	stream.indirect.gather @!p3 [hbm4b:s3+s1], $0x20, s13, s1, $0xb8;
	[tilespmem:$0x14A00] =	vst v63  }
0x53: {  	p6 =	por $0x0, $0x0;
	s16 =	simm.s32 @!p3 $0x4A00;
	s15 =	simm.s32 @!p3 $0x200  }
0x54: {  	[tilespmem:s16], [sflag:$0x1] =	stream.indirect.gather @!p3 [hbm4b:s3+s1], $0x20, s15, s1, $0xb8;
	[tilespmem:$0x14A00] =	vst v63  }
0x55: {  	s17 =	simm.s32 @!p3 $0x6A00;
	s15 =	simm.s32 @!p3 $0x280;
	s16 =	simm.s32 @!p3 $0x5A00  }
0x56: {  	[tilespmem:s16], [sflag:$0x1] =	stream.indirect.gather @!p3 [hbm4b:s3+s1], $0x20, s15, s1, $0xb8;
	[tilespmem:$0x14A00] =	vst v63  }
0x57: {  	s19 =	simm.s32 @!p3 $0x480;
	s18 =	simm.s32 @!p1 $0x2;
	s15 =	simm.s32 @!p3 $0x300  }
0x58: {  	[tilespmem:s17], [sflag:$0x1] =	stream.indirect.gather @!p3 [hbm4b:s3+s1], $0x20, s15, s1, $0xb8;
	[tilespmem:$0x14A00] =	vst v63  }
0x59: {  	s21 =	sadd.s32 @!p1 $0x28000, s8;
	s15 =	simm.s32 @!p3 $0x380;
	s17 =	simm.s32 @!p3 $0x7A00  }
0x5a: {  	[tilespmem:s17], [sflag:$0x1] =	stream.indirect.gather @!p3 [hbm4b:s3+s1], $0x20, s15, s1, $0xb8;
	[tilespmem:$0x14A00] =	vst v63  }
0x5b: {  	p2 =	por p6, p6;
	s15 =	simm.s32 @!p3 $0x400;
	s17 =	simm.s32 @!p3 $0x8A00  }
0x5c: {  	[tilespmem:s17], [sflag:$0x1] =	stream.indirect.gather @!p3 [hbm4b:s3+s1], $0x20, s15, s1, $0xb8;
	[tilespmem:$0x14A00] =	vst v63  }
0x5d: {  	s13 =	simm.s32 $0x2800;
	s17 =	simm.s32 @!p3 $0x9A00;
	s15 =	sadd.s32 $0x40, s7  }
0x5e: {  	[tilespmem:s17], [sflag:$0x1] =	stream.indirect.gather @!p3 [hbm4b:s3+s1], $0x20, s19, s1, $0xb8;
	[tilespmem:$0x14A00] =	vst v63  }
0x5f: {  	s16 =	simm.s32 $0x5000;
	s20 =	sadd.s32 $0xFFFFFFE0, s15;
	_ =	swait.ge @!p1 [sflag:s18], $0xA000  }
0x60: {  	s1 =	sadd.s32 $0x50000, s8;
	s19 =	simm.s32 @!p2 $0x4;
	[sflag:s18] =	ssyncset.done @!p1 $0x0  }
.LBB2_2:
0x61: {  	p4 =	seq.s32 s16, $0x0;
	[sflag:s18] =	ssyncadd.s32 @!p1 $0xFFFF6000  }
0x62: {  	s18 =	smov.u32 s16;
	s16 =	sadd.s32 $0x2800, s16;
	s17 =	smov.u32 s1  }
0x63: {  	[hbm4b:s21+s12] =	stream.linear.scatter @!p1 [tilespmem:s14], [sflag:$0x4], $0xA000, $0x38;
	[tilespmem:$0x14A00] =	vst v63  }
0x64: {  	p3 =	sne.s32 s16, $0x19000;
	p1 =	sgt.u32 s20, $0x270;
	_ =	swait.ge @!p2 [sflag:s19], $0xA000  }
0x65: {  	s14 =	sadd.s32 @!p1 s13, s6;
	s12 =	simm.s32 @!p1 $0x0;
	[sflag:s19] =	ssyncset.done @!p2 $0x0  }
0x66: {  	s14 =	sadd.s32 @!p1 $0x1400, s14;
	[sflag:s19] =	ssyncadd.s32 @!p2 $0xFFFF6000;
	s19 =	simm.s32 @!p1 $0x500  }
0x67: {  	[tilespmem:s19], [sflag:$0x5] =	stream.linear.gather @!p1 [hbm4b:s14+s12], $0x500, $0x38;
	[tilespmem:$0x14A00] =	vst v63  }
0x68: {  	s20 =	simm.s32 @!p1 $0x5;
	p2 =	por p4, p4  }
0x69: {  	_ =	swait.ge @!p1 [sflag:s20], $0x500  }
0x6a: {  	s21 =	simm.s32 @!p1 $0x80;
	s14 =	simm.s32 @!p1 $0xAA00;
	[sflag:s20] =	ssyncset.done @!p1 $0x0  }
0x6b: {  	s22 =	simm.s32 @!p1 $0xBA00;
	[sflag:s20] =	ssyncadd.s32 @!p1 $0xFFFFFB00;
	s20 =	simm.s32 @!p1 $0x580  }
0x6c: {  	[tilespmem:s14], [sflag:$0x2] =	stream.indirect.gather @!p1 [hbm4b:s3+s21], $0x20, s19, s21, $0xb8;
	[tilespmem:$0x14A00] =	vst v63  }
0x6d: {  	s23 =	simm.s32 @!p1 $0xCA00;
	s19 =	simm.s32 @!p1 $0x600  }
0x6e: {  	[tilespmem:s22], [sflag:$0x2] =	stream.indirect.gather @!p1 [hbm4b:s3+s21], $0x20, s20, s21, $0xb8;
	[tilespmem:$0x14A00] =	vst v63  }
0x6f: {  	s20 =	simm.s32 @!p1 $0x680;
	s22 =	simm.s32 @!p1 $0xDA00  }
0x70: {  	[tilespmem:s23], [sflag:$0x2] =	stream.indirect.gather @!p1 [hbm4b:s3+s21], $0x20, s19, s21, $0xb8;
	[tilespmem:$0x14A00] =	vst v63  }
0x71: {  	s19 =	simm.s32 @!p1 $0x700;
	s23 =	simm.s32 @!p1 $0xEA00  }
0x72: {  	[tilespmem:s22], [sflag:$0x2] =	stream.indirect.gather @!p1 [hbm4b:s3+s21], $0x20, s20, s21, $0xb8;
	[tilespmem:$0x14A00] =	vst v63  }
0x73: {  	s20 =	simm.s32 @!p1 $0x780;
	s22 =	simm.s32 @!p1 $0xFA00  }
0x74: {  	[tilespmem:s23], [sflag:$0x2] =	stream.indirect.gather @!p1 [hbm4b:s3+s21], $0x20, s19, s21, $0xb8;
	[tilespmem:$0x14A00] =	vst v63  }
0x75: {  	s19 =	simm.s32 @!p1 $0x800;
	s23 =	simm.s32 @!p1 $0x10A00  }
0x76: {  	[tilespmem:s22], [sflag:$0x2] =	stream.indirect.gather @!p1 [hbm4b:s3+s21], $0x20, s20, s21, $0xb8;
	[tilespmem:$0x14A00] =	vst v63  }
0x77: {  	s20 =	simm.s32 @!p1 $0x880;
	s22 =	simm.s32 @!p1 $0x11A00  }
0x78: {  	[tilespmem:s23], [sflag:$0x2] =	stream.indirect.gather @!p1 [hbm4b:s3+s21], $0x20, s19, s21, $0xb8;
	[tilespmem:$0x14A00] =	vst v63  }
0x79: {  	s19 =	simm.s32 @!p1 $0x900;
	s23 =	simm.s32 @!p1 $0x12A00  }
0x7a: {  	[tilespmem:s22], [sflag:$0x2] =	stream.indirect.gather @!p1 [hbm4b:s3+s21], $0x20, s20, s21, $0xb8;
	[tilespmem:$0x14A00] =	vst v63  }
0x7b: {  	s20 =	simm.s32 @!p1 $0x980;
	s22 =	simm.s32 @!p1 $0x13A00  }
0x7c: {  	[tilespmem:s23], [sflag:$0x2] =	stream.indirect.gather @!p1 [hbm4b:s3+s21], $0x20, s19, s21, $0xb8;
	[tilespmem:$0x14A00] =	vst v63  }
0x7d: {  	_ = 	snop  }
0x7e: {  	[tilespmem:s22], [sflag:$0x2] =	stream.indirect.gather @!p1 [hbm4b:s3+s21], $0x20, s20, s21, $0xb8;
	[tilespmem:$0x14A00] =	vst v63  }
0x7f: {  	_ =	swait.ge [sflag:s30], $0xA000  }
0x80: {  	[sflag:s30] =	ssyncset.done $0x0  }
0x81: {  	p4 =	sgt.u32 s15, $0x270;
	[sflag:s30] =	ssyncadd.s32 $0xFFFF6000  }
0x82: {  	[hbm4b:s1+s2] =	stream.linear.scatter [tilespmem:s11], [sflag:$0x3], $0xA000, $0x38;
	[tilespmem:$0x14A00] =	vst v63  }
0x83: {  	s19 =	sadd.s32 @!p4 s13, s6;
	s13 =	smov.u32 s18;
	_ =	swait.ge [sflag:s31], $0xA000  }
0x84: {  	s18 =	sadd.s32 @!p4 $0x2800, s19;
	s19 =	simm.s32 @!p4 $0x0;
	[sflag:s31] =	ssyncset.done $0x0  }
0x85: {  	s20 =	simm.s32 @!p4 $0x5;
	[sflag:s31] =	ssyncadd.s32 $0xFFFF6000  }
0x86: {  	[tilespmem:s19], [sflag:$0x5] =	stream.linear.gather @!p4 [hbm4b:s18+s19], $0x500, $0x38;
	[tilespmem:$0x14A00] =	vst v63  }
0x87: {  	_ =	swait.ge @!p4 [sflag:s20], $0x500  }
0x88: {  	s21 =	simm.s32 @!p4 $0x80;
	s18 =	simm.s32 @!p4 $0xA00;
	[sflag:s20] =	ssyncset.done @!p4 $0x0  }
0x89: {  	[sflag:s20] =	ssyncadd.s32 @!p4 $0xFFFFFB00;
	s20 =	simm.s32 @!p4 $0x1A00  }
0x8a: {  	[tilespmem:s18], [sflag:$0x1] =	stream.indirect.gather @!p4 [hbm4b:s3+s21], $0x20, s19, s21, $0xb8;
	[tilespmem:$0x14A00] =	vst v63  }
0x8b: {  	s18 =	simm.s32 @!p4 $0x100;
	s19 =	simm.s32 @!p4 $0x2A00  }
0x8c: {  	[tilespmem:s20], [sflag:$0x1] =	stream.indirect.gather @!p4 [hbm4b:s3+s21], $0x20, s21, s21, $0xb8;
	[tilespmem:$0x14A00] =	vst v63  }
0x8d: {  	s22 =	simm.s32 @!p4 $0x3A00;
	s20 =	simm.s32 @!p4 $0x180  }
0x8e: {  	[tilespmem:s19], [sflag:$0x1] =	stream.indirect.gather @!p4 [hbm4b:s3+s21], $0x20, s18, s21, $0xb8;
	[tilespmem:$0x14A00] =	vst v63  }
0x8f: {  	s18 =	simm.s32 @!p4 $0x200;
	s19 =	simm.s32 @!p4 $0x4A00  }
0x90: {  	[tilespmem:s22], [sflag:$0x1] =	stream.indirect.gather @!p4 [hbm4b:s3+s21], $0x20, s20, s21, $0xb8;
	[tilespmem:$0x14A00] =	vst v63  }
0x91: {  	s20 =	simm.s32 @!p4 $0x280;
	s22 =	simm.s32 @!p4 $0x5A00  }
0x92: {  	[tilespmem:s19], [sflag:$0x1] =	stream.indirect.gather @!p4 [hbm4b:s3+s21], $0x20, s18, s21, $0xb8;
	[tilespmem:$0x14A00] =	vst v63  }
0x93: {  	s18 =	simm.s32 @!p4 $0x300;
	s19 =	simm.s32 @!p4 $0x6A00  }
0x94: {  	[tilespmem:s22], [sflag:$0x1] =	stream.indirect.gather @!p4 [hbm4b:s3+s21], $0x20, s20, s21, $0xb8;
	[tilespmem:$0x14A00] =	vst v63  }
0x95: {  	s20 =	simm.s32 @!p4 $0x380;
	s22 =	simm.s32 @!p4 $0x7A00  }
0x96: {  	[tilespmem:s19], [sflag:$0x1] =	stream.indirect.gather @!p4 [hbm4b:s3+s21], $0x20, s18, s21, $0xb8;
	[tilespmem:$0x14A00] =	vst v63  }
0x97: {  	s18 =	simm.s32 @!p4 $0x400;
	s19 =	simm.s32 @!p4 $0x8A00  }
0x98: {  	[tilespmem:s22], [sflag:$0x1] =	stream.indirect.gather @!p4 [hbm4b:s3+s21], $0x20, s20, s21, $0xb8;
	[tilespmem:$0x14A00] =	vst v63  }
0x99: {  	s20 =	simm.s32 @!p4 $0x480;
	s22 =	simm.s32 @!p4 $0x9A00  }
0x9a: {  	[tilespmem:s19], [sflag:$0x1] =	stream.indirect.gather @!p4 [hbm4b:s3+s21], $0x20, s18, s21, $0xb8;
	[tilespmem:$0x14A00] =	vst v63  }
.Ltmp0:
0x9b: {  	_ = 	snop;
	(pc) =	sbr.rel @p3 .LBB2_2-.Ltmp0, $4  }
0x9c: {  	s15 =	sadd.s32 $0x40, s15;
	s18 =	simm.s32 @!p1 $0x2  }
0x9d: {  	[tilespmem:s22], [sflag:$0x1] =	stream.indirect.gather @!p4 [hbm4b:s3+s21], $0x20, s20, s21, $0xb8;
	[tilespmem:$0x14A00] =	vst v63  }
0x9e: {  	s1 =	sadd.s32 $0x50000, s1;
	s20 =	sadd.s32 $0xFFFFFFE0, s15;
	_ =	swait.ge @!p1 [sflag:s18], $0xA000  }
0x9f: {  	s19 =	simm.s32 @!p2 $0x4;
	s21 =	sadd.s32 @!p1 $0x28000, s17;
	[sflag:s18] =	ssyncset.done @!p1 $0x0  }
0xa0: {  	[sflag:s18] =	ssyncadd.s32 @!p1 $0xFFFF6000  }
0xa1: {  	[hbm4b:s21+s12] =	stream.linear.scatter @!p1 [tilespmem:s14], [sflag:$0x4], $0xA000, $0x38;
	[tilespmem:$0x14A00] =	vst v63  }
0xa2: {  	p1 =	sgt.u32 s20, $0x270  }
0xa3: {  	_ =	swait.ge @!p2 [sflag:s19], $0xA000;
	s14 =	sadd.s32 @!p1 s13, s6  }
0xa4: {  	s12 =	simm.s32 @!p1 $0x0;
	s16 =	simm.s32 @!p1 $0x500;
	[sflag:s19] =	ssyncset.done @!p2 $0x0  }
0xa5: {  	s17 =	simm.s32 @!p1 $0x5;
	s14 =	sadd.s32 @!p1 $0x1400, s14;
	[sflag:s19] =	ssyncadd.s32 @!p2 $0xFFFF6000  }
0xa6: {  	[tilespmem:s16], [sflag:$0x5] =	stream.linear.gather @!p1 [hbm4b:s14+s12], $0x500, $0x38;
	[tilespmem:$0x14A00] =	vst v63  }
0xa7: {  	_ =	swait.ge @!p1 [sflag:s17], $0x500  }
0xa8: {  	[sflag:s17] =	ssyncset.done @!p1 $0x0  }
0xa9: {  	s18 =	simm.s32 @!p1 $0x80;
	s14 =	simm.s32 @!p1 $0xAA00;
	[sflag:s17] =	ssyncadd.s32 @!p1 $0xFFFFFB00  }
0xaa: {  	[tilespmem:s14], [sflag:$0x2] =	stream.indirect.gather @!p1 [hbm4b:s3+s18], $0x20, s16, s18, $0xb8;
	[tilespmem:$0x14A00] =	vst v63  }
0xab: {  	s17 =	simm.s32 @!p1 $0xBA00;
	s16 =	simm.s32 @!p1 $0x580  }
0xac: {  	[tilespmem:s17], [sflag:$0x2] =	stream.indirect.gather @!p1 [hbm4b:s3+s18], $0x20, s16, s18, $0xb8;
	[tilespmem:$0x14A00] =	vst v63  }
0xad: {  	s16 =	simm.s32 @!p1 $0x600;
	s17 =	simm.s32 @!p1 $0xCA00  }
0xae: {  	[tilespmem:s17], [sflag:$0x2] =	stream.indirect.gather @!p1 [hbm4b:s3+s18], $0x20, s16, s18, $0xb8;
	[tilespmem:$0x14A00] =	vst v63  }
0xaf: {  	s16 =	simm.s32 @!p1 $0x680;
	s17 =	simm.s32 @!p1 $0xDA00  }
0xb0: {  	[tilespmem:s17], [sflag:$0x2] =	stream.indirect.gather @!p1 [hbm4b:s3+s18], $0x20, s16, s18, $0xb8;
	[tilespmem:$0x14A00] =	vst v63  }
0xb1: {  	s16 =	simm.s32 @!p1 $0x700;
	s17 =	simm.s32 @!p1 $0xEA00  }
0xb2: {  	[tilespmem:s17], [sflag:$0x2] =	stream.indirect.gather @!p1 [hbm4b:s3+s18], $0x20, s16, s18, $0xb8;
	[tilespmem:$0x14A00] =	vst v63  }
0xb3: {  	s16 =	simm.s32 @!p1 $0x780;
	s17 =	simm.s32 @!p1 $0xFA00  }
0xb4: {  	[tilespmem:s17], [sflag:$0x2] =	stream.indirect.gather @!p1 [hbm4b:s3+s18], $0x20, s16, s18, $0xb8;
	[tilespmem:$0x14A00] =	vst v63  }
0xb5: {  	s16 =	simm.s32 @!p1 $0x800;
	s17 =	simm.s32 @!p1 $0x10A00  }
0xb6: {  	[tilespmem:s17], [sflag:$0x2] =	stream.indirect.gather @!p1 [hbm4b:s3+s18], $0x20, s16, s18, $0xb8;
	[tilespmem:$0x14A00] =	vst v63  }
0xb7: {  	s16 =	simm.s32 @!p1 $0x880;
	s17 =	simm.s32 @!p1 $0x11A00  }
0xb8: {  	[tilespmem:s17], [sflag:$0x2] =	stream.indirect.gather @!p1 [hbm4b:s3+s18], $0x20, s16, s18, $0xb8;
	[tilespmem:$0x14A00] =	vst v63  }
0xb9: {  	s16 =	simm.s32 @!p1 $0x900;
	s17 =	simm.s32 @!p1 $0x12A00  }
0xba: {  	[tilespmem:s17], [sflag:$0x2] =	stream.indirect.gather @!p1 [hbm4b:s3+s18], $0x20, s16, s18, $0xb8;
	[tilespmem:$0x14A00] =	vst v63  }
0xbb: {  	s16 =	simm.s32 @!p1 $0x980;
	s17 =	simm.s32 @!p1 $0x13A00  }
0xbc: {  	[tilespmem:s17], [sflag:$0x2] =	stream.indirect.gather @!p1 [hbm4b:s3+s18], $0x20, s16, s18, $0xb8;
	[tilespmem:$0x14A00] =	vst v63  }
0xbd: {  	_ =	swait.ge [sflag:s30], $0xA000  }
0xbe: {  	[sflag:s30] =	ssyncset.done $0x0  }
0xbf: {  	[sflag:s30] =	ssyncadd.s32 $0xFFFF6000  }
0xc0: {  	[hbm4b:s1+s2] =	stream.linear.scatter [tilespmem:s11], [sflag:$0x3], $0xA000, $0x38;
	[tilespmem:$0x14A00] =	vst v63  }
0xc1: {  	p2 =	sgt.u32 s15, $0x270;
	_ =	swait.ge [sflag:s31], $0xA000  }
0xc2: {  	s13 =	sadd.s32 @!p2 s13, s6;
	s15 =	simm.s32 @!p2 $0x0;
	[sflag:s31] =	ssyncset.done $0x0  }
0xc3: {  	s13 =	sadd.s32 @!p2 $0x2800, s13;
	s16 =	simm.s32 @!p2 $0x5;
	[sflag:s31] =	ssyncadd.s32 $0xFFFF6000  }
0xc4: {  	[tilespmem:s15], [sflag:$0x5] =	stream.linear.gather @!p2 [hbm4b:s13+s15], $0x500, $0x38;
	[tilespmem:$0x14A00] =	vst v63  }
0xc5: {  	_ =	swait.ge @!p2 [sflag:s16], $0x500  }
0xc6: {  	[sflag:s16] =	ssyncset.done @!p2 $0x0  }
0xc7: {  	s17 =	simm.s32 @!p2 $0xA00;
	s13 =	simm.s32 @!p2 $0x80;
	[sflag:s16] =	ssyncadd.s32 @!p2 $0xFFFFFB00  }
0xc8: {  	[tilespmem:s17], [sflag:$0x1] =	stream.indirect.gather @!p2 [hbm4b:s3+s13], $0x20, s15, s13, $0xb8;
	[tilespmem:$0x14A00] =	vst v63  }
0xc9: {  	s15 =	simm.s32 @!p2 $0x1A00  }
0xca: {  	[tilespmem:s15], [sflag:$0x1] =	stream.indirect.gather @!p2 [hbm4b:s3+s13], $0x20, s13, s13, $0xb8;
	[tilespmem:$0x14A00] =	vst v63  }
0xcb: {  	s16 =	simm.s32 @!p2 $0x2A00;
	s15 =	simm.s32 @!p2 $0x100  }
0xcc: {  	[tilespmem:s16], [sflag:$0x1] =	stream.indirect.gather @!p2 [hbm4b:s3+s13], $0x20, s15, s13, $0xb8;
	[tilespmem:$0x14A00] =	vst v63  }
0xcd: {  	s15 =	simm.s32 @!p2 $0x180;
	s16 =	simm.s32 @!p2 $0x3A00  }
0xce: {  	[tilespmem:s16], [sflag:$0x1] =	stream.indirect.gather @!p2 [hbm4b:s3+s13], $0x20, s15, s13, $0xb8;
	[tilespmem:$0x14A00] =	vst v63  }
0xcf: {  	s15 =	simm.s32 @!p2 $0x200;
	s16 =	simm.s32 @!p2 $0x4A00  }
0xd0: {  	[tilespmem:s16], [sflag:$0x1] =	stream.indirect.gather @!p2 [hbm4b:s3+s13], $0x20, s15, s13, $0xb8;
	[tilespmem:$0x14A00] =	vst v63  }
0xd1: {  	s15 =	simm.s32 @!p2 $0x280;
	s16 =	simm.s32 @!p2 $0x5A00  }
0xd2: {  	[tilespmem:s16], [sflag:$0x1] =	stream.indirect.gather @!p2 [hbm4b:s3+s13], $0x20, s15, s13, $0xb8;
	[tilespmem:$0x14A00] =	vst v63  }
0xd3: {  	s15 =	simm.s32 @!p2 $0x300;
	s16 =	simm.s32 @!p2 $0x6A00  }
0xd4: {  	[tilespmem:s16], [sflag:$0x1] =	stream.indirect.gather @!p2 [hbm4b:s3+s13], $0x20, s15, s13, $0xb8;
	[tilespmem:$0x14A00] =	vst v63  }
0xd5: {  	s15 =	simm.s32 @!p2 $0x380;
	s16 =	simm.s32 @!p2 $0x7A00  }
0xd6: {  	[tilespmem:s16], [sflag:$0x1] =	stream.indirect.gather @!p2 [hbm4b:s3+s13], $0x20, s15, s13, $0xb8;
	[tilespmem:$0x14A00] =	vst v63  }
0xd7: {  	s15 =	simm.s32 @!p2 $0x400;
	s16 =	simm.s32 @!p2 $0x8A00  }
0xd8: {  	[tilespmem:s16], [sflag:$0x1] =	stream.indirect.gather @!p2 [hbm4b:s3+s13], $0x20, s15, s13, $0xb8;
	[tilespmem:$0x14A00] =	vst v63  }
0xd9: {  	s17 =	simm.s32 @!p1 $0x2;
	s15 =	simm.s32 @!p2 $0x480;
	s16 =	simm.s32 @!p2 $0x9A00  }
0xda: {  	[tilespmem:s16], [sflag:$0x1] =	stream.indirect.gather @!p2 [hbm4b:s3+s13], $0x20, s15, s13, $0xb8;
	[tilespmem:$0x14A00] =	vst v63  }
0xdb: {  	_ =	swait.ge @!p1 [sflag:s17], $0xA000  }
0xdc: {  	[sflag:s17] =	ssyncset.done @!p1 $0x0  }
0xdd: {  	s0 =	sadd.s32 $0x1, s0;
	s1 =	sadd.s32 @!p1 $0x28000, s1;
	[sflag:s17] =	ssyncadd.s32 @!p1 $0xFFFF6000  }
0xde: {  	[hbm4b:s1+s12] =	stream.linear.scatter @!p1 [tilespmem:s14], [sflag:$0x4], $0xA000, $0x38;
	[tilespmem:$0x14A00] =	vst v63  }
0xdf: {  	p1 =	sne.s32 s0, s5  }
.Ltmp1:
0xe0: {  	_ = 	snop;
	(pc) =	sbr.rel @p1 .LBB2_1-.Ltmp1, $4  }
0xe1: {  	s1 =	simm.s32 @!p0 $0x4  }
0xe2: {  	_ =	swait.ge @!p0 [sflag:s1], $0xA000  }
0xe3: {  	[sflag:s1] =	ssyncset.done @!p0 $0x0  }
0xe4: {  	[sflag:s1] =	ssyncadd.s32 @!p0 $0xFFFF6000  }
0xe5: {  	_ =	sfence.sel $0x180000  }
0xe6: {  	[bflag:$0x0] =	sbarrier.arrive $0xFFFF  }
0xe7: {  	_ =	strace $0x9000004A  }
0xe8: {  	s0 =	stileid.u32;
	[bflag:$0x2] =	sbarrier.arrive $0xFFFF  }
0xe9: {  	p0 =	sne.s32 s0, $0x0;
	s0 =	rddreg [dreg:$0x1]  }
0xea: {  	s0 =	sadd.s32 @!p0 $0x100000, s0  }
0xeb: {  	[sflag:s0] =	ssyncadd.tile.s32 @!p0 $0x1;
	_ =	shalt  }
.Lfunc_end2:
_tile_overlayer_lowered:
.L_overlay_start_2:
0xec: {  	(tag) =	ssettag $0x2  }
0xed: {  	s0 =	rddreg [dreg:$0x0];
	s2 =	stileid.u32  }
0xee: {  	s1 =	rddreg [dreg:$0x1];
	p0 =	sne.s32 s2, $0x0  }
0xef: {  	s3 =	rddreg [dreg:$0x2];
	[bflag:$0x3] =	sbarrier.arrive $0xFFFF;
	s2 =	simm.s32 @!p0 $0x1C05  }
0xf0: {  	[timem:s3], [sflag:s2] =	dma.local @!p0 [hbm:s0], s1  }
0xf1: {  	s0 =	simm.s32 @!p0 $0x5  }
0xf2: {  	_ =	swait.ge @!p0 [sflag:s0], s1  }
0xf3: {  	s1 =	ssub.s32 @!p0 $0x0, s1;
	[sflag:s0] =	ssyncset.done @!p0 $0x0  }
0xf4: {  	[sflag:s0] =	ssyncadd.s32 @!p0 s1  }
0xf5: {  	[bflag:$0x3] =	sbarrier.arrive $0xFFFF  }
0xf6: {  	_ =	shalt  }

// kernel: kernel.15.cloned.1.call-start
scs
__scs_entry_jumppad:
0x0: {  	(pc) =	sbr.rel $0x88, $3  }
0x1: {  	(tag) =	ssettag $0x0;
	lr =	simm.s32 $0x1  }
0x2: {  	[smem:$0x3F93] =	sst lr;
	_ =	strace $0xD0000000  }
0x3: {  	_ = 	snop  }
0x4: {  	_ = 	snop  }
0x5: {  	_ = 	snop  }
0x6: {  	_ = 	snop  }
0x7: {  	_ = 	snop  }
__scs_overlays_trampoline_lowered:
0x8: {  	[smem:$0x3FA2] =	sst s0  }
0x9: {  	[smem:$0x3FA3] =	sst s1  }
0xa: {  	[smem:$0x3FA4] =	sst s2  }
0xb: {  	[smem:$0x3FA5] =	sst s3  }
0xc: {  	[smem:$0x3FA6] =	sst s4  }
0xd: {  	[smem:$0x3FA7] =	sst s5  }
0xe: {  	[smem:$0x3FA8] =	sst s6  }
0xf: {  	[smem:$0x3FA9] =	sst s7  }
0x10: {  	[smem:$0x3FAA] =	sst s8  }
0x11: {  	[smem:$0x3FAB] =	sst s9;
	s0 =	simm.s32 @!p0 $0x0  }
0x12: {  	s1 =	sld [smem:$0x3F91];
	s0 =	simm.s32 @p0 $0x1  }
0x13: {  	[smem:$0x3FAC] =	sst s0;
	s0 =	simm.s32 @!p1 $0x0  }
0x14: {  	s2 =	sld [smem:$0x3F90];
	s0 =	simm.s32 @p1 $0x1  }
0x15: {  	[smem:$0x3FAD] =	sst s0;
	s0 =	simm.s32 @!p2 $0x0  }
0x16: {  	s3 =	sld [smem:$0x3FDB];
	s0 =	simm.s32 @p2 $0x1  }
0x17: {  	s4 =	simm.s32 $0x1BF5;
	[smem:$0x3FAF] =	sst s0  }
0x18: {  	s0 =	sld [smem:$0x3F92];
	_ =	swait.ge [sflag:s4], $0x0  }
0x19: {  	s7 =	sld [smem:$0x3F93]  }
0x1a: {  	s8 =	sadd.s32 $0xFFFFE003, lr  }
0x1b: {  	s9 =	sadd.s32 $0xFFFFFEF7, lr;
	s5 =	simm.s32 $0xFFFFFFFF;
	p2 =	slt.u32 s8, $0xFFFFF086  }
0x1c: {  	p1 =	slt.u32 s9, $0xF7A;
	s5 =	simm.s32 @!p2 $0x0  }
0x1d: {  	s5 =	simm.s32 @p1 $0x1;
	p0 =	seq.s32 s7, s2  }
0x1e: {  	s7 =	smul.u32 @!p0 $0xF7A, s2;
	p2 =	seq.s32 @!p0 s5, $0x0  }
0x1f: {  	s9 =	smul.u32 $0xF7A, s1;
	s8 =	simm.s32 @!p0 $0x1BF5;
	p2 =	por !p2, p0  }
0x20: {  	[sflag:s8] =	ssyncset.s32 @!p0 $0xFFFFF086;
	s6 =	sadd.s32 @!p0 s3, s7;
	s7 =	simm.s32 @!p0 $0x108  }
0x21: {  	s3 =	sadd.s32 s3, s9;
	s6 =	sadd.s32 @!p0 $0x88, s6;
	s7 =	simm.s32 @p2 $0x1082  }
0x22: {  	[simem:s7], [sflag:s8] =	dma.local @!p0 [hbm:s6], $0xF7A  }
0x23: {  	s9 =	sor.u32 $0xD0000000, s2;
	s6 =	simm.s32 $0x108;
	_ =	swait.ge @!p0 [sflag:s8], $0x0  }
0x24: {  	s3 =	sadd.s32 $0x88, s3;
	s6 =	simm.s32 @!p1 $0x1082;
	[sflag:s4] =	ssyncset.s32 $0xFFFFF086  }
0x25: {  	[simem:s6], [sflag:s4] =	dma.local [hbm:s3], $0xF7A  }
0x26: {  	[smem:$0x3F93] =	sst s1;
	(tag) =	ssettag s2;
	_ =	strace s9  }
0x27: {  	s1 =	sld [smem:$0x3FA3]  }
0x28: {  	s2 =	sld [smem:$0x3FA4]  }
0x29: {  	s4 =	sld [smem:$0x3FA6]  }
0x2a: {  	p0 =	seq.s32 s5, $0x0;
	s5 =	sld [smem:$0x3FA7]  }
0x2b: {  	s6 =	sld [smem:$0x3FA8]  }
0x2c: {  	s7 =	sld [smem:$0x3FA9]  }
0x2d: {  	s3 =	simm.s32 $0x108;
	s8 =	sld [smem:$0x3FAA]  }
0x2e: {  	s3 =	simm.s32 @!p0 $0x1082;
	s9 =	sld [smem:$0x3FAB]  }
0x2f: {  	lr =	sadd.s32 s0, s3;
	s0 =	sld [smem:$0x3FA2]  }
0x30: {  	s3 =	sld [smem:$0x3FA5]  }
0x31: {  	[smem:$0x3FAE] =	sst s10  }
0x32: {  	s10 =	sld [smem:$0x3FAC];
	_ =	sdelay $0x3  }
0x33: {  	p0 =	seq.s32 s10, $0x1;
	s10 =	sld [smem:$0x3FAE];
	_ =	sdelay $0x3  }
0x34: {  	[smem:$0x3FAE] =	sst s10  }
0x35: {  	s10 =	sld [smem:$0x3FAD];
	_ =	sdelay $0x3  }
0x36: {  	p1 =	seq.s32 s10, $0x1;
	s10 =	sld [smem:$0x3FAE];
	_ =	sdelay $0x3  }
0x37: {  	[smem:$0x3FAE] =	sst s10  }
0x38: {  	s10 =	sld [smem:$0x3FAF]  }
0x39: {  	_ = 	snop;
	(pc) =	sbr.ind lr, $3  }
0x3a: {  	_ = 	snop  }
0x3b: {  	_ = 	snop  }
0x3c: {  	p2 =	seq.s32 s10, $0x1;
	s10 =	sld [smem:$0x3FAE]  }
0x3d: {  	_ =	shalt  }
0x3e: {  	_ =	shalt  }
0x3f: {  	_ =	shalt  }
0x40: {  	_ =	shalt  }
0x41: {  	_ =	shalt  }
0x42: {  	_ =	shalt  }
0x43: {  	_ =	shalt  }
0x44: {  	_ =	shalt  }
0x45: {  	_ =	shalt  }
0x46: {  	_ =	shalt  }
0x47: {  	_ =	shalt  }
0x48: {  	_ =	shalt  }
0x49: {  	_ =	shalt  }
0x4a: {  	_ =	shalt  }
0x4b: {  	_ =	shalt  }
0x4c: {  	_ =	shalt  }
0x4d: {  	_ =	shalt  }
0x4e: {  	_ =	shalt  }
0x4f: {  	_ =	shalt  }
0x50: {  	_ =	shalt  }
0x51: {  	_ =	shalt  }
0x52: {  	_ =	shalt  }
0x53: {  	_ =	shalt  }
0x54: {  	_ =	shalt  }
0x55: {  	_ =	shalt  }
0x56: {  	_ =	shalt  }
0x57: {  	_ =	shalt  }
0x58: {  	_ =	shalt  }
0x59: {  	_ =	shalt  }
0x5a: {  	_ =	shalt  }
0x5b: {  	_ =	shalt  }
0x5c: {  	_ =	shalt  }
0x5d: {  	_ =	shalt  }
0x5e: {  	_ =	shalt  }
0x5f: {  	_ =	shalt  }
0x60: {  	_ =	shalt  }
0x61: {  	_ =	shalt  }
0x62: {  	_ =	shalt  }
0x63: {  	_ =	shalt  }
0x64: {  	_ =	shalt  }
0x65: {  	_ =	shalt  }
0x66: {  	_ =	shalt  }
0x67: {  	_ =	shalt  }
0x68: {  	_ =	shalt  }
0x69: {  	_ =	shalt  }
0x6a: {  	_ =	shalt  }
0x6b: {  	_ =	shalt  }
0x6c: {  	_ =	shalt  }
0x6d: {  	_ =	shalt  }
0x6e: {  	_ =	shalt  }
0x6f: {  	_ =	shalt  }
0x70: {  	_ =	shalt  }
0x71: {  	_ =	shalt  }
0x72: {  	_ =	shalt  }
0x73: {  	_ =	shalt  }
0x74: {  	_ =	shalt  }
0x75: {  	_ =	shalt  }
0x76: {  	_ =	shalt  }
0x77: {  	_ =	shalt  }
0x78: {  	_ =	shalt  }
0x79: {  	_ =	shalt  }
0x7a: {  	_ =	shalt  }
0x7b: {  	_ =	shalt  }
0x7c: {  	_ =	shalt  }
0x7d: {  	_ =	shalt  }
0x7e: {  	_ =	shalt  }
0x7f: {  	_ =	shalt  }
0x80: {  	_ =	shalt  }
0x81: {  	_ =	shalt  }
0x82: {  	_ =	shalt  }
0x83: {  	_ =	shalt  }
0x84: {  	_ =	shalt  }
0x85: {  	_ =	shalt  }
0x86: {  	_ =	shalt  }
0x87: {  	_ =	shalt  }
.Lfunc_end0:
.L_simem_size_0:
called_computation.2_lowered:
.L_overlay_start_0:
0x88: {  	s2 =	sld [smem:$0x3FD9]  }
0x89: {  	s3 =	sld [smem:$0x3FFE];
	_ =	sdelay $0x1  }
0x8a: {  	s1 =	srdreg.scid  }
0x8b: {  	s0 =	sand.u32 $0x1, s1  }
0x8c: {  	s17 =	sshll.u32 s0, $0xA;
	s2 =	sadd.s32 s3, s2  }
0x8d: {  	s2 =	sadd.s32 s2, s17  }
0x8e: {  	[smem:$0x3FBA] =	sst s2  }
0x8f: {  	_ = 	snop  }
0x90: {  	s2 =	sld [smem:$0x3FD0];
	(tm) =	ssettm $0x1  }
0x91: {  	s18 =	sld [smem:$0x3FFB];
	_ =	sdelay $0x3  }
0x92: {  	_ =	strace s18  }
0x93: {  	s3 =	sld [smem:$0x3FFC];
	_ =	sdelay $0x3  }
0x94: {  	_ =	strace s3  }
0x95: {  	s3 =	sld [smem:$0x3FFD];
	_ =	sdelay $0x3  }
0x96: {  	_ =	strace s3  }
0x97: {  	_ =	strace $0x8FFFFFFF  }
0x98: {  	s19 =	sld [smem:$0x3FDB];
	_ =	sdelay $0x1  }
0x99: {  	s4 =	simm.s32 $_scs_section_size  }
0x9a: {  	s5 =	simm.s32 $_size__tile_overlayer_lowered;
	s6 =	simm.s32 $_tile_overlayer_lowered  }
0x9b: {  	s22 =	simm.s32 $0x1BFF;
	s21 =	sshll.u32 s6, $0x1;
	s3 =	sadd.s32 s4, s19  }
0x9c: {  	s7 =	simm.s32 $0x0;
	s20 =	sshll.u32 s5, $0x1;
	s5 =	sadd.s32 s21, s3  }
0x9d: {  	[timem:s7], [sflag:s22] =	dma.local [hbm:s5], s20  }
0x9e: {  	_ =	swait.ge [sflag:s22], s20  }
0x9f: {  	s4 =	ssub.s32 $0x0, s20;
	[sflag:s22] =	ssyncset.done $0x0  }
0xa0: {  	[sflag:s22] =	ssyncadd.s32 s4;
	_ =	sdelay $0x1  }
0xa1: {  	s23 =	simm.s32 $0x1B8B  }
0xa2: {  	_ =	swait.ge [sflag:s23], $0x1  }
0xa3: {  	[sflag:s23] =	ssyncset.done $0x0  }
0xa4: {  	s25 =	simm.s32 $0x1B8E;
	s24 =	sld [smem:$0x3FFE];
	[sflag:s23] =	ssyncadd.s32 $0xFFFFFFFF  }
0xa5: {  	s26 =	simm.s32 $execute0_lowered;
	[smem:$0x3FD2] =	sst s25  }
0xa6: {  	s5 =	sshll.u32 s26, $0x1;
	_ =	strace $0x8000004C;
	[dreg:$0x1] =	wrdreg $0xFFFFFFFF  }
0xa7: {  	s28 =	simm.s32 $_size_execute0_lowered;
	s3 =	sadd.s32 s3, s5;
	[dreg:$0x0] =	wrdreg $0x0  }
0xa8: {  	s5 =	sshll.u32 s28, $0x1;
	[dreg:$0x2] =	wrdreg s3  }
0xa9: {  	[dreg:$0x3] =	wrdreg s5  }
0xaa: {  	[dreg:$0x4] =	wrdreg $0xC0  }
0xab: {  	_ =	task [dreg:s7], $0x5FFFF  }
0xac: {  	[dreg:$0x1] =	wrdreg $0xFFFFFFFF  }
0xad: {  	[dreg:$0x0] =	wrdreg $0x60  }
0xae: {  	[dreg:$0x2] =	wrdreg s24  }
0xaf: {  	[dreg:$0x3] =	wrdreg s2  }
0xb0: {  	[dreg:$0x4] =	wrdreg $0x9  }
0xb1: {  	_ =	task.clear_ibuf [dreg:s7], $0x5FFFF;
	_ =	strace $0x9000004C  }
0xb2: {  	s29 =	simm.s32 $0x9;
	_ =	strace $0x8000004E  }
0xb3: {  	_ =	swait.ge [sflag:s29], $0x1  }
0xb4: {  	[sflag:s29] =	ssyncadd.s32 $0xFFFFFFFF  }
0xb5: {  	_ =	strace $0x9000004E  }
0xb6: {  	_ =	sfence  }
0xb7: {  	s30 =	sld [smem:$0x0];
	_ =	sdelay $0x2  }
0xb8: {  	s31 =	sshll.u32 s1, $0xD;
	s1 =	sshrl.u32 s1, $0x2  }
0xb9: {  	s3 =	sand.u32 $0x4000, s31;
	s1 =	sadd.s32 s1, s30  }
0xba: {  	s0 =	sor.u32 s3, s0;
	s1 =	sshll.u32 s1, $0x11  }
0xbb: {  	s0 =	sor.u32 s1, s0  }
0xbc: {  	s0 =	sadd.s32 $0x8F2B, s0  }
0xbd: {  	[sflag:s0] =	ssyncadd.remote.s32 $0x1  }
0xbe: {  	_ =	sfence.sel $0xFFFF  }
0xbf: {  	[dreg:$0x0] =	wrdreg $0xFFFFFFFF;
	(pc) =	sbr.abs _section_cstart, $3  }
0xc0: {  	[dreg:$0x1] =	wrdreg $0xFFFFFFFF  }
0xc1: {  	_ =	task.clear_ibuf [dreg:s7], $0x2FFFF;
	_ =	strace $0x9FFFFFFF  }
0xc2: {  	(tm) =	ssettm $0x7FFFFFFF  }
0xc3: {  	_ =	shalt  }
tec
execute0_lowered:
.L_overlay_start_1:
0x0: {  	(tag) =	ssettag $0x1  }
0x1: {  	s0 =	srdreg.scid  }
0x2: {  	s3 =	stileid.u32;
	s4 =	rddreg [dreg:$0x0]  }
0x3: {  	s6 =	rddreg [dreg:$0x1];
	s15 =	simm.s32 $0x500;
	s16 =	simm.s32 $0x2500  }
0x4: {  	s17 =	simm.s32 $0x100;
	s18 =	simm.s32 $0x4500;
	s19 =	simm.s32 $0x180  }
0x5: {  	s28 =	simm.s32 $0x380;
	s29 =	simm.s32 $0xE500;
	s20 =	smul.u32 $0xA0, s3  }
0x6: {  	s30 =	simm.s32 $0x400;
	s0 =	sand.u32 $0x1, s0;
	s22 =	smul.u32 $0x2800, s3  }
0x7: {  	s31 =	simm.s32 $0x10500;
	s1 =	sshll.u32 s3, $0x1;
	s21 =	smul.u32 $0x50, s0  }
0x8: {  	s5 =	sor.u32 s0, s1;
	s12 =	ssub.s32 $0x2, s0;
	s0 =	smul.u32 $0x1400, s0  }
0x9: {  	s2 =	sadd.s32 $0x2600, s4;
	s4 =	sadd.s32 $0x64200, s4;
	s7 =	smul.u32 $0x50, s5  }
0xa: {  	p0 =	sne.s32 s3, $0x0;
	s8 =	sor.u32 $0x20, s5;
	s11 =	smul.u32 $0x1400, s5  }
0xb: {  	s1 =	simm.s32 $0x0;
	s10 =	sor.u32 $0x40, s5;
	s9 =	smul.u32 $0x50, s8  }
0xc: {  	s3 =	simm.s32 $0x12500;
	[smem:$0x7FF] =	sst s1;
	s10 =	smul.u32 $0x50, s10  }
0xd: {  	s5 =	sor.u32 $0x4E0, s5;
	s13 =	sshrl.u32 s12, $0x1;
	s8 =	smul.u32 $0x1400, s8  }
0xe: {  	s25 =	sadd.s32 s22, s4;
	s22 =	simm.s32 $0x8500;
	s14 =	smul.u32 $0x50, s5  }
0xf: {  	_ =	strace $0x8000004D;
	s12 =	ssub.s32 s12, s13;
	s24 =	smul.u32 $0x1400, s5  }
0x10: {  	s0 =	sadd.s32 s0, s25;
	s13 =	simm.s32 $0x5;
	s7 =	sadd.s32 s6, s7  }
0x11: {  	p1 =	sgt.u32 s5, $0x4E1;
	s12 =	smax.u32 s12, $0x1;
	[dreg:$0x4] =	wrdreg s7  }
0x12: {  	s25 =	simm.s32 $0x300;
	s11 =	sadd.s32 s4, s11;
	[dreg:$0x5] =	wrdreg s12  }
0x13: {  	s5 =	simm.s32 $0x3;
	s0 =	sadd.s32 $0x50000, s0;
	[dreg:$0x7] =	wrdreg s11  }
0x14: {  	s9 =	sadd.s32 s6, s9;
	s10 =	sadd.s32 s6, s10;
	[dreg:$0xd] =	wrdreg s0  }
0x15: {  	s8 =	sadd.s32 s4, s8;
	s23 =	sadd.s32 s6, s14;
	[dreg:$0x6] =	wrdreg s9  }
0x16: {  	s6 =	sadd.s32 s20, s6;
	s26 =	sadd.s32 $0x5F0000, s11;
	[dreg:$0x8] =	wrdreg s10  }
0x17: {  	s4 =	sadd.s32 s4, s24;
	s14 =	simm.s32 $0x80;
	[dreg:$0x9] =	wrdreg s8  }
0x18: {  	s20 =	simm.s32 $0x6500;
	s24 =	simm.s32 $0xA500;
	[dreg:$0xa] =	wrdreg s23  }
0x19: {  	s0 =	simm.s32 $0x480;
	s7 =	simm.s32 $0x2;
	[dreg:$0xb] =	wrdreg s26  }
0x1a: {  	s6 =	sadd.s32 s21, s6;
	[dreg:$0xc] =	wrdreg s4;
	s21 =	simm.s32 $0x200  }
0x1b: {  	s23 =	simm.s32 $0x280;
	s26 =	simm.s32 $0xC500;
	s4 =	simm.s32 $0x1  }
0x1c: {  	s8 =	simm.s32 $0x4;
	s10 =	simm.s32 $0x0;
	[dreg:$0x3] =	wrdreg s6  }
.LBB2_1:
0x1d: {  	[dreg:$0xe] =	wrdreg s10  }
0x1e: {  	s6 =	rddreg [dreg:$0x4]  }
0x1f: {  	[tilespmem:s1], [sflag:$0x5] =	stream.linear.gather [hbm4b:s6+s1], $0x280, $0x38;
	[tilespmem:$0x14500] =	vst v63  }
0x20: {  	_ =	swait.ge [sflag:s13], $0x280  }
0x21: {  	[sflag:s13] =	ssyncset.done $0x0  }
0x22: {  	[sflag:s13] =	ssyncadd.s32 $0xFFFFFD80  }
0x23: {  	[tilespmem:s15], [sflag:$0x1] =	stream.indirect.gather [hbm4b:s2+s14], $0x40, s1, s14, $0xb8;
	[tilespmem:$0x14500] =	vst v63  }
0x24: {  	_ = 	snop  }
0x25: {  	[tilespmem:s16], [sflag:$0x1] =	stream.indirect.gather [hbm4b:s2+s14], $0x40, s14, s14, $0xb8;
	[tilespmem:$0x14500] =	vst v63  }
0x26: {  	_ = 	snop  }
0x27: {  	[tilespmem:s18], [sflag:$0x1] =	stream.indirect.gather [hbm4b:s2+s14], $0x40, s17, s14, $0xb8;
	[tilespmem:$0x14500] =	vst v63  }
0x28: {  	_ = 	snop  }
0x29: {  	[tilespmem:s20], [sflag:$0x1] =	stream.indirect.gather [hbm4b:s2+s14], $0x40, s19, s14, $0xb8;
	[tilespmem:$0x14500] =	vst v63  }
0x2a: {  	_ = 	snop  }
0x2b: {  	[tilespmem:s22], [sflag:$0x1] =	stream.indirect.gather [hbm4b:s2+s14], $0x40, s21, s14, $0xb8;
	[tilespmem:$0x14500] =	vst v63  }
0x2c: {  	s11 =	rddreg [dreg:$0x6]  }
0x2d: {  	[tilespmem:s23], [sflag:$0x5] =	stream.linear.gather [hbm4b:s11+s1], $0x280, $0x38;
	[tilespmem:$0x14500] =	vst v63  }
0x2e: {  	_ =	swait.ge [sflag:s13], $0x280  }
0x2f: {  	[sflag:s13] =	ssyncset.done $0x0  }
0x30: {  	[sflag:s13] =	ssyncadd.s32 $0xFFFFFD80  }
0x31: {  	[tilespmem:s24], [sflag:$0x2] =	stream.indirect.gather [hbm4b:s2+s14], $0x40, s23, s14, $0xb8;
	[tilespmem:$0x14500] =	vst v63  }
0x32: {  	_ = 	snop  }
0x33: {  	[tilespmem:s26], [sflag:$0x2] =	stream.indirect.gather [hbm4b:s2+s14], $0x40, s25, s14, $0xb8;
	[tilespmem:$0x14500] =	vst v63  }
0x34: {  	_ = 	snop  }
0x35: {  	[tilespmem:s29], [sflag:$0x2] =	stream.indirect.gather [hbm4b:s2+s14], $0x40, s28, s14, $0xb8;
	[tilespmem:$0x14500] =	vst v63  }
0x36: {  	_ = 	snop  }
0x37: {  	[tilespmem:s31], [sflag:$0x2] =	stream.indirect.gather [hbm4b:s2+s14], $0x40, s30, s14, $0xb8;
	[tilespmem:$0x14500] =	vst v63  }
0x38: {  	_ = 	snop  }
0x39: {  	[tilespmem:s3], [sflag:$0x2] =	stream.indirect.gather [hbm4b:s2+s14], $0x40, s0, s14, $0xb8;
	[tilespmem:$0x14500] =	vst v63  }
0x3a: {  	_ =	swait.ge [sflag:s4], $0xA000  }
0x3b: {  	[sflag:s4] =	ssyncset.done $0x0  }
0x3c: {  	s12 =	rddreg [dreg:$0x7];
	[sflag:s4] =	ssyncadd.s32 $0xFFFF6000  }
0x3d: {  	[hbm4b:s12+s1] =	stream.linear.scatter [tilespmem:s15], [sflag:$0x3], $0xA000, $0x38;
	[tilespmem:$0x14500] =	vst v63  }
0x3e: {  	_ =	swait.ge [sflag:s5], $0xA000  }
0x3f: {  	[sflag:s5] =	ssyncset.done $0x0  }
0x40: {  	s9 =	rddreg [dreg:$0x8];
	[sflag:s5] =	ssyncadd.s32 $0xFFFF6000  }
0x41: {  	[tilespmem:s1], [sflag:$0x5] =	stream.linear.gather [hbm4b:s9+s1], $0x280, $0x38;
	[tilespmem:$0x14500] =	vst v63  }
0x42: {  	_ =	swait.ge [sflag:s13], $0x280  }
0x43: {  	[sflag:s13] =	ssyncset.done $0x0  }
0x44: {  	[sflag:s13] =	ssyncadd.s32 $0xFFFFFD80  }
0x45: {  	[tilespmem:s15], [sflag:$0x1] =	stream.indirect.gather [hbm4b:s2+s14], $0x40, s1, s14, $0xb8;
	[tilespmem:$0x14500] =	vst v63  }
0x46: {  	_ = 	snop  }
0x47: {  	[tilespmem:s16], [sflag:$0x1] =	stream.indirect.gather [hbm4b:s2+s14], $0x40, s14, s14, $0xb8;
	[tilespmem:$0x14500] =	vst v63  }
0x48: {  	_ = 	snop  }
0x49: {  	[tilespmem:s18], [sflag:$0x1] =	stream.indirect.gather [hbm4b:s2+s14], $0x40, s17, s14, $0xb8;
	[tilespmem:$0x14500] =	vst v63  }
0x4a: {  	_ = 	snop  }
0x4b: {  	[tilespmem:s20], [sflag:$0x1] =	stream.indirect.gather [hbm4b:s2+s14], $0x40, s19, s14, $0xb8;
	[tilespmem:$0x14500] =	vst v63  }
0x4c: {  	_ = 	snop  }
0x4d: {  	[tilespmem:s22], [sflag:$0x1] =	stream.indirect.gather [hbm4b:s2+s14], $0x40, s21, s14, $0xb8;
	[tilespmem:$0x14500] =	vst v63  }
0x4e: {  	_ =	swait.ge [sflag:s7], $0xA000  }
0x4f: {  	[sflag:s7] =	ssyncset.done $0x0  }
0x50: {  	s10 =	rddreg [dreg:$0x9];
	[sflag:s7] =	ssyncadd.s32 $0xFFFF6000  }
0x51: {  	[hbm4b:s10+s1] =	stream.linear.scatter [tilespmem:s24], [sflag:$0x4], $0xA000, $0x38;
	[tilespmem:$0x14500] =	vst v63  }
0x52: {  	_ =	swait.ge [sflag:s8], $0xA000  }
0x53: {  	s11 =	rddreg [dreg:$0x3]  }
0x54: {  	[sflag:s8] =	ssyncset.done $0x0;
	s6 =	sadd.s32 $0x0, s11  }
0x55: {  	[sflag:s8] =	ssyncadd.s32 $0xFFFF6000;
	s12 =	sadd.s32 $0x1E00, s6  }
0x56: {  	[tilespmem:s23], [sflag:$0x5] =	stream.linear.gather [hbm4b:s12+s1], $0x280, $0x38;
	[tilespmem:$0x14500] =	vst v63  }
0x57: {  	_ =	swait.ge [sflag:s13], $0x280  }
0x58: {  	[sflag:s13] =	ssyncset.done $0x0  }
0x59: {  	[sflag:s13] =	ssyncadd.s32 $0xFFFFFD80  }
0x5a: {  	[tilespmem:s24], [sflag:$0x2] =	stream.indirect.gather [hbm4b:s2+s14], $0x40, s23, s14, $0xb8;
	[tilespmem:$0x14500] =	vst v63  }
0x5b: {  	_ = 	snop  }
0x5c: {  	[tilespmem:s26], [sflag:$0x2] =	stream.indirect.gather [hbm4b:s2+s14], $0x40, s25, s14, $0xb8;
	[tilespmem:$0x14500] =	vst v63  }
0x5d: {  	_ = 	snop  }
0x5e: {  	[tilespmem:s29], [sflag:$0x2] =	stream.indirect.gather [hbm4b:s2+s14], $0x40, s28, s14, $0xb8;
	[tilespmem:$0x14500] =	vst v63  }
0x5f: {  	_ = 	snop  }
0x60: {  	[tilespmem:s31], [sflag:$0x2] =	stream.indirect.gather [hbm4b:s2+s14], $0x40, s30, s14, $0xb8;
	[tilespmem:$0x14500] =	vst v63  }
0x61: {  	_ = 	snop  }
0x62: {  	[tilespmem:s3], [sflag:$0x2] =	stream.indirect.gather [hbm4b:s2+s14], $0x40, s0, s14, $0xb8;
	[tilespmem:$0x14500] =	vst v63  }
0x63: {  	_ =	swait.ge [sflag:s4], $0xA000  }
0x64: {  	[sflag:s4] =	ssyncset.done $0x0  }
0x65: {  	s9 =	rddreg [dreg:$0xd];
	[sflag:s4] =	ssyncadd.s32 $0xFFFF6000  }
0x66: {  	[hbm4b:s9+s1] =	stream.linear.scatter [tilespmem:s15], [sflag:$0x3], $0xA000, $0x38;
	[tilespmem:$0x14500] =	vst v63  }
0x67: {  	_ =	swait.ge [sflag:s5], $0xA000  }
0x68: {  	[sflag:s5] =	ssyncset.done $0x0  }
0x69: {  	s6 =	sadd.s32 $0x2800, s6;
	[sflag:s5] =	ssyncadd.s32 $0xFFFF6000  }
0x6a: {  	[tilespmem:s1], [sflag:$0x5] =	stream.linear.gather [hbm4b:s6+s1], $0x280, $0x38;
	[tilespmem:$0x14500] =	vst v63  }
0x6b: {  	_ =	swait.ge [sflag:s13], $0x280  }
0x6c: {  	[sflag:s13] =	ssyncset.done $0x0  }
0x6d: {  	[sflag:s13] =	ssyncadd.s32 $0xFFFFFD80  }
0x6e: {  	[tilespmem:s15], [sflag:$0x1] =	stream.indirect.gather [hbm4b:s2+s14], $0x40, s1, s14, $0xb8;
	[tilespmem:$0x14500] =	vst v63  }
0x6f: {  	_ = 	snop  }
0x70: {  	[tilespmem:s16], [sflag:$0x1] =	stream.indirect.gather [hbm4b:s2+s14], $0x40, s14, s14, $0xb8;
	[tilespmem:$0x14500] =	vst v63  }
0x71: {  	_ = 	snop  }
0x72: {  	[tilespmem:s18], [sflag:$0x1] =	stream.indirect.gather [hbm4b:s2+s14], $0x40, s17, s14, $0xb8;
	[tilespmem:$0x14500] =	vst v63  }
0x73: {  	_ = 	snop  }
0x74: {  	[tilespmem:s20], [sflag:$0x1] =	stream.indirect.gather [hbm4b:s2+s14], $0x40, s19, s14, $0xb8;
	[tilespmem:$0x14500] =	vst v63  }
0x75: {  	_ = 	snop  }
0x76: {  	[tilespmem:s22], [sflag:$0x1] =	stream.indirect.gather [hbm4b:s2+s14], $0x40, s21, s14, $0xb8;
	[tilespmem:$0x14500] =	vst v63  }
0x77: {  	_ =	swait.ge [sflag:s7], $0xA000  }
0x78: {  	s10 =	sadd.s32 $0x28000, s9;
	[sflag:s7] =	ssyncset.done $0x0  }
0x79: {  	s11 =	sadd.s32 $0x50000, s9;
	s6 =	simm.s32 $0x1400;
	[sflag:s7] =	ssyncadd.s32 $0xFFFF6000  }
.LBB2_2:
0x7a: {  	[hbm4b:s10+s1] =	stream.linear.scatter [tilespmem:s24], [sflag:$0x4], $0xA000, $0x38;
	[tilespmem:$0x14500] =	vst v63  }
0x7b: {  	_ =	swait.ge [sflag:s8], $0xA000  }
0x7c: {  	s9 =	smov.u32 s6;
	s12 =	rddreg [dreg:$0x3]  }
0x7d: {  	[sflag:s8] =	ssyncset.done $0x0;
	s10 =	sadd.s32 s9, s12  }
0x7e: {  	[sflag:s8] =	ssyncadd.s32 $0xFFFF6000;
	s12 =	sadd.s32 $0x1E00, s10  }
0x7f: {  	[tilespmem:s23], [sflag:$0x5] =	stream.linear.gather [hbm4b:s12+s1], $0x280, $0x38;
	[tilespmem:$0x14500] =	vst v63  }
0x80: {  	_ =	swait.ge [sflag:s13], $0x280  }
0x81: {  	[sflag:s13] =	ssyncset.done $0x0  }
0x82: {  	[sflag:s13] =	ssyncadd.s32 $0xFFFFFD80  }
0x83: {  	[tilespmem:s24], [sflag:$0x2] =	stream.indirect.gather [hbm4b:s2+s14], $0x40, s23, s14, $0xb8;
	[tilespmem:$0x14500] =	vst v63  }
0x84: {  	_ = 	snop  }
0x85: {  	[tilespmem:s26], [sflag:$0x2] =	stream.indirect.gather [hbm4b:s2+s14], $0x40, s25, s14, $0xb8;
	[tilespmem:$0x14500] =	vst v63  }
0x86: {  	_ = 	snop  }
0x87: {  	[tilespmem:s29], [sflag:$0x2] =	stream.indirect.gather [hbm4b:s2+s14], $0x40, s28, s14, $0xb8;
	[tilespmem:$0x14500] =	vst v63  }
0x88: {  	_ = 	snop  }
0x89: {  	[tilespmem:s31], [sflag:$0x2] =	stream.indirect.gather [hbm4b:s2+s14], $0x40, s30, s14, $0xb8;
	[tilespmem:$0x14500] =	vst v63  }
0x8a: {  	_ = 	snop  }
0x8b: {  	[tilespmem:s3], [sflag:$0x2] =	stream.indirect.gather [hbm4b:s2+s14], $0x40, s0, s14, $0xb8;
	[tilespmem:$0x14500] =	vst v63  }
0x8c: {  	_ =	swait.ge [sflag:s4], $0xA000  }
0x8d: {  	[sflag:s4] =	ssyncset.done $0x0  }
0x8e: {  	[sflag:s4] =	ssyncadd.s32 $0xFFFF6000  }
0x8f: {  	[hbm4b:s11+s1] =	stream.linear.scatter [tilespmem:s15], [sflag:$0x3], $0xA000, $0x38;
	[tilespmem:$0x14500] =	vst v63  }
0x90: {  	_ =	swait.ge [sflag:s5], $0xA000  }
0x91: {  	[sflag:s5] =	ssyncset.done $0x0  }
0x92: {  	s10 =	sadd.s32 $0x2800, s10;
	[sflag:s5] =	ssyncadd.s32 $0xFFFF6000  }
0x93: {  	[tilespmem:s1], [sflag:$0x5] =	stream.linear.gather [hbm4b:s10+s1], $0x280, $0x38;
	[tilespmem:$0x14500] =	vst v63  }
0x94: {  	_ =	swait.ge [sflag:s13], $0x280  }
0x95: {  	[sflag:s13] =	ssyncset.done $0x0  }
0x96: {  	[sflag:s13] =	ssyncadd.s32 $0xFFFFFD80  }
0x97: {  	[tilespmem:s15], [sflag:$0x1] =	stream.indirect.gather [hbm4b:s2+s14], $0x40, s1, s14, $0xb8;
	[tilespmem:$0x14500] =	vst v63  }
0x98: {  	_ = 	snop  }
0x99: {  	[tilespmem:s16], [sflag:$0x1] =	stream.indirect.gather [hbm4b:s2+s14], $0x40, s14, s14, $0xb8;
	[tilespmem:$0x14500] =	vst v63  }
0x9a: {  	_ = 	snop  }
0x9b: {  	[tilespmem:s18], [sflag:$0x1] =	stream.indirect.gather [hbm4b:s2+s14], $0x40, s17, s14, $0xb8;
	[tilespmem:$0x14500] =	vst v63  }
0x9c: {  	p2 =	sne.s32 s6, $0x15400  }
0x9d: {  	[tilespmem:s20], [sflag:$0x1] =	stream.indirect.gather [hbm4b:s2+s14], $0x40, s19, s14, $0xb8;
	[tilespmem:$0x14500] =	vst v63  }
.Ltmp0:
0x9e: {  	_ = 	snop;
	(pc) =	sbr.rel @p2 .LBB2_2-.Ltmp0, $4  }
0x9f: {  	[tilespmem:s22], [sflag:$0x1] =	stream.indirect.gather [hbm4b:s2+s14], $0x40, s21, s14, $0xb8;
	[tilespmem:$0x14500] =	vst v63  }
0xa0: {  	_ =	swait.ge [sflag:s7], $0xA000  }
0xa1: {  	s6 =	sadd.s32 $0x1400, s6;
	[sflag:s7] =	ssyncset.done $0x0  }
0xa2: {  	s10 =	sadd.s32 $0x28000, s11;
	s11 =	sadd.s32 $0x50000, s11;
	[sflag:s7] =	ssyncadd.s32 $0xFFFF6000  }
0xa3: {  	[hbm4b:s10+s1] =	stream.linear.scatter [tilespmem:s24], [sflag:$0x4], $0xA000, $0x38;
	[tilespmem:$0x14500] =	vst v63  }
0xa4: {  	_ =	swait.ge [sflag:s8], $0xA000  }
0xa5: {  	[sflag:s8] =	ssyncset.done $0x0  }
0xa6: {  	s6 =	simm.s32 @p1 $0x1;
	[sflag:s8] =	ssyncadd.s32 $0xFFFF6000  }
0xa7: {  	_ =	swait.ge @p1 [sflag:s6], $0xA000  }
0xa8: {  	s10 =	simm.s32 @p1 $0x500;
	[sflag:s6] =	ssyncset.done @p1 $0x0  }
0xa9: {  	s12 =	rddreg [dreg:$0xb];
	[sflag:s6] =	ssyncadd.s32 @p1 $0xFFFF6000;
	s6 =	simm.s32 @p1 $0x0  }
0xaa: {  	[hbm4b:s12+s6] =	stream.linear.scatter @p1 [tilespmem:s10], [sflag:$0x3], $0xA000, $0x38;
	[tilespmem:$0x14500] =	vst v63  }
0xab: {  	s6 =	simm.s32 @p1 $0x3  }
0xac: {  	_ =	swait.ge @p1 [sflag:s6], $0xA000  }
0xad: {  	s11 =	simm.s32 @!p1 $0x5;
	s10 =	simm.s32 @!p1 $0x280;
	[sflag:s6] =	ssyncset.done @p1 $0x0  }
0xae: {  	s9 =	rddreg [dreg:$0xa];
	[sflag:s6] =	ssyncadd.s32 @p1 $0xFFFF6000;
	s6 =	simm.s32 @!p1 $0x0  }
0xaf: {  	[tilespmem:s10], [sflag:$0x5] =	stream.linear.gather @!p1 [hbm4b:s9+s6], $0x280, $0x38;
	[tilespmem:$0x14500] =	vst v63  }
0xb0: {  	_ =	swait.ge @!p1 [sflag:s11], $0x280  }
0xb1: {  	[sflag:s11] =	ssyncset.done @!p1 $0x0  }
0xb2: {  	s9 =	simm.s32 @!p1 $0xA500;
	[sflag:s11] =	ssyncadd.s32 @!p1 $0xFFFFFD80;
	s11 =	simm.s32 @!p1 $0x80  }
0xb3: {  	[tilespmem:s9], [sflag:$0x2] =	stream.indirect.gather @!p1 [hbm4b:s2+s11], $0x40, s10, s11, $0xb8;
	[tilespmem:$0x14500] =	vst v63  }
0xb4: {  	s10 =	simm.s32 @!p1 $0x300;
	s9 =	simm.s32 @!p1 $0xC500  }
0xb5: {  	[tilespmem:s9], [sflag:$0x2] =	stream.indirect.gather @!p1 [hbm4b:s2+s11], $0x40, s10, s11, $0xb8;
	[tilespmem:$0x14500] =	vst v63  }
0xb6: {  	s9 =	simm.s32 @!p1 $0x380;
	s10 =	simm.s32 @!p1 $0xE500  }
0xb7: {  	[tilespmem:s10], [sflag:$0x2] =	stream.indirect.gather @!p1 [hbm4b:s2+s11], $0x40, s9, s11, $0xb8;
	[tilespmem:$0x14500] =	vst v63  }
0xb8: {  	s9 =	simm.s32 @!p1 $0x400;
	s10 =	simm.s32 @!p1 $0x10500  }
0xb9: {  	[tilespmem:s10], [sflag:$0x2] =	stream.indirect.gather @!p1 [hbm4b:s2+s11], $0x40, s9, s11, $0xb8;
	[tilespmem:$0x14500] =	vst v63  }
0xba: {  	s9 =	simm.s32 @!p1 $0x480;
	s10 =	simm.s32 @!p1 $0x12500  }
0xbb: {  	[tilespmem:s10], [sflag:$0x2] =	stream.indirect.gather @!p1 [hbm4b:s2+s11], $0x40, s9, s11, $0xb8;
	[tilespmem:$0x14500] =	vst v63  }
0xbc: {  	s9 =	simm.s32 @!p1 $0x1  }
0xbd: {  	_ =	swait.ge @!p1 [sflag:s9], $0xA000  }
0xbe: {  	[sflag:s9] =	ssyncset.done @!p1 $0x0  }
0xbf: {  	[sflag:s9] =	ssyncadd.s32 @!p1 $0xFFFF6000;
	s9 =	simm.s32 @!p1 $0x500  }
0xc0: {  	[hbm4b:s12+s6] =	stream.linear.scatter @!p1 [tilespmem:s9], [sflag:$0x3], $0xA000, $0x38;
	[tilespmem:$0x14500] =	vst v63  }
0xc1: {  	s9 =	simm.s32 @!p1 $0x3  }
0xc2: {  	_ =	swait.ge @!p1 [sflag:s9], $0xA000  }
0xc3: {  	[sflag:s9] =	ssyncset.done @!p1 $0x0  }
0xc4: {  	[sflag:s9] =	ssyncadd.s32 @!p1 $0xFFFF6000;
	s9 =	simm.s32 @!p1 $0x2  }
0xc5: {  	_ =	swait.ge @!p1 [sflag:s9], $0xA000  }
0xc6: {  	[sflag:s9] =	ssyncset.done @!p1 $0x0  }
0xc7: {  	s10 =	simm.s32 @!p1 $0xA500;
	[sflag:s9] =	ssyncadd.s32 @!p1 $0xFFFF6000;
	s9 =	rddreg [dreg:$0xc]  }
0xc8: {  	[hbm4b:s9+s6] =	stream.linear.scatter @!p1 [tilespmem:s10], [sflag:$0x4], $0xA000, $0x38;
	[tilespmem:$0x14500] =	vst v63  }
0xc9: {  	s6 =	simm.s32 @!p0 $0x4  }
0xca: {  	_ =	swait.ge @!p0 [sflag:s6], $0xA000  }
0xcb: {  	s11 =	rddreg [dreg:$0xe]  }
0xcc: {  	s12 =	rddreg [dreg:$0x5];
	s10 =	sadd.s32 $0x1, s11  }
0xcd: {  	p2 =	sne.s32 s10, s12  }
.Ltmp1:
0xce: {  	_ = 	snop;
	(pc) =	sbr.rel @p2 .LBB2_1-.Ltmp1, $3  }
0xcf: {  	_ =	sdelay $0x1  }
0xd0: {  	[sflag:s6] =	ssyncset.done @!p0 $0x0  }
0xd1: {  	[sflag:s6] =	ssyncadd.s32 @!p0 $0xFFFF6000  }
0xd2: {  	_ =	sfence.sel $0x180000  }
0xd3: {  	[bflag:$0x0] =	sbarrier.arrive $0xFFFF  }
0xd4: {  	_ =	strace $0x9000004D  }
0xd5: {  	[bflag:$0x2] =	sbarrier.arrive $0xFFFF  }
0xd6: {  	s0 =	rddreg [dreg:$0x2]  }
0xd7: {  	s0 =	sadd.s32 @!p0 $0x100000, s0  }
0xd8: {  	[sflag:s0] =	ssyncadd.tile.s32 @!p0 $0x1;
	_ =	shalt  }
.Lfunc_end2:
_tile_overlayer_lowered:
.L_overlay_start_2:
0xd9: {  	(tag) =	ssettag $0x2  }
0xda: {  	s0 =	rddreg [dreg:$0x0];
	s2 =	stileid.u32  }
0xdb: {  	s1 =	rddreg [dreg:$0x1];
	p0 =	sne.s32 s2, $0x0  }
0xdc: {  	s3 =	rddreg [dreg:$0x2];
	[bflag:$0x3] =	sbarrier.arrive $0xFFFF;
	s2 =	simm.s32 @!p0 $0x1C05  }
0xdd: {  	[timem:s3], [sflag:s2] =	dma.local @!p0 [hbm:s0], s1  }
0xde: {  	s0 =	simm.s32 @!p0 $0x5  }
0xdf: {  	_ =	swait.ge @!p0 [sflag:s0], s1  }
0xe0: {  	s1 =	ssub.s32 @!p0 $0x0, s1;
	[sflag:s0] =	ssyncset.done @!p0 $0x0  }
0xe1: {  	[sflag:s0] =	ssyncadd.s32 @!p0 s1  }
0xe2: {  	[bflag:$0x3] =	sbarrier.arrive $0xFFFF  }
0xe3: {  	_ =	shalt  }

// kernel: kernel.9.cloned.1.call-start
scs
__scs_entry_jumppad:
0x0: {  	(pc) =	sbr.rel $0x88, $3  }
0x1: {  	(tag) =	ssettag $0x0;
	lr =	simm.s32 $0x1  }
0x2: {  	[smem:$0x3F93] =	sst lr;
	_ =	strace $0xD0000000  }
0x3: {  	_ = 	snop  }
0x4: {  	_ = 	snop  }
0x5: {  	_ = 	snop  }
0x6: {  	_ = 	snop  }
0x7: {  	_ = 	snop  }
__scs_overlays_trampoline_lowered:
0x8: {  	[smem:$0x3FA2] =	sst s0  }
0x9: {  	[smem:$0x3FA3] =	sst s1  }
0xa: {  	[smem:$0x3FA4] =	sst s2  }
0xb: {  	[smem:$0x3FA5] =	sst s3  }
0xc: {  	[smem:$0x3FA6] =	sst s4  }
0xd: {  	[smem:$0x3FA7] =	sst s5  }
0xe: {  	[smem:$0x3FA8] =	sst s6  }
0xf: {  	[smem:$0x3FA9] =	sst s7  }
0x10: {  	[smem:$0x3FAA] =	sst s8  }
0x11: {  	[smem:$0x3FAB] =	sst s9;
	s0 =	simm.s32 @!p0 $0x0  }
0x12: {  	s1 =	sld [smem:$0x3F91];
	s0 =	simm.s32 @p0 $0x1  }
0x13: {  	[smem:$0x3FAC] =	sst s0;
	s0 =	simm.s32 @!p1 $0x0  }
0x14: {  	s2 =	sld [smem:$0x3F90];
	s0 =	simm.s32 @p1 $0x1  }
0x15: {  	[smem:$0x3FAD] =	sst s0;
	s0 =	simm.s32 @!p2 $0x0  }
0x16: {  	s3 =	sld [smem:$0x3FDB];
	s0 =	simm.s32 @p2 $0x1  }
0x17: {  	s4 =	simm.s32 $0x1BF5;
	[smem:$0x3FAF] =	sst s0  }
0x18: {  	s0 =	sld [smem:$0x3F92];
	_ =	swait.ge [sflag:s4], $0x0  }
0x19: {  	s7 =	sld [smem:$0x3F93]  }
0x1a: {  	s8 =	sadd.s32 $0xFFFFE003, lr  }
0x1b: {  	s9 =	sadd.s32 $0xFFFFFEF7, lr;
	s5 =	simm.s32 $0xFFFFFFFF;
	p2 =	slt.u32 s8, $0xFFFFF086  }
0x1c: {  	p1 =	slt.u32 s9, $0xF7A;
	s5 =	simm.s32 @!p2 $0x0  }
0x1d: {  	s5 =	simm.s32 @p1 $0x1;
	p0 =	seq.s32 s7, s2  }
0x1e: {  	s7 =	smul.u32 @!p0 $0xF7A, s2;
	p2 =	seq.s32 @!p0 s5, $0x0  }
0x1f: {  	s9 =	smul.u32 $0xF7A, s1;
	s8 =	simm.s32 @!p0 $0x1BF5;
	p2 =	por !p2, p0  }
0x20: {  	[sflag:s8] =	ssyncset.s32 @!p0 $0xFFFFF086;
	s6 =	sadd.s32 @!p0 s3, s7;
	s7 =	simm.s32 @!p0 $0x108  }
0x21: {  	s3 =	sadd.s32 s3, s9;
	s6 =	sadd.s32 @!p0 $0x88, s6;
	s7 =	simm.s32 @p2 $0x1082  }
0x22: {  	[simem:s7], [sflag:s8] =	dma.local @!p0 [hbm:s6], $0xF7A  }
0x23: {  	s9 =	sor.u32 $0xD0000000, s2;
	s6 =	simm.s32 $0x108;
	_ =	swait.ge @!p0 [sflag:s8], $0x0  }
0x24: {  	s3 =	sadd.s32 $0x88, s3;
	s6 =	simm.s32 @!p1 $0x1082;
	[sflag:s4] =	ssyncset.s32 $0xFFFFF086  }
0x25: {  	[simem:s6], [sflag:s4] =	dma.local [hbm:s3], $0xF7A  }
0x26: {  	[smem:$0x3F93] =	sst s1;
	(tag) =	ssettag s2;
	_ =	strace s9  }
0x27: {  	s1 =	sld [smem:$0x3FA3]  }
0x28: {  	s2 =	sld [smem:$0x3FA4]  }
0x29: {  	s4 =	sld [smem:$0x3FA6]  }
0x2a: {  	p0 =	seq.s32 s5, $0x0;
	s5 =	sld [smem:$0x3FA7]  }
0x2b: {  	s6 =	sld [smem:$0x3FA8]  }
0x2c: {  	s7 =	sld [smem:$0x3FA9]  }
0x2d: {  	s3 =	simm.s32 $0x108;
	s8 =	sld [smem:$0x3FAA]  }
0x2e: {  	s3 =	simm.s32 @!p0 $0x1082;
	s9 =	sld [smem:$0x3FAB]  }
0x2f: {  	lr =	sadd.s32 s0, s3;
	s0 =	sld [smem:$0x3FA2]  }
0x30: {  	s3 =	sld [smem:$0x3FA5]  }
0x31: {  	[smem:$0x3FAE] =	sst s10  }
0x32: {  	s10 =	sld [smem:$0x3FAC];
	_ =	sdelay $0x3  }
0x33: {  	p0 =	seq.s32 s10, $0x1;
	s10 =	sld [smem:$0x3FAE];
	_ =	sdelay $0x3  }
0x34: {  	[smem:$0x3FAE] =	sst s10  }
0x35: {  	s10 =	sld [smem:$0x3FAD];
	_ =	sdelay $0x3  }
0x36: {  	p1 =	seq.s32 s10, $0x1;
	s10 =	sld [smem:$0x3FAE];
	_ =	sdelay $0x3  }
0x37: {  	[smem:$0x3FAE] =	sst s10  }
0x38: {  	s10 =	sld [smem:$0x3FAF]  }
0x39: {  	_ = 	snop;
	(pc) =	sbr.ind lr, $3  }
0x3a: {  	_ = 	snop  }
0x3b: {  	_ = 	snop  }
0x3c: {  	p2 =	seq.s32 s10, $0x1;
	s10 =	sld [smem:$0x3FAE]  }
0x3d: {  	_ =	shalt  }
0x3e: {  	_ =	shalt  }
0x3f: {  	_ =	shalt  }
0x40: {  	_ =	shalt  }
0x41: {  	_ =	shalt  }
0x42: {  	_ =	shalt  }
0x43: {  	_ =	shalt  }
0x44: {  	_ =	shalt  }
0x45: {  	_ =	shalt  }
0x46: {  	_ =	shalt  }
0x47: {  	_ =	shalt  }
0x48: {  	_ =	shalt  }
0x49: {  	_ =	shalt  }
0x4a: {  	_ =	shalt  }
0x4b: {  	_ =	shalt  }
0x4c: {  	_ =	shalt  }
0x4d: {  	_ =	shalt  }
0x4e: {  	_ =	shalt  }
0x4f: {  	_ =	shalt  }
0x50: {  	_ =	shalt  }
0x51: {  	_ =	shalt  }
0x52: {  	_ =	shalt  }
0x53: {  	_ =	shalt  }
0x54: {  	_ =	shalt  }
0x55: {  	_ =	shalt  }
0x56: {  	_ =	shalt  }
0x57: {  	_ =	shalt  }
0x58: {  	_ =	shalt  }
0x59: {  	_ =	shalt  }
0x5a: {  	_ =	shalt  }
0x5b: {  	_ =	shalt  }
0x5c: {  	_ =	shalt  }
0x5d: {  	_ =	shalt  }
0x5e: {  	_ =	shalt  }
0x5f: {  	_ =	shalt  }
0x60: {  	_ =	shalt  }
0x61: {  	_ =	shalt  }
0x62: {  	_ =	shalt  }
0x63: {  	_ =	shalt  }
0x64: {  	_ =	shalt  }
0x65: {  	_ =	shalt  }
0x66: {  	_ =	shalt  }
0x67: {  	_ =	shalt  }
0x68: {  	_ =	shalt  }
0x69: {  	_ =	shalt  }
0x6a: {  	_ =	shalt  }
0x6b: {  	_ =	shalt  }
0x6c: {  	_ =	shalt  }
0x6d: {  	_ =	shalt  }
0x6e: {  	_ =	shalt  }
0x6f: {  	_ =	shalt  }
0x70: {  	_ =	shalt  }
0x71: {  	_ =	shalt  }
0x72: {  	_ =	shalt  }
0x73: {  	_ =	shalt  }
0x74: {  	_ =	shalt  }
0x75: {  	_ =	shalt  }
0x76: {  	_ =	shalt  }
0x77: {  	_ =	shalt  }
0x78: {  	_ =	shalt  }
0x79: {  	_ =	shalt  }
0x7a: {  	_ =	shalt  }
0x7b: {  	_ =	shalt  }
0x7c: {  	_ =	shalt  }
0x7d: {  	_ =	shalt  }
0x7e: {  	_ =	shalt  }
0x7f: {  	_ =	shalt  }
0x80: {  	_ =	shalt  }
0x81: {  	_ =	shalt  }
0x82: {  	_ =	shalt  }
0x83: {  	_ =	shalt  }
0x84: {  	_ =	shalt  }
0x85: {  	_ =	shalt  }
0x86: {  	_ =	shalt  }
0x87: {  	_ =	shalt  }
.Lfunc_end0:
.L_simem_size_0:
called_computation_lowered:
.L_overlay_start_0:
0x88: {  	s2 =	sld [smem:$0x3FD9]  }
0x89: {  	s3 =	sld [smem:$0x3FFE];
	_ =	sdelay $0x1  }
0x8a: {  	s1 =	srdreg.scid  }
0x8b: {  	s0 =	sand.u32 $0x1, s1  }
0x8c: {  	s17 =	sshll.u32 s0, $0xA;
	s2 =	sadd.s32 s3, s2  }
0x8d: {  	s2 =	sadd.s32 s2, s17  }
0x8e: {  	[smem:$0x3FBA] =	sst s2  }
0x8f: {  	_ = 	snop  }
0x90: {  	s2 =	sld [smem:$0x3FD0];
	(tm) =	ssettm $0x1  }
0x91: {  	s18 =	sld [smem:$0x3FFB];
	_ =	sdelay $0x3  }
0x92: {  	_ =	strace s18  }
0x93: {  	s3 =	sld [smem:$0x3FFC];
	_ =	sdelay $0x3  }
0x94: {  	_ =	strace s3  }
0x95: {  	s3 =	sld [smem:$0x3FFD];
	_ =	sdelay $0x3  }
0x96: {  	_ =	strace s3  }
0x97: {  	_ =	strace $0x8FFFFFFF  }
0x98: {  	s19 =	sld [smem:$0x3FDB];
	_ =	sdelay $0x1  }
0x99: {  	s4 =	simm.s32 $_scs_section_size  }
0x9a: {  	s5 =	simm.s32 $_size__tile_overlayer_lowered;
	s6 =	simm.s32 $_tile_overlayer_lowered  }
0x9b: {  	s22 =	simm.s32 $0x1BFF;
	s21 =	sshll.u32 s6, $0x1;
	s3 =	sadd.s32 s4, s19  }
0x9c: {  	s7 =	simm.s32 $0x0;
	s20 =	sshll.u32 s5, $0x1;
	s5 =	sadd.s32 s21, s3  }
0x9d: {  	[timem:s7], [sflag:s22] =	dma.local [hbm:s5], s20  }
0x9e: {  	_ =	swait.ge [sflag:s22], s20  }
0x9f: {  	s4 =	ssub.s32 $0x0, s20;
	[sflag:s22] =	ssyncset.done $0x0  }
0xa0: {  	[sflag:s22] =	ssyncadd.s32 s4;
	_ =	sdelay $0x1  }
0xa1: {  	s23 =	simm.s32 $0x1B8B  }
0xa2: {  	_ =	swait.ge [sflag:s23], $0x1  }
0xa3: {  	[sflag:s23] =	ssyncset.done $0x0  }
0xa4: {  	s25 =	simm.s32 $0x1B8E;
	s24 =	sld [smem:$0x3FFE];
	[sflag:s23] =	ssyncadd.s32 $0xFFFFFFFF  }
0xa5: {  	s26 =	simm.s32 $execute0_lowered;
	[smem:$0x3FD2] =	sst s25  }
0xa6: {  	s5 =	sshll.u32 s26, $0x1;
	_ =	strace $0x80000046;
	[dreg:$0x1] =	wrdreg $0xFFFFFFFF  }
0xa7: {  	s28 =	simm.s32 $_size_execute0_lowered;
	s3 =	sadd.s32 s3, s5;
	[dreg:$0x0] =	wrdreg $0x0  }
0xa8: {  	s5 =	sshll.u32 s28, $0x1;
	[dreg:$0x2] =	wrdreg s3  }
0xa9: {  	[dreg:$0x3] =	wrdreg s5  }
0xaa: {  	[dreg:$0x4] =	wrdreg $0xC0  }
0xab: {  	_ =	task [dreg:s7], $0x5FFFF  }
0xac: {  	[dreg:$0x1] =	wrdreg $0xFFFFFFFF  }
0xad: {  	[dreg:$0x0] =	wrdreg $0x60  }
0xae: {  	[dreg:$0x2] =	wrdreg s2  }
0xaf: {  	[dreg:$0x3] =	wrdreg s24  }
0xb0: {  	[dreg:$0x4] =	wrdreg $0x9  }
0xb1: {  	_ =	task.clear_ibuf [dreg:s7], $0x5FFFF;
	_ =	strace $0x90000046  }
0xb2: {  	s29 =	simm.s32 $0x9;
	_ =	strace $0x80000048  }
0xb3: {  	_ =	swait.ge [sflag:s29], $0x1  }
0xb4: {  	[sflag:s29] =	ssyncadd.s32 $0xFFFFFFFF  }
0xb5: {  	_ =	strace $0x90000048  }
0xb6: {  	_ =	sfence  }
0xb7: {  	s30 =	sld [smem:$0x0];
	_ =	sdelay $0x2  }
0xb8: {  	s31 =	sshll.u32 s1, $0xD;
	s1 =	sshrl.u32 s1, $0x2  }
0xb9: {  	s3 =	sand.u32 $0x4000, s31;
	s1 =	sadd.s32 s1, s30  }
0xba: {  	s0 =	sor.u32 s3, s0;
	s1 =	sshll.u32 s1, $0x11  }
0xbb: {  	s0 =	sor.u32 s1, s0  }
0xbc: {  	s0 =	sadd.s32 $0x8F2B, s0  }
0xbd: {  	[sflag:s0] =	ssyncadd.remote.s32 $0x1  }
0xbe: {  	_ =	sfence.sel $0xFFFF  }
0xbf: {  	[dreg:$0x0] =	wrdreg $0xFFFFFFFF;
	(pc) =	sbr.abs _section_cstart, $3  }
0xc0: {  	[dreg:$0x1] =	wrdreg $0xFFFFFFFF  }
0xc1: {  	_ =	task.clear_ibuf [dreg:s7], $0x2FFFF;
	_ =	strace $0x9FFFFFFF  }
0xc2: {  	(tm) =	ssettm $0x7FFFFFFF  }
0xc3: {  	_ =	shalt  }
tec
execute0_lowered:
.L_overlay_start_1:
0x0: {  	(tag) =	ssettag $0x1  }
0x1: {  	s2 =	rddreg [dreg:$0x0]  }
0x2: {  	s0 =	rddreg [dreg:$0x1];
	s8 =	stileid.u32  }
0x3: {  	s1 =	srdreg.scid;
	s3 =	simm.s32 $0x0;
	s10 =	simm.s32 $0x80  }
0x4: {  	s11 =	simm.s32 $0xA00;
	s24 =	simm.s32 $0x4200;
	s25 =	simm.s32 $0x400  }
0x5: {  	s28 =	simm.s32 $0x480;
	s29 =	simm.s32 $0x5200;
	s30 =	simm.s32 $0x1  }
0x6: {  	s31 =	simm.s32 $0x3;
	s1 =	sand.u32 $0x1, s1;
	s5 =	smul.u32 $0x1400, s8  }
0x7: {  	s4 =	sshll.u32 s8, $0x1;
	[smem:$0x7FF] =	sst s3;
	s8 =	smul.u32 $0x140, s8  }
0x8: {  	s6 =	sadd.s32 $0x189000, s0;
	s12 =	sor.u32 s1, s4;
	s9 =	smul.u32 $0xA00, s1  }
0x9: {  	_ =	strace $0x80000047;
	s7 =	ssub.s32 $0x2, s1;
	s1 =	smul.u32 $0xA0, s1  }
0xa: {  	s4 =	smul.u32 $0xA0, s12;
	s0 =	sadd.s32 s5, s0;
	s26 =	sshrl.u32 s7, $0x1  }
0xb: {  	p0 =	sgt.u32 s12, $0x10;
	s5 =	ssub.s32 s7, s26;
	s0 =	sadd.s32 s9, s0  }
0xc: {  	s7 =	sor.u32 $0x40, s12;
	s9 =	simm.s32 $0x5;
	s26 =	simm.s32 $0x4A00  }
0xd: {  	s4 =	sadd.s32 s6, s4;
	s5 =	smax.u32 s5, $0x1;
	s6 =	sadd.s32 s8, s6  }
0xe: {  	s8 =	sadd.s32 $0x2600, s0;
	s0 =	simm.s32 $0x0;
	s6 =	sadd.s32 s1, s6  }
.LBB2_1:
0xf: {  	[tilespmem:s3], [sflag:$0x5] =	stream.linear.gather [hbm4b:s4+s3], $0x500, $0x38;
	[tilespmem:$0xAA00] =	vst v63  }
0x10: {  	_ =	swait.ge [sflag:s9], $0x500  }
0x11: {  	[sflag:s9] =	ssyncset.done $0x0  }
0x12: {  	[sflag:s9] =	ssyncadd.s32 $0xFFFFFB00  }
0x13: {  	[tilespmem:s11], [sflag:$0x1] =	stream.indirect.gather [hbm4b:s2+s10], $0x10, s3, s10, $0xb8;
	[tilespmem:$0xAA00] =	vst v63  }
0x14: {  	s1 =	simm.s32 $0x1200  }
0x15: {  	[tilespmem:s1], [sflag:$0x1] =	stream.indirect.gather [hbm4b:s2+s10], $0x10, s10, s10, $0xb8;
	[tilespmem:$0xAA00] =	vst v63  }
0x16: {  	s13 =	simm.s32 $0x100;
	s12 =	simm.s32 $0x1A00  }
0x17: {  	[tilespmem:s12], [sflag:$0x1] =	stream.indirect.gather [hbm4b:s2+s10], $0x10, s13, s10, $0xb8;
	[tilespmem:$0xAA00] =	vst v63  }
0x18: {  	s14 =	simm.s32 $0x180;
	s15 =	simm.s32 $0x2200  }
0x19: {  	[tilespmem:s15], [sflag:$0x1] =	stream.indirect.gather [hbm4b:s2+s10], $0x10, s14, s10, $0xb8;
	[tilespmem:$0xAA00] =	vst v63  }
0x1a: {  	s16 =	simm.s32 $0x200;
	s17 =	simm.s32 $0x2A00  }
0x1b: {  	[tilespmem:s17], [sflag:$0x1] =	stream.indirect.gather [hbm4b:s2+s10], $0x10, s16, s10, $0xb8;
	[tilespmem:$0xAA00] =	vst v63  }
0x1c: {  	s18 =	simm.s32 $0x280;
	s19 =	simm.s32 $0x3200  }
0x1d: {  	[tilespmem:s19], [sflag:$0x1] =	stream.indirect.gather [hbm4b:s2+s10], $0x10, s18, s10, $0xb8;
	[tilespmem:$0xAA00] =	vst v63  }
0x1e: {  	s20 =	simm.s32 $0x300;
	s21 =	simm.s32 $0x3A00  }
0x1f: {  	[tilespmem:s21], [sflag:$0x1] =	stream.indirect.gather [hbm4b:s2+s10], $0x10, s20, s10, $0xb8;
	[tilespmem:$0xAA00] =	vst v63  }
0x20: {  	s22 =	simm.s32 $0x380;
	p1 =	por $0x1, $0x1  }
0x21: {  	[tilespmem:s24], [sflag:$0x1] =	stream.indirect.gather [hbm4b:s2+s10], $0x10, s22, s10, $0xb8;
	[tilespmem:$0xAA00] =	vst v63  }
0x22: {  	s23 =	sadd.s32 $0xFFFFFFE0, s7;
	p2 =	por p1, p1  }
0x23: {  	[tilespmem:s26], [sflag:$0x1] =	stream.indirect.gather [hbm4b:s2+s10], $0x10, s25, s10, $0xb8;
	[tilespmem:$0xAA00] =	vst v63  }
0x24: {  	p1 =	sgt.u32 s23, $0x270;
	s13 =	simm.s32 @!p2 $0x4  }
0x25: {  	[tilespmem:s29], [sflag:$0x1] =	stream.indirect.gather [hbm4b:s2+s10], $0x10, s28, s10, $0xb8;
	[tilespmem:$0xAA00] =	vst v63  }
0x26: {  	s1 =	sadd.s32 @!p1 $0x0, s6;
	_ =	swait.ge @!p2 [sflag:s13], $0x5000  }
0x27: {  	s1 =	sadd.s32 @!p1 $0x1400, s1;
	[sflag:s13] =	ssyncset.done @!p2 $0x0  }
0x28: {  	s12 =	simm.s32 @!p1 $0x0;
	[sflag:s13] =	ssyncadd.s32 @!p2 $0xFFFFB000;
	s13 =	simm.s32 @!p1 $0x500  }
0x29: {  	[tilespmem:s13], [sflag:$0x5] =	stream.linear.gather @!p1 [hbm4b:s1+s12], $0x500, $0x38;
	[tilespmem:$0xAA00] =	vst v63  }
0x2a: {  	s1 =	simm.s32 @!p1 $0x5  }
0x2b: {  	_ =	swait.ge @!p1 [sflag:s1], $0x500  }
0x2c: {  	[sflag:s1] =	ssyncset.done @!p1 $0x0  }
0x2d: {  	s15 =	simm.s32 @!p1 $0x80;
	s14 =	simm.s32 @!p1 $0x5A00;
	[sflag:s1] =	ssyncadd.s32 @!p1 $0xFFFFFB00  }
0x2e: {  	[tilespmem:s14], [sflag:$0x2] =	stream.indirect.gather @!p1 [hbm4b:s2+s15], $0x10, s13, s15, $0xb8;
	[tilespmem:$0xAA00] =	vst v63  }
0x2f: {  	s1 =	simm.s32 @!p1 $0x580;
	s13 =	simm.s32 @!p1 $0x6200  }
0x30: {  	[tilespmem:s13], [sflag:$0x2] =	stream.indirect.gather @!p1 [hbm4b:s2+s15], $0x10, s1, s15, $0xb8;
	[tilespmem:$0xAA00] =	vst v63  }
0x31: {  	s1 =	simm.s32 @!p1 $0x600;
	s13 =	simm.s32 @!p1 $0x6A00  }
0x32: {  	[tilespmem:s13], [sflag:$0x2] =	stream.indirect.gather @!p1 [hbm4b:s2+s15], $0x10, s1, s15, $0xb8;
	[tilespmem:$0xAA00] =	vst v63  }
0x33: {  	s1 =	simm.s32 @!p1 $0x680;
	s13 =	simm.s32 @!p1 $0x7200  }
0x34: {  	[tilespmem:s13], [sflag:$0x2] =	stream.indirect.gather @!p1 [hbm4b:s2+s15], $0x10, s1, s15, $0xb8;
	[tilespmem:$0xAA00] =	vst v63  }
0x35: {  	s1 =	simm.s32 @!p1 $0x700;
	s13 =	simm.s32 @!p1 $0x7A00  }
0x36: {  	[tilespmem:s13], [sflag:$0x2] =	stream.indirect.gather @!p1 [hbm4b:s2+s15], $0x10, s1, s15, $0xb8;
	[tilespmem:$0xAA00] =	vst v63  }
0x37: {  	s1 =	simm.s32 @!p1 $0x780;
	s13 =	simm.s32 @!p1 $0x8200  }
0x38: {  	[tilespmem:s13], [sflag:$0x2] =	stream.indirect.gather @!p1 [hbm4b:s2+s15], $0x10, s1, s15, $0xb8;
	[tilespmem:$0xAA00] =	vst v63  }
0x39: {  	s1 =	simm.s32 @!p1 $0x800;
	s13 =	simm.s32 @!p1 $0x8A00  }
0x3a: {  	[tilespmem:s13], [sflag:$0x2] =	stream.indirect.gather @!p1 [hbm4b:s2+s15], $0x10, s1, s15, $0xb8;
	[tilespmem:$0xAA00] =	vst v63  }
0x3b: {  	s1 =	simm.s32 @!p1 $0x880;
	s13 =	simm.s32 @!p1 $0x9200  }
0x3c: {  	[tilespmem:s13], [sflag:$0x2] =	stream.indirect.gather @!p1 [hbm4b:s2+s15], $0x10, s1, s15, $0xb8;
	[tilespmem:$0xAA00] =	vst v63  }
0x3d: {  	s1 =	simm.s32 @!p1 $0x900;
	s13 =	simm.s32 @!p1 $0x9A00  }
0x3e: {  	[tilespmem:s13], [sflag:$0x2] =	stream.indirect.gather @!p1 [hbm4b:s2+s15], $0x10, s1, s15, $0xb8;
	[tilespmem:$0xAA00] =	vst v63  }
0x3f: {  	s1 =	simm.s32 @!p1 $0x980;
	s13 =	simm.s32 @!p1 $0xA200  }
0x40: {  	[tilespmem:s13], [sflag:$0x2] =	stream.indirect.gather @!p1 [hbm4b:s2+s15], $0x10, s1, s15, $0xb8;
	[tilespmem:$0xAA00] =	vst v63  }
0x41: {  	_ =	swait.ge [sflag:s30], $0x5000  }
0x42: {  	[sflag:s30] =	ssyncset.done $0x0  }
0x43: {  	[sflag:s30] =	ssyncadd.s32 $0xFFFFB000  }
0x44: {  	[hbm4b:s8+s3] =	stream.linear.scatter [tilespmem:s11], [sflag:$0x3], $0x5000, $0x38;
	[tilespmem:$0xAA00] =	vst v63  }
0x45: {  	p3 =	sgt.u32 s7, $0x270;
	_ =	swait.ge [sflag:s31], $0x5000  }
0x46: {  	s1 =	sadd.s32 @!p3 $0x0, s6;
	s13 =	simm.s32 @!p3 $0x0;
	[sflag:s31] =	ssyncset.done $0x0  }
0x47: {  	s15 =	simm.s32 @!p3 $0x5;
	s1 =	sadd.s32 @!p3 $0x2800, s1;
	[sflag:s31] =	ssyncadd.s32 $0xFFFFB000  }
0x48: {  	[tilespmem:s13], [sflag:$0x5] =	stream.linear.gather @!p3 [hbm4b:s1+s13], $0x500, $0x38;
	[tilespmem:$0xAA00] =	vst v63  }
0x49: {  	_ =	swait.ge @!p3 [sflag:s15], $0x500  }
0x4a: {  	[sflag:s15] =	ssyncset.done @!p3 $0x0  }
0x4b: {  	s16 =	simm.s32 @!p3 $0xA00;
	s1 =	simm.s32 @!p3 $0x80;
	[sflag:s15] =	ssyncadd.s32 @!p3 $0xFFFFFB00  }
0x4c: {  	[tilespmem:s16], [sflag:$0x1] =	stream.indirect.gather @!p3 [hbm4b:s2+s1], $0x10, s13, s1, $0xb8;
	[tilespmem:$0xAA00] =	vst v63  }
0x4d: {  	s13 =	simm.s32 @!p3 $0x1200  }
0x4e: {  	[tilespmem:s13], [sflag:$0x1] =	stream.indirect.gather @!p3 [hbm4b:s2+s1], $0x10, s1, s1, $0xb8;
	[tilespmem:$0xAA00] =	vst v63  }
0x4f: {  	s15 =	simm.s32 @!p3 $0x1A00;
	s13 =	simm.s32 @!p3 $0x100  }
0x50: {  	[tilespmem:s15], [sflag:$0x1] =	stream.indirect.gather @!p3 [hbm4b:s2+s1], $0x10, s13, s1, $0xb8;
	[tilespmem:$0xAA00] =	vst v63  }
0x51: {  	s13 =	simm.s32 @!p3 $0x180;
	s15 =	simm.s32 @!p3 $0x2200  }
0x52: {  	[tilespmem:s15], [sflag:$0x1] =	stream.indirect.gather @!p3 [hbm4b:s2+s1], $0x10, s13, s1, $0xb8;
	[tilespmem:$0xAA00] =	vst v63  }
0x53: {  	p6 =	por $0x0, $0x0;
	s16 =	simm.s32 @!p3 $0x2A00;
	s15 =	simm.s32 @!p3 $0x200  }
0x54: {  	[tilespmem:s16], [sflag:$0x1] =	stream.indirect.gather @!p3 [hbm4b:s2+s1], $0x10, s15, s1, $0xb8;
	[tilespmem:$0xAA00] =	vst v63  }
0x55: {  	s17 =	simm.s32 @!p3 $0x3A00;
	s15 =	simm.s32 @!p3 $0x280;
	s16 =	simm.s32 @!p3 $0x3200  }
0x56: {  	[tilespmem:s16], [sflag:$0x1] =	stream.indirect.gather @!p3 [hbm4b:s2+s1], $0x10, s15, s1, $0xb8;
	[tilespmem:$0xAA00] =	vst v63  }
0x57: {  	s19 =	simm.s32 @!p3 $0x480;
	s18 =	simm.s32 @!p1 $0x2;
	s15 =	simm.s32 @!p3 $0x300  }
0x58: {  	[tilespmem:s17], [sflag:$0x1] =	stream.indirect.gather @!p3 [hbm4b:s2+s1], $0x10, s15, s1, $0xb8;
	[tilespmem:$0xAA00] =	vst v63  }
0x59: {  	s21 =	sadd.s32 @!p1 $0x14000, s8;
	s15 =	simm.s32 @!p3 $0x380;
	s17 =	simm.s32 @!p3 $0x4200  }
0x5a: {  	[tilespmem:s17], [sflag:$0x1] =	stream.indirect.gather @!p3 [hbm4b:s2+s1], $0x10, s15, s1, $0xb8;
	[tilespmem:$0xAA00] =	vst v63  }
0x5b: {  	p2 =	por p6, p6;
	s15 =	simm.s32 @!p3 $0x400;
	s17 =	simm.s32 @!p3 $0x4A00  }
0x5c: {  	[tilespmem:s17], [sflag:$0x1] =	stream.indirect.gather @!p3 [hbm4b:s2+s1], $0x10, s15, s1, $0xb8;
	[tilespmem:$0xAA00] =	vst v63  }
0x5d: {  	s13 =	simm.s32 $0x2800;
	s17 =	simm.s32 @!p3 $0x5200;
	s15 =	sadd.s32 $0x40, s7  }
0x5e: {  	[tilespmem:s17], [sflag:$0x1] =	stream.indirect.gather @!p3 [hbm4b:s2+s1], $0x10, s19, s1, $0xb8;
	[tilespmem:$0xAA00] =	vst v63  }
0x5f: {  	s16 =	simm.s32 $0x5000;
	s20 =	sadd.s32 $0xFFFFFFE0, s15;
	_ =	swait.ge @!p1 [sflag:s18], $0x5000  }
0x60: {  	s1 =	sadd.s32 $0x28000, s8;
	s19 =	simm.s32 @!p2 $0x4;
	[sflag:s18] =	ssyncset.done @!p1 $0x0  }
.LBB2_2:
0x61: {  	p4 =	seq.s32 s16, $0x0;
	[sflag:s18] =	ssyncadd.s32 @!p1 $0xFFFFB000  }
0x62: {  	s18 =	smov.u32 s16;
	s16 =	sadd.s32 $0x2800, s16;
	s17 =	smov.u32 s1  }
0x63: {  	[hbm4b:s21+s12] =	stream.linear.scatter @!p1 [tilespmem:s14], [sflag:$0x4], $0x5000, $0x38;
	[tilespmem:$0xAA00] =	vst v63  }
0x64: {  	p3 =	sne.s32 s16, $0x19000;
	p1 =	sgt.u32 s20, $0x270;
	_ =	swait.ge @!p2 [sflag:s19], $0x5000  }
0x65: {  	s14 =	sadd.s32 @!p1 s13, s6;
	s12 =	simm.s32 @!p1 $0x0;
	[sflag:s19] =	ssyncset.done @!p2 $0x0  }
0x66: {  	s14 =	sadd.s32 @!p1 $0x1400, s14;
	[sflag:s19] =	ssyncadd.s32 @!p2 $0xFFFFB000;
	s19 =	simm.s32 @!p1 $0x500  }
0x67: {  	[tilespmem:s19], [sflag:$0x5] =	stream.linear.gather @!p1 [hbm4b:s14+s12], $0x500, $0x38;
	[tilespmem:$0xAA00] =	vst v63  }
0x68: {  	s20 =	simm.s32 @!p1 $0x5;
	p2 =	por p4, p4  }
0x69: {  	_ =	swait.ge @!p1 [sflag:s20], $0x500  }
0x6a: {  	s21 =	simm.s32 @!p1 $0x80;
	s14 =	simm.s32 @!p1 $0x5A00;
	[sflag:s20] =	ssyncset.done @!p1 $0x0  }
0x6b: {  	s22 =	simm.s32 @!p1 $0x6200;
	[sflag:s20] =	ssyncadd.s32 @!p1 $0xFFFFFB00;
	s20 =	simm.s32 @!p1 $0x580  }
0x6c: {  	[tilespmem:s14], [sflag:$0x2] =	stream.indirect.gather @!p1 [hbm4b:s2+s21], $0x10, s19, s21, $0xb8;
	[tilespmem:$0xAA00] =	vst v63  }
0x6d: {  	s23 =	simm.s32 @!p1 $0x6A00;
	s19 =	simm.s32 @!p1 $0x600  }
0x6e: {  	[tilespmem:s22], [sflag:$0x2] =	stream.indirect.gather @!p1 [hbm4b:s2+s21], $0x10, s20, s21, $0xb8;
	[tilespmem:$0xAA00] =	vst v63  }
0x6f: {  	s20 =	simm.s32 @!p1 $0x680;
	s22 =	simm.s32 @!p1 $0x7200  }
0x70: {  	[tilespmem:s23], [sflag:$0x2] =	stream.indirect.gather @!p1 [hbm4b:s2+s21], $0x10, s19, s21, $0xb8;
	[tilespmem:$0xAA00] =	vst v63  }
0x71: {  	s19 =	simm.s32 @!p1 $0x700;
	s23 =	simm.s32 @!p1 $0x7A00  }
0x72: {  	[tilespmem:s22], [sflag:$0x2] =	stream.indirect.gather @!p1 [hbm4b:s2+s21], $0x10, s20, s21, $0xb8;
	[tilespmem:$0xAA00] =	vst v63  }
0x73: {  	s20 =	simm.s32 @!p1 $0x780;
	s22 =	simm.s32 @!p1 $0x8200  }
0x74: {  	[tilespmem:s23], [sflag:$0x2] =	stream.indirect.gather @!p1 [hbm4b:s2+s21], $0x10, s19, s21, $0xb8;
	[tilespmem:$0xAA00] =	vst v63  }
0x75: {  	s19 =	simm.s32 @!p1 $0x800;
	s23 =	simm.s32 @!p1 $0x8A00  }
0x76: {  	[tilespmem:s22], [sflag:$0x2] =	stream.indirect.gather @!p1 [hbm4b:s2+s21], $0x10, s20, s21, $0xb8;
	[tilespmem:$0xAA00] =	vst v63  }
0x77: {  	s20 =	simm.s32 @!p1 $0x880;
	s22 =	simm.s32 @!p1 $0x9200  }
0x78: {  	[tilespmem:s23], [sflag:$0x2] =	stream.indirect.gather @!p1 [hbm4b:s2+s21], $0x10, s19, s21, $0xb8;
	[tilespmem:$0xAA00] =	vst v63  }
0x79: {  	s19 =	simm.s32 @!p1 $0x900;
	s23 =	simm.s32 @!p1 $0x9A00  }
0x7a: {  	[tilespmem:s22], [sflag:$0x2] =	stream.indirect.gather @!p1 [hbm4b:s2+s21], $0x10, s20, s21, $0xb8;
	[tilespmem:$0xAA00] =	vst v63  }
0x7b: {  	s20 =	simm.s32 @!p1 $0x980;
	s22 =	simm.s32 @!p1 $0xA200  }
0x7c: {  	[tilespmem:s23], [sflag:$0x2] =	stream.indirect.gather @!p1 [hbm4b:s2+s21], $0x10, s19, s21, $0xb8;
	[tilespmem:$0xAA00] =	vst v63  }
0x7d: {  	_ = 	snop  }
0x7e: {  	[tilespmem:s22], [sflag:$0x2] =	stream.indirect.gather @!p1 [hbm4b:s2+s21], $0x10, s20, s21, $0xb8;
	[tilespmem:$0xAA00] =	vst v63  }
0x7f: {  	_ =	swait.ge [sflag:s30], $0x5000  }
0x80: {  	[sflag:s30] =	ssyncset.done $0x0  }
0x81: {  	p4 =	sgt.u32 s15, $0x270;
	[sflag:s30] =	ssyncadd.s32 $0xFFFFB000  }
0x82: {  	[hbm4b:s1+s3] =	stream.linear.scatter [tilespmem:s11], [sflag:$0x3], $0x5000, $0x38;
	[tilespmem:$0xAA00] =	vst v63  }
0x83: {  	s19 =	sadd.s32 @!p4 s13, s6;
	s13 =	smov.u32 s18;
	_ =	swait.ge [sflag:s31], $0x5000  }
0x84: {  	s18 =	sadd.s32 @!p4 $0x2800, s19;
	s19 =	simm.s32 @!p4 $0x0;
	[sflag:s31] =	ssyncset.done $0x0  }
0x85: {  	s20 =	simm.s32 @!p4 $0x5;
	[sflag:s31] =	ssyncadd.s32 $0xFFFFB000  }
0x86: {  	[tilespmem:s19], [sflag:$0x5] =	stream.linear.gather @!p4 [hbm4b:s18+s19], $0x500, $0x38;
	[tilespmem:$0xAA00] =	vst v63  }
0x87: {  	_ =	swait.ge @!p4 [sflag:s20], $0x500  }
0x88: {  	s21 =	simm.s32 @!p4 $0x80;
	s18 =	simm.s32 @!p4 $0xA00;
	[sflag:s20] =	ssyncset.done @!p4 $0x0  }
0x89: {  	[sflag:s20] =	ssyncadd.s32 @!p4 $0xFFFFFB00;
	s20 =	simm.s32 @!p4 $0x1200  }
0x8a: {  	[tilespmem:s18], [sflag:$0x1] =	stream.indirect.gather @!p4 [hbm4b:s2+s21], $0x10, s19, s21, $0xb8;
	[tilespmem:$0xAA00] =	vst v63  }
0x8b: {  	s18 =	simm.s32 @!p4 $0x100;
	s19 =	simm.s32 @!p4 $0x1A00  }
0x8c: {  	[tilespmem:s20], [sflag:$0x1] =	stream.indirect.gather @!p4 [hbm4b:s2+s21], $0x10, s21, s21, $0xb8;
	[tilespmem:$0xAA00] =	vst v63  }
0x8d: {  	s22 =	simm.s32 @!p4 $0x2200;
	s20 =	simm.s32 @!p4 $0x180  }
0x8e: {  	[tilespmem:s19], [sflag:$0x1] =	stream.indirect.gather @!p4 [hbm4b:s2+s21], $0x10, s18, s21, $0xb8;
	[tilespmem:$0xAA00] =	vst v63  }
0x8f: {  	s18 =	simm.s32 @!p4 $0x200;
	s19 =	simm.s32 @!p4 $0x2A00  }
0x90: {  	[tilespmem:s22], [sflag:$0x1] =	stream.indirect.gather @!p4 [hbm4b:s2+s21], $0x10, s20, s21, $0xb8;
	[tilespmem:$0xAA00] =	vst v63  }
0x91: {  	s20 =	simm.s32 @!p4 $0x280;
	s22 =	simm.s32 @!p4 $0x3200  }
0x92: {  	[tilespmem:s19], [sflag:$0x1] =	stream.indirect.gather @!p4 [hbm4b:s2+s21], $0x10, s18, s21, $0xb8;
	[tilespmem:$0xAA00] =	vst v63  }
0x93: {  	s18 =	simm.s32 @!p4 $0x300;
	s19 =	simm.s32 @!p4 $0x3A00  }
0x94: {  	[tilespmem:s22], [sflag:$0x1] =	stream.indirect.gather @!p4 [hbm4b:s2+s21], $0x10, s20, s21, $0xb8;
	[tilespmem:$0xAA00] =	vst v63  }
0x95: {  	s20 =	simm.s32 @!p4 $0x380;
	s22 =	simm.s32 @!p4 $0x4200  }
0x96: {  	[tilespmem:s19], [sflag:$0x1] =	stream.indirect.gather @!p4 [hbm4b:s2+s21], $0x10, s18, s21, $0xb8;
	[tilespmem:$0xAA00] =	vst v63  }
0x97: {  	s18 =	simm.s32 @!p4 $0x400;
	s19 =	simm.s32 @!p4 $0x4A00  }
0x98: {  	[tilespmem:s22], [sflag:$0x1] =	stream.indirect.gather @!p4 [hbm4b:s2+s21], $0x10, s20, s21, $0xb8;
	[tilespmem:$0xAA00] =	vst v63  }
0x99: {  	s20 =	simm.s32 @!p4 $0x480;
	s22 =	simm.s32 @!p4 $0x5200  }
0x9a: {  	[tilespmem:s19], [sflag:$0x1] =	stream.indirect.gather @!p4 [hbm4b:s2+s21], $0x10, s18, s21, $0xb8;
	[tilespmem:$0xAA00] =	vst v63  }
.Ltmp0:
0x9b: {  	_ = 	snop;
	(pc) =	sbr.rel @p3 .LBB2_2-.Ltmp0, $4  }
0x9c: {  	s15 =	sadd.s32 $0x40, s15;
	s18 =	simm.s32 @!p1 $0x2  }
0x9d: {  	[tilespmem:s22], [sflag:$0x1] =	stream.indirect.gather @!p4 [hbm4b:s2+s21], $0x10, s20, s21, $0xb8;
	[tilespmem:$0xAA00] =	vst v63  }
0x9e: {  	s1 =	sadd.s32 $0x28000, s1;
	s20 =	sadd.s32 $0xFFFFFFE0, s15;
	_ =	swait.ge @!p1 [sflag:s18], $0x5000  }
0x9f: {  	s19 =	simm.s32 @!p2 $0x4;
	s21 =	sadd.s32 @!p1 $0x14000, s17;
	[sflag:s18] =	ssyncset.done @!p1 $0x0  }
0xa0: {  	[sflag:s18] =	ssyncadd.s32 @!p1 $0xFFFFB000  }
0xa1: {  	[hbm4b:s21+s12] =	stream.linear.scatter @!p1 [tilespmem:s14], [sflag:$0x4], $0x5000, $0x38;
	[tilespmem:$0xAA00] =	vst v63  }
0xa2: {  	p1 =	sgt.u32 s20, $0x270  }
0xa3: {  	_ =	swait.ge @!p2 [sflag:s19], $0x5000;
	s14 =	sadd.s32 @!p1 s13, s6  }
0xa4: {  	s12 =	simm.s32 @!p1 $0x0;
	s16 =	simm.s32 @!p1 $0x500;
	[sflag:s19] =	ssyncset.done @!p2 $0x0  }
0xa5: {  	s17 =	simm.s32 @!p1 $0x5;
	s14 =	sadd.s32 @!p1 $0x1400, s14;
	[sflag:s19] =	ssyncadd.s32 @!p2 $0xFFFFB000  }
0xa6: {  	[tilespmem:s16], [sflag:$0x5] =	stream.linear.gather @!p1 [hbm4b:s14+s12], $0x500, $0x38;
	[tilespmem:$0xAA00] =	vst v63  }
0xa7: {  	_ =	swait.ge @!p1 [sflag:s17], $0x500  }
0xa8: {  	[sflag:s17] =	ssyncset.done @!p1 $0x0  }
0xa9: {  	s18 =	simm.s32 @!p1 $0x80;
	s14 =	simm.s32 @!p1 $0x5A00;
	[sflag:s17] =	ssyncadd.s32 @!p1 $0xFFFFFB00  }
0xaa: {  	[tilespmem:s14], [sflag:$0x2] =	stream.indirect.gather @!p1 [hbm4b:s2+s18], $0x10, s16, s18, $0xb8;
	[tilespmem:$0xAA00] =	vst v63  }
0xab: {  	s17 =	simm.s32 @!p1 $0x6200;
	s16 =	simm.s32 @!p1 $0x580  }
0xac: {  	[tilespmem:s17], [sflag:$0x2] =	stream.indirect.gather @!p1 [hbm4b:s2+s18], $0x10, s16, s18, $0xb8;
	[tilespmem:$0xAA00] =	vst v63  }
0xad: {  	s16 =	simm.s32 @!p1 $0x600;
	s17 =	simm.s32 @!p1 $0x6A00  }
0xae: {  	[tilespmem:s17], [sflag:$0x2] =	stream.indirect.gather @!p1 [hbm4b:s2+s18], $0x10, s16, s18, $0xb8;
	[tilespmem:$0xAA00] =	vst v63  }
0xaf: {  	s16 =	simm.s32 @!p1 $0x680;
	s17 =	simm.s32 @!p1 $0x7200  }
0xb0: {  	[tilespmem:s17], [sflag:$0x2] =	stream.indirect.gather @!p1 [hbm4b:s2+s18], $0x10, s16, s18, $0xb8;
	[tilespmem:$0xAA00] =	vst v63  }
0xb1: {  	s16 =	simm.s32 @!p1 $0x700;
	s17 =	simm.s32 @!p1 $0x7A00  }
0xb2: {  	[tilespmem:s17], [sflag:$0x2] =	stream.indirect.gather @!p1 [hbm4b:s2+s18], $0x10, s16, s18, $0xb8;
	[tilespmem:$0xAA00] =	vst v63  }
0xb3: {  	s16 =	simm.s32 @!p1 $0x780;
	s17 =	simm.s32 @!p1 $0x8200  }
0xb4: {  	[tilespmem:s17], [sflag:$0x2] =	stream.indirect.gather @!p1 [hbm4b:s2+s18], $0x10, s16, s18, $0xb8;
	[tilespmem:$0xAA00] =	vst v63  }
0xb5: {  	s16 =	simm.s32 @!p1 $0x800;
	s17 =	simm.s32 @!p1 $0x8A00  }
0xb6: {  	[tilespmem:s17], [sflag:$0x2] =	stream.indirect.gather @!p1 [hbm4b:s2+s18], $0x10, s16, s18, $0xb8;
	[tilespmem:$0xAA00] =	vst v63  }
0xb7: {  	s16 =	simm.s32 @!p1 $0x880;
	s17 =	simm.s32 @!p1 $0x9200  }
0xb8: {  	[tilespmem:s17], [sflag:$0x2] =	stream.indirect.gather @!p1 [hbm4b:s2+s18], $0x10, s16, s18, $0xb8;
	[tilespmem:$0xAA00] =	vst v63  }
0xb9: {  	s16 =	simm.s32 @!p1 $0x900;
	s17 =	simm.s32 @!p1 $0x9A00  }
0xba: {  	[tilespmem:s17], [sflag:$0x2] =	stream.indirect.gather @!p1 [hbm4b:s2+s18], $0x10, s16, s18, $0xb8;
	[tilespmem:$0xAA00] =	vst v63  }
0xbb: {  	s16 =	simm.s32 @!p1 $0x980;
	s17 =	simm.s32 @!p1 $0xA200  }
0xbc: {  	[tilespmem:s17], [sflag:$0x2] =	stream.indirect.gather @!p1 [hbm4b:s2+s18], $0x10, s16, s18, $0xb8;
	[tilespmem:$0xAA00] =	vst v63  }
0xbd: {  	_ =	swait.ge [sflag:s30], $0x5000  }
0xbe: {  	[sflag:s30] =	ssyncset.done $0x0  }
0xbf: {  	[sflag:s30] =	ssyncadd.s32 $0xFFFFB000  }
0xc0: {  	[hbm4b:s1+s3] =	stream.linear.scatter [tilespmem:s11], [sflag:$0x3], $0x5000, $0x38;
	[tilespmem:$0xAA00] =	vst v63  }
0xc1: {  	p2 =	sgt.u32 s15, $0x270;
	_ =	swait.ge [sflag:s31], $0x5000  }
0xc2: {  	s13 =	sadd.s32 @!p2 s13, s6;
	s15 =	simm.s32 @!p2 $0x0;
	[sflag:s31] =	ssyncset.done $0x0  }
0xc3: {  	s13 =	sadd.s32 @!p2 $0x2800, s13;
	s16 =	simm.s32 @!p2 $0x5;
	[sflag:s31] =	ssyncadd.s32 $0xFFFFB000  }
0xc4: {  	[tilespmem:s15], [sflag:$0x5] =	stream.linear.gather @!p2 [hbm4b:s13+s15], $0x500, $0x38;
	[tilespmem:$0xAA00] =	vst v63  }
0xc5: {  	_ =	swait.ge @!p2 [sflag:s16], $0x500  }
0xc6: {  	[sflag:s16] =	ssyncset.done @!p2 $0x0  }
0xc7: {  	s17 =	simm.s32 @!p2 $0xA00;
	s13 =	simm.s32 @!p2 $0x80;
	[sflag:s16] =	ssyncadd.s32 @!p2 $0xFFFFFB00  }
0xc8: {  	[tilespmem:s17], [sflag:$0x1] =	stream.indirect.gather @!p2 [hbm4b:s2+s13], $0x10, s15, s13, $0xb8;
	[tilespmem:$0xAA00] =	vst v63  }
0xc9: {  	s15 =	simm.s32 @!p2 $0x1200  }
0xca: {  	[tilespmem:s15], [sflag:$0x1] =	stream.indirect.gather @!p2 [hbm4b:s2+s13], $0x10, s13, s13, $0xb8;
	[tilespmem:$0xAA00] =	vst v63  }
0xcb: {  	s16 =	simm.s32 @!p2 $0x1A00;
	s15 =	simm.s32 @!p2 $0x100  }
0xcc: {  	[tilespmem:s16], [sflag:$0x1] =	stream.indirect.gather @!p2 [hbm4b:s2+s13], $0x10, s15, s13, $0xb8;
	[tilespmem:$0xAA00] =	vst v63  }
0xcd: {  	s15 =	simm.s32 @!p2 $0x180;
	s16 =	simm.s32 @!p2 $0x2200  }
0xce: {  	[tilespmem:s16], [sflag:$0x1] =	stream.indirect.gather @!p2 [hbm4b:s2+s13], $0x10, s15, s13, $0xb8;
	[tilespmem:$0xAA00] =	vst v63  }
0xcf: {  	s15 =	simm.s32 @!p2 $0x200;
	s16 =	simm.s32 @!p2 $0x2A00  }
0xd0: {  	[tilespmem:s16], [sflag:$0x1] =	stream.indirect.gather @!p2 [hbm4b:s2+s13], $0x10, s15, s13, $0xb8;
	[tilespmem:$0xAA00] =	vst v63  }
0xd1: {  	s15 =	simm.s32 @!p2 $0x280;
	s16 =	simm.s32 @!p2 $0x3200  }
0xd2: {  	[tilespmem:s16], [sflag:$0x1] =	stream.indirect.gather @!p2 [hbm4b:s2+s13], $0x10, s15, s13, $0xb8;
	[tilespmem:$0xAA00] =	vst v63  }
0xd3: {  	s15 =	simm.s32 @!p2 $0x300;
	s16 =	simm.s32 @!p2 $0x3A00  }
0xd4: {  	[tilespmem:s16], [sflag:$0x1] =	stream.indirect.gather @!p2 [hbm4b:s2+s13], $0x10, s15, s13, $0xb8;
	[tilespmem:$0xAA00] =	vst v63  }
0xd5: {  	s15 =	simm.s32 @!p2 $0x380;
	s16 =	simm.s32 @!p2 $0x4200  }
0xd6: {  	[tilespmem:s16], [sflag:$0x1] =	stream.indirect.gather @!p2 [hbm4b:s2+s13], $0x10, s15, s13, $0xb8;
	[tilespmem:$0xAA00] =	vst v63  }
0xd7: {  	s15 =	simm.s32 @!p2 $0x400;
	s16 =	simm.s32 @!p2 $0x4A00  }
0xd8: {  	[tilespmem:s16], [sflag:$0x1] =	stream.indirect.gather @!p2 [hbm4b:s2+s13], $0x10, s15, s13, $0xb8;
	[tilespmem:$0xAA00] =	vst v63  }
0xd9: {  	s17 =	simm.s32 @!p1 $0x2;
	s15 =	simm.s32 @!p2 $0x480;
	s16 =	simm.s32 @!p2 $0x5200  }
0xda: {  	[tilespmem:s16], [sflag:$0x1] =	stream.indirect.gather @!p2 [hbm4b:s2+s13], $0x10, s15, s13, $0xb8;
	[tilespmem:$0xAA00] =	vst v63  }
0xdb: {  	_ =	swait.ge @!p1 [sflag:s17], $0x5000  }
0xdc: {  	[sflag:s17] =	ssyncset.done @!p1 $0x0  }
0xdd: {  	s0 =	sadd.s32 $0x1, s0;
	s1 =	sadd.s32 @!p1 $0x14000, s1;
	[sflag:s17] =	ssyncadd.s32 @!p1 $0xFFFFB000  }
0xde: {  	[hbm4b:s1+s12] =	stream.linear.scatter @!p1 [tilespmem:s14], [sflag:$0x4], $0x5000, $0x38;
	[tilespmem:$0xAA00] =	vst v63  }
0xdf: {  	p1 =	sne.s32 s0, s5  }
.Ltmp1:
0xe0: {  	_ = 	snop;
	(pc) =	sbr.rel @p1 .LBB2_1-.Ltmp1, $4  }
0xe1: {  	s1 =	simm.s32 @!p0 $0x4  }
0xe2: {  	_ =	swait.ge @!p0 [sflag:s1], $0x5000  }
0xe3: {  	[sflag:s1] =	ssyncset.done @!p0 $0x0  }
0xe4: {  	[sflag:s1] =	ssyncadd.s32 @!p0 $0xFFFFB000  }
0xe5: {  	_ =	sfence.sel $0x180000  }
0xe6: {  	[bflag:$0x0] =	sbarrier.arrive $0xFFFF  }
0xe7: {  	_ =	strace $0x90000047  }
0xe8: {  	s0 =	stileid.u32;
	[bflag:$0x2] =	sbarrier.arrive $0xFFFF  }
0xe9: {  	p0 =	sne.s32 s0, $0x0;
	s0 =	rddreg [dreg:$0x2]  }
0xea: {  	s0 =	sadd.s32 @!p0 $0x100000, s0  }
0xeb: {  	[sflag:s0] =	ssyncadd.tile.s32 @!p0 $0x1;
	_ =	shalt  }
.Lfunc_end2:
_tile_overlayer_lowered:
.L_overlay_start_2:
0xec: {  	(tag) =	ssettag $0x2  }
0xed: {  	s0 =	rddreg [dreg:$0x0];
	s2 =	stileid.u32  }
0xee: {  	s1 =	rddreg [dreg:$0x1];
	p0 =	sne.s32 s2, $0x0  }
0xef: {  	s3 =	rddreg [dreg:$0x2];
	[bflag:$0x3] =	sbarrier.arrive $0xFFFF;
	s2 =	simm.s32 @!p0 $0x1C05  }
0xf0: {  	[timem:s3], [sflag:s2] =	dma.local @!p0 [hbm:s0], s1  }
0xf1: {  	s0 =	simm.s32 @!p0 $0x5  }
0xf2: {  	_ =	swait.ge @!p0 [sflag:s0], s1  }
0xf3: {  	s1 =	ssub.s32 @!p0 $0x0, s1;
	[sflag:s0] =	ssyncset.done @!p0 $0x0  }
0xf4: {  	[sflag:s0] =	ssyncadd.s32 @!p0 s1  }
0xf5: {  	[bflag:$0x3] =	sbarrier.arrive $0xFFFF  }
0xf6: {  	_ =	shalt  }

</sc_bundles>
